<compile_context>
chip_gen: v7x
topology: tpu7x:2x2x1
jax: 0.10.2.dev20260603
libtpu: 0.0.44.dev20260713+nightly
codegen_flags: <defaults>
</compile_context>

<pallas_src>
import functools

import jax
import jax.numpy as jnp
from jax import lax
from jax.experimental import pallas as pl
from jax.experimental.pallas import tpu as pltpu
from jax.experimental.pallas import tpu_sc as plsc

_B, _N_MEL, _N_TEXT, _D = 8, 1024, 256, 256
_CH = 64
_OCH = 32
_NCH = _N_MEL // _CH
_NSUB = _N_TEXT // 16
_INF = float("inf")


def _bmm_kernel(mel_ref, text_ref, out_ref):
    out_ref[0] = jax.lax.dot_general(
        mel_ref[0], text_ref[0], (((1,), (1,)), ((), ())),
        preferred_element_type=jnp.float32)


def _fwd_row(lp_ref, m_ref, r, prevs):
    lane = lax.iota(jnp.int32, 16)
    idx_rot = (lane + 15) % 16
    lane0 = lane == 0
    new = []
    rot_prev = None
    for k in range(_NSUB):
        pv = prevs[k]
        rot = jnp.take_along_axis(pv, idx_rot, axis=0)
        if k == 0:
            sh = jnp.where(lane0, jnp.float32(_INF), rot)
        else:
            sh = jnp.where(lane0, rot_prev, rot)
        rot_prev = rot
        m_ref[r, pl.ds(k * 16, 16)] = jnp.where(sh <= pv, 1.0, 0.0)
        new.append(jnp.minimum(pv, sh) - lp_ref[r, pl.ds(k * 16, 16)])
    return tuple(new)


def _sc_dp_body(lp_hbm, out_hbm, lp_v, m_v, jcol_v, out_v, m_sp, sems):
    c = lax.axis_index("c")
    s = lax.axis_index("s")
    b = s * 2 + c

    @pl.when(b < _B)
    def _run():
        lane = lax.iota(jnp.int32, 16)
        ones = jnp.ones((16,), jnp.float32)
        zeros = jnp.zeros((16,), jnp.float32)

        cp0 = pltpu.async_copy(lp_hbm.at[b, pl.ds(0, _CH)], lp_v.at[0],
                               sems.at[0])
        pltpu.async_copy(lp_hbm.at[b, pl.ds(_CH, _CH)], lp_v.at[1], sems.at[1])
        cp0.wait()
        prevs = tuple(
            jnp.where((lane == 0) & (k == 0),
                      -lp_v[0, 0, pl.ds(k * 16, 16)], jnp.float32(_INF))
            for k in range(_NSUB))

        def _row_c0(r, prevs):
            return _fwd_row(lp_v.at[0], m_v, r, prevs)

        prevs = lax.fori_loop(1, _CH, _row_c0, prevs, unroll=3)
        pltpu.sync_copy(m_v, m_sp.at[s, pl.ds(0, _CH)])

        def _chunk(ci, prevs):
            p = lax.rem(ci, 2)
            pltpu.make_async_copy(lp_hbm.at[b, pl.ds(ci * _CH, _CH)],
                                  lp_v.at[p], sems.at[p]).wait()

            @pl.when(ci < _NCH - 1)
            def _prefetch():
                pltpu.async_copy(lp_hbm.at[b, pl.ds((ci + 1) * _CH, _CH)],
                                 lp_v.at[1 - p], sems.at[1 - p])

            def _row(r, prevs):
                return _fwd_row(lp_v.at[p], m_v, r, prevs)

            prevs = lax.fori_loop(0, _CH, _row, prevs, unroll=4)
            pltpu.sync_copy(m_v, m_sp.at[s, pl.ds(ci * _CH, _CH)])
            return prevs

        lax.fori_loop(1, _NCH, _chunk, prevs)

        def _zrow(r, _):
            for k in range(_NSUB):
                out_v[r, pl.ds(k * 16, 16)] = zeros
            return 0

        lax.fori_loop(0, _OCH, _zrow, 0)

        jvec0 = jnp.where(lane == 15, jnp.int32(_N_TEXT - 1), 0)

        def _bchunk(t, carry):
            ci = _NCH - 1 - t
            pltpu.sync_copy(m_sp.at[s, pl.ds(ci * _CH, _CH)], m_v)

            def _bstep(u, carry):
                jj, jvec = carry
                x = ci * _CH + _CH - 1 - u
                row = jnp.full((16,), x - ci * _CH, jnp.int32)
                mv = plsc.load_gather(m_v, [row, jj]).astype(jnp.int32)
                jn = jj - mv
                jvec = jnp.where(lane == ((x - 1) % 16), jn, jvec)

                @pl.when(((x - 1) % 16 == 0) & (x > 0))
                def _store():
                    jcol_v[pl.ds(pl.multiple_of(x - 1, 16), 16)] = jvec

                return jn, jvec

            return lax.fori_loop(0, _CH, _bstep, carry, unroll=8)

        jj0 = jnp.full((16,), _N_TEXT - 1, jnp.int32)
        lax.fori_loop(0, _NCH, _bchunk, (jj0, jvec0))

        def _ochunk(co, _):
            for q in range(_OCH // 16):
                rows = lane + q * 16
                cols = jcol_v[pl.ds(pl.multiple_of(co * _OCH + q * 16, 16), 16)]
                plsc.store_scatter(out_v, [rows, cols], ones)
            pltpu.sync_copy(out_v, out_hbm.at[b, pl.ds(co * _OCH, _OCH)])
            for q in range(_OCH // 16):
                rows = lane + q * 16
                cols = jcol_v[pl.ds(pl.multiple_of(co * _OCH + q * 16, 16), 16)]
                plsc.store_scatter(out_v, [rows, cols], zeros)
            return 0

        lax.fori_loop(0, _N_MEL // _OCH, _ochunk, 0)


@functools.partial(
    pl.kernel,
    out_type=jax.ShapeDtypeStruct((_B, _N_MEL, _N_TEXT), jnp.float32),
    mesh=plsc.VectorSubcoreMesh(core_axis_name="c", subcore_axis_name="s",
                                num_cores=2, num_subcores=16),
    compiler_params=pltpu.CompilerParams(needs_layout_passes=False),
    scratch_types=[
        pltpu.VMEM((2, _CH, _N_TEXT), jnp.float32),
        pltpu.VMEM((_CH, _N_TEXT), jnp.float32),
        pltpu.VMEM((_N_MEL,), jnp.int32),
        pltpu.VMEM((_OCH, _N_TEXT), jnp.float32),
        pltpu.VMEM_SHARED((4, _N_MEL, _N_TEXT), jnp.float32),
        pltpu.SemaphoreType.DMA((2,)),
    ],
)
def _sc_dp(lp_hbm, out_hbm, lp_v, m_v, jcol_v, out_v, m_sp, sems):
    _sc_dp_body(lp_hbm, out_hbm, lp_v, m_v, jcol_v, out_v, m_sp, sems)


def kernel(text_emb, mel_emb):
    b, n_mel, d = mel_emb.shape
    n_text = text_emb.shape[1]
    lp = pl.pallas_call(
        _bmm_kernel,
        grid=(b,),
        in_specs=[
            pl.BlockSpec((1, n_mel, d), lambda i: (i, 0, 0)),
            pl.BlockSpec((1, n_text, d), lambda i: (i, 0, 0)),
        ],
        out_specs=pl.BlockSpec((1, n_mel, n_text), lambda i: (i, 0, 0)),
        out_shape=jax.ShapeDtypeStruct((b, n_mel, n_text), jnp.float32),
    )(mel_emb, text_emb)
    return _sc_dp(lp)

# --- scband reference (transcript-rebuilt; emitter-appended) ---
"""Pipeline reference for scband-monotonic-aligner-78039555768479 (READ-ONLY COPY).

The authoritative reference and input builder live on the scoring server;
editing this copy changes nothing except your own understanding.
"""

import jax, jax.numpy as jnp
import numpy as np


def _maximum_path(nlp):
    T_mel, T_text = nlp.shape
    inf = jnp.asarray(jnp.inf, dtype=nlp.dtype)
    row0 = jnp.full((T_text,), inf, dtype=nlp.dtype).at[0].set(nlp[0, 0])

    def fwd_step(prev, nlp_row):
        shifted = jnp.concatenate([jnp.full((1,), inf, dtype=prev.dtype), prev[:-1]])
        cur = nlp_row + jnp.minimum(prev, shifted)
        return cur, cur

    _, rest = jax.lax.scan(fwd_step, row0, nlp[1:])
    cost = jnp.concatenate([row0[None, :], rest], axis=0)

    def bwd_step(j, cost_prev_row):
        diag = cost_prev_row[jnp.maximum(j - 1, 0)]
        stay = cost_prev_row[j]
        move_diag = jnp.logical_and(j > 0, diag <= stay)
        j_next = jnp.where(move_diag, j - 1, j)
        return j_next, j

    j_final, js = jax.lax.scan(bwd_step, jnp.int32(T_text - 1), cost[:-1][::-1])
    j_per_row = jnp.concatenate([j_final[None], js[::-1]], axis=0)
    path = jax.nn.one_hot(j_per_row, T_text, dtype=nlp.dtype)
    return path


def setup_inputs(seed: int = 0) -> dict:
    key = jax.random.key(seed)
    k1, k2 = jax.random.split(key)
    text_emb = jax.random.normal(k1, (8, 256, 256), dtype=jnp.float32)
    mel_emb = jax.random.normal(k2, (8, 1024, 256), dtype=jnp.float32)
    return {"text_emb": text_emb, "mel_emb": mel_emb}


def reference(text_emb, mel_emb):
    # log_probs[b, i, j] = <mel_emb[b, i], text_emb[b, j]>  (torch.bmm(mel, text^T))
    log_probs = jnp.einsum('bmd,btd->bmt', mel_emb, text_emb)
    # per-sample monotonic alignment search on negative log probs
    alignments = jax.vmap(_maximum_path)(-log_probs)
    return alignments

if __name__ == "__main__":
    import jax
    _d = setup_inputs()
    print(jax.jit(kernel)(*tuple(_d.values())))

</pallas_src>

<mosaic_0001>
#map = affine_map<(d0, d1) -> (0, 0, 0)>
module attributes {stable_mosaic.version = 14 : i64} {
  func.func @_sc_dp(%arg0: i32, %arg1: i32, %arg2: memref<8x1024x256xf32, #tpu.memory_space<hbm>>, %arg3: memref<8x1024x256xf32, #tpu.memory_space<hbm>>, %arg4: memref<2x64x256xf32, #tpu.memory_space<vmem>>, %arg5: memref<64x256xf32, #tpu.memory_space<vmem>>, %arg6: memref<1024xi32, #tpu.memory_space<vmem>>, %arg7: memref<32x256xf32, #tpu.memory_space<vmem>>, %arg8: memref<4x1024x256xf32, #tpu.memory_space<vmem_shared>>, %arg9: memref<2x!tpu.dma_semaphore, #tpu.memory_space<semaphore_mem>>) attributes {dimension_semantics = [#tpu.dimension_semantics<core_parallel>, #tpu.dimension_semantics<subcore_parallel>], iteration_bounds = array<i64: 2, 16>, scalar_prefetch = 0 : i64, scratch_operands = 6 : i64, tpu.core_type = #tpu.core_type<sc_vector_subcore>, window_params = [{transform_indices = #map}, {transform_indices = #map}]} {
    %mul3A = arith.constant 2 : i32
    %mul3A_0 = arith.muli %arg1, %mul3A : i32
    %add3A = arith.addi %mul3A_0, %arg0 : i32
    %lt3A = arith.constant 8 : i32
    %lt3A_1 = arith.cmpi slt, %add3A, %lt3A : i32
    %convert_element_type3A = arith.extui %lt3A_1 : i1 to i32
    %cond3A = arith.constant 0 : i32
    %cond3A_2 = arith.cmpi ne, %convert_element_type3A, %cond3A : i32
    scf.if %cond3A_2 {
      %iota3A = tpu.iota {dimensions = array<i32: 0>} : vector<16xi32>
      %broadcast_in_dim3A = arith.constant 1.000000e+00 : f32
      %broadcast_in_dim3A_3 = vector.broadcast %broadcast_in_dim3A : f32 to vector<16xf32>
      %broadcast_in_dim3A_4 = arith.constant 0.000000e+00 : f32
      %broadcast_in_dim3A_5 = vector.broadcast %broadcast_in_dim3A_4 : f32 to vector<16xf32>
      %dma_start3A = arith.constant 0 : i32
      %dma_start3A_6 = arith.constant 0 : i32
      %dma_start3A_7 = arith.constant 0 : i32
      %dma_start3A_8 = arith.constant 0 : i32
      %dma_start3A_9 = tpu.memref_slice %arg4[%dma_start3A, %dma_start3A_7, %dma_start3A_8] : memref<2x64x256xf32, #tpu.memory_space<vmem>> -> memref<1x64x256xf32, #tpu.memory_space<vmem>>
      %dma_start3A_10 = tpu.memref_squeeze %dma_start3A_9 : memref<1x64x256xf32, #tpu.memory_space<vmem>> -> memref<64x256xf32, #tpu.memory_space<vmem>>
      %dma_start3A_11 = arith.constant 0 : i32
      %dma_start3A_12 = arith.constant 0 : i32
      %dma_start3A_13 = tpu.memref_slice %arg2[%add3A, %dma_start3A_11, %dma_start3A_12] : memref<8x1024x256xf32, #tpu.memory_space<hbm>> -> memref<1x64x256xf32, #tpu.memory_space<hbm>>
      %dma_start3A_14 = tpu.memref_squeeze %dma_start3A_13 : memref<1x64x256xf32, #tpu.memory_space<hbm>> -> memref<64x256xf32, #tpu.memory_space<hbm>>
      %dma_start3A_15 = tpu.memref_slice %arg9[%dma_start3A_6] : memref<2x!tpu.dma_semaphore, #tpu.memory_space<semaphore_mem>> -> memref<1x!tpu.dma_semaphore, #tpu.memory_space<semaphore_mem>>
      %dma_start3A_16 = tpu.memref_squeeze %dma_start3A_15 : memref<1x!tpu.dma_semaphore, #tpu.memory_space<semaphore_mem>> -> memref<!tpu.dma_semaphore, #tpu.memory_space<semaphore_mem>>
      %dma_start3A_17 = arith.constant 0 : i32
      %dma_start3A_18 = arith.constant 0 : i32
      %dma_start3A_19 = tpu.memref_slice %arg4[%dma_start3A, %dma_start3A_17, %dma_start3A_18] : memref<2x64x256xf32, #tpu.memory_space<vmem>> -> memref<1x64x256xf32, #tpu.memory_space<vmem>>
      %dma_start3A_20 = tpu.memref_squeeze %dma_start3A_19 : memref<1x64x256xf32, #tpu.memory_space<vmem>> -> memref<64x256xf32, #tpu.memory_space<vmem>>
      %dma_start3A_21 = arith.constant 0 : i32
      %dma_start3A_22 = arith.constant 0 : i32
      %dma_start3A_23 = tpu.memref_slice %arg2[%add3A, %dma_start3A_21, %dma_start3A_22] : memref<8x1024x256xf32, #tpu.memory_space<hbm>> -> memref<1x64x256xf32, #tpu.memory_space<hbm>>
      %dma_start3A_24 = tpu.memref_squeeze %dma_start3A_23 : memref<1x64x256xf32, #tpu.memory_space<hbm>> -> memref<64x256xf32, #tpu.memory_space<hbm>>
      tpu.enqueue_dma source(%dma_start3A_24 : memref<64x256xf32, #tpu.memory_space<hbm>>) target(%dma_start3A_20 : memref<64x256xf32, #tpu.memory_space<vmem>>) target_semaphore(%dma_start3A_16 : memref<!tpu.dma_semaphore, #tpu.memory_space<semaphore_mem>>)
      %dma_start3A_25 = arith.constant 1 : i32
      %dma_start3A_26 = arith.constant 1 : i32
      %dma_start3A_27 = arith.constant 0 : i32
      %dma_start3A_28 = arith.constant 0 : i32
      %dma_start3A_29 = tpu.memref_slice %arg4[%dma_start3A_25, %dma_start3A_27, %dma_start3A_28] : memref<2x64x256xf32, #tpu.memory_space<vmem>> -> memref<1x64x256xf32, #tpu.memory_space<vmem>>
      %dma_start3A_30 = tpu.memref_squeeze %dma_start3A_29 : memref<1x64x256xf32, #tpu.memory_space<vmem>> -> memref<64x256xf32, #tpu.memory_space<vmem>>
      %dma_start3A_31 = arith.constant 64 : i32
      %dma_start3A_32 = arith.constant 0 : i32
      %dma_start3A_33 = tpu.memref_slice %arg2[%add3A, %dma_start3A_31, %dma_start3A_32] : memref<8x1024x256xf32, #tpu.memory_space<hbm>> -> memref<1x64x256xf32, #tpu.memory_space<hbm>>
      %dma_start3A_34 = tpu.memref_squeeze %dma_start3A_33 : memref<1x64x256xf32, #tpu.memory_space<hbm>> -> memref<64x256xf32, #tpu.memory_space<hbm>>
      %dma_start3A_35 = tpu.memref_slice %arg9[%dma_start3A_26] : memref<2x!tpu.dma_semaphore, #tpu.memory_space<semaphore_mem>> -> memref<1x!tpu.dma_semaphore, #tpu.memory_space<semaphore_mem>>
      %dma_start3A_36 = tpu.memref_squeeze %dma_start3A_35 : memref<1x!tpu.dma_semaphore, #tpu.memory_space<semaphore_mem>> -> memref<!tpu.dma_semaphore, #tpu.memory_space<semaphore_mem>>
      %dma_start3A_37 = arith.constant 0 : i32
      %dma_start3A_38 = arith.constant 0 : i32
      %dma_start3A_39 = tpu.memref_slice %arg4[%dma_start3A_25, %dma_start3A_37, %dma_start3A_38] : memref<2x64x256xf32, #tpu.memory_space<vmem>> -> memref<1x64x256xf32, #tpu.memory_space<vmem>>
      %dma_start3A_40 = tpu.memref_squeeze %dma_start3A_39 : memref<1x64x256xf32, #tpu.memory_space<vmem>> -> memref<64x256xf32, #tpu.memory_space<vmem>>
      %dma_start3A_41 = arith.constant 64 : i32
      %dma_start3A_42 = arith.constant 0 : i32
      %dma_start3A_43 = tpu.memref_slice %arg2[%add3A, %dma_start3A_41, %dma_start3A_42] : memref<8x1024x256xf32, #tpu.memory_space<hbm>> -> memref<1x64x256xf32, #tpu.memory_space<hbm>>
      %dma_start3A_44 = tpu.memref_squeeze %dma_start3A_43 : memref<1x64x256xf32, #tpu.memory_space<hbm>> -> memref<64x256xf32, #tpu.memory_space<hbm>>
      tpu.enqueue_dma source(%dma_start3A_44 : memref<64x256xf32, #tpu.memory_space<hbm>>) target(%dma_start3A_40 : memref<64x256xf32, #tpu.memory_space<vmem>>) target_semaphore(%dma_start3A_36 : memref<!tpu.dma_semaphore, #tpu.memory_space<semaphore_mem>>)
      %dma_wait3A = arith.constant 0 : i32
      %dma_wait3A_45 = arith.constant 0 : i32
      %dma_wait3A_46 = arith.constant 0 : i32
      %dma_wait3A_47 = arith.constant 0 : i32
      %dma_wait3A_48 = tpu.memref_slice %arg4[%dma_wait3A, %dma_wait3A_46, %dma_wait3A_47] : memref<2x64x256xf32, #tpu.memory_space<vmem>> -> memref<1x64x256xf32, #tpu.memory_space<vmem>>
      %dma_wait3A_49 = tpu.memref_squeeze %dma_wait3A_48 : memref<1x64x256xf32, #tpu.memory_space<vmem>> -> memref<64x256xf32, #tpu.memory_space<vmem>>
      %dma_wait3A_50 = arith.constant 0 : i32
      %dma_wait3A_51 = arith.constant 0 : i32
      %dma_wait3A_52 = tpu.memref_slice %arg2[%add3A, %dma_wait3A_50, %dma_wait3A_51] : memref<8x1024x256xf32, #tpu.memory_space<hbm>> -> memref<1x64x256xf32, #tpu.memory_space<hbm>>
      %dma_wait3A_53 = tpu.memref_squeeze %dma_wait3A_52 : memref<1x64x256xf32, #tpu.memory_space<hbm>> -> memref<64x256xf32, #tpu.memory_space<hbm>>
      %dma_wait3A_54 = tpu.memref_slice %arg9[%dma_wait3A_45] : memref<2x!tpu.dma_semaphore, #tpu.memory_space<semaphore_mem>> -> memref<1x!tpu.dma_semaphore, #tpu.memory_space<semaphore_mem>>
      %dma_wait3A_55 = tpu.memref_squeeze %dma_wait3A_54 : memref<1x!tpu.dma_semaphore, #tpu.memory_space<semaphore_mem>> -> memref<!tpu.dma_semaphore, #tpu.memory_space<semaphore_mem>>
      %dma_wait3A_56 = arith.constant 0 : i32
      %dma_wait3A_57 = arith.constant 0 : i32
      %dma_wait3A_58 = tpu.memref_slice %arg4[%dma_wait3A, %dma_wait3A_56, %dma_wait3A_57] : memref<2x64x256xf32, #tpu.memory_space<vmem>> -> memref<1x64x256xf32, #tpu.memory_space<vmem>>
      %dma_wait3A_59 = tpu.memref_squeeze %dma_wait3A_58 : memref<1x64x256xf32, #tpu.memory_space<vmem>> -> memref<64x256xf32, #tpu.memory_space<vmem>>
      %dma_wait3A_60 = arith.constant 0 : i32
      %dma_wait3A_61 = arith.constant 0 : i32
      %dma_wait3A_62 = tpu.memref_slice %arg2[%add3A, %dma_wait3A_60, %dma_wait3A_61] : memref<8x1024x256xf32, #tpu.memory_space<hbm>> -> memref<1x64x256xf32, #tpu.memory_space<hbm>>
      %dma_wait3A_63 = tpu.memref_squeeze %dma_wait3A_62 : memref<1x64x256xf32, #tpu.memory_space<hbm>> -> memref<64x256xf32, #tpu.memory_space<hbm>>
      tpu.wait_dma2 semaphore(%dma_wait3A_55 : memref<!tpu.dma_semaphore, #tpu.memory_space<semaphore_mem>>) src(%dma_wait3A_63 : memref<64x256xf32, #tpu.memory_space<hbm>>) dst(%dma_wait3A_59 : memref<64x256xf32, #tpu.memory_space<vmem>>)
      %eq3A = arith.constant 0 : i32
      %eq3A_64 = vector.broadcast %eq3A : i32 to vector<16xi32>
      %eq3A_65 = arith.cmpi eq, %iota3A, %eq3A_64 : vector<16xi32>
      %and3A = arith.constant true
      %and3A_66 = vector.broadcast %and3A : i1 to vector<16xi1>
      %and3A_67 = arith.andi %eq3A_65, %and3A_66 : vector<16xi1>
      %get3A = arith.constant 0 : i32
      %get3A_68 = arith.constant 0 : i32
      %get3A_69 = arith.index_cast %get3A : i32 to index
      %get3A_70 = arith.index_cast %get3A_68 : i32 to index
      %get3A_71 = arith.constant 0 : index
      %get3A_72 = tpu.vector_load %arg4[%get3A_69, %get3A_70, %get3A_71] {strides = array<i32>} : memref<2x64x256xf32, #tpu.memory_space<vmem>>, vector<16xf32>,
      %neg3A = arith.constant 0.000000e+00 : f32
      %neg3A_73 = vector.broadcast %neg3A : f32 to vector<16xf32>
      %neg3A_74 = arith.subf %neg3A_73, %get3A_72 : vector<16xf32>
      %jit3A = arith.constant 0x7F800000 : f32
      %broadcast_in_dim3A_75 = vector.broadcast %jit3A : f32 to vector<16xf32>
      %select_n3A = arith.select %and3A_67, %neg3A_74, %broadcast_in_dim3A_75 : vector<16xi1>, vector<16xf32>
      %eq3A_76 = arith.constant 0 : i32
      %eq3A_77 = vector.broadcast %eq3A_76 : i32 to vector<16xi32>
      %eq3A_78 = arith.cmpi eq, %iota3A, %eq3A_77 : vector<16xi32>
      %and3A_79 = arith.constant false
      %and3A_80 = vector.broadcast %and3A_79 : i1 to vector<16xi1>
      %and3A_81 = arith.andi %eq3A_78, %and3A_80 : vector<16xi1>
      %get3A_82 = arith.constant 0 : i32
      %get3A_83 = arith.constant 0 : i32
      %get3A_84 = arith.index_cast %get3A_82 : i32 to index
      %get3A_85 = arith.index_cast %get3A_83 : i32 to index
      %get3A_86 = arith.constant 16 : index
      %get3A_87 = tpu.vector_load %arg4[%get3A_84, %get3A_85, %get3A_86] {strides = array<i32>} : memref<2x64x256xf32, #tpu.memory_space<vmem>>, vector<16xf32>,
      %neg3A_88 = arith.constant 0.000000e+00 : f32
      %neg3A_89 = vector.broadcast %neg3A_88 : f32 to vector<16xf32>
      %neg3A_90 = arith.subf %neg3A_89, %get3A_87 : vector<16xf32>
      %jit3A_91 = arith.constant 0x7F800000 : f32
      %broadcast_in_dim3A_92 = vector.broadcast %jit3A_91 : f32 to vector<16xf32>
      %select_n3A_93 = arith.select %and3A_81, %neg3A_90, %broadcast_in_dim3A_92 : vector<16xi1>, vector<16xf32>
      %eq3A_94 = arith.constant 0 : i32
      %eq3A_95 = vector.broadcast %eq3A_94 : i32 to vector<16xi32>
      %eq3A_96 = arith.cmpi eq, %iota3A, %eq3A_95 : vector<16xi32>
      %and3A_97 = arith.constant false
      %and3A_98 = vector.broadcast %and3A_97 : i1 to vector<16xi1>
      %and3A_99 = arith.andi %eq3A_96, %and3A_98 : vector<16xi1>
      %get3A_100 = arith.constant 0 : i32
      %get3A_101 = arith.constant 0 : i32
      %get3A_102 = arith.index_cast %get3A_100 : i32 to index
      %get3A_103 = arith.index_cast %get3A_101 : i32 to index
      %get3A_104 = arith.constant 32 : index
      %get3A_105 = tpu.vector_load %arg4[%get3A_102, %get3A_103, %get3A_104] {strides = array<i32>} : memref<2x64x256xf32, #tpu.memory_space<vmem>>, vector<16xf32>,
      %neg3A_106 = arith.constant 0.000000e+00 : f32
      %neg3A_107 = vector.broadcast %neg3A_106 : f32 to vector<16xf32>
      %neg3A_108 = arith.subf %neg3A_107, %get3A_105 : vector<16xf32>
      %jit3A_109 = arith.constant 0x7F800000 : f32
      %broadcast_in_dim3A_110 = vector.broadcast %jit3A_109 : f32 to vector<16xf32>
      %select_n3A_111 = arith.select %and3A_99, %neg3A_108, %broadcast_in_dim3A_110 : vector<16xi1>, vector<16xf32>
      %eq3A_112 = arith.constant 0 : i32
      %eq3A_113 = vector.broadcast %eq3A_112 : i32 to vector<16xi32>
      %eq3A_114 = arith.cmpi eq, %iota3A, %eq3A_113 : vector<16xi32>
      %and3A_115 = arith.constant false
      %and3A_116 = vector.broadcast %and3A_115 : i1 to vector<16xi1>
      %and3A_117 = arith.andi %eq3A_114, %and3A_116 : vector<16xi1>
      %get3A_118 = arith.constant 0 : i32
      %get3A_119 = arith.constant 0 : i32
      %get3A_120 = arith.index_cast %get3A_118 : i32 to index
      %get3A_121 = arith.index_cast %get3A_119 : i32 to index
      %get3A_122 = arith.constant 48 : index
      %get3A_123 = tpu.vector_load %arg4[%get3A_120, %get3A_121, %get3A_122] {strides = array<i32>} : memref<2x64x256xf32, #tpu.memory_space<vmem>>, vector<16xf32>,
      %neg3A_124 = arith.constant 0.000000e+00 : f32
      %neg3A_125 = vector.broadcast %neg3A_124 : f32 to vector<16xf32>
      %neg3A_126 = arith.subf %neg3A_125, %get3A_123 : vector<16xf32>
      %jit3A_127 = arith.constant 0x7F800000 : f32
      %broadcast_in_dim3A_128 = vector.broadcast %jit3A_127 : f32 to vector<16xf32>
      %select_n3A_129 = arith.select %and3A_117, %neg3A_126, %broadcast_in_dim3A_128 : vector<16xi1>, vector<16xf32>
      %eq3A_130 = arith.constant 0 : i32
      %eq3A_131 = vector.broadcast %eq3A_130 : i32 to vector<16xi32>
      %eq3A_132 = arith.cmpi eq, %iota3A, %eq3A_131 : vector<16xi32>
      %and3A_133 = arith.constant false
      %and3A_134 = vector.broadcast %and3A_133 : i1 to vector<16xi1>
      %and3A_135 = arith.andi %eq3A_132, %and3A_134 : vector<16xi1>
      %get3A_136 = arith.constant 0 : i32
      %get3A_137 = arith.constant 0 : i32
      %get3A_138 = arith.index_cast %get3A_136 : i32 to index
      %get3A_139 = arith.index_cast %get3A_137 : i32 to index
      %get3A_140 = arith.constant 64 : index
      %get3A_141 = tpu.vector_load %arg4[%get3A_138, %get3A_139, %get3A_140] {strides = array<i32>} : memref<2x64x256xf32, #tpu.memory_space<vmem>>, vector<16xf32>,
      %neg3A_142 = arith.constant 0.000000e+00 : f32
      %neg3A_143 = vector.broadcast %neg3A_142 : f32 to vector<16xf32>
      %neg3A_144 = arith.subf %neg3A_143, %get3A_141 : vector<16xf32>
      %jit3A_145 = arith.constant 0x7F800000 : f32
      %broadcast_in_dim3A_146 = vector.broadcast %jit3A_145 : f32 to vector<16xf32>
      %select_n3A_147 = arith.select %and3A_135, %neg3A_144, %broadcast_in_dim3A_146 : vector<16xi1>, vector<16xf32>
      %eq3A_148 = arith.constant 0 : i32
      %eq3A_149 = vector.broadcast %eq3A_148 : i32 to vector<16xi32>
      %eq3A_150 = arith.cmpi eq, %iota3A, %eq3A_149 : vector<16xi32>
      %and3A_151 = arith.constant false
      %and3A_152 = vector.broadcast %and3A_151 : i1 to vector<16xi1>
      %and3A_153 = arith.andi %eq3A_150, %and3A_152 : vector<16xi1>
      %get3A_154 = arith.constant 0 : i32
      %get3A_155 = arith.constant 0 : i32
      %get3A_156 = arith.index_cast %get3A_154 : i32 to index
      %get3A_157 = arith.index_cast %get3A_155 : i32 to index
      %get3A_158 = arith.constant 80 : index
      %get3A_159 = tpu.vector_load %arg4[%get3A_156, %get3A_157, %get3A_158] {strides = array<i32>} : memref<2x64x256xf32, #tpu.memory_space<vmem>>, vector<16xf32>,
      %neg3A_160 = arith.constant 0.000000e+00 : f32
      %neg3A_161 = vector.broadcast %neg3A_160 : f32 to vector<16xf32>
      %neg3A_162 = arith.subf %neg3A_161, %get3A_159 : vector<16xf32>
      %jit3A_163 = arith.constant 0x7F800000 : f32
      %broadcast_in_dim3A_164 = vector.broadcast %jit3A_163 : f32 to vector<16xf32>
      %select_n3A_165 = arith.select %and3A_153, %neg3A_162, %broadcast_in_dim3A_164 : vector<16xi1>, vector<16xf32>
      %eq3A_166 = arith.constant 0 : i32
      %eq3A_167 = vector.broadcast %eq3A_166 : i32 to vector<16xi32>
      %eq3A_168 = arith.cmpi eq, %iota3A, %eq3A_167 : vector<16xi32>
      %and3A_169 = arith.constant false
      %and3A_170 = vector.broadcast %and3A_169 : i1 to vector<16xi1>
      %and3A_171 = arith.andi %eq3A_168, %and3A_170 : vector<16xi1>
      %get3A_172 = arith.constant 0 : i32
      %get3A_173 = arith.constant 0 : i32
      %get3A_174 = arith.index_cast %get3A_172 : i32 to index
      %get3A_175 = arith.index_cast %get3A_173 : i32 to index
      %get3A_176 = arith.constant 96 : index
      %get3A_177 = tpu.vector_load %arg4[%get3A_174, %get3A_175, %get3A_176] {strides = array<i32>} : memref<2x64x256xf32, #tpu.memory_space<vmem>>, vector<16xf32>,
      %neg3A_178 = arith.constant 0.000000e+00 : f32
      %neg3A_179 = vector.broadcast %neg3A_178 : f32 to vector<16xf32>
      %neg3A_180 = arith.subf %neg3A_179, %get3A_177 : vector<16xf32>
      %jit3A_181 = arith.constant 0x7F800000 : f32
      %broadcast_in_dim3A_182 = vector.broadcast %jit3A_181 : f32 to vector<16xf32>
      %select_n3A_183 = arith.select %and3A_171, %neg3A_180, %broadcast_in_dim3A_182 : vector<16xi1>, vector<16xf32>
      %eq3A_184 = arith.constant 0 : i32
      %eq3A_185 = vector.broadcast %eq3A_184 : i32 to vector<16xi32>
      %eq3A_186 = arith.cmpi eq, %iota3A, %eq3A_185 : vector<16xi32>
      %and3A_187 = arith.constant false
      %and3A_188 = vector.broadcast %and3A_187 : i1 to vector<16xi1>
      %and3A_189 = arith.andi %eq3A_186, %and3A_188 : vector<16xi1>
      %get3A_190 = arith.constant 0 : i32
      %get3A_191 = arith.constant 0 : i32
      %get3A_192 = arith.index_cast %get3A_190 : i32 to index
      %get3A_193 = arith.index_cast %get3A_191 : i32 to index
      %get3A_194 = arith.constant 112 : index
      %get3A_195 = tpu.vector_load %arg4[%get3A_192, %get3A_193, %get3A_194] {strides = array<i32>} : memref<2x64x256xf32, #tpu.memory_space<vmem>>, vector<16xf32>,
      %neg3A_196 = arith.constant 0.000000e+00 : f32
      %neg3A_197 = vector.broadcast %neg3A_196 : f32 to vector<16xf32>
      %neg3A_198 = arith.subf %neg3A_197, %get3A_195 : vector<16xf32>
      %jit3A_199 = arith.constant 0x7F800000 : f32
      %broadcast_in_dim3A_200 = vector.broadcast %jit3A_199 : f32 to vector<16xf32>
      %select_n3A_201 = arith.select %and3A_189, %neg3A_198, %broadcast_in_dim3A_200 : vector<16xi1>, vector<16xf32>
      %eq3A_202 = arith.constant 0 : i32
      %eq3A_203 = vector.broadcast %eq3A_202 : i32 to vector<16xi32>
      %eq3A_204 = arith.cmpi eq, %iota3A, %eq3A_203 : vector<16xi32>
      %and3A_205 = arith.constant false
      %and3A_206 = vector.broadcast %and3A_205 : i1 to vector<16xi1>
      %and3A_207 = arith.andi %eq3A_204, %and3A_206 : vector<16xi1>
      %get3A_208 = arith.constant 0 : i32
      %get3A_209 = arith.constant 0 : i32
      %get3A_210 = arith.index_cast %get3A_208 : i32 to index
      %get3A_211 = arith.index_cast %get3A_209 : i32 to index
      %get3A_212 = arith.constant 128 : index
      %get3A_213 = tpu.vector_load %arg4[%get3A_210, %get3A_211, %get3A_212] {strides = array<i32>} : memref<2x64x256xf32, #tpu.memory_space<vmem>>, vector<16xf32>,
      %neg3A_214 = arith.constant 0.000000e+00 : f32
      %neg3A_215 = vector.broadcast %neg3A_214 : f32 to vector<16xf32>
      %neg3A_216 = arith.subf %neg3A_215, %get3A_213 : vector<16xf32>
      %jit3A_217 = arith.constant 0x7F800000 : f32
      %broadcast_in_dim3A_218 = vector.broadcast %jit3A_217 : f32 to vector<16xf32>
      %select_n3A_219 = arith.select %and3A_207, %neg3A_216, %broadcast_in_dim3A_218 : vector<16xi1>, vector<16xf32>
      %eq3A_220 = arith.constant 0 : i32
      %eq3A_221 = vector.broadcast %eq3A_220 : i32 to vector<16xi32>
      %eq3A_222 = arith.cmpi eq, %iota3A, %eq3A_221 : vector<16xi32>
      %and3A_223 = arith.constant false
      %and3A_224 = vector.broadcast %and3A_223 : i1 to vector<16xi1>
      %and3A_225 = arith.andi %eq3A_222, %and3A_224 : vector<16xi1>
      %get3A_226 = arith.constant 0 : i32
      %get3A_227 = arith.constant 0 : i32
      %get3A_228 = arith.index_cast %get3A_226 : i32 to index
      %get3A_229 = arith.index_cast %get3A_227 : i32 to index
      %get3A_230 = arith.constant 144 : index
      %get3A_231 = tpu.vector_load %arg4[%get3A_228, %get3A_229, %get3A_230] {strides = array<i32>} : memref<2x64x256xf32, #tpu.memory_space<vmem>>, vector<16xf32>,
      %neg3A_232 = arith.constant 0.000000e+00 : f32
      %neg3A_233 = vector.broadcast %neg3A_232 : f32 to vector<16xf32>
      %neg3A_234 = arith.subf %neg3A_233, %get3A_231 : vector<16xf32>
      %jit3A_235 = arith.constant 0x7F800000 : f32
      %broadcast_in_dim3A_236 = vector.broadcast %jit3A_235 : f32 to vector<16xf32>
      %select_n3A_237 = arith.select %and3A_225, %neg3A_234, %broadcast_in_dim3A_236 : vector<16xi1>, vector<16xf32>
      %eq3A_238 = arith.constant 0 : i32
      %eq3A_239 = vector.broadcast %eq3A_238 : i32 to vector<16xi32>
      %eq3A_240 = arith.cmpi eq, %iota3A, %eq3A_239 : vector<16xi32>
      %and3A_241 = arith.constant false
      %and3A_242 = vector.broadcast %and3A_241 : i1 to vector<16xi1>
      %and3A_243 = arith.andi %eq3A_240, %and3A_242 : vector<16xi1>
      %get3A_244 = arith.constant 0 : i32
      %get3A_245 = arith.constant 0 : i32
      %get3A_246 = arith.index_cast %get3A_244 : i32 to index
      %get3A_247 = arith.index_cast %get3A_245 : i32 to index
      %get3A_248 = arith.constant 160 : index
      %get3A_249 = tpu.vector_load %arg4[%get3A_246, %get3A_247, %get3A_248] {strides = array<i32>} : memref<2x64x256xf32, #tpu.memory_space<vmem>>, vector<16xf32>,
      %neg3A_250 = arith.constant 0.000000e+00 : f32
      %neg3A_251 = vector.broadcast %neg3A_250 : f32 to vector<16xf32>
      %neg3A_252 = arith.subf %neg3A_251, %get3A_249 : vector<16xf32>
      %jit3A_253 = arith.constant 0x7F800000 : f32
      %broadcast_in_dim3A_254 = vector.broadcast %jit3A_253 : f32 to vector<16xf32>
      %select_n3A_255 = arith.select %and3A_243, %neg3A_252, %broadcast_in_dim3A_254 : vector<16xi1>, vector<16xf32>
      %eq3A_256 = arith.constant 0 : i32
      %eq3A_257 = vector.broadcast %eq3A_256 : i32 to vector<16xi32>
      %eq3A_258 = arith.cmpi eq, %iota3A, %eq3A_257 : vector<16xi32>
      %and3A_259 = arith.constant false
      %and3A_260 = vector.broadcast %and3A_259 : i1 to vector<16xi1>
      %and3A_261 = arith.andi %eq3A_258, %and3A_260 : vector<16xi1>
      %get3A_262 = arith.constant 0 : i32
      %get3A_263 = arith.constant 0 : i32
      %get3A_264 = arith.index_cast %get3A_262 : i32 to index
      %get3A_265 = arith.index_cast %get3A_263 : i32 to index
      %get3A_266 = arith.constant 176 : index
      %get3A_267 = tpu.vector_load %arg4[%get3A_264, %get3A_265, %get3A_266] {strides = array<i32>} : memref<2x64x256xf32, #tpu.memory_space<vmem>>, vector<16xf32>,
      %neg3A_268 = arith.constant 0.000000e+00 : f32
      %neg3A_269 = vector.broadcast %neg3A_268 : f32 to vector<16xf32>
      %neg3A_270 = arith.subf %neg3A_269, %get3A_267 : vector<16xf32>
      %jit3A_271 = arith.constant 0x7F800000 : f32
      %broadcast_in_dim3A_272 = vector.broadcast %jit3A_271 : f32 to vector<16xf32>
      %select_n3A_273 = arith.select %and3A_261, %neg3A_270, %broadcast_in_dim3A_272 : vector<16xi1>, vector<16xf32>
      %eq3A_274 = arith.constant 0 : i32
      %eq3A_275 = vector.broadcast %eq3A_274 : i32 to vector<16xi32>
      %eq3A_276 = arith.cmpi eq, %iota3A, %eq3A_275 : vector<16xi32>
      %and3A_277 = arith.constant false
      %and3A_278 = vector.broadcast %and3A_277 : i1 to vector<16xi1>
      %and3A_279 = arith.andi %eq3A_276, %and3A_278 : vector<16xi1>
      %get3A_280 = arith.constant 0 : i32
      %get3A_281 = arith.constant 0 : i32
      %get3A_282 = arith.index_cast %get3A_280 : i32 to index
      %get3A_283 = arith.index_cast %get3A_281 : i32 to index
      %get3A_284 = arith.constant 192 : index
      %get3A_285 = tpu.vector_load %arg4[%get3A_282, %get3A_283, %get3A_284] {strides = array<i32>} : memref<2x64x256xf32, #tpu.memory_space<vmem>>, vector<16xf32>,
      %neg3A_286 = arith.constant 0.000000e+00 : f32
      %neg3A_287 = vector.broadcast %neg3A_286 : f32 to vector<16xf32>
      %neg3A_288 = arith.subf %neg3A_287, %get3A_285 : vector<16xf32>
      %jit3A_289 = arith.constant 0x7F800000 : f32
      %broadcast_in_dim3A_290 = vector.broadcast %jit3A_289 : f32 to vector<16xf32>
      %select_n3A_291 = arith.select %and3A_279, %neg3A_288, %broadcast_in_dim3A_290 : vector<16xi1>, vector<16xf32>
      %eq3A_292 = arith.constant 0 : i32
      %eq3A_293 = vector.broadcast %eq3A_292 : i32 to vector<16xi32>
      %eq3A_294 = arith.cmpi eq, %iota3A, %eq3A_293 : vector<16xi32>
      %and3A_295 = arith.constant false
      %and3A_296 = vector.broadcast %and3A_295 : i1 to vector<16xi1>
      %and3A_297 = arith.andi %eq3A_294, %and3A_296 : vector<16xi1>
      %get3A_298 = arith.constant 0 : i32
      %get3A_299 = arith.constant 0 : i32
      %get3A_300 = arith.index_cast %get3A_298 : i32 to index
      %get3A_301 = arith.index_cast %get3A_299 : i32 to index
      %get3A_302 = arith.constant 208 : index
      %get3A_303 = tpu.vector_load %arg4[%get3A_300, %get3A_301, %get3A_302] {strides = array<i32>} : memref<2x64x256xf32, #tpu.memory_space<vmem>>, vector<16xf32>,
      %neg3A_304 = arith.constant 0.000000e+00 : f32
      %neg3A_305 = vector.broadcast %neg3A_304 : f32 to vector<16xf32>
      %neg3A_306 = arith.subf %neg3A_305, %get3A_303 : vector<16xf32>
      %jit3A_307 = arith.constant 0x7F800000 : f32
      %broadcast_in_dim3A_308 = vector.broadcast %jit3A_307 : f32 to vector<16xf32>
      %select_n3A_309 = arith.select %and3A_297, %neg3A_306, %broadcast_in_dim3A_308 : vector<16xi1>, vector<16xf32>
      %eq3A_310 = arith.constant 0 : i32
      %eq3A_311 = vector.broadcast %eq3A_310 : i32 to vector<16xi32>
      %eq3A_312 = arith.cmpi eq, %iota3A, %eq3A_311 : vector<16xi32>
      %and3A_313 = arith.constant false
      %and3A_314 = vector.broadcast %and3A_313 : i1 to vector<16xi1>
      %and3A_315 = arith.andi %eq3A_312, %and3A_314 : vector<16xi1>
      %get3A_316 = arith.constant 0 : i32
      %get3A_317 = arith.constant 0 : i32
      %get3A_318 = arith.index_cast %get3A_316 : i32 to index
      %get3A_319 = arith.index_cast %get3A_317 : i32 to index
      %get3A_320 = arith.constant 224 : index
      %get3A_321 = tpu.vector_load %arg4[%get3A_318, %get3A_319, %get3A_320] {strides = array<i32>} : memref<2x64x256xf32, #tpu.memory_space<vmem>>, vector<16xf32>,
      %neg3A_322 = arith.constant 0.000000e+00 : f32
      %neg3A_323 = vector.broadcast %neg3A_322 : f32 to vector<16xf32>
      %neg3A_324 = arith.subf %neg3A_323, %get3A_321 : vector<16xf32>
      %jit3A_325 = arith.constant 0x7F800000 : f32
      %broadcast_in_dim3A_326 = vector.broadcast %jit3A_325 : f32 to vector<16xf32>
      %select_n3A_327 = arith.select %and3A_315, %neg3A_324, %broadcast_in_dim3A_326 : vector<16xi1>, vector<16xf32>
      %eq3A_328 = arith.constant 0 : i32
      %eq3A_329 = vector.broadcast %eq3A_328 : i32 to vector<16xi32>
      %eq3A_330 = arith.cmpi eq, %iota3A, %eq3A_329 : vector<16xi32>
      %and3A_331 = arith.constant false
      %and3A_332 = vector.broadcast %and3A_331 : i1 to vector<16xi1>
      %and3A_333 = arith.andi %eq3A_330, %and3A_332 : vector<16xi1>
      %get3A_334 = arith.constant 0 : i32
      %get3A_335 = arith.constant 0 : i32
      %get3A_336 = arith.index_cast %get3A_334 : i32 to index
      %get3A_337 = arith.index_cast %get3A_335 : i32 to index
      %get3A_338 = arith.constant 240 : index
      %get3A_339 = tpu.vector_load %arg4[%get3A_336, %get3A_337, %get3A_338] {strides = array<i32>} : memref<2x64x256xf32, #tpu.memory_space<vmem>>, vector<16xf32>,
      %neg3A_340 = arith.constant 0.000000e+00 : f32
      %neg3A_341 = vector.broadcast %neg3A_340 : f32 to vector<16xf32>
      %neg3A_342 = arith.subf %neg3A_341, %get3A_339 : vector<16xf32>
      %jit3A_343 = arith.constant 0x7F800000 : f32
      %broadcast_in_dim3A_344 = vector.broadcast %jit3A_343 : f32 to vector<16xf32>
      %select_n3A_345 = arith.select %and3A_333, %neg3A_342, %broadcast_in_dim3A_344 : vector<16xi1>, vector<16xf32>
      %scan3A = arith.constant 1 : i32
      %scan3A_346 = arith.constant 63 : i32
      %scan3A_347 = arith.addi %scan3A, %scan3A_346 : i32
      %scan3A_348 = arith.constant 3 : i32
      %scan3A_349:16 = scf.for %scan3A_387 = %scan3A to %scan3A_347 step %scan3A_348 iter_args(%scan3A_388 = %select_n3A, %scan3A_389 = %select_n3A_93, %scan3A_390 = %select_n3A_111, %scan3A_391 = %select_n3A_129, %scan3A_392 = %select_n3A_147, %scan3A_393 = %select_n3A_165, %scan3A_394 = %select_n3A_183, %scan3A_395 = %select_n3A_201, %scan3A_396 = %select_n3A_219, %scan3A_397 = %select_n3A_237, %scan3A_398 = %select_n3A_255, %scan3A_399 = %select_n3A_273, %scan3A_400 = %select_n3A_291, %scan3A_401 = %select_n3A_309, %scan3A_402 = %select_n3A_327, %scan3A_403 = %select_n3A_345) -> (vector<16xf32>, vector<16xf32>, vector<16xf32>, vector<16xf32>, vector<16xf32>, vector<16xf32>, vector<16xf32>, vector<16xf32>, vector<16xf32>, vector<16xf32>, vector<16xf32>, vector<16xf32>, vector<16xf32>, vector<16xf32>, vector<16xf32>, vector<16xf32>)  : i32 {
        %iota3A_404 = tpu.iota {dimensions = array<i32: 0>} : vector<16xi32>
        %add3A_405 = arith.constant 15 : i32
        %add3A_406 = vector.broadcast %add3A_405 : i32 to vector<16xi32>
        %add3A_407 = arith.addi %iota3A_404, %add3A_406 : vector<16xi32>
        %jit3A_408 = arith.constant 16 : i32
        %eq3A_409 = arith.constant 0 : i32
        %eq3A_410 = arith.cmpi eq, %jit3A_408, %eq3A_409 : i32
        %jit3A_411 = arith.constant 1 : i32
        %select_n3A_412 = arith.select %eq3A_410, %jit3A_411, %jit3A_408 : i32
        %rem3A = vector.broadcast %select_n3A_412 : i32 to vector<16xi32>
        %rem3A_413 = arith.remsi %add3A_407, %rem3A : vector<16xi32>
        %ne3A = arith.constant 0 : i32
        %ne3A_414 = vector.broadcast %ne3A : i32 to vector<16xi32>
        %ne3A_415 = arith.cmpi ne, %rem3A_413, %ne3A_414 : vector<16xi32>
        %lt3A_416 = arith.constant 0 : i32
        %lt3A_417 = vector.broadcast %lt3A_416 : i32 to vector<16xi32>
        %lt3A_418 = arith.cmpi slt, %rem3A_413, %lt3A_417 : vector<16xi32>
        %lt3A_419 = arith.constant 0 : i32
        %lt3A_420 = arith.cmpi slt, %select_n3A_412, %lt3A_419 : i32
        %ne3A_421 = vector.broadcast %lt3A_420 : i1 to vector<16xi1>
        %ne3A_422 = vector.broadcast %ne3A_421 : vector<16xi1> to vector<16xi1>
        %ne3A_423 = arith.xori %lt3A_418, %ne3A_422 : vector<16xi1>
        %and3A_424 = arith.andi %ne3A_423, %ne3A_415 : vector<16xi1>
        %add3A_425 = vector.broadcast %select_n3A_412 : i32 to vector<16xi32>
        %add3A_426 = arith.addi %rem3A_413, %add3A_425 : vector<16xi32>
        %select_n3A_427 = arith.select %and3A_424, %add3A_426, %rem3A_413 : vector<16xi1>, vector<16xi32>
        %eq3A_428 = arith.constant 0 : i32
        %eq3A_429 = vector.broadcast %eq3A_428 : i32 to vector<16xi32>
        %eq3A_430 = arith.cmpi eq, %iota3A_404, %eq3A_429 : vector<16xi32>
        %lt3A_431 = arith.constant 0 : i32
        %lt3A_432 = vector.broadcast %lt3A_431 : i32 to vector<16xi32>
        %lt3A_433 = arith.cmpi slt, %select_n3A_427, %lt3A_432 : vector<16xi32>
        %add3A_434 = arith.constant 16 : i32
        %add3A_435 = vector.broadcast %add3A_434 : i32 to vector<16xi32>
        %add3A_436 = arith.addi %select_n3A_427, %add3A_435 : vector<16xi32>
        %select_n3A_437 = arith.select %lt3A_433, %add3A_436, %select_n3A_427 : vector<16xi1>, vector<16xi32>
        %reshape3A = vector.shape_cast %select_n3A_437 : vector<16xi32> to vector<16x1xi32>
        %gather3A = vector.shape_cast %reshape3A : vector<16x1xi32> to vector<16xi32>
        %gather3A_438 = tpu.dynamic_gather %scan3A_388[%gather3A] in [0] : vector<16xf32>, vector<16xi32> -> vector<16xf32>
        %jit3A_439 = arith.constant 0x7F800000 : f32
        %broadcast_in_dim3A_440 = vector.broadcast %jit3A_439 : f32 to vector<16xf32>
        %select_n3A_441 = arith.select %eq3A_430, %broadcast_in_dim3A_440, %gather3A_438 : vector<16xi1>, vector<16xf32>
        %le3A = arith.cmpf ole, %select_n3A_441, %scan3A_388 : vector<16xf32>
        %jit3A_442 = arith.constant 1.000000e+00 : f32
        %jit3A_443 = arith.constant 0.000000e+00 : f32
        %broadcast_in_dim3A_444 = vector.broadcast %jit3A_442 : f32 to vector<16xf32>
        %broadcast_in_dim3A_445 = vector.broadcast %jit3A_443 : f32 to vector<16xf32>
        %select_n3A_446 = arith.select %le3A, %broadcast_in_dim3A_444, %broadcast_in_dim3A_445 : vector<16xi1>, vector<16xf32>
        %swap3A = arith.index_cast %scan3A_387 : i32 to index
        %swap3A_447 = arith.constant 0 : index
        %swap3A_448 = tpu.vector_load %arg5[%swap3A, %swap3A_447] {strides = array<i32>} : memref<64x256xf32, #tpu.memory_space<vmem>>, vector<16xf32>,
        tpu.vector_store %arg5[%swap3A, %swap3A_447], %select_n3A_446 {strides = array<i32>} : memref<64x256xf32, #tpu.memory_space<vmem>>, vector<16xf32>,
        %min3A = arith.minimumf %scan3A_388, %select_n3A_441 : vector<16xf32>
        %get3A_449 = arith.constant 0 : i32
        %get3A_450 = arith.constant 0 : i32
        %get3A_451 = arith.constant 0 : i32
        %get3A_452 = tpu.memref_slice %arg4[%get3A_449, %get3A_450, %get3A_451] : memref<2x64x256xf32, #tpu.memory_space<vmem>> -> memref<1x64x256xf32, #tpu.memory_space<vmem>>
        %get3A_453 = tpu.memref_squeeze %get3A_452 : memref<1x64x256xf32, #tpu.memory_space<vmem>> -> memref<64x256xf32, #tpu.memory_space<vmem>>
        %get3A_454 = arith.index_cast %scan3A_387 : i32 to index
        %get3A_455 = arith.constant 0 : index
        %get3A_456 = tpu.vector_load %get3A_453[%get3A_454, %get3A_455] {strides = array<i32>} : memref<64x256xf32, #tpu.memory_space<vmem>>, vector<16xf32>,
        %sub3A = arith.subf %min3A, %get3A_456 : vector<16xf32>
        %lt3A_457 = arith.constant 0 : i32
        %lt3A_458 = vector.broadcast %lt3A_457 : i32 to vector<16xi32>
        %lt3A_459 = arith.cmpi slt, %select_n3A_427, %lt3A_458 : vector<16xi32>
        %add3A_460 = arith.constant 16 : i32
        %add3A_461 = vector.broadcast %add3A_460 : i32 to vector<16xi32>
        %add3A_462 = arith.addi %select_n3A_427, %add3A_461 : vector<16xi32>
        %select_n3A_463 = arith.select %lt3A_459, %add3A_462, %select_n3A_427 : vector<16xi1>, vector<16xi32>
        %reshape3A_464 = vector.shape_cast %select_n3A_463 : vector<16xi32> to vector<16x1xi32>
        %gather3A_465 = vector.shape_cast %reshape3A_464 : vector<16x1xi32> to vector<16xi32>
        %gather3A_466 = tpu.dynamic_gather %scan3A_389[%gather3A_465] in [0] : vector<16xf32>, vector<16xi32> -> vector<16xf32>
        %select_n3A_467 = arith.select %eq3A_430, %gather3A_438, %gather3A_466 : vector<16xi1>, vector<16xf32>
        %le3A_468 = arith.cmpf ole, %select_n3A_467, %scan3A_389 : vector<16xf32>
        %jit3A_469 = arith.constant 1.000000e+00 : f32
        %jit3A_470 = arith.constant 0.000000e+00 : f32
        %broadcast_in_dim3A_471 = vector.broadcast %jit3A_469 : f32 to vector<16xf32>
        %broadcast_in_dim3A_472 = vector.broadcast %jit3A_470 : f32 to vector<16xf32>
        %select_n3A_473 = arith.select %le3A_468, %broadcast_in_dim3A_471, %broadcast_in_dim3A_472 : vector<16xi1>, vector<16xf32>
        %swap3A_474 = arith.index_cast %scan3A_387 : i32 to index
        %swap3A_475 = arith.constant 16 : index
        %swap3A_476 = tpu.vector_load %arg5[%swap3A_474, %swap3A_475] {strides = array<i32>} : memref<64x256xf32, #tpu.memory_space<vmem>>, vector<16xf32>,
        tpu.vector_store %arg5[%swap3A_474, %swap3A_475], %select_n3A_473 {strides = array<i32>} : memref<64x256xf32, #tpu.memory_space<vmem>>, vector<16xf32>,
        %min3A_477 = arith.minimumf %scan3A_389, %select_n3A_467 : vector<16xf32>
        %get3A_478 = arith.constant 0 : i32
        %get3A_479 = arith.constant 0 : i32
        %get3A_480 = arith.constant 0 : i32
        %get3A_481 = tpu.memref_slice %arg4[%get3A_478, %get3A_479, %get3A_480] : memref<2x64x256xf32, #tpu.memory_space<vmem>> -> memref<1x64x256xf32, #tpu.memory_space<vmem>>
        %get3A_482 = tpu.memref_squeeze %get3A_481 : memref<1x64x256xf32, #tpu.memory_space<vmem>> -> memref<64x256xf32, #tpu.memory_space<vmem>>
        %get3A_483 = arith.index_cast %scan3A_387 : i32 to index
        %get3A_484 = arith.constant 16 : index
        %get3A_485 = tpu.vector_load %get3A_482[%get3A_483, %get3A_484] {strides = array<i32>} : memref<64x256xf32, #tpu.memory_space<vmem>>, vector<16xf32>,
        %sub3A_486 = arith.subf %min3A_477, %get3A_485 : vector<16xf32>
        %lt3A_487 = arith.constant 0 : i32
        %lt3A_488 = vector.broadcast %lt3A_487 : i32 to vector<16xi32>
        %lt3A_489 = arith.cmpi slt, %select_n3A_427, %lt3A_488 : vector<16xi32>
        %add3A_490 = arith.constant 16 : i32
        %add3A_491 = vector.broadcast %add3A_490 : i32 to vector<16xi32>
        %add3A_492 = arith.addi %select_n3A_427, %add3A_491 : vector<16xi32>
        %select_n3A_493 = arith.select %lt3A_489, %add3A_492, %select_n3A_427 : vector<16xi1>, vector<16xi32>
        %reshape3A_494 = vector.shape_cast %select_n3A_493 : vector<16xi32> to vector<16x1xi32>
        %gather3A_495 = vector.shape_cast %reshape3A_494 : vector<16x1xi32> to vector<16xi32>
        %gather3A_496 = tpu.dynamic_gather %scan3A_390[%gather3A_495] in [0] : vector<16xf32>, vector<16xi32> -> vector<16xf32>
        %select_n3A_497 = arith.select %eq3A_430, %gather3A_466, %gather3A_496 : vector<16xi1>, vector<16xf32>
        %le3A_498 = arith.cmpf ole, %select_n3A_497, %scan3A_390 : vector<16xf32>
        %jit3A_499 = arith.constant 1.000000e+00 : f32
        %jit3A_500 = arith.constant 0.000000e+00 : f32
        %broadcast_in_dim3A_501 = vector.broadcast %jit3A_499 : f32 to vector<16xf32>
        %broadcast_in_dim3A_502 = vector.broadcast %jit3A_500 : f32 to vector<16xf32>
        %select_n3A_503 = arith.select %le3A_498, %broadcast_in_dim3A_501, %broadcast_in_dim3A_502 : vector<16xi1>, vector<16xf32>
        %swap3A_504 = arith.index_cast %scan3A_387 : i32 to index
        %swap3A_505 = arith.constant 32 : index
        %swap3A_506 = tpu.vector_load %arg5[%swap3A_504, %swap3A_505] {strides = array<i32>} : memref<64x256xf32, #tpu.memory_space<vmem>>, vector<16xf32>,
        tpu.vector_store %arg5[%swap3A_504, %swap3A_505], %select_n3A_503 {strides = array<i32>} : memref<64x256xf32, #tpu.memory_space<vmem>>, vector<16xf32>,
        %min3A_507 = arith.minimumf %scan3A_390, %select_n3A_497 : vector<16xf32>
        %get3A_508 = arith.constant 0 : i32
        %get3A_509 = arith.constant 0 : i32
        %get3A_510 = arith.constant 0 : i32
        %get3A_511 = tpu.memref_slice %arg4[%get3A_508, %get3A_509, %get3A_510] : memref<2x64x256xf32, #tpu.memory_space<vmem>> -> memref<1x64x256xf32, #tpu.memory_space<vmem>>
        %get3A_512 = tpu.memref_squeeze %get3A_511 : memref<1x64x256xf32, #tpu.memory_space<vmem>> -> memref<64x256xf32, #tpu.memory_space<vmem>>
        %get3A_513 = arith.index_cast %scan3A_387 : i32 to index
        %get3A_514 = arith.constant 32 : index
        %get3A_515 = tpu.vector_load %get3A_512[%get3A_513, %get3A_514] {strides = array<i32>} : memref<64x256xf32, #tpu.memory_space<vmem>>, vector<16xf32>,
        %sub3A_516 = arith.subf %min3A_507, %get3A_515 : vector<16xf32>
        %lt3A_517 = arith.constant 0 : i32
        %lt3A_518 = vector.broadcast %lt3A_517 : i32 to vector<16xi32>
        %lt3A_519 = arith.cmpi slt, %select_n3A_427, %lt3A_518 : vector<16xi32>
        %add3A_520 = arith.constant 16 : i32
        %add3A_521 = vector.broadcast %add3A_520 : i32 to vector<16xi32>
        %add3A_522 = arith.addi %select_n3A_427, %add3A_521 : vector<16xi32>
        %select_n3A_523 = arith.select %lt3A_519, %add3A_522, %select_n3A_427 : vector<16xi1>, vector<16xi32>
        %reshape3A_524 = vector.shape_cast %select_n3A_523 : vector<16xi32> to vector<16x1xi32>
        %gather3A_525 = vector.shape_cast %reshape3A_524 : vector<16x1xi32> to vector<16xi32>
        %gather3A_526 = tpu.dynamic_gather %scan3A_391[%gather3A_525] in [0] : vector<16xf32>, vector<16xi32> -> vector<16xf32>
        %select_n3A_527 = arith.select %eq3A_430, %gather3A_496, %gather3A_526 : vector<16xi1>, vector<16xf32>
        %le3A_528 = arith.cmpf ole, %select_n3A_527, %scan3A_391 : vector<16xf32>
        %jit3A_529 = arith.constant 1.000000e+00 : f32
        %jit3A_530 = arith.constant 0.000000e+00 : f32
        %broadcast_in_dim3A_531 = vector.broadcast %jit3A_529 : f32 to vector<16xf32>
        %broadcast_in_dim3A_532 = vector.broadcast %jit3A_530 : f32 to vector<16xf32>
        %select_n3A_533 = arith.select %le3A_528, %broadcast_in_dim3A_531, %broadcast_in_dim3A_532 : vector<16xi1>, vector<16xf32>
        %swap3A_534 = arith.index_cast %scan3A_387 : i32 to index
        %swap3A_535 = arith.constant 48 : index
        %swap3A_536 = tpu.vector_load %arg5[%swap3A_534, %swap3A_535] {strides = array<i32>} : memref<64x256xf32, #tpu.memory_space<vmem>>, vector<16xf32>,
        tpu.vector_store %arg5[%swap3A_534, %swap3A_535], %select_n3A_533 {strides = array<i32>} : memref<64x256xf32, #tpu.memory_space<vmem>>, vector<16xf32>,
        %min3A_537 = arith.minimumf %scan3A_391, %select_n3A_527 : vector<16xf32>
        %get3A_538 = arith.constant 0 : i32
        %get3A_539 = arith.constant 0 : i32
        %get3A_540 = arith.constant 0 : i32
        %get3A_541 = tpu.memref_slice %arg4[%get3A_538, %get3A_539, %get3A_540] : memref<2x64x256xf32, #tpu.memory_space<vmem>> -> memref<1x64x256xf32, #tpu.memory_space<vmem>>
        %get3A_542 = tpu.memref_squeeze %get3A_541 : memref<1x64x256xf32, #tpu.memory_space<vmem>> -> memref<64x256xf32, #tpu.memory_space<vmem>>
        %get3A_543 = arith.index_cast %scan3A_387 : i32 to index
        %get3A_544 = arith.constant 48 : index
        %get3A_545 = tpu.vector_load %get3A_542[%get3A_543, %get3A_544] {strides = array<i32>} : memref<64x256xf32, #tpu.memory_space<vmem>>, vector<16xf32>,
        %sub3A_546 = arith.subf %min3A_537, %get3A_545 : vector<16xf32>
        %lt3A_547 = arith.constant 0 : i32
        %lt3A_548 = vector.broadcast %lt3A_547 : i32 to vector<16xi32>
        %lt3A_549 = arith.cmpi slt, %select_n3A_427, %lt3A_548 : vector<16xi32>
        %add3A_550 = arith.constant 16 : i32
        %add3A_551 = vector.broadcast %add3A_550 : i32 to vector<16xi32>
        %add3A_552 = arith.addi %select_n3A_427, %add3A_551 : vector<16xi32>
        %select_n3A_553 = arith.select %lt3A_549, %add3A_552, %select_n3A_427 : vector<16xi1>, vector<16xi32>
        %reshape3A_554 = vector.shape_cast %select_n3A_553 : vector<16xi32> to vector<16x1xi32>
        %gather3A_555 = vector.shape_cast %reshape3A_554 : vector<16x1xi32> to vector<16xi32>
        %gather3A_556 = tpu.dynamic_gather %scan3A_392[%gather3A_555] in [0] : vector<16xf32>, vector<16xi32> -> vector<16xf32>
        %select_n3A_557 = arith.select %eq3A_430, %gather3A_526, %gather3A_556 : vector<16xi1>, vector<16xf32>
        %le3A_558 = arith.cmpf ole, %select_n3A_557, %scan3A_392 : vector<16xf32>
        %jit3A_559 = arith.constant 1.000000e+00 : f32
        %jit3A_560 = arith.constant 0.000000e+00 : f32
        %broadcast_in_dim3A_561 = vector.broadcast %jit3A_559 : f32 to vector<16xf32>
        %broadcast_in_dim3A_562 = vector.broadcast %jit3A_560 : f32 to vector<16xf32>
        %select_n3A_563 = arith.select %le3A_558, %broadcast_in_dim3A_561, %broadcast_in_dim3A_562 : vector<16xi1>, vector<16xf32>
        %swap3A_564 = arith.index_cast %scan3A_387 : i32 to index
        %swap3A_565 = arith.constant 64 : index
        %swap3A_566 = tpu.vector_load %arg5[%swap3A_564, %swap3A_565] {strides = array<i32>} : memref<64x256xf32, #tpu.memory_space<vmem>>, vector<16xf32>,
        tpu.vector_store %arg5[%swap3A_564, %swap3A_565], %select_n3A_563 {strides = array<i32>} : memref<64x256xf32, #tpu.memory_space<vmem>>, vector<16xf32>,
        %min3A_567 = arith.minimumf %scan3A_392, %select_n3A_557 : vector<16xf32>
        %get3A_568 = arith.constant 0 : i32
        %get3A_569 = arith.constant 0 : i32
        %get3A_570 = arith.constant 0 : i32
        %get3A_571 = tpu.memref_slice %arg4[%get3A_568, %get3A_569, %get3A_570] : memref<2x64x256xf32, #tpu.memory_space<vmem>> -> memref<1x64x256xf32, #tpu.memory_space<vmem>>
        %get3A_572 = tpu.memref_squeeze %get3A_571 : memref<1x64x256xf32, #tpu.memory_space<vmem>> -> memref<64x256xf32, #tpu.memory_space<vmem>>
        %get3A_573 = arith.index_cast %scan3A_387 : i32 to index
        %get3A_574 = arith.constant 64 : index
        %get3A_575 = tpu.vector_load %get3A_572[%get3A_573, %get3A_574] {strides = array<i32>} : memref<64x256xf32, #tpu.memory_space<vmem>>, vector<16xf32>,
        %sub3A_576 = arith.subf %min3A_567, %get3A_575 : vector<16xf32>
        %lt3A_577 = arith.constant 0 : i32
        %lt3A_578 = vector.broadcast %lt3A_577 : i32 to vector<16xi32>
        %lt3A_579 = arith.cmpi slt, %select_n3A_427, %lt3A_578 : vector<16xi32>
        %add3A_580 = arith.constant 16 : i32
        %add3A_581 = vector.broadcast %add3A_580 : i32 to vector<16xi32>
        %add3A_582 = arith.addi %select_n3A_427, %add3A_581 : vector<16xi32>
        %select_n3A_583 = arith.select %lt3A_579, %add3A_582, %select_n3A_427 : vector<16xi1>, vector<16xi32>
        %reshape3A_584 = vector.shape_cast %select_n3A_583 : vector<16xi32> to vector<16x1xi32>
        %gather3A_585 = vector.shape_cast %reshape3A_584 : vector<16x1xi32> to vector<16xi32>
        %gather3A_586 = tpu.dynamic_gather %scan3A_393[%gather3A_585] in [0] : vector<16xf32>, vector<16xi32> -> vector<16xf32>
        %select_n3A_587 = arith.select %eq3A_430, %gather3A_556, %gather3A_586 : vector<16xi1>, vector<16xf32>
        %le3A_588 = arith.cmpf ole, %select_n3A_587, %scan3A_393 : vector<16xf32>
        %jit3A_589 = arith.constant 1.000000e+00 : f32
        %jit3A_590 = arith.constant 0.000000e+00 : f32
        %broadcast_in_dim3A_591 = vector.broadcast %jit3A_589 : f32 to vector<16xf32>
        %broadcast_in_dim3A_592 = vector.broadcast %jit3A_590 : f32 to vector<16xf32>
        %select_n3A_593 = arith.select %le3A_588, %broadcast_in_dim3A_591, %broadcast_in_dim3A_592 : vector<16xi1>, vector<16xf32>
        %swap3A_594 = arith.index_cast %scan3A_387 : i32 to index
        %swap3A_595 = arith.constant 80 : index
        %swap3A_596 = tpu.vector_load %arg5[%swap3A_594, %swap3A_595] {strides = array<i32>} : memref<64x256xf32, #tpu.memory_space<vmem>>, vector<16xf32>,
        tpu.vector_store %arg5[%swap3A_594, %swap3A_595], %select_n3A_593 {strides = array<i32>} : memref<64x256xf32, #tpu.memory_space<vmem>>, vector<16xf32>,
        %min3A_597 = arith.minimumf %scan3A_393, %select_n3A_587 : vector<16xf32>
        %get3A_598 = arith.constant 0 : i32
        %get3A_599 = arith.constant 0 : i32
        %get3A_600 = arith.constant 0 : i32
        %get3A_601 = tpu.memref_slice %arg4[%get3A_598, %get3A_599, %get3A_600] : memref<2x64x256xf32, #tpu.memory_space<vmem>> -> memref<1x64x256xf32, #tpu.memory_space<vmem>>
        %get3A_602 = tpu.memref_squeeze %get3A_601 : memref<1x64x256xf32, #tpu.memory_space<vmem>> -> memref<64x256xf32, #tpu.memory_space<vmem>>
        %get3A_603 = arith.index_cast %scan3A_387 : i32 to index
        %get3A_604 = arith.constant 80 : index
        %get3A_605 = tpu.vector_load %get3A_602[%get3A_603, %get3A_604] {strides = array<i32>} : memref<64x256xf32, #tpu.memory_space<vmem>>, vector<16xf32>,
        %sub3A_606 = arith.subf %min3A_597, %get3A_605 : vector<16xf32>
        %lt3A_607 = arith.constant 0 : i32
        %lt3A_608 = vector.broadcast %lt3A_607 : i32 to vector<16xi32>
        %lt3A_609 = arith.cmpi slt, %select_n3A_427, %lt3A_608 : vector<16xi32>
        %add3A_610 = arith.constant 16 : i32
        %add3A_611 = vector.broadcast %add3A_610 : i32 to vector<16xi32>
        %add3A_612 = arith.addi %select_n3A_427, %add3A_611 : vector<16xi32>
        %select_n3A_613 = arith.select %lt3A_609, %add3A_612, %select_n3A_427 : vector<16xi1>, vector<16xi32>
        %reshape3A_614 = vector.shape_cast %select_n3A_613 : vector<16xi32> to vector<16x1xi32>
        %gather3A_615 = vector.shape_cast %reshape3A_614 : vector<16x1xi32> to vector<16xi32>
        %gather3A_616 = tpu.dynamic_gather %scan3A_394[%gather3A_615] in [0] : vector<16xf32>, vector<16xi32> -> vector<16xf32>
        %select_n3A_617 = arith.select %eq3A_430, %gather3A_586, %gather3A_616 : vector<16xi1>, vector<16xf32>
        %le3A_618 = arith.cmpf ole, %select_n3A_617, %scan3A_394 : vector<16xf32>
        %jit3A_619 = arith.constant 1.000000e+00 : f32
        %jit3A_620 = arith.constant 0.000000e+00 : f32
        %broadcast_in_dim3A_621 = vector.broadcast %jit3A_619 : f32 to vector<16xf32>
        %broadcast_in_dim3A_622 = vector.broadcast %jit3A_620 : f32 to vector<16xf32>
        %select_n3A_623 = arith.select %le3A_618, %broadcast_in_dim3A_621, %broadcast_in_dim3A_622 : vector<16xi1>, vector<16xf32>
        %swap3A_624 = arith.index_cast %scan3A_387 : i32 to index
        %swap3A_625 = arith.constant 96 : index
        %swap3A_626 = tpu.vector_load %arg5[%swap3A_624, %swap3A_625] {strides = array<i32>} : memref<64x256xf32, #tpu.memory_space<vmem>>, vector<16xf32>,
        tpu.vector_store %arg5[%swap3A_624, %swap3A_625], %select_n3A_623 {strides = array<i32>} : memref<64x256xf32, #tpu.memory_space<vmem>>, vector<16xf32>,
        %min3A_627 = arith.minimumf %scan3A_394, %select_n3A_617 : vector<16xf32>
        %get3A_628 = arith.constant 0 : i32
        %get3A_629 = arith.constant 0 : i32
        %get3A_630 = arith.constant 0 : i32
        %get3A_631 = tpu.memref_slice %arg4[%get3A_628, %get3A_629, %get3A_630] : memref<2x64x256xf32, #tpu.memory_space<vmem>> -> memref<1x64x256xf32, #tpu.memory_space<vmem>>
        %get3A_632 = tpu.memref_squeeze %get3A_631 : memref<1x64x256xf32, #tpu.memory_space<vmem>> -> memref<64x256xf32, #tpu.memory_space<vmem>>
        %get3A_633 = arith.index_cast %scan3A_387 : i32 to index
        %get3A_634 = arith.constant 96 : index
        %get3A_635 = tpu.vector_load %get3A_632[%get3A_633, %get3A_634] {strides = array<i32>} : memref<64x256xf32, #tpu.memory_space<vmem>>, vector<16xf32>,
        %sub3A_636 = arith.subf %min3A_627, %get3A_635 : vector<16xf32>
        %lt3A_637 = arith.constant 0 : i32
        %lt3A_638 = vector.broadcast %lt3A_637 : i32 to vector<16xi32>
        %lt3A_639 = arith.cmpi slt, %select_n3A_427, %lt3A_638 : vector<16xi32>
        %add3A_640 = arith.constant 16 : i32
        %add3A_641 = vector.broadcast %add3A_640 : i32 to vector<16xi32>
        %add3A_642 = arith.addi %select_n3A_427, %add3A_641 : vector<16xi32>
        %select_n3A_643 = arith.select %lt3A_639, %add3A_642, %select_n3A_427 : vector<16xi1>, vector<16xi32>
        %reshape3A_644 = vector.shape_cast %select_n3A_643 : vector<16xi32> to vector<16x1xi32>
        %gather3A_645 = vector.shape_cast %reshape3A_644 : vector<16x1xi32> to vector<16xi32>
        %gather3A_646 = tpu.dynamic_gather %scan3A_395[%gather3A_645] in [0] : vector<16xf32>, vector<16xi32> -> vector<16xf32>
        %select_n3A_647 = arith.select %eq3A_430, %gather3A_616, %gather3A_646 : vector<16xi1>, vector<16xf32>
        %le3A_648 = arith.cmpf ole, %select_n3A_647, %scan3A_395 : vector<16xf32>
        %jit3A_649 = arith.constant 1.000000e+00 : f32
        %jit3A_650 = arith.constant 0.000000e+00 : f32
        %broadcast_in_dim3A_651 = vector.broadcast %jit3A_649 : f32 to vector<16xf32>
        %broadcast_in_dim3A_652 = vector.broadcast %jit3A_650 : f32 to vector<16xf32>
        %select_n3A_653 = arith.select %le3A_648, %broadcast_in_dim3A_651, %broadcast_in_dim3A_652 : vector<16xi1>, vector<16xf32>
        %swap3A_654 = arith.index_cast %scan3A_387 : i32 to index
        %swap3A_655 = arith.constant 112 : index
        %swap3A_656 = tpu.vector_load %arg5[%swap3A_654, %swap3A_655] {strides = array<i32>} : memref<64x256xf32, #tpu.memory_space<vmem>>, vector<16xf32>,
        tpu.vector_store %arg5[%swap3A_654, %swap3A_655], %select_n3A_653 {strides = array<i32>} : memref<64x256xf32, #tpu.memory_space<vmem>>, vector<16xf32>,
        %min3A_657 = arith.minimumf %scan3A_395, %select_n3A_647 : vector<16xf32>
        %get3A_658 = arith.constant 0 : i32
        %get3A_659 = arith.constant 0 : i32
        %get3A_660 = arith.constant 0 : i32
        %get3A_661 = tpu.memref_slice %arg4[%get3A_658, %get3A_659, %get3A_660] : memref<2x64x256xf32, #tpu.memory_space<vmem>> -> memref<1x64x256xf32, #tpu.memory_space<vmem>>
        %get3A_662 = tpu.memref_squeeze %get3A_661 : memref<1x64x256xf32, #tpu.memory_space<vmem>> -> memref<64x256xf32, #tpu.memory_space<vmem>>
        %get3A_663 = arith.index_cast %scan3A_387 : i32 to index
        %get3A_664 = arith.constant 112 : index
        %get3A_665 = tpu.vector_load %get3A_662[%get3A_663, %get3A_664] {strides = array<i32>} : memref<64x256xf32, #tpu.memory_space<vmem>>, vector<16xf32>,
        %sub3A_666 = arith.subf %min3A_657, %get3A_665 : vector<16xf32>
        %lt3A_667 = arith.constant 0 : i32
        %lt3A_668 = vector.broadcast %lt3A_667 : i32 to vector<16xi32>
        %lt3A_669 = arith.cmpi slt, %select_n3A_427, %lt3A_668 : vector<16xi32>
        %add3A_670 = arith.constant 16 : i32
        %add3A_671 = vector.broadcast %add3A_670 : i32 to vector<16xi32>
        %add3A_672 = arith.addi %select_n3A_427, %add3A_671 : vector<16xi32>
        %select_n3A_673 = arith.select %lt3A_669, %add3A_672, %select_n3A_427 : vector<16xi1>, vector<16xi32>
        %reshape3A_674 = vector.shape_cast %select_n3A_673 : vector<16xi32> to vector<16x1xi32>
        %gather3A_675 = vector.shape_cast %reshape3A_674 : vector<16x1xi32> to vector<16xi32>
        %gather3A_676 = tpu.dynamic_gather %scan3A_396[%gather3A_675] in [0] : vector<16xf32>, vector<16xi32> -> vector<16xf32>
        %select_n3A_677 = arith.select %eq3A_430, %gather3A_646, %gather3A_676 : vector<16xi1>, vector<16xf32>
        %le3A_678 = arith.cmpf ole, %select_n3A_677, %scan3A_396 : vector<16xf32>
        %jit3A_679 = arith.constant 1.000000e+00 : f32
        %jit3A_680 = arith.constant 0.000000e+00 : f32
        %broadcast_in_dim3A_681 = vector.broadcast %jit3A_679 : f32 to vector<16xf32>
        %broadcast_in_dim3A_682 = vector.broadcast %jit3A_680 : f32 to vector<16xf32>
        %select_n3A_683 = arith.select %le3A_678, %broadcast_in_dim3A_681, %broadcast_in_dim3A_682 : vector<16xi1>, vector<16xf32>
        %swap3A_684 = arith.index_cast %scan3A_387 : i32 to index
        %swap3A_685 = arith.constant 128 : index
        %swap3A_686 = tpu.vector_load %arg5[%swap3A_684, %swap3A_685] {strides = array<i32>} : memref<64x256xf32, #tpu.memory_space<vmem>>, vector<16xf32>,
        tpu.vector_store %arg5[%swap3A_684, %swap3A_685], %select_n3A_683 {strides = array<i32>} : memref<64x256xf32, #tpu.memory_space<vmem>>, vector<16xf32>,
        %min3A_687 = arith.minimumf %scan3A_396, %select_n3A_677 : vector<16xf32>
        %get3A_688 = arith.constant 0 : i32
        %get3A_689 = arith.constant 0 : i32
        %get3A_690 = arith.constant 0 : i32
        %get3A_691 = tpu.memref_slice %arg4[%get3A_688, %get3A_689, %get3A_690] : memref<2x64x256xf32, #tpu.memory_space<vmem>> -> memref<1x64x256xf32, #tpu.memory_space<vmem>>
        %get3A_692 = tpu.memref_squeeze %get3A_691 : memref<1x64x256xf32, #tpu.memory_space<vmem>> -> memref<64x256xf32, #tpu.memory_space<vmem>>
        %get3A_693 = arith.index_cast %scan3A_387 : i32 to index
        %get3A_694 = arith.constant 128 : index
        %get3A_695 = tpu.vector_load %get3A_692[%get3A_693, %get3A_694] {strides = array<i32>} : memref<64x256xf32, #tpu.memory_space<vmem>>, vector<16xf32>,
        %sub3A_696 = arith.subf %min3A_687, %get3A_695 : vector<16xf32>
        %lt3A_697 = arith.constant 0 : i32
        %lt3A_698 = vector.broadcast %lt3A_697 : i32 to vector<16xi32>
        %lt3A_699 = arith.cmpi slt, %select_n3A_427, %lt3A_698 : vector<16xi32>
        %add3A_700 = arith.constant 16 : i32
        %add3A_701 = vector.broadcast %add3A_700 : i32 to vector<16xi32>
        %add3A_702 = arith.addi %select_n3A_427, %add3A_701 : vector<16xi32>
        %select_n3A_703 = arith.select %lt3A_699, %add3A_702, %select_n3A_427 : vector<16xi1>, vector<16xi32>
        %reshape3A_704 = vector.shape_cast %select_n3A_703 : vector<16xi32> to vector<16x1xi32>
        %gather3A_705 = vector.shape_cast %reshape3A_704 : vector<16x1xi32> to vector<16xi32>
        %gather3A_706 = tpu.dynamic_gather %scan3A_397[%gather3A_705] in [0] : vector<16xf32>, vector<16xi32> -> vector<16xf32>
        %select_n3A_707 = arith.select %eq3A_430, %gather3A_676, %gather3A_706 : vector<16xi1>, vector<16xf32>
        %le3A_708 = arith.cmpf ole, %select_n3A_707, %scan3A_397 : vector<16xf32>
        %jit3A_709 = arith.constant 1.000000e+00 : f32
        %jit3A_710 = arith.constant 0.000000e+00 : f32
        %broadcast_in_dim3A_711 = vector.broadcast %jit3A_709 : f32 to vector<16xf32>
        %broadcast_in_dim3A_712 = vector.broadcast %jit3A_710 : f32 to vector<16xf32>
        %select_n3A_713 = arith.select %le3A_708, %broadcast_in_dim3A_711, %broadcast_in_dim3A_712 : vector<16xi1>, vector<16xf32>
        %swap3A_714 = arith.index_cast %scan3A_387 : i32 to index
        %swap3A_715 = arith.constant 144 : index
        %swap3A_716 = tpu.vector_load %arg5[%swap3A_714, %swap3A_715] {strides = array<i32>} : memref<64x256xf32, #tpu.memory_space<vmem>>, vector<16xf32>,
        tpu.vector_store %arg5[%swap3A_714, %swap3A_715], %select_n3A_713 {strides = array<i32>} : memref<64x256xf32, #tpu.memory_space<vmem>>, vector<16xf32>,
        %min3A_717 = arith.minimumf %scan3A_397, %select_n3A_707 : vector<16xf32>
        %get3A_718 = arith.constant 0 : i32
        %get3A_719 = arith.constant 0 : i32
        %get3A_720 = arith.constant 0 : i32
        %get3A_721 = tpu.memref_slice %arg4[%get3A_718, %get3A_719, %get3A_720] : memref<2x64x256xf32, #tpu.memory_space<vmem>> -> memref<1x64x256xf32, #tpu.memory_space<vmem>>
        %get3A_722 = tpu.memref_squeeze %get3A_721 : memref<1x64x256xf32, #tpu.memory_space<vmem>> -> memref<64x256xf32, #tpu.memory_space<vmem>>
        %get3A_723 = arith.index_cast %scan3A_387 : i32 to index
        %get3A_724 = arith.constant 144 : index
        %get3A_725 = tpu.vector_load %get3A_722[%get3A_723, %get3A_724] {strides = array<i32>} : memref<64x256xf32, #tpu.memory_space<vmem>>, vector<16xf32>,
        %sub3A_726 = arith.subf %min3A_717, %get3A_725 : vector<16xf32>
        %lt3A_727 = arith.constant 0 : i32
        %lt3A_728 = vector.broadcast %lt3A_727 : i32 to vector<16xi32>
        %lt3A_729 = arith.cmpi slt, %select_n3A_427, %lt3A_728 : vector<16xi32>
        %add3A_730 = arith.constant 16 : i32
        %add3A_731 = vector.broadcast %add3A_730 : i32 to vector<16xi32>
        %add3A_732 = arith.addi %select_n3A_427, %add3A_731 : vector<16xi32>
        %select_n3A_733 = arith.select %lt3A_729, %add3A_732, %select_n3A_427 : vector<16xi1>, vector<16xi32>
        %reshape3A_734 = vector.shape_cast %select_n3A_733 : vector<16xi32> to vector<16x1xi32>
        %gather3A_735 = vector.shape_cast %reshape3A_734 : vector<16x1xi32> to vector<16xi32>
        %gather3A_736 = tpu.dynamic_gather %scan3A_398[%gather3A_735] in [0] : vector<16xf32>, vector<16xi32> -> vector<16xf32>
        %select_n3A_737 = arith.select %eq3A_430, %gather3A_706, %gather3A_736 : vector<16xi1>, vector<16xf32>
        %le3A_738 = arith.cmpf ole, %select_n3A_737, %scan3A_398 : vector<16xf32>
        %jit3A_739 = arith.constant 1.000000e+00 : f32
        %jit3A_740 = arith.constant 0.000000e+00 : f32
        %broadcast_in_dim3A_741 = vector.broadcast %jit3A_739 : f32 to vector<16xf32>
        %broadcast_in_dim3A_742 = vector.broadcast %jit3A_740 : f32 to vector<16xf32>
        %select_n3A_743 = arith.select %le3A_738, %broadcast_in_dim3A_741, %broadcast_in_dim3A_742 : vector<16xi1>, vector<16xf32>
        %swap3A_744 = arith.index_cast %scan3A_387 : i32 to index
        %swap3A_745 = arith.constant 160 : index
        %swap3A_746 = tpu.vector_load %arg5[%swap3A_744, %swap3A_745] {strides = array<i32>} : memref<64x256xf32, #tpu.memory_space<vmem>>, vector<16xf32>,
        tpu.vector_store %arg5[%swap3A_744, %swap3A_745], %select_n3A_743 {strides = array<i32>} : memref<64x256xf32, #tpu.memory_space<vmem>>, vector<16xf32>,
        %min3A_747 = arith.minimumf %scan3A_398, %select_n3A_737 : vector<16xf32>
        %get3A_748 = arith.constant 0 : i32
        %get3A_749 = arith.constant 0 : i32
        %get3A_750 = arith.constant 0 : i32
        %get3A_751 = tpu.memref_slice %arg4[%get3A_748, %get3A_749, %get3A_750] : memref<2x64x256xf32, #tpu.memory_space<vmem>> -> memref<1x64x256xf32, #tpu.memory_space<vmem>>
        %get3A_752 = tpu.memref_squeeze %get3A_751 : memref<1x64x256xf32, #tpu.memory_space<vmem>> -> memref<64x256xf32, #tpu.memory_space<vmem>>
        %get3A_753 = arith.index_cast %scan3A_387 : i32 to index
        %get3A_754 = arith.constant 160 : index
        %get3A_755 = tpu.vector_load %get3A_752[%get3A_753, %get3A_754] {strides = array<i32>} : memref<64x256xf32, #tpu.memory_space<vmem>>, vector<16xf32>,
        %sub3A_756 = arith.subf %min3A_747, %get3A_755 : vector<16xf32>
        %lt3A_757 = arith.constant 0 : i32
        %lt3A_758 = vector.broadcast %lt3A_757 : i32 to vector<16xi32>
        %lt3A_759 = arith.cmpi slt, %select_n3A_427, %lt3A_758 : vector<16xi32>
        %add3A_760 = arith.constant 16 : i32
        %add3A_761 = vector.broadcast %add3A_760 : i32 to vector<16xi32>
        %add3A_762 = arith.addi %select_n3A_427, %add3A_761 : vector<16xi32>
        %select_n3A_763 = arith.select %lt3A_759, %add3A_762, %select_n3A_427 : vector<16xi1>, vector<16xi32>
        %reshape3A_764 = vector.shape_cast %select_n3A_763 : vector<16xi32> to vector<16x1xi32>
        %gather3A_765 = vector.shape_cast %reshape3A_764 : vector<16x1xi32> to vector<16xi32>
        %gather3A_766 = tpu.dynamic_gather %scan3A_399[%gather3A_765] in [0] : vector<16xf32>, vector<16xi32> -> vector<16xf32>
        %select_n3A_767 = arith.select %eq3A_430, %gather3A_736, %gather3A_766 : vector<16xi1>, vector<16xf32>
        %le3A_768 = arith.cmpf ole, %select_n3A_767, %scan3A_399 : vector<16xf32>
        %jit3A_769 = arith.constant 1.000000e+00 : f32
        %jit3A_770 = arith.constant 0.000000e+00 : f32
        %broadcast_in_dim3A_771 = vector.broadcast %jit3A_769 : f32 to vector<16xf32>
        %broadcast_in_dim3A_772 = vector.broadcast %jit3A_770 : f32 to vector<16xf32>
        %select_n3A_773 = arith.select %le3A_768, %broadcast_in_dim3A_771, %broadcast_in_dim3A_772 : vector<16xi1>, vector<16xf32>
        %swap3A_774 = arith.index_cast %scan3A_387 : i32 to index
        %swap3A_775 = arith.constant 176 : index
        %swap3A_776 = tpu.vector_load %arg5[%swap3A_774, %swap3A_775] {strides = array<i32>} : memref<64x256xf32, #tpu.memory_space<vmem>>, vector<16xf32>,
        tpu.vector_store %arg5[%swap3A_774, %swap3A_775], %select_n3A_773 {strides = array<i32>} : memref<64x256xf32, #tpu.memory_space<vmem>>, vector<16xf32>,
        %min3A_777 = arith.minimumf %scan3A_399, %select_n3A_767 : vector<16xf32>
        %get3A_778 = arith.constant 0 : i32
        %get3A_779 = arith.constant 0 : i32
        %get3A_780 = arith.constant 0 : i32
        %get3A_781 = tpu.memref_slice %arg4[%get3A_778, %get3A_779, %get3A_780] : memref<2x64x256xf32, #tpu.memory_space<vmem>> -> memref<1x64x256xf32, #tpu.memory_space<vmem>>
        %get3A_782 = tpu.memref_squeeze %get3A_781 : memref<1x64x256xf32, #tpu.memory_space<vmem>> -> memref<64x256xf32, #tpu.memory_space<vmem>>
        %get3A_783 = arith.index_cast %scan3A_387 : i32 to index
        %get3A_784 = arith.constant 176 : index
        %get3A_785 = tpu.vector_load %get3A_782[%get3A_783, %get3A_784] {strides = array<i32>} : memref<64x256xf32, #tpu.memory_space<vmem>>, vector<16xf32>,
        %sub3A_786 = arith.subf %min3A_777, %get3A_785 : vector<16xf32>
        %lt3A_787 = arith.constant 0 : i32
        %lt3A_788 = vector.broadcast %lt3A_787 : i32 to vector<16xi32>
        %lt3A_789 = arith.cmpi slt, %select_n3A_427, %lt3A_788 : vector<16xi32>
        %add3A_790 = arith.constant 16 : i32
        %add3A_791 = vector.broadcast %add3A_790 : i32 to vector<16xi32>
        %add3A_792 = arith.addi %select_n3A_427, %add3A_791 : vector<16xi32>
        %select_n3A_793 = arith.select %lt3A_789, %add3A_792, %select_n3A_427 : vector<16xi1>, vector<16xi32>
        %reshape3A_794 = vector.shape_cast %select_n3A_793 : vector<16xi32> to vector<16x1xi32>
        %gather3A_795 = vector.shape_cast %reshape3A_794 : vector<16x1xi32> to vector<16xi32>
        %gather3A_796 = tpu.dynamic_gather %scan3A_400[%gather3A_795] in [0] : vector<16xf32>, vector<16xi32> -> vector<16xf32>
        %select_n3A_797 = arith.select %eq3A_430, %gather3A_766, %gather3A_796 : vector<16xi1>, vector<16xf32>
        %le3A_798 = arith.cmpf ole, %select_n3A_797, %scan3A_400 : vector<16xf32>
        %jit3A_799 = arith.constant 1.000000e+00 : f32
        %jit3A_800 = arith.constant 0.000000e+00 : f32
        %broadcast_in_dim3A_801 = vector.broadcast %jit3A_799 : f32 to vector<16xf32>
        %broadcast_in_dim3A_802 = vector.broadcast %jit3A_800 : f32 to vector<16xf32>
        %select_n3A_803 = arith.select %le3A_798, %broadcast_in_dim3A_801, %broadcast_in_dim3A_802 : vector<16xi1>, vector<16xf32>
        %swap3A_804 = arith.index_cast %scan3A_387 : i32 to index
        %swap3A_805 = arith.constant 192 : index
        %swap3A_806 = tpu.vector_load %arg5[%swap3A_804, %swap3A_805] {strides = array<i32>} : memref<64x256xf32, #tpu.memory_space<vmem>>, vector<16xf32>,
        tpu.vector_store %arg5[%swap3A_804, %swap3A_805], %select_n3A_803 {strides = array<i32>} : memref<64x256xf32, #tpu.memory_space<vmem>>, vector<16xf32>,
        %min3A_807 = arith.minimumf %scan3A_400, %select_n3A_797 : vector<16xf32>
        %get3A_808 = arith.constant 0 : i32
        %get3A_809 = arith.constant 0 : i32
        %get3A_810 = arith.constant 0 : i32
        %get3A_811 = tpu.memref_slice %arg4[%get3A_808, %get3A_809, %get3A_810] : memref<2x64x256xf32, #tpu.memory_space<vmem>> -> memref<1x64x256xf32, #tpu.memory_space<vmem>>
        %get3A_812 = tpu.memref_squeeze %get3A_811 : memref<1x64x256xf32, #tpu.memory_space<vmem>> -> memref<64x256xf32, #tpu.memory_space<vmem>>
        %get3A_813 = arith.index_cast %scan3A_387 : i32 to index
        %get3A_814 = arith.constant 192 : index
        %get3A_815 = tpu.vector_load %get3A_812[%get3A_813, %get3A_814] {strides = array<i32>} : memref<64x256xf32, #tpu.memory_space<vmem>>, vector<16xf32>,
        %sub3A_816 = arith.subf %min3A_807, %get3A_815 : vector<16xf32>
        %lt3A_817 = arith.constant 0 : i32
        %lt3A_818 = vector.broadcast %lt3A_817 : i32 to vector<16xi32>
        %lt3A_819 = arith.cmpi slt, %select_n3A_427, %lt3A_818 : vector<16xi32>
        %add3A_820 = arith.constant 16 : i32
        %add3A_821 = vector.broadcast %add3A_820 : i32 to vector<16xi32>
        %add3A_822 = arith.addi %select_n3A_427, %add3A_821 : vector<16xi32>
        %select_n3A_823 = arith.select %lt3A_819, %add3A_822, %select_n3A_427 : vector<16xi1>, vector<16xi32>
        %reshape3A_824 = vector.shape_cast %select_n3A_823 : vector<16xi32> to vector<16x1xi32>
        %gather3A_825 = vector.shape_cast %reshape3A_824 : vector<16x1xi32> to vector<16xi32>
        %gather3A_826 = tpu.dynamic_gather %scan3A_401[%gather3A_825] in [0] : vector<16xf32>, vector<16xi32> -> vector<16xf32>
        %select_n3A_827 = arith.select %eq3A_430, %gather3A_796, %gather3A_826 : vector<16xi1>, vector<16xf32>
        %le3A_828 = arith.cmpf ole, %select_n3A_827, %scan3A_401 : vector<16xf32>
        %jit3A_829 = arith.constant 1.000000e+00 : f32
        %jit3A_830 = arith.constant 0.000000e+00 : f32
        %broadcast_in_dim3A_831 = vector.broadcast %jit3A_829 : f32 to vector<16xf32>
        %broadcast_in_dim3A_832 = vector.broadcast %jit3A_830 : f32 to vector<16xf32>
        %select_n3A_833 = arith.select %le3A_828, %broadcast_in_dim3A_831, %broadcast_in_dim3A_832 : vector<16xi1>, vector<16xf32>
        %swap3A_834 = arith.index_cast %scan3A_387 : i32 to index
        %swap3A_835 = arith.constant 208 : index
        %swap3A_836 = tpu.vector_load %arg5[%swap3A_834, %swap3A_835] {strides = array<i32>} : memref<64x256xf32, #tpu.memory_space<vmem>>, vector<16xf32>,
        tpu.vector_store %arg5[%swap3A_834, %swap3A_835], %select_n3A_833 {strides = array<i32>} : memref<64x256xf32, #tpu.memory_space<vmem>>, vector<16xf32>,
        %min3A_837 = arith.minimumf %scan3A_401, %select_n3A_827 : vector<16xf32>
        %get3A_838 = arith.constant 0 : i32
        %get3A_839 = arith.constant 0 : i32
        %get3A_840 = arith.constant 0 : i32
        %get3A_841 = tpu.memref_slice %arg4[%get3A_838, %get3A_839, %get3A_840] : memref<2x64x256xf32, #tpu.memory_space<vmem>> -> memref<1x64x256xf32, #tpu.memory_space<vmem>>
        %get3A_842 = tpu.memref_squeeze %get3A_841 : memref<1x64x256xf32, #tpu.memory_space<vmem>> -> memref<64x256xf32, #tpu.memory_space<vmem>>
        %get3A_843 = arith.index_cast %scan3A_387 : i32 to index
        %get3A_844 = arith.constant 208 : index
        %get3A_845 = tpu.vector_load %get3A_842[%get3A_843, %get3A_844] {strides = array<i32>} : memref<64x256xf32, #tpu.memory_space<vmem>>, vector<16xf32>,
        %sub3A_846 = arith.subf %min3A_837, %get3A_845 : vector<16xf32>
        %lt3A_847 = arith.constant 0 : i32
        %lt3A_848 = vector.broadcast %lt3A_847 : i32 to vector<16xi32>
        %lt3A_849 = arith.cmpi slt, %select_n3A_427, %lt3A_848 : vector<16xi32>
        %add3A_850 = arith.constant 16 : i32
        %add3A_851 = vector.broadcast %add3A_850 : i32 to vector<16xi32>
        %add3A_852 = arith.addi %select_n3A_427, %add3A_851 : vector<16xi32>
        %select_n3A_853 = arith.select %lt3A_849, %add3A_852, %select_n3A_427 : vector<16xi1>, vector<16xi32>
        %reshape3A_854 = vector.shape_cast %select_n3A_853 : vector<16xi32> to vector<16x1xi32>
        %gather3A_855 = vector.shape_cast %reshape3A_854 : vector<16x1xi32> to vector<16xi32>
        %gather3A_856 = tpu.dynamic_gather %scan3A_402[%gather3A_855] in [0] : vector<16xf32>, vector<16xi32> -> vector<16xf32>
        %select_n3A_857 = arith.select %eq3A_430, %gather3A_826, %gather3A_856 : vector<16xi1>, vector<16xf32>
        %le3A_858 = arith.cmpf ole, %select_n3A_857, %scan3A_402 : vector<16xf32>
        %jit3A_859 = arith.constant 1.000000e+00 : f32
        %jit3A_860 = arith.constant 0.000000e+00 : f32
        %broadcast_in_dim3A_861 = vector.broadcast %jit3A_859 : f32 to vector<16xf32>
        %broadcast_in_dim3A_862 = vector.broadcast %jit3A_860 : f32 to vector<16xf32>
        %select_n3A_863 = arith.select %le3A_858, %broadcast_in_dim3A_861, %broadcast_in_dim3A_862 : vector<16xi1>, vector<16xf32>
        %swap3A_864 = arith.index_cast %scan3A_387 : i32 to index
        %swap3A_865 = arith.constant 224 : index
        %swap3A_866 = tpu.vector_load %arg5[%swap3A_864, %swap3A_865] {strides = array<i32>} : memref<64x256xf32, #tpu.memory_space<vmem>>, vector<16xf32>,
        tpu.vector_store %arg5[%swap3A_864, %swap3A_865], %select_n3A_863 {strides = array<i32>} : memref<64x256xf32, #tpu.memory_space<vmem>>, vector<16xf32>,
        %min3A_867 = arith.minimumf %scan3A_402, %select_n3A_857 : vector<16xf32>
        %get3A_868 = arith.constant 0 : i32
        %get3A_869 = arith.constant 0 : i32
        %get3A_870 = arith.constant 0 : i32
        %get3A_871 = tpu.memref_slice %arg4[%get3A_868, %get3A_869, %get3A_870] : memref<2x64x256xf32, #tpu.memory_space<vmem>> -> memref<1x64x256xf32, #tpu.memory_space<vmem>>
        %get3A_872 = tpu.memref_squeeze %get3A_871 : memref<1x64x256xf32, #tpu.memory_space<vmem>> -> memref<64x256xf32, #tpu.memory_space<vmem>>
        %get3A_873 = arith.index_cast %scan3A_387 : i32 to index
        %get3A_874 = arith.constant 224 : index
        %get3A_875 = tpu.vector_load %get3A_872[%get3A_873, %get3A_874] {strides = array<i32>} : memref<64x256xf32, #tpu.memory_space<vmem>>, vector<16xf32>,
        %sub3A_876 = arith.subf %min3A_867, %get3A_875 : vector<16xf32>
        %lt3A_877 = arith.constant 0 : i32
        %lt3A_878 = vector.broadcast %lt3A_877 : i32 to vector<16xi32>
        %lt3A_879 = arith.cmpi slt, %select_n3A_427, %lt3A_878 : vector<16xi32>
        %add3A_880 = arith.constant 16 : i32
        %add3A_881 = vector.broadcast %add3A_880 : i32 to vector<16xi32>
        %add3A_882 = arith.addi %select_n3A_427, %add3A_881 : vector<16xi32>
        %select_n3A_883 = arith.select %lt3A_879, %add3A_882, %select_n3A_427 : vector<16xi1>, vector<16xi32>
        %reshape3A_884 = vector.shape_cast %select_n3A_883 : vector<16xi32> to vector<16x1xi32>
        %gather3A_885 = vector.shape_cast %reshape3A_884 : vector<16x1xi32> to vector<16xi32>
        %gather3A_886 = tpu.dynamic_gather %scan3A_403[%gather3A_885] in [0] : vector<16xf32>, vector<16xi32> -> vector<16xf32>
        %select_n3A_887 = arith.select %eq3A_430, %gather3A_856, %gather3A_886 : vector<16xi1>, vector<16xf32>
        %le3A_888 = arith.cmpf ole, %select_n3A_887, %scan3A_403 : vector<16xf32>
        %jit3A_889 = arith.constant 1.000000e+00 : f32
        %jit3A_890 = arith.constant 0.000000e+00 : f32
        %broadcast_in_dim3A_891 = vector.broadcast %jit3A_889 : f32 to vector<16xf32>
        %broadcast_in_dim3A_892 = vector.broadcast %jit3A_890 : f32 to vector<16xf32>
        %select_n3A_893 = arith.select %le3A_888, %broadcast_in_dim3A_891, %broadcast_in_dim3A_892 : vector<16xi1>, vector<16xf32>
        %swap3A_894 = arith.index_cast %scan3A_387 : i32 to index
        %swap3A_895 = arith.constant 240 : index
        %swap3A_896 = tpu.vector_load %arg5[%swap3A_894, %swap3A_895] {strides = array<i32>} : memref<64x256xf32, #tpu.memory_space<vmem>>, vector<16xf32>,
        tpu.vector_store %arg5[%swap3A_894, %swap3A_895], %select_n3A_893 {strides = array<i32>} : memref<64x256xf32, #tpu.memory_space<vmem>>, vector<16xf32>,
        %min3A_897 = arith.minimumf %scan3A_403, %select_n3A_887 : vector<16xf32>
        %get3A_898 = arith.constant 0 : i32
        %get3A_899 = arith.constant 0 : i32
        %get3A_900 = arith.constant 0 : i32
        %get3A_901 = tpu.memref_slice %arg4[%get3A_898, %get3A_899, %get3A_900] : memref<2x64x256xf32, #tpu.memory_space<vmem>> -> memref<1x64x256xf32, #tpu.memory_space<vmem>>
        %get3A_902 = tpu.memref_squeeze %get3A_901 : memref<1x64x256xf32, #tpu.memory_space<vmem>> -> memref<64x256xf32, #tpu.memory_space<vmem>>
        %get3A_903 = arith.index_cast %scan3A_387 : i32 to index
        %get3A_904 = arith.constant 240 : index
        %get3A_905 = tpu.vector_load %get3A_902[%get3A_903, %get3A_904] {strides = array<i32>} : memref<64x256xf32, #tpu.memory_space<vmem>>, vector<16xf32>,
        %sub3A_906 = arith.subf %min3A_897, %get3A_905 : vector<16xf32>
        %scan3A_907 = arith.constant 1 : i32
        %scan3A_908 = arith.addi %scan3A_387, %scan3A_907 : i32
        %iota3A_909 = tpu.iota {dimensions = array<i32: 0>} : vector<16xi32>
        %add3A_910 = arith.constant 15 : i32
        %add3A_911 = vector.broadcast %add3A_910 : i32 to vector<16xi32>
        %add3A_912 = arith.addi %iota3A_909, %add3A_911 : vector<16xi32>
        %jit3A_913 = arith.constant 16 : i32
        %eq3A_914 = arith.constant 0 : i32
        %eq3A_915 = arith.cmpi eq, %jit3A_913, %eq3A_914 : i32
        %jit3A_916 = arith.constant 1 : i32
        %select_n3A_917 = arith.select %eq3A_915, %jit3A_916, %jit3A_913 : i32
        %rem3A_918 = vector.broadcast %select_n3A_917 : i32 to vector<16xi32>
        %rem3A_919 = arith.remsi %add3A_912, %rem3A_918 : vector<16xi32>
        %ne3A_920 = arith.constant 0 : i32
        %ne3A_921 = vector.broadcast %ne3A_920 : i32 to vector<16xi32>
        %ne3A_922 = arith.cmpi ne, %rem3A_919, %ne3A_921 : vector<16xi32>
        %lt3A_923 = arith.constant 0 : i32
        %lt3A_924 = vector.broadcast %lt3A_923 : i32 to vector<16xi32>
        %lt3A_925 = arith.cmpi slt, %rem3A_919, %lt3A_924 : vector<16xi32>
        %lt3A_926 = arith.constant 0 : i32
        %lt3A_927 = arith.cmpi slt, %select_n3A_917, %lt3A_926 : i32
        %ne3A_928 = vector.broadcast %lt3A_927 : i1 to vector<16xi1>
        %ne3A_929 = vector.broadcast %ne3A_928 : vector<16xi1> to vector<16xi1>
        %ne3A_930 = arith.xori %lt3A_925, %ne3A_929 : vector<16xi1>
        %and3A_931 = arith.andi %ne3A_930, %ne3A_922 : vector<16xi1>
        %add3A_932 = vector.broadcast %select_n3A_917 : i32 to vector<16xi32>
        %add3A_933 = arith.addi %rem3A_919, %add3A_932 : vector<16xi32>
        %select_n3A_934 = arith.select %and3A_931, %add3A_933, %rem3A_919 : vector<16xi1>, vector<16xi32>
        %eq3A_935 = arith.constant 0 : i32
        %eq3A_936 = vector.broadcast %eq3A_935 : i32 to vector<16xi32>
        %eq3A_937 = arith.cmpi eq, %iota3A_909, %eq3A_936 : vector<16xi32>
        %lt3A_938 = arith.constant 0 : i32
        %lt3A_939 = vector.broadcast %lt3A_938 : i32 to vector<16xi32>
        %lt3A_940 = arith.cmpi slt, %select_n3A_934, %lt3A_939 : vector<16xi32>
        %add3A_941 = arith.constant 16 : i32
        %add3A_942 = vector.broadcast %add3A_941 : i32 to vector<16xi32>
        %add3A_943 = arith.addi %select_n3A_934, %add3A_942 : vector<16xi32>
        %select_n3A_944 = arith.select %lt3A_940, %add3A_943, %select_n3A_934 : vector<16xi1>, vector<16xi32>
        %reshape3A_945 = vector.shape_cast %select_n3A_944 : vector<16xi32> to vector<16x1xi32>
        %gather3A_946 = vector.shape_cast %reshape3A_945 : vector<16x1xi32> to vector<16xi32>
        %gather3A_947 = tpu.dynamic_gather %sub3A[%gather3A_946] in [0] : vector<16xf32>, vector<16xi32> -> vector<16xf32>
        %jit3A_948 = arith.constant 0x7F800000 : f32
        %broadcast_in_dim3A_949 = vector.broadcast %jit3A_948 : f32 to vector<16xf32>
        %select_n3A_950 = arith.select %eq3A_937, %broadcast_in_dim3A_949, %gather3A_947 : vector<16xi1>, vector<16xf32>
        %le3A_951 = arith.cmpf ole, %select_n3A_950, %sub3A : vector<16xf32>
        %jit3A_952 = arith.constant 1.000000e+00 : f32
        %jit3A_953 = arith.constant 0.000000e+00 : f32
        %broadcast_in_dim3A_954 = vector.broadcast %jit3A_952 : f32 to vector<16xf32>
        %broadcast_in_dim3A_955 = vector.broadcast %jit3A_953 : f32 to vector<16xf32>
        %select_n3A_956 = arith.select %le3A_951, %broadcast_in_dim3A_954, %broadcast_in_dim3A_955 : vector<16xi1>, vector<16xf32>
        %swap3A_957 = arith.index_cast %scan3A_908 : i32 to index
        %swap3A_958 = arith.constant 0 : index
        %swap3A_959 = tpu.vector_load %arg5[%swap3A_957, %swap3A_958] {strides = array<i32>} : memref<64x256xf32, #tpu.memory_space<vmem>>, vector<16xf32>,
        tpu.vector_store %arg5[%swap3A_957, %swap3A_958], %select_n3A_956 {strides = array<i32>} : memref<64x256xf32, #tpu.memory_space<vmem>>, vector<16xf32>,
        %min3A_960 = arith.minimumf %sub3A, %select_n3A_950 : vector<16xf32>
        %get3A_961 = arith.constant 0 : i32
        %get3A_962 = arith.constant 0 : i32
        %get3A_963 = arith.constant 0 : i32
        %get3A_964 = tpu.memref_slice %arg4[%get3A_961, %get3A_962, %get3A_963] : memref<2x64x256xf32, #tpu.memory_space<vmem>> -> memref<1x64x256xf32, #tpu.memory_space<vmem>>
        %get3A_965 = tpu.memref_squeeze %get3A_964 : memref<1x64x256xf32, #tpu.memory_space<vmem>> -> memref<64x256xf32, #tpu.memory_space<vmem>>
        %get3A_966 = arith.index_cast %scan3A_908 : i32 to index
        %get3A_967 = arith.constant 0 : index
        %get3A_968 = tpu.vector_load %get3A_965[%get3A_966, %get3A_967] {strides = array<i32>} : memref<64x256xf32, #tpu.memory_space<vmem>>, vector<16xf32>,
        %sub3A_969 = arith.subf %min3A_960, %get3A_968 : vector<16xf32>
        %lt3A_970 = arith.constant 0 : i32
        %lt3A_971 = vector.broadcast %lt3A_970 : i32 to vector<16xi32>
        %lt3A_972 = arith.cmpi slt, %select_n3A_934, %lt3A_971 : vector<16xi32>
        %add3A_973 = arith.constant 16 : i32
        %add3A_974 = vector.broadcast %add3A_973 : i32 to vector<16xi32>
        %add3A_975 = arith.addi %select_n3A_934, %add3A_974 : vector<16xi32>
        %select_n3A_976 = arith.select %lt3A_972, %add3A_975, %select_n3A_934 : vector<16xi1>, vector<16xi32>
        %reshape3A_977 = vector.shape_cast %select_n3A_976 : vector<16xi32> to vector<16x1xi32>
        %gather3A_978 = vector.shape_cast %reshape3A_977 : vector<16x1xi32> to vector<16xi32>
        %gather3A_979 = tpu.dynamic_gather %sub3A_486[%gather3A_978] in [0] : vector<16xf32>, vector<16xi32> -> vector<16xf32>
        %select_n3A_980 = arith.select %eq3A_937, %gather3A_947, %gather3A_979 : vector<16xi1>, vector<16xf32>
        %le3A_981 = arith.cmpf ole, %select_n3A_980, %sub3A_486 : vector<16xf32>
        %jit3A_982 = arith.constant 1.000000e+00 : f32
        %jit3A_983 = arith.constant 0.000000e+00 : f32
        %broadcast_in_dim3A_984 = vector.broadcast %jit3A_982 : f32 to vector<16xf32>
        %broadcast_in_dim3A_985 = vector.broadcast %jit3A_983 : f32 to vector<16xf32>
        %select_n3A_986 = arith.select %le3A_981, %broadcast_in_dim3A_984, %broadcast_in_dim3A_985 : vector<16xi1>, vector<16xf32>
        %swap3A_987 = arith.index_cast %scan3A_908 : i32 to index
        %swap3A_988 = arith.constant 16 : index
        %swap3A_989 = tpu.vector_load %arg5[%swap3A_987, %swap3A_988] {strides = array<i32>} : memref<64x256xf32, #tpu.memory_space<vmem>>, vector<16xf32>,
        tpu.vector_store %arg5[%swap3A_987, %swap3A_988], %select_n3A_986 {strides = array<i32>} : memref<64x256xf32, #tpu.memory_space<vmem>>, vector<16xf32>,
        %min3A_990 = arith.minimumf %sub3A_486, %select_n3A_980 : vector<16xf32>
        %get3A_991 = arith.constant 0 : i32
        %get3A_992 = arith.constant 0 : i32
        %get3A_993 = arith.constant 0 : i32
        %get3A_994 = tpu.memref_slice %arg4[%get3A_991, %get3A_992, %get3A_993] : memref<2x64x256xf32, #tpu.memory_space<vmem>> -> memref<1x64x256xf32, #tpu.memory_space<vmem>>
        %get3A_995 = tpu.memref_squeeze %get3A_994 : memref<1x64x256xf32, #tpu.memory_space<vmem>> -> memref<64x256xf32, #tpu.memory_space<vmem>>
        %get3A_996 = arith.index_cast %scan3A_908 : i32 to index
        %get3A_997 = arith.constant 16 : index
        %get3A_998 = tpu.vector_load %get3A_995[%get3A_996, %get3A_997] {strides = array<i32>} : memref<64x256xf32, #tpu.memory_space<vmem>>, vector<16xf32>,
        %sub3A_999 = arith.subf %min3A_990, %get3A_998 : vector<16xf32>
        %lt3A_1000 = arith.constant 0 : i32
        %lt3A_1001 = vector.broadcast %lt3A_1000 : i32 to vector<16xi32>
        %lt3A_1002 = arith.cmpi slt, %select_n3A_934, %lt3A_1001 : vector<16xi32>
        %add3A_1003 = arith.constant 16 : i32
        %add3A_1004 = vector.broadcast %add3A_1003 : i32 to vector<16xi32>
        %add3A_1005 = arith.addi %select_n3A_934, %add3A_1004 : vector<16xi32>
        %select_n3A_1006 = arith.select %lt3A_1002, %add3A_1005, %select_n3A_934 : vector<16xi1>, vector<16xi32>
        %reshape3A_1007 = vector.shape_cast %select_n3A_1006 : vector<16xi32> to vector<16x1xi32>
        %gather3A_1008 = vector.shape_cast %reshape3A_1007 : vector<16x1xi32> to vector<16xi32>
        %gather3A_1009 = tpu.dynamic_gather %sub3A_516[%gather3A_1008] in [0] : vector<16xf32>, vector<16xi32> -> vector<16xf32>
        %select_n3A_1010 = arith.select %eq3A_937, %gather3A_979, %gather3A_1009 : vector<16xi1>, vector<16xf32>
        %le3A_1011 = arith.cmpf ole, %select_n3A_1010, %sub3A_516 : vector<16xf32>
        %jit3A_1012 = arith.constant 1.000000e+00 : f32
        %jit3A_1013 = arith.constant 0.000000e+00 : f32
        %broadcast_in_dim3A_1014 = vector.broadcast %jit3A_1012 : f32 to vector<16xf32>
        %broadcast_in_dim3A_1015 = vector.broadcast %jit3A_1013 : f32 to vector<16xf32>
        %select_n3A_1016 = arith.select %le3A_1011, %broadcast_in_dim3A_1014, %broadcast_in_dim3A_1015 : vector<16xi1>, vector<16xf32>
        %swap3A_1017 = arith.index_cast %scan3A_908 : i32 to index
        %swap3A_1018 = arith.constant 32 : index
        %swap3A_1019 = tpu.vector_load %arg5[%swap3A_1017, %swap3A_1018] {strides = array<i32>} : memref<64x256xf32, #tpu.memory_space<vmem>>, vector<16xf32>,
        tpu.vector_store %arg5[%swap3A_1017, %swap3A_1018], %select_n3A_1016 {strides = array<i32>} : memref<64x256xf32, #tpu.memory_space<vmem>>, vector<16xf32>,
        %min3A_1020 = arith.minimumf %sub3A_516, %select_n3A_1010 : vector<16xf32>
        %get3A_1021 = arith.constant 0 : i32
        %get3A_1022 = arith.constant 0 : i32
        %get3A_1023 = arith.constant 0 : i32
        %get3A_1024 = tpu.memref_slice %arg4[%get3A_1021, %get3A_1022, %get3A_1023] : memref<2x64x256xf32, #tpu.memory_space<vmem>> -> memref<1x64x256xf32, #tpu.memory_space<vmem>>
        %get3A_1025 = tpu.memref_squeeze %get3A_1024 : memref<1x64x256xf32, #tpu.memory_space<vmem>> -> memref<64x256xf32, #tpu.memory_space<vmem>>
        %get3A_1026 = arith.index_cast %scan3A_908 : i32 to index
        %get3A_1027 = arith.constant 32 : index
        %get3A_1028 = tpu.vector_load %get3A_1025[%get3A_1026, %get3A_1027] {strides = array<i32>} : memref<64x256xf32, #tpu.memory_space<vmem>>, vector<16xf32>,
        %sub3A_1029 = arith.subf %min3A_1020, %get3A_1028 : vector<16xf32>
        %lt3A_1030 = arith.constant 0 : i32
        %lt3A_1031 = vector.broadcast %lt3A_1030 : i32 to vector<16xi32>
        %lt3A_1032 = arith.cmpi slt, %select_n3A_934, %lt3A_1031 : vector<16xi32>
        %add3A_1033 = arith.constant 16 : i32
        %add3A_1034 = vector.broadcast %add3A_1033 : i32 to vector<16xi32>
        %add3A_1035 = arith.addi %select_n3A_934, %add3A_1034 : vector<16xi32>
        %select_n3A_1036 = arith.select %lt3A_1032, %add3A_1035, %select_n3A_934 : vector<16xi1>, vector<16xi32>
        %reshape3A_1037 = vector.shape_cast %select_n3A_1036 : vector<16xi32> to vector<16x1xi32>
        %gather3A_1038 = vector.shape_cast %reshape3A_1037 : vector<16x1xi32> to vector<16xi32>
        %gather3A_1039 = tpu.dynamic_gather %sub3A_546[%gather3A_1038] in [0] : vector<16xf32>, vector<16xi32> -> vector<16xf32>
        %select_n3A_1040 = arith.select %eq3A_937, %gather3A_1009, %gather3A_1039 : vector<16xi1>, vector<16xf32>
        %le3A_1041 = arith.cmpf ole, %select_n3A_1040, %sub3A_546 : vector<16xf32>
        %jit3A_1042 = arith.constant 1.000000e+00 : f32
        %jit3A_1043 = arith.constant 0.000000e+00 : f32
        %broadcast_in_dim3A_1044 = vector.broadcast %jit3A_1042 : f32 to vector<16xf32>
        %broadcast_in_dim3A_1045 = vector.broadcast %jit3A_1043 : f32 to vector<16xf32>
        %select_n3A_1046 = arith.select %le3A_1041, %broadcast_in_dim3A_1044, %broadcast_in_dim3A_1045 : vector<16xi1>, vector<16xf32>
        %swap3A_1047 = arith.index_cast %scan3A_908 : i32 to index
        %swap3A_1048 = arith.constant 48 : index
        %swap3A_1049 = tpu.vector_load %arg5[%swap3A_1047, %swap3A_1048] {strides = array<i32>} : memref<64x256xf32, #tpu.memory_space<vmem>>, vector<16xf32>,
        tpu.vector_store %arg5[%swap3A_1047, %swap3A_1048], %select_n3A_1046 {strides = array<i32>} : memref<64x256xf32, #tpu.memory_space<vmem>>, vector<16xf32>,
        %min3A_1050 = arith.minimumf %sub3A_546, %select_n3A_1040 : vector<16xf32>
        %get3A_1051 = arith.constant 0 : i32
        %get3A_1052 = arith.constant 0 : i32
        %get3A_1053 = arith.constant 0 : i32
        %get3A_1054 = tpu.memref_slice %arg4[%get3A_1051, %get3A_1052, %get3A_1053] : memref<2x64x256xf32, #tpu.memory_space<vmem>> -> memref<1x64x256xf32, #tpu.memory_space<vmem>>
        %get3A_1055 = tpu.memref_squeeze %get3A_1054 : memref<1x64x256xf32, #tpu.memory_space<vmem>> -> memref<64x256xf32, #tpu.memory_space<vmem>>
        %get3A_1056 = arith.index_cast %scan3A_908 : i32 to index
        %get3A_1057 = arith.constant 48 : index
        %get3A_1058 = tpu.vector_load %get3A_1055[%get3A_1056, %get3A_1057] {strides = array<i32>} : memref<64x256xf32, #tpu.memory_space<vmem>>, vector<16xf32>,
        %sub3A_1059 = arith.subf %min3A_1050, %get3A_1058 : vector<16xf32>
        %lt3A_1060 = arith.constant 0 : i32
        %lt3A_1061 = vector.broadcast %lt3A_1060 : i32 to vector<16xi32>
        %lt3A_1062 = arith.cmpi slt, %select_n3A_934, %lt3A_1061 : vector<16xi32>
        %add3A_1063 = arith.constant 16 : i32
        %add3A_1064 = vector.broadcast %add3A_1063 : i32 to vector<16xi32>
        %add3A_1065 = arith.addi %select_n3A_934, %add3A_1064 : vector<16xi32>
        %select_n3A_1066 = arith.select %lt3A_1062, %add3A_1065, %select_n3A_934 : vector<16xi1>, vector<16xi32>
        %reshape3A_1067 = vector.shape_cast %select_n3A_1066 : vector<16xi32> to vector<16x1xi32>
        %gather3A_1068 = vector.shape_cast %reshape3A_1067 : vector<16x1xi32> to vector<16xi32>
        %gather3A_1069 = tpu.dynamic_gather %sub3A_576[%gather3A_1068] in [0] : vector<16xf32>, vector<16xi32> -> vector<16xf32>
        %select_n3A_1070 = arith.select %eq3A_937, %gather3A_1039, %gather3A_1069 : vector<16xi1>, vector<16xf32>
        %le3A_1071 = arith.cmpf ole, %select_n3A_1070, %sub3A_576 : vector<16xf32>
        %jit3A_1072 = arith.constant 1.000000e+00 : f32
        %jit3A_1073 = arith.constant 0.000000e+00 : f32
        %broadcast_in_dim3A_1074 = vector.broadcast %jit3A_1072 : f32 to vector<16xf32>
        %broadcast_in_dim3A_1075 = vector.broadcast %jit3A_1073 : f32 to vector<16xf32>
        %select_n3A_1076 = arith.select %le3A_1071, %broadcast_in_dim3A_1074, %broadcast_in_dim3A_1075 : vector<16xi1>, vector<16xf32>
        %swap3A_1077 = arith.index_cast %scan3A_908 : i32 to index
        %swap3A_1078 = arith.constant 64 : index
        %swap3A_1079 = tpu.vector_load %arg5[%swap3A_1077, %swap3A_1078] {strides = array<i32>} : memref<64x256xf32, #tpu.memory_space<vmem>>, vector<16xf32>,
        tpu.vector_store %arg5[%swap3A_1077, %swap3A_1078], %select_n3A_1076 {strides = array<i32>} : memref<64x256xf32, #tpu.memory_space<vmem>>, vector<16xf32>,
        %min3A_1080 = arith.minimumf %sub3A_576, %select_n3A_1070 : vector<16xf32>
        %get3A_1081 = arith.constant 0 : i32
        %get3A_1082 = arith.constant 0 : i32
        %get3A_1083 = arith.constant 0 : i32
        %get3A_1084 = tpu.memref_slice %arg4[%get3A_1081, %get3A_1082, %get3A_1083] : memref<2x64x256xf32, #tpu.memory_space<vmem>> -> memref<1x64x256xf32, #tpu.memory_space<vmem>>
        %get3A_1085 = tpu.memref_squeeze %get3A_1084 : memref<1x64x256xf32, #tpu.memory_space<vmem>> -> memref<64x256xf32, #tpu.memory_space<vmem>>
        %get3A_1086 = arith.index_cast %scan3A_908 : i32 to index
        %get3A_1087 = arith.constant 64 : index
        %get3A_1088 = tpu.vector_load %get3A_1085[%get3A_1086, %get3A_1087] {strides = array<i32>} : memref<64x256xf32, #tpu.memory_space<vmem>>, vector<16xf32>,
        %sub3A_1089 = arith.subf %min3A_1080, %get3A_1088 : vector<16xf32>
        %lt3A_1090 = arith.constant 0 : i32
        %lt3A_1091 = vector.broadcast %lt3A_1090 : i32 to vector<16xi32>
        %lt3A_1092 = arith.cmpi slt, %select_n3A_934, %lt3A_1091 : vector<16xi32>
        %add3A_1093 = arith.constant 16 : i32
        %add3A_1094 = vector.broadcast %add3A_1093 : i32 to vector<16xi32>
        %add3A_1095 = arith.addi %select_n3A_934, %add3A_1094 : vector<16xi32>
        %select_n3A_1096 = arith.select %lt3A_1092, %add3A_1095, %select_n3A_934 : vector<16xi1>, vector<16xi32>
        %reshape3A_1097 = vector.shape_cast %select_n3A_1096 : vector<16xi32> to vector<16x1xi32>
        %gather3A_1098 = vector.shape_cast %reshape3A_1097 : vector<16x1xi32> to vector<16xi32>
        %gather3A_1099 = tpu.dynamic_gather %sub3A_606[%gather3A_1098] in [0] : vector<16xf32>, vector<16xi32> -> vector<16xf32>
        %select_n3A_1100 = arith.select %eq3A_937, %gather3A_1069, %gather3A_1099 : vector<16xi1>, vector<16xf32>
        %le3A_1101 = arith.cmpf ole, %select_n3A_1100, %sub3A_606 : vector<16xf32>
        %jit3A_1102 = arith.constant 1.000000e+00 : f32
        %jit3A_1103 = arith.constant 0.000000e+00 : f32
        %broadcast_in_dim3A_1104 = vector.broadcast %jit3A_1102 : f32 to vector<16xf32>
        %broadcast_in_dim3A_1105 = vector.broadcast %jit3A_1103 : f32 to vector<16xf32>
        %select_n3A_1106 = arith.select %le3A_1101, %broadcast_in_dim3A_1104, %broadcast_in_dim3A_1105 : vector<16xi1>, vector<16xf32>
        %swap3A_1107 = arith.index_cast %scan3A_908 : i32 to index
        %swap3A_1108 = arith.constant 80 : index
        %swap3A_1109 = tpu.vector_load %arg5[%swap3A_1107, %swap3A_1108] {strides = array<i32>} : memref<64x256xf32, #tpu.memory_space<vmem>>, vector<16xf32>,
        tpu.vector_store %arg5[%swap3A_1107, %swap3A_1108], %select_n3A_1106 {strides = array<i32>} : memref<64x256xf32, #tpu.memory_space<vmem>>, vector<16xf32>,
        %min3A_1110 = arith.minimumf %sub3A_606, %select_n3A_1100 : vector<16xf32>
        %get3A_1111 = arith.constant 0 : i32
        %get3A_1112 = arith.constant 0 : i32
        %get3A_1113 = arith.constant 0 : i32
        %get3A_1114 = tpu.memref_slice %arg4[%get3A_1111, %get3A_1112, %get3A_1113] : memref<2x64x256xf32, #tpu.memory_space<vmem>> -> memref<1x64x256xf32, #tpu.memory_space<vmem>>
        %get3A_1115 = tpu.memref_squeeze %get3A_1114 : memref<1x64x256xf32, #tpu.memory_space<vmem>> -> memref<64x256xf32, #tpu.memory_space<vmem>>
        %get3A_1116 = arith.index_cast %scan3A_908 : i32 to index
        %get3A_1117 = arith.constant 80 : index
        %get3A_1118 = tpu.vector_load %get3A_1115[%get3A_1116, %get3A_1117] {strides = array<i32>} : memref<64x256xf32, #tpu.memory_space<vmem>>, vector<16xf32>,
        %sub3A_1119 = arith.subf %min3A_1110, %get3A_1118 : vector<16xf32>
        %lt3A_1120 = arith.constant 0 : i32
        %lt3A_1121 = vector.broadcast %lt3A_1120 : i32 to vector<16xi32>
        %lt3A_1122 = arith.cmpi slt, %select_n3A_934, %lt3A_1121 : vector<16xi32>
        %add3A_1123 = arith.constant 16 : i32
        %add3A_1124 = vector.broadcast %add3A_1123 : i32 to vector<16xi32>
        %add3A_1125 = arith.addi %select_n3A_934, %add3A_1124 : vector<16xi32>
        %select_n3A_1126 = arith.select %lt3A_1122, %add3A_1125, %select_n3A_934 : vector<16xi1>, vector<16xi32>
        %reshape3A_1127 = vector.shape_cast %select_n3A_1126 : vector<16xi32> to vector<16x1xi32>
        %gather3A_1128 = vector.shape_cast %reshape3A_1127 : vector<16x1xi32> to vector<16xi32>
        %gather3A_1129 = tpu.dynamic_gather %sub3A_636[%gather3A_1128] in [0] : vector<16xf32>, vector<16xi32> -> vector<16xf32>
        %select_n3A_1130 = arith.select %eq3A_937, %gather3A_1099, %gather3A_1129 : vector<16xi1>, vector<16xf32>
        %le3A_1131 = arith.cmpf ole, %select_n3A_1130, %sub3A_636 : vector<16xf32>
        %jit3A_1132 = arith.constant 1.000000e+00 : f32
        %jit3A_1133 = arith.constant 0.000000e+00 : f32
        %broadcast_in_dim3A_1134 = vector.broadcast %jit3A_1132 : f32 to vector<16xf32>
        %broadcast_in_dim3A_1135 = vector.broadcast %jit3A_1133 : f32 to vector<16xf32>
        %select_n3A_1136 = arith.select %le3A_1131, %broadcast_in_dim3A_1134, %broadcast_in_dim3A_1135 : vector<16xi1>, vector<16xf32>
        %swap3A_1137 = arith.index_cast %scan3A_908 : i32 to index
        %swap3A_1138 = arith.constant 96 : index
        %swap3A_1139 = tpu.vector_load %arg5[%swap3A_1137, %swap3A_1138] {strides = array<i32>} : memref<64x256xf32, #tpu.memory_space<vmem>>, vector<16xf32>,
        tpu.vector_store %arg5[%swap3A_1137, %swap3A_1138], %select_n3A_1136 {strides = array<i32>} : memref<64x256xf32, #tpu.memory_space<vmem>>, vector<16xf32>,
        %min3A_1140 = arith.minimumf %sub3A_636, %select_n3A_1130 : vector<16xf32>
        %get3A_1141 = arith.constant 0 : i32
        %get3A_1142 = arith.constant 0 : i32
        %get3A_1143 = arith.constant 0 : i32
        %get3A_1144 = tpu.memref_slice %arg4[%get3A_1141, %get3A_1142, %get3A_1143] : memref<2x64x256xf32, #tpu.memory_space<vmem>> -> memref<1x64x256xf32, #tpu.memory_space<vmem>>
        %get3A_1145 = tpu.memref_squeeze %get3A_1144 : memref<1x64x256xf32, #tpu.memory_space<vmem>> -> memref<64x256xf32, #tpu.memory_space<vmem>>
        %get3A_1146 = arith.index_cast %scan3A_908 : i32 to index
        %get3A_1147 = arith.constant 96 : index
        %get3A_1148 = tpu.vector_load %get3A_1145[%get3A_1146, %get3A_1147] {strides = array<i32>} : memref<64x256xf32, #tpu.memory_space<vmem>>, vector<16xf32>,
        %sub3A_1149 = arith.subf %min3A_1140, %get3A_1148 : vector<16xf32>
        %lt3A_1150 = arith.constant 0 : i32
        %lt3A_1151 = vector.broadcast %lt3A_1150 : i32 to vector<16xi32>
        %lt3A_1152 = arith.cmpi slt, %select_n3A_934, %lt3A_1151 : vector<16xi32>
        %add3A_1153 = arith.constant 16 : i32
        %add3A_1154 = vector.broadcast %add3A_1153 : i32 to vector<16xi32>
        %add3A_1155 = arith.addi %select_n3A_934, %add3A_1154 : vector<16xi32>
        %select_n3A_1156 = arith.select %lt3A_1152, %add3A_1155, %select_n3A_934 : vector<16xi1>, vector<16xi32>
        %reshape3A_1157 = vector.shape_cast %select_n3A_1156 : vector<16xi32> to vector<16x1xi32>
        %gather3A_1158 = vector.shape_cast %reshape3A_1157 : vector<16x1xi32> to vector<16xi32>
        %gather3A_1159 = tpu.dynamic_gather %sub3A_666[%gather3A_1158] in [0] : vector<16xf32>, vector<16xi32> -> vector<16xf32>
        %select_n3A_1160 = arith.select %eq3A_937, %gather3A_1129, %gather3A_1159 : vector<16xi1>, vector<16xf32>
        %le3A_1161 = arith.cmpf ole, %select_n3A_1160, %sub3A_666 : vector<16xf32>
        %jit3A_1162 = arith.constant 1.000000e+00 : f32
        %jit3A_1163 = arith.constant 0.000000e+00 : f32
        %broadcast_in_dim3A_1164 = vector.broadcast %jit3A_1162 : f32 to vector<16xf32>
        %broadcast_in_dim3A_1165 = vector.broadcast %jit3A_1163 : f32 to vector<16xf32>
        %select_n3A_1166 = arith.select %le3A_1161, %broadcast_in_dim3A_1164, %broadcast_in_dim3A_1165 : vector<16xi1>, vector<16xf32>
        %swap3A_1167 = arith.index_cast %scan3A_908 : i32 to index
        %swap3A_1168 = arith.constant 112 : index
        %swap3A_1169 = tpu.vector_load %arg5[%swap3A_1167, %swap3A_1168] {strides = array<i32>} : memref<64x256xf32, #tpu.memory_space<vmem>>, vector<16xf32>,
        tpu.vector_store %arg5[%swap3A_1167, %swap3A_1168], %select_n3A_1166 {strides = array<i32>} : memref<64x256xf32, #tpu.memory_space<vmem>>, vector<16xf32>,
        %min3A_1170 = arith.minimumf %sub3A_666, %select_n3A_1160 : vector<16xf32>
        %get3A_1171 = arith.constant 0 : i32
        %get3A_1172 = arith.constant 0 : i32
        %get3A_1173 = arith.constant 0 : i32
        %get3A_1174 = tpu.memref_slice %arg4[%get3A_1171, %get3A_1172, %get3A_1173] : memref<2x64x256xf32, #tpu.memory_space<vmem>> -> memref<1x64x256xf32, #tpu.memory_space<vmem>>
        %get3A_1175 = tpu.memref_squeeze %get3A_1174 : memref<1x64x256xf32, #tpu.memory_space<vmem>> -> memref<64x256xf32, #tpu.memory_space<vmem>>
        %get3A_1176 = arith.index_cast %scan3A_908 : i32 to index
        %get3A_1177 = arith.constant 112 : index
        %get3A_1178 = tpu.vector_load %get3A_1175[%get3A_1176, %get3A_1177] {strides = array<i32>} : memref<64x256xf32, #tpu.memory_space<vmem>>, vector<16xf32>,
        %sub3A_1179 = arith.subf %min3A_1170, %get3A_1178 : vector<16xf32>
        %lt3A_1180 = arith.constant 0 : i32
        %lt3A_1181 = vector.broadcast %lt3A_1180 : i32 to vector<16xi32>
        %lt3A_1182 = arith.cmpi slt, %select_n3A_934, %lt3A_1181 : vector<16xi32>
        %add3A_1183 = arith.constant 16 : i32
        %add3A_1184 = vector.broadcast %add3A_1183 : i32 to vector<16xi32>
        %add3A_1185 = arith.addi %select_n3A_934, %add3A_1184 : vector<16xi32>
        %select_n3A_1186 = arith.select %lt3A_1182, %add3A_1185, %select_n3A_934 : vector<16xi1>, vector<16xi32>
        %reshape3A_1187 = vector.shape_cast %select_n3A_1186 : vector<16xi32> to vector<16x1xi32>
        %gather3A_1188 = vector.shape_cast %reshape3A_1187 : vector<16x1xi32> to vector<16xi32>
        %gather3A_1189 = tpu.dynamic_gather %sub3A_696[%gather3A_1188] in [0] : vector<16xf32>, vector<16xi32> -> vector<16xf32>
        %select_n3A_1190 = arith.select %eq3A_937, %gather3A_1159, %gather3A_1189 : vector<16xi1>, vector<16xf32>
        %le3A_1191 = arith.cmpf ole, %select_n3A_1190, %sub3A_696 : vector<16xf32>
        %jit3A_1192 = arith.constant 1.000000e+00 : f32
        %jit3A_1193 = arith.constant 0.000000e+00 : f32
        %broadcast_in_dim3A_1194 = vector.broadcast %jit3A_1192 : f32 to vector<16xf32>
        %broadcast_in_dim3A_1195 = vector.broadcast %jit3A_1193 : f32 to vector<16xf32>
        %select_n3A_1196 = arith.select %le3A_1191, %broadcast_in_dim3A_1194, %broadcast_in_dim3A_1195 : vector<16xi1>, vector<16xf32>
        %swap3A_1197 = arith.index_cast %scan3A_908 : i32 to index
        %swap3A_1198 = arith.constant 128 : index
        %swap3A_1199 = tpu.vector_load %arg5[%swap3A_1197, %swap3A_1198] {strides = array<i32>} : memref<64x256xf32, #tpu.memory_space<vmem>>, vector<16xf32>,
        tpu.vector_store %arg5[%swap3A_1197, %swap3A_1198], %select_n3A_1196 {strides = array<i32>} : memref<64x256xf32, #tpu.memory_space<vmem>>, vector<16xf32>,
        %min3A_1200 = arith.minimumf %sub3A_696, %select_n3A_1190 : vector<16xf32>
        %get3A_1201 = arith.constant 0 : i32
        %get3A_1202 = arith.constant 0 : i32
        %get3A_1203 = arith.constant 0 : i32
        %get3A_1204 = tpu.memref_slice %arg4[%get3A_1201, %get3A_1202, %get3A_1203] : memref<2x64x256xf32, #tpu.memory_space<vmem>> -> memref<1x64x256xf32, #tpu.memory_space<vmem>>
        %get3A_1205 = tpu.memref_squeeze %get3A_1204 : memref<1x64x256xf32, #tpu.memory_space<vmem>> -> memref<64x256xf32, #tpu.memory_space<vmem>>
        %get3A_1206 = arith.index_cast %scan3A_908 : i32 to index
        %get3A_1207 = arith.constant 128 : index
        %get3A_1208 = tpu.vector_load %get3A_1205[%get3A_1206, %get3A_1207] {strides = array<i32>} : memref<64x256xf32, #tpu.memory_space<vmem>>, vector<16xf32>,
        %sub3A_1209 = arith.subf %min3A_1200, %get3A_1208 : vector<16xf32>
        %lt3A_1210 = arith.constant 0 : i32
        %lt3A_1211 = vector.broadcast %lt3A_1210 : i32 to vector<16xi32>
        %lt3A_1212 = arith.cmpi slt, %select_n3A_934, %lt3A_1211 : vector<16xi32>
        %add3A_1213 = arith.constant 16 : i32
        %add3A_1214 = vector.broadcast %add3A_1213 : i32 to vector<16xi32>
        %add3A_1215 = arith.addi %select_n3A_934, %add3A_1214 : vector<16xi32>
        %select_n3A_1216 = arith.select %lt3A_1212, %add3A_1215, %select_n3A_934 : vector<16xi1>, vector<16xi32>
        %reshape3A_1217 = vector.shape_cast %select_n3A_1216 : vector<16xi32> to vector<16x1xi32>
        %gather3A_1218 = vector.shape_cast %reshape3A_1217 : vector<16x1xi32> to vector<16xi32>
        %gather3A_1219 = tpu.dynamic_gather %sub3A_726[%gather3A_1218] in [0] : vector<16xf32>, vector<16xi32> -> vector<16xf32>
        %select_n3A_1220 = arith.select %eq3A_937, %gather3A_1189, %gather3A_1219 : vector<16xi1>, vector<16xf32>
        %le3A_1221 = arith.cmpf ole, %select_n3A_1220, %sub3A_726 : vector<16xf32>
        %jit3A_1222 = arith.constant 1.000000e+00 : f32
        %jit3A_1223 = arith.constant 0.000000e+00 : f32
        %broadcast_in_dim3A_1224 = vector.broadcast %jit3A_1222 : f32 to vector<16xf32>
        %broadcast_in_dim3A_1225 = vector.broadcast %jit3A_1223 : f32 to vector<16xf32>
        %select_n3A_1226 = arith.select %le3A_1221, %broadcast_in_dim3A_1224, %broadcast_in_dim3A_1225 : vector<16xi1>, vector<16xf32>
        %swap3A_1227 = arith.index_cast %scan3A_908 : i32 to index
        %swap3A_1228 = arith.constant 144 : index
        %swap3A_1229 = tpu.vector_load %arg5[%swap3A_1227, %swap3A_1228] {strides = array<i32>} : memref<64x256xf32, #tpu.memory_space<vmem>>, vector<16xf32>,
        tpu.vector_store %arg5[%swap3A_1227, %swap3A_1228], %select_n3A_1226 {strides = array<i32>} : memref<64x256xf32, #tpu.memory_space<vmem>>, vector<16xf32>,
        %min3A_1230 = arith.minimumf %sub3A_726, %select_n3A_1220 : vector<16xf32>
        %get3A_1231 = arith.constant 0 : i32
        %get3A_1232 = arith.constant 0 : i32
        %get3A_1233 = arith.constant 0 : i32
        %get3A_1234 = tpu.memref_slice %arg4[%get3A_1231, %get3A_1232, %get3A_1233] : memref<2x64x256xf32, #tpu.memory_space<vmem>> -> memref<1x64x256xf32, #tpu.memory_space<vmem>>
        %get3A_1235 = tpu.memref_squeeze %get3A_1234 : memref<1x64x256xf32, #tpu.memory_space<vmem>> -> memref<64x256xf32, #tpu.memory_space<vmem>>
        %get3A_1236 = arith.index_cast %scan3A_908 : i32 to index
        %get3A_1237 = arith.constant 144 : index
        %get3A_1238 = tpu.vector_load %get3A_1235[%get3A_1236, %get3A_1237] {strides = array<i32>} : memref<64x256xf32, #tpu.memory_space<vmem>>, vector<16xf32>,
        %sub3A_1239 = arith.subf %min3A_1230, %get3A_1238 : vector<16xf32>
        %lt3A_1240 = arith.constant 0 : i32
        %lt3A_1241 = vector.broadcast %lt3A_1240 : i32 to vector<16xi32>
        %lt3A_1242 = arith.cmpi slt, %select_n3A_934, %lt3A_1241 : vector<16xi32>
        %add3A_1243 = arith.constant 16 : i32
        %add3A_1244 = vector.broadcast %add3A_1243 : i32 to vector<16xi32>
        %add3A_1245 = arith.addi %select_n3A_934, %add3A_1244 : vector<16xi32>
        %select_n3A_1246 = arith.select %lt3A_1242, %add3A_1245, %select_n3A_934 : vector<16xi1>, vector<16xi32>
        %reshape3A_1247 = vector.shape_cast %select_n3A_1246 : vector<16xi32> to vector<16x1xi32>
        %gather3A_1248 = vector.shape_cast %reshape3A_1247 : vector<16x1xi32> to vector<16xi32>
        %gather3A_1249 = tpu.dynamic_gather %sub3A_756[%gather3A_1248] in [0] : vector<16xf32>, vector<16xi32> -> vector<16xf32>
        %select_n3A_1250 = arith.select %eq3A_937, %gather3A_1219, %gather3A_1249 : vector<16xi1>, vector<16xf32>
        %le3A_1251 = arith.cmpf ole, %select_n3A_1250, %sub3A_756 : vector<16xf32>
        %jit3A_1252 = arith.constant 1.000000e+00 : f32
        %jit3A_1253 = arith.constant 0.000000e+00 : f32
        %broadcast_in_dim3A_1254 = vector.broadcast %jit3A_1252 : f32 to vector<16xf32>
        %broadcast_in_dim3A_1255 = vector.broadcast %jit3A_1253 : f32 to vector<16xf32>
        %select_n3A_1256 = arith.select %le3A_1251, %broadcast_in_dim3A_1254, %broadcast_in_dim3A_1255 : vector<16xi1>, vector<16xf32>
        %swap3A_1257 = arith.index_cast %scan3A_908 : i32 to index
        %swap3A_1258 = arith.constant 160 : index
        %swap3A_1259 = tpu.vector_load %arg5[%swap3A_1257, %swap3A_1258] {strides = array<i32>} : memref<64x256xf32, #tpu.memory_space<vmem>>, vector<16xf32>,
        tpu.vector_store %arg5[%swap3A_1257, %swap3A_1258], %select_n3A_1256 {strides = array<i32>} : memref<64x256xf32, #tpu.memory_space<vmem>>, vector<16xf32>,
        %min3A_1260 = arith.minimumf %sub3A_756, %select_n3A_1250 : vector<16xf32>
        %get3A_1261 = arith.constant 0 : i32
        %get3A_1262 = arith.constant 0 : i32
        %get3A_1263 = arith.constant 0 : i32
        %get3A_1264 = tpu.memref_slice %arg4[%get3A_1261, %get3A_1262, %get3A_1263] : memref<2x64x256xf32, #tpu.memory_space<vmem>> -> memref<1x64x256xf32, #tpu.memory_space<vmem>>
        %get3A_1265 = tpu.memref_squeeze %get3A_1264 : memref<1x64x256xf32, #tpu.memory_space<vmem>> -> memref<64x256xf32, #tpu.memory_space<vmem>>
        %get3A_1266 = arith.index_cast %scan3A_908 : i32 to index
        %get3A_1267 = arith.constant 160 : index
        %get3A_1268 = tpu.vector_load %get3A_1265[%get3A_1266, %get3A_1267] {strides = array<i32>} : memref<64x256xf32, #tpu.memory_space<vmem>>, vector<16xf32>,
        %sub3A_1269 = arith.subf %min3A_1260, %get3A_1268 : vector<16xf32>
        %lt3A_1270 = arith.constant 0 : i32
        %lt3A_1271 = vector.broadcast %lt3A_1270 : i32 to vector<16xi32>
        %lt3A_1272 = arith.cmpi slt, %select_n3A_934, %lt3A_1271 : vector<16xi32>
        %add3A_1273 = arith.constant 16 : i32
        %add3A_1274 = vector.broadcast %add3A_1273 : i32 to vector<16xi32>
        %add3A_1275 = arith.addi %select_n3A_934, %add3A_1274 : vector<16xi32>
        %select_n3A_1276 = arith.select %lt3A_1272, %add3A_1275, %select_n3A_934 : vector<16xi1>, vector<16xi32>
        %reshape3A_1277 = vector.shape_cast %select_n3A_1276 : vector<16xi32> to vector<16x1xi32>
        %gather3A_1278 = vector.shape_cast %reshape3A_1277 : vector<16x1xi32> to vector<16xi32>
        %gather3A_1279 = tpu.dynamic_gather %sub3A_786[%gather3A_1278] in [0] : vector<16xf32>, vector<16xi32> -> vector<16xf32>
        %select_n3A_1280 = arith.select %eq3A_937, %gather3A_1249, %gather3A_1279 : vector<16xi1>, vector<16xf32>
        %le3A_1281 = arith.cmpf ole, %select_n3A_1280, %sub3A_786 : vector<16xf32>
        %jit3A_1282 = arith.constant 1.000000e+00 : f32
        %jit3A_1283 = arith.constant 0.000000e+00 : f32
        %broadcast_in_dim3A_1284 = vector.broadcast %jit3A_1282 : f32 to vector<16xf32>
        %broadcast_in_dim3A_1285 = vector.broadcast %jit3A_1283 : f32 to vector<16xf32>
        %select_n3A_1286 = arith.select %le3A_1281, %broadcast_in_dim3A_1284, %broadcast_in_dim3A_1285 : vector<16xi1>, vector<16xf32>
        %swap3A_1287 = arith.index_cast %scan3A_908 : i32 to index
        %swap3A_1288 = arith.constant 176 : index
        %swap3A_1289 = tpu.vector_load %arg5[%swap3A_1287, %swap3A_1288] {strides = array<i32>} : memref<64x256xf32, #tpu.memory_space<vmem>>, vector<16xf32>,
        tpu.vector_store %arg5[%swap3A_1287, %swap3A_1288], %select_n3A_1286 {strides = array<i32>} : memref<64x256xf32, #tpu.memory_space<vmem>>, vector<16xf32>,
        %min3A_1290 = arith.minimumf %sub3A_786, %select_n3A_1280 : vector<16xf32>
        %get3A_1291 = arith.constant 0 : i32
        %get3A_1292 = arith.constant 0 : i32
        %get3A_1293 = arith.constant 0 : i32
        %get3A_1294 = tpu.memref_slice %arg4[%get3A_1291, %get3A_1292, %get3A_1293] : memref<2x64x256xf32, #tpu.memory_space<vmem>> -> memref<1x64x256xf32, #tpu.memory_space<vmem>>
        %get3A_1295 = tpu.memref_squeeze %get3A_1294 : memref<1x64x256xf32, #tpu.memory_space<vmem>> -> memref<64x256xf32, #tpu.memory_space<vmem>>
        %get3A_1296 = arith.index_cast %scan3A_908 : i32 to index
        %get3A_1297 = arith.constant 176 : index
        %get3A_1298 = tpu.vector_load %get3A_1295[%get3A_1296, %get3A_1297] {strides = array<i32>} : memref<64x256xf32, #tpu.memory_space<vmem>>, vector<16xf32>,
        %sub3A_1299 = arith.subf %min3A_1290, %get3A_1298 : vector<16xf32>
        %lt3A_1300 = arith.constant 0 : i32
        %lt3A_1301 = vector.broadcast %lt3A_1300 : i32 to vector<16xi32>
        %lt3A_1302 = arith.cmpi slt, %select_n3A_934, %lt3A_1301 : vector<16xi32>
        %add3A_1303 = arith.constant 16 : i32
        %add3A_1304 = vector.broadcast %add3A_1303 : i32 to vector<16xi32>
        %add3A_1305 = arith.addi %select_n3A_934, %add3A_1304 : vector<16xi32>
        %select_n3A_1306 = arith.select %lt3A_1302, %add3A_1305, %select_n3A_934 : vector<16xi1>, vector<16xi32>
        %reshape3A_1307 = vector.shape_cast %select_n3A_1306 : vector<16xi32> to vector<16x1xi32>
        %gather3A_1308 = vector.shape_cast %reshape3A_1307 : vector<16x1xi32> to vector<16xi32>
        %gather3A_1309 = tpu.dynamic_gather %sub3A_816[%gather3A_1308] in [0] : vector<16xf32>, vector<16xi32> -> vector<16xf32>
        %select_n3A_1310 = arith.select %eq3A_937, %gather3A_1279, %gather3A_1309 : vector<16xi1>, vector<16xf32>
        %le3A_1311 = arith.cmpf ole, %select_n3A_1310, %sub3A_816 : vector<16xf32>
        %jit3A_1312 = arith.constant 1.000000e+00 : f32
        %jit3A_1313 = arith.constant 0.000000e+00 : f32
        %broadcast_in_dim3A_1314 = vector.broadcast %jit3A_1312 : f32 to vector<16xf32>
        %broadcast_in_dim3A_1315 = vector.broadcast %jit3A_1313 : f32 to vector<16xf32>
        %select_n3A_1316 = arith.select %le3A_1311, %broadcast_in_dim3A_1314, %broadcast_in_dim3A_1315 : vector<16xi1>, vector<16xf32>
        %swap3A_1317 = arith.index_cast %scan3A_908 : i32 to index
        %swap3A_1318 = arith.constant 192 : index
        %swap3A_1319 = tpu.vector_load %arg5[%swap3A_1317, %swap3A_1318] {strides = array<i32>} : memref<64x256xf32, #tpu.memory_space<vmem>>, vector<16xf32>,
        tpu.vector_store %arg5[%swap3A_1317, %swap3A_1318], %select_n3A_1316 {strides = array<i32>} : memref<64x256xf32, #tpu.memory_space<vmem>>, vector<16xf32>,
        %min3A_1320 = arith.minimumf %sub3A_816, %select_n3A_1310 : vector<16xf32>
        %get3A_1321 = arith.constant 0 : i32
        %get3A_1322 = arith.constant 0 : i32
        %get3A_1323 = arith.constant 0 : i32
        %get3A_1324 = tpu.memref_slice %arg4[%get3A_1321, %get3A_1322, %get3A_1323] : memref<2x64x256xf32, #tpu.memory_space<vmem>> -> memref<1x64x256xf32, #tpu.memory_space<vmem>>
        %get3A_1325 = tpu.memref_squeeze %get3A_1324 : memref<1x64x256xf32, #tpu.memory_space<vmem>> -> memref<64x256xf32, #tpu.memory_space<vmem>>
        %get3A_1326 = arith.index_cast %scan3A_908 : i32 to index
        %get3A_1327 = arith.constant 192 : index
        %get3A_1328 = tpu.vector_load %get3A_1325[%get3A_1326, %get3A_1327] {strides = array<i32>} : memref<64x256xf32, #tpu.memory_space<vmem>>, vector<16xf32>,
        %sub3A_1329 = arith.subf %min3A_1320, %get3A_1328 : vector<16xf32>
        %lt3A_1330 = arith.constant 0 : i32
        %lt3A_1331 = vector.broadcast %lt3A_1330 : i32 to vector<16xi32>
        %lt3A_1332 = arith.cmpi slt, %select_n3A_934, %lt3A_1331 : vector<16xi32>
        %add3A_1333 = arith.constant 16 : i32
        %add3A_1334 = vector.broadcast %add3A_1333 : i32 to vector<16xi32>
        %add3A_1335 = arith.addi %select_n3A_934, %add3A_1334 : vector<16xi32>
        %select_n3A_1336 = arith.select %lt3A_1332, %add3A_1335, %select_n3A_934 : vector<16xi1>, vector<16xi32>
        %reshape3A_1337 = vector.shape_cast %select_n3A_1336 : vector<16xi32> to vector<16x1xi32>
        %gather3A_1338 = vector.shape_cast %reshape3A_1337 : vector<16x1xi32> to vector<16xi32>
        %gather3A_1339 = tpu.dynamic_gather %sub3A_846[%gather3A_1338] in [0] : vector<16xf32>, vector<16xi32> -> vector<16xf32>
        %select_n3A_1340 = arith.select %eq3A_937, %gather3A_1309, %gather3A_1339 : vector<16xi1>, vector<16xf32>
        %le3A_1341 = arith.cmpf ole, %select_n3A_1340, %sub3A_846 : vector<16xf32>
        %jit3A_1342 = arith.constant 1.000000e+00 : f32
        %jit3A_1343 = arith.constant 0.000000e+00 : f32
        %broadcast_in_dim3A_1344 = vector.broadcast %jit3A_1342 : f32 to vector<16xf32>
        %broadcast_in_dim3A_1345 = vector.broadcast %jit3A_1343 : f32 to vector<16xf32>
        %select_n3A_1346 = arith.select %le3A_1341, %broadcast_in_dim3A_1344, %broadcast_in_dim3A_1345 : vector<16xi1>, vector<16xf32>
        %swap3A_1347 = arith.index_cast %scan3A_908 : i32 to index
        %swap3A_1348 = arith.constant 208 : index
        %swap3A_1349 = tpu.vector_load %arg5[%swap3A_1347, %swap3A_1348] {strides = array<i32>} : memref<64x256xf32, #tpu.memory_space<vmem>>, vector<16xf32>,
        tpu.vector_store %arg5[%swap3A_1347, %swap3A_1348], %select_n3A_1346 {strides = array<i32>} : memref<64x256xf32, #tpu.memory_space<vmem>>, vector<16xf32>,
        %min3A_1350 = arith.minimumf %sub3A_846, %select_n3A_1340 : vector<16xf32>
        %get3A_1351 = arith.constant 0 : i32
        %get3A_1352 = arith.constant 0 : i32
        %get3A_1353 = arith.constant 0 : i32
        %get3A_1354 = tpu.memref_slice %arg4[%get3A_1351, %get3A_1352, %get3A_1353] : memref<2x64x256xf32, #tpu.memory_space<vmem>> -> memref<1x64x256xf32, #tpu.memory_space<vmem>>
        %get3A_1355 = tpu.memref_squeeze %get3A_1354 : memref<1x64x256xf32, #tpu.memory_space<vmem>> -> memref<64x256xf32, #tpu.memory_space<vmem>>
        %get3A_1356 = arith.index_cast %scan3A_908 : i32 to index
        %get3A_1357 = arith.constant 208 : index
        %get3A_1358 = tpu.vector_load %get3A_1355[%get3A_1356, %get3A_1357] {strides = array<i32>} : memref<64x256xf32, #tpu.memory_space<vmem>>, vector<16xf32>,
        %sub3A_1359 = arith.subf %min3A_1350, %get3A_1358 : vector<16xf32>
        %lt3A_1360 = arith.constant 0 : i32
        %lt3A_1361 = vector.broadcast %lt3A_1360 : i32 to vector<16xi32>
        %lt3A_1362 = arith.cmpi slt, %select_n3A_934, %lt3A_1361 : vector<16xi32>
        %add3A_1363 = arith.constant 16 : i32
        %add3A_1364 = vector.broadcast %add3A_1363 : i32 to vector<16xi32>
        %add3A_1365 = arith.addi %select_n3A_934, %add3A_1364 : vector<16xi32>
        %select_n3A_1366 = arith.select %lt3A_1362, %add3A_1365, %select_n3A_934 : vector<16xi1>, vector<16xi32>
        %reshape3A_1367 = vector.shape_cast %select_n3A_1366 : vector<16xi32> to vector<16x1xi32>
        %gather3A_1368 = vector.shape_cast %reshape3A_1367 : vector<16x1xi32> to vector<16xi32>
        %gather3A_1369 = tpu.dynamic_gather %sub3A_876[%gather3A_1368] in [0] : vector<16xf32>, vector<16xi32> -> vector<16xf32>
        %select_n3A_1370 = arith.select %eq3A_937, %gather3A_1339, %gather3A_1369 : vector<16xi1>, vector<16xf32>
        %le3A_1371 = arith.cmpf ole, %select_n3A_1370, %sub3A_876 : vector<16xf32>
        %jit3A_1372 = arith.constant 1.000000e+00 : f32
        %jit3A_1373 = arith.constant 0.000000e+00 : f32
        %broadcast_in_dim3A_1374 = vector.broadcast %jit3A_1372 : f32 to vector<16xf32>
        %broadcast_in_dim3A_1375 = vector.broadcast %jit3A_1373 : f32 to vector<16xf32>
        %select_n3A_1376 = arith.select %le3A_1371, %broadcast_in_dim3A_1374, %broadcast_in_dim3A_1375 : vector<16xi1>, vector<16xf32>
        %swap3A_1377 = arith.index_cast %scan3A_908 : i32 to index
        %swap3A_1378 = arith.constant 224 : index
        %swap3A_1379 = tpu.vector_load %arg5[%swap3A_1377, %swap3A_1378] {strides = array<i32>} : memref<64x256xf32, #tpu.memory_space<vmem>>, vector<16xf32>,
        tpu.vector_store %arg5[%swap3A_1377, %swap3A_1378], %select_n3A_1376 {strides = array<i32>} : memref<64x256xf32, #tpu.memory_space<vmem>>, vector<16xf32>,
        %min3A_1380 = arith.minimumf %sub3A_876, %select_n3A_1370 : vector<16xf32>
        %get3A_1381 = arith.constant 0 : i32
        %get3A_1382 = arith.constant 0 : i32
        %get3A_1383 = arith.constant 0 : i32
        %get3A_1384 = tpu.memref_slice %arg4[%get3A_1381, %get3A_1382, %get3A_1383] : memref<2x64x256xf32, #tpu.memory_space<vmem>> -> memref<1x64x256xf32, #tpu.memory_space<vmem>>
        %get3A_1385 = tpu.memref_squeeze %get3A_1384 : memref<1x64x256xf32, #tpu.memory_space<vmem>> -> memref<64x256xf32, #tpu.memory_space<vmem>>
        %get3A_1386 = arith.index_cast %scan3A_908 : i32 to index
        %get3A_1387 = arith.constant 224 : index
        %get3A_1388 = tpu.vector_load %get3A_1385[%get3A_1386, %get3A_1387] {strides = array<i32>} : memref<64x256xf32, #tpu.memory_space<vmem>>, vector<16xf32>,
        %sub3A_1389 = arith.subf %min3A_1380, %get3A_1388 : vector<16xf32>
        %lt3A_1390 = arith.constant 0 : i32
        %lt3A_1391 = vector.broadcast %lt3A_1390 : i32 to vector<16xi32>
        %lt3A_1392 = arith.cmpi slt, %select_n3A_934, %lt3A_1391 : vector<16xi32>
        %add3A_1393 = arith.constant 16 : i32
        %add3A_1394 = vector.broadcast %add3A_1393 : i32 to vector<16xi32>
        %add3A_1395 = arith.addi %select_n3A_934, %add3A_1394 : vector<16xi32>
        %select_n3A_1396 = arith.select %lt3A_1392, %add3A_1395, %select_n3A_934 : vector<16xi1>, vector<16xi32>
        %reshape3A_1397 = vector.shape_cast %select_n3A_1396 : vector<16xi32> to vector<16x1xi32>
        %gather3A_1398 = vector.shape_cast %reshape3A_1397 : vector<16x1xi32> to vector<16xi32>
        %gather3A_1399 = tpu.dynamic_gather %sub3A_906[%gather3A_1398] in [0] : vector<16xf32>, vector<16xi32> -> vector<16xf32>
        %select_n3A_1400 = arith.select %eq3A_937, %gather3A_1369, %gather3A_1399 : vector<16xi1>, vector<16xf32>
        %le3A_1401 = arith.cmpf ole, %select_n3A_1400, %sub3A_906 : vector<16xf32>
        %jit3A_1402 = arith.constant 1.000000e+00 : f32
        %jit3A_1403 = arith.constant 0.000000e+00 : f32
        %broadcast_in_dim3A_1404 = vector.broadcast %jit3A_1402 : f32 to vector<16xf32>
        %broadcast_in_dim3A_1405 = vector.broadcast %jit3A_1403 : f32 to vector<16xf32>
        %select_n3A_1406 = arith.select %le3A_1401, %broadcast_in_dim3A_1404, %broadcast_in_dim3A_1405 : vector<16xi1>, vector<16xf32>
        %swap3A_1407 = arith.index_cast %scan3A_908 : i32 to index
        %swap3A_1408 = arith.constant 240 : index
        %swap3A_1409 = tpu.vector_load %arg5[%swap3A_1407, %swap3A_1408] {strides = array<i32>} : memref<64x256xf32, #tpu.memory_space<vmem>>, vector<16xf32>,
        tpu.vector_store %arg5[%swap3A_1407, %swap3A_1408], %select_n3A_1406 {strides = array<i32>} : memref<64x256xf32, #tpu.memory_space<vmem>>, vector<16xf32>,
        %min3A_1410 = arith.minimumf %sub3A_906, %select_n3A_1400 : vector<16xf32>
        %get3A_1411 = arith.constant 0 : i32
        %get3A_1412 = arith.constant 0 : i32
        %get3A_1413 = arith.constant 0 : i32
        %get3A_1414 = tpu.memref_slice %arg4[%get3A_1411, %get3A_1412, %get3A_1413] : memref<2x64x256xf32, #tpu.memory_space<vmem>> -> memref<1x64x256xf32, #tpu.memory_space<vmem>>
        %get3A_1415 = tpu.memref_squeeze %get3A_1414 : memref<1x64x256xf32, #tpu.memory_space<vmem>> -> memref<64x256xf32, #tpu.memory_space<vmem>>
        %get3A_1416 = arith.index_cast %scan3A_908 : i32 to index
        %get3A_1417 = arith.constant 240 : index
        %get3A_1418 = tpu.vector_load %get3A_1415[%get3A_1416, %get3A_1417] {strides = array<i32>} : memref<64x256xf32, #tpu.memory_space<vmem>>, vector<16xf32>,
        %sub3A_1419 = arith.subf %min3A_1410, %get3A_1418 : vector<16xf32>
        %scan3A_1420 = arith.constant 2 : i32
        %scan3A_1421 = arith.addi %scan3A_387, %scan3A_1420 : i32
        %iota3A_1422 = tpu.iota {dimensions = array<i32: 0>} : vector<16xi32>
        %add3A_1423 = arith.constant 15 : i32
        %add3A_1424 = vector.broadcast %add3A_1423 : i32 to vector<16xi32>
        %add3A_1425 = arith.addi %iota3A_1422, %add3A_1424 : vector<16xi32>
        %jit3A_1426 = arith.constant 16 : i32
        %eq3A_1427 = arith.constant 0 : i32
        %eq3A_1428 = arith.cmpi eq, %jit3A_1426, %eq3A_1427 : i32
        %jit3A_1429 = arith.constant 1 : i32
        %select_n3A_1430 = arith.select %eq3A_1428, %jit3A_1429, %jit3A_1426 : i32
        %rem3A_1431 = vector.broadcast %select_n3A_1430 : i32 to vector<16xi32>
        %rem3A_1432 = arith.remsi %add3A_1425, %rem3A_1431 : vector<16xi32>
        %ne3A_1433 = arith.constant 0 : i32
        %ne3A_1434 = vector.broadcast %ne3A_1433 : i32 to vector<16xi32>
        %ne3A_1435 = arith.cmpi ne, %rem3A_1432, %ne3A_1434 : vector<16xi32>
        %lt3A_1436 = arith.constant 0 : i32
        %lt3A_1437 = vector.broadcast %lt3A_1436 : i32 to vector<16xi32>
        %lt3A_1438 = arith.cmpi slt, %rem3A_1432, %lt3A_1437 : vector<16xi32>
        %lt3A_1439 = arith.constant 0 : i32
        %lt3A_1440 = arith.cmpi slt, %select_n3A_1430, %lt3A_1439 : i32
        %ne3A_1441 = vector.broadcast %lt3A_1440 : i1 to vector<16xi1>
        %ne3A_1442 = vector.broadcast %ne3A_1441 : vector<16xi1> to vector<16xi1>
        %ne3A_1443 = arith.xori %lt3A_1438, %ne3A_1442 : vector<16xi1>
        %and3A_1444 = arith.andi %ne3A_1443, %ne3A_1435 : vector<16xi1>
        %add3A_1445 = vector.broadcast %select_n3A_1430 : i32 to vector<16xi32>
        %add3A_1446 = arith.addi %rem3A_1432, %add3A_1445 : vector<16xi32>
        %select_n3A_1447 = arith.select %and3A_1444, %add3A_1446, %rem3A_1432 : vector<16xi1>, vector<16xi32>
        %eq3A_1448 = arith.constant 0 : i32
        %eq3A_1449 = vector.broadcast %eq3A_1448 : i32 to vector<16xi32>
        %eq3A_1450 = arith.cmpi eq, %iota3A_1422, %eq3A_1449 : vector<16xi32>
        %lt3A_1451 = arith.constant 0 : i32
        %lt3A_1452 = vector.broadcast %lt3A_1451 : i32 to vector<16xi32>
        %lt3A_1453 = arith.cmpi slt, %select_n3A_1447, %lt3A_1452 : vector<16xi32>
        %add3A_1454 = arith.constant 16 : i32
        %add3A_1455 = vector.broadcast %add3A_1454 : i32 to vector<16xi32>
        %add3A_1456 = arith.addi %select_n3A_1447, %add3A_1455 : vector<16xi32>
        %select_n3A_1457 = arith.select %lt3A_1453, %add3A_1456, %select_n3A_1447 : vector<16xi1>, vector<16xi32>
        %reshape3A_1458 = vector.shape_cast %select_n3A_1457 : vector<16xi32> to vector<16x1xi32>
        %gather3A_1459 = vector.shape_cast %reshape3A_1458 : vector<16x1xi32> to vector<16xi32>
        %gather3A_1460 = tpu.dynamic_gather %sub3A_969[%gather3A_1459] in [0] : vector<16xf32>, vector<16xi32> -> vector<16xf32>
        %jit3A_1461 = arith.constant 0x7F800000 : f32
        %broadcast_in_dim3A_1462 = vector.broadcast %jit3A_1461 : f32 to vector<16xf32>
        %select_n3A_1463 = arith.select %eq3A_1450, %broadcast_in_dim3A_1462, %gather3A_1460 : vector<16xi1>, vector<16xf32>
        %le3A_1464 = arith.cmpf ole, %select_n3A_1463, %sub3A_969 : vector<16xf32>
        %jit3A_1465 = arith.constant 1.000000e+00 : f32
        %jit3A_1466 = arith.constant 0.000000e+00 : f32
        %broadcast_in_dim3A_1467 = vector.broadcast %jit3A_1465 : f32 to vector<16xf32>
        %broadcast_in_dim3A_1468 = vector.broadcast %jit3A_1466 : f32 to vector<16xf32>
        %select_n3A_1469 = arith.select %le3A_1464, %broadcast_in_dim3A_1467, %broadcast_in_dim3A_1468 : vector<16xi1>, vector<16xf32>
        %swap3A_1470 = arith.index_cast %scan3A_1421 : i32 to index
        %swap3A_1471 = arith.constant 0 : index
        %swap3A_1472 = tpu.vector_load %arg5[%swap3A_1470, %swap3A_1471] {strides = array<i32>} : memref<64x256xf32, #tpu.memory_space<vmem>>, vector<16xf32>,
        tpu.vector_store %arg5[%swap3A_1470, %swap3A_1471], %select_n3A_1469 {strides = array<i32>} : memref<64x256xf32, #tpu.memory_space<vmem>>, vector<16xf32>,
        %min3A_1473 = arith.minimumf %sub3A_969, %select_n3A_1463 : vector<16xf32>
        %get3A_1474 = arith.constant 0 : i32
        %get3A_1475 = arith.constant 0 : i32
        %get3A_1476 = arith.constant 0 : i32
        %get3A_1477 = tpu.memref_slice %arg4[%get3A_1474, %get3A_1475, %get3A_1476] : memref<2x64x256xf32, #tpu.memory_space<vmem>> -> memref<1x64x256xf32, #tpu.memory_space<vmem>>
        %get3A_1478 = tpu.memref_squeeze %get3A_1477 : memref<1x64x256xf32, #tpu.memory_space<vmem>> -> memref<64x256xf32, #tpu.memory_space<vmem>>
        %get3A_1479 = arith.index_cast %scan3A_1421 : i32 to index
        %get3A_1480 = arith.constant 0 : index
        %get3A_1481 = tpu.vector_load %get3A_1478[%get3A_1479, %get3A_1480] {strides = array<i32>} : memref<64x256xf32, #tpu.memory_space<vmem>>, vector<16xf32>,
        %sub3A_1482 = arith.subf %min3A_1473, %get3A_1481 : vector<16xf32>
        %lt3A_1483 = arith.constant 0 : i32
        %lt3A_1484 = vector.broadcast %lt3A_1483 : i32 to vector<16xi32>
        %lt3A_1485 = arith.cmpi slt, %select_n3A_1447, %lt3A_1484 : vector<16xi32>
        %add3A_1486 = arith.constant 16 : i32
        %add3A_1487 = vector.broadcast %add3A_1486 : i32 to vector<16xi32>
        %add3A_1488 = arith.addi %select_n3A_1447, %add3A_1487 : vector<16xi32>
        %select_n3A_1489 = arith.select %lt3A_1485, %add3A_1488, %select_n3A_1447 : vector<16xi1>, vector<16xi32>
        %reshape3A_1490 = vector.shape_cast %select_n3A_1489 : vector<16xi32> to vector<16x1xi32>
        %gather3A_1491 = vector.shape_cast %reshape3A_1490 : vector<16x1xi32> to vector<16xi32>
        %gather3A_1492 = tpu.dynamic_gather %sub3A_999[%gather3A_1491] in [0] : vector<16xf32>, vector<16xi32> -> vector<16xf32>
        %select_n3A_1493 = arith.select %eq3A_1450, %gather3A_1460, %gather3A_1492 : vector<16xi1>, vector<16xf32>
        %le3A_1494 = arith.cmpf ole, %select_n3A_1493, %sub3A_999 : vector<16xf32>
        %jit3A_1495 = arith.constant 1.000000e+00 : f32
        %jit3A_1496 = arith.constant 0.000000e+00 : f32
        %broadcast_in_dim3A_1497 = vector.broadcast %jit3A_1495 : f32 to vector<16xf32>
        %broadcast_in_dim3A_1498 = vector.broadcast %jit3A_1496 : f32 to vector<16xf32>
        %select_n3A_1499 = arith.select %le3A_1494, %broadcast_in_dim3A_1497, %broadcast_in_dim3A_1498 : vector<16xi1>, vector<16xf32>
        %swap3A_1500 = arith.index_cast %scan3A_1421 : i32 to index
        %swap3A_1501 = arith.constant 16 : index
        %swap3A_1502 = tpu.vector_load %arg5[%swap3A_1500, %swap3A_1501] {strides = array<i32>} : memref<64x256xf32, #tpu.memory_space<vmem>>, vector<16xf32>,
        tpu.vector_store %arg5[%swap3A_1500, %swap3A_1501], %select_n3A_1499 {strides = array<i32>} : memref<64x256xf32, #tpu.memory_space<vmem>>, vector<16xf32>,
        %min3A_1503 = arith.minimumf %sub3A_999, %select_n3A_1493 : vector<16xf32>
        %get3A_1504 = arith.constant 0 : i32
        %get3A_1505 = arith.constant 0 : i32
        %get3A_1506 = arith.constant 0 : i32
        %get3A_1507 = tpu.memref_slice %arg4[%get3A_1504, %get3A_1505, %get3A_1506] : memref<2x64x256xf32, #tpu.memory_space<vmem>> -> memref<1x64x256xf32, #tpu.memory_space<vmem>>
        %get3A_1508 = tpu.memref_squeeze %get3A_1507 : memref<1x64x256xf32, #tpu.memory_space<vmem>> -> memref<64x256xf32, #tpu.memory_space<vmem>>
        %get3A_1509 = arith.index_cast %scan3A_1421 : i32 to index
        %get3A_1510 = arith.constant 16 : index
        %get3A_1511 = tpu.vector_load %get3A_1508[%get3A_1509, %get3A_1510] {strides = array<i32>} : memref<64x256xf32, #tpu.memory_space<vmem>>, vector<16xf32>,
        %sub3A_1512 = arith.subf %min3A_1503, %get3A_1511 : vector<16xf32>
        %lt3A_1513 = arith.constant 0 : i32
        %lt3A_1514 = vector.broadcast %lt3A_1513 : i32 to vector<16xi32>
        %lt3A_1515 = arith.cmpi slt, %select_n3A_1447, %lt3A_1514 : vector<16xi32>
        %add3A_1516 = arith.constant 16 : i32
        %add3A_1517 = vector.broadcast %add3A_1516 : i32 to vector<16xi32>
        %add3A_1518 = arith.addi %select_n3A_1447, %add3A_1517 : vector<16xi32>
        %select_n3A_1519 = arith.select %lt3A_1515, %add3A_1518, %select_n3A_1447 : vector<16xi1>, vector<16xi32>
        %reshape3A_1520 = vector.shape_cast %select_n3A_1519 : vector<16xi32> to vector<16x1xi32>
        %gather3A_1521 = vector.shape_cast %reshape3A_1520 : vector<16x1xi32> to vector<16xi32>
        %gather3A_1522 = tpu.dynamic_gather %sub3A_1029[%gather3A_1521] in [0] : vector<16xf32>, vector<16xi32> -> vector<16xf32>
        %select_n3A_1523 = arith.select %eq3A_1450, %gather3A_1492, %gather3A_1522 : vector<16xi1>, vector<16xf32>
        %le3A_1524 = arith.cmpf ole, %select_n3A_1523, %sub3A_1029 : vector<16xf32>
        %jit3A_1525 = arith.constant 1.000000e+00 : f32
        %jit3A_1526 = arith.constant 0.000000e+00 : f32
        %broadcast_in_dim3A_1527 = vector.broadcast %jit3A_1525 : f32 to vector<16xf32>
        %broadcast_in_dim3A_1528 = vector.broadcast %jit3A_1526 : f32 to vector<16xf32>
        %select_n3A_1529 = arith.select %le3A_1524, %broadcast_in_dim3A_1527, %broadcast_in_dim3A_1528 : vector<16xi1>, vector<16xf32>
        %swap3A_1530 = arith.index_cast %scan3A_1421 : i32 to index
        %swap3A_1531 = arith.constant 32 : index
        %swap3A_1532 = tpu.vector_load %arg5[%swap3A_1530, %swap3A_1531] {strides = array<i32>} : memref<64x256xf32, #tpu.memory_space<vmem>>, vector<16xf32>,
        tpu.vector_store %arg5[%swap3A_1530, %swap3A_1531], %select_n3A_1529 {strides = array<i32>} : memref<64x256xf32, #tpu.memory_space<vmem>>, vector<16xf32>,
        %min3A_1533 = arith.minimumf %sub3A_1029, %select_n3A_1523 : vector<16xf32>
        %get3A_1534 = arith.constant 0 : i32
        %get3A_1535 = arith.constant 0 : i32
        %get3A_1536 = arith.constant 0 : i32
        %get3A_1537 = tpu.memref_slice %arg4[%get3A_1534, %get3A_1535, %get3A_1536] : memref<2x64x256xf32, #tpu.memory_space<vmem>> -> memref<1x64x256xf32, #tpu.memory_space<vmem>>
        %get3A_1538 = tpu.memref_squeeze %get3A_1537 : memref<1x64x256xf32, #tpu.memory_space<vmem>> -> memref<64x256xf32, #tpu.memory_space<vmem>>
        %get3A_1539 = arith.index_cast %scan3A_1421 : i32 to index
        %get3A_1540 = arith.constant 32 : index
        %get3A_1541 = tpu.vector_load %get3A_1538[%get3A_1539, %get3A_1540] {strides = array<i32>} : memref<64x256xf32, #tpu.memory_space<vmem>>, vector<16xf32>,
        %sub3A_1542 = arith.subf %min3A_1533, %get3A_1541 : vector<16xf32>
        %lt3A_1543 = arith.constant 0 : i32
        %lt3A_1544 = vector.broadcast %lt3A_1543 : i32 to vector<16xi32>
        %lt3A_1545 = arith.cmpi slt, %select_n3A_1447, %lt3A_1544 : vector<16xi32>
        %add3A_1546 = arith.constant 16 : i32
        %add3A_1547 = vector.broadcast %add3A_1546 : i32 to vector<16xi32>
        %add3A_1548 = arith.addi %select_n3A_1447, %add3A_1547 : vector<16xi32>
        %select_n3A_1549 = arith.select %lt3A_1545, %add3A_1548, %select_n3A_1447 : vector<16xi1>, vector<16xi32>
        %reshape3A_1550 = vector.shape_cast %select_n3A_1549 : vector<16xi32> to vector<16x1xi32>
        %gather3A_1551 = vector.shape_cast %reshape3A_1550 : vector<16x1xi32> to vector<16xi32>
        %gather3A_1552 = tpu.dynamic_gather %sub3A_1059[%gather3A_1551] in [0] : vector<16xf32>, vector<16xi32> -> vector<16xf32>
        %select_n3A_1553 = arith.select %eq3A_1450, %gather3A_1522, %gather3A_1552 : vector<16xi1>, vector<16xf32>
        %le3A_1554 = arith.cmpf ole, %select_n3A_1553, %sub3A_1059 : vector<16xf32>
        %jit3A_1555 = arith.constant 1.000000e+00 : f32
        %jit3A_1556 = arith.constant 0.000000e+00 : f32
        %broadcast_in_dim3A_1557 = vector.broadcast %jit3A_1555 : f32 to vector<16xf32>
        %broadcast_in_dim3A_1558 = vector.broadcast %jit3A_1556 : f32 to vector<16xf32>
        %select_n3A_1559 = arith.select %le3A_1554, %broadcast_in_dim3A_1557, %broadcast_in_dim3A_1558 : vector<16xi1>, vector<16xf32>
        %swap3A_1560 = arith.index_cast %scan3A_1421 : i32 to index
        %swap3A_1561 = arith.constant 48 : index
        %swap3A_1562 = tpu.vector_load %arg5[%swap3A_1560, %swap3A_1561] {strides = array<i32>} : memref<64x256xf32, #tpu.memory_space<vmem>>, vector<16xf32>,
        tpu.vector_store %arg5[%swap3A_1560, %swap3A_1561], %select_n3A_1559 {strides = array<i32>} : memref<64x256xf32, #tpu.memory_space<vmem>>, vector<16xf32>,
        %min3A_1563 = arith.minimumf %sub3A_1059, %select_n3A_1553 : vector<16xf32>
        %get3A_1564 = arith.constant 0 : i32
        %get3A_1565 = arith.constant 0 : i32
        %get3A_1566 = arith.constant 0 : i32
        %get3A_1567 = tpu.memref_slice %arg4[%get3A_1564, %get3A_1565, %get3A_1566] : memref<2x64x256xf32, #tpu.memory_space<vmem>> -> memref<1x64x256xf32, #tpu.memory_space<vmem>>
        %get3A_1568 = tpu.memref_squeeze %get3A_1567 : memref<1x64x256xf32, #tpu.memory_space<vmem>> -> memref<64x256xf32, #tpu.memory_space<vmem>>
        %get3A_1569 = arith.index_cast %scan3A_1421 : i32 to index
        %get3A_1570 = arith.constant 48 : index
        %get3A_1571 = tpu.vector_load %get3A_1568[%get3A_1569, %get3A_1570] {strides = array<i32>} : memref<64x256xf32, #tpu.memory_space<vmem>>, vector<16xf32>,
        %sub3A_1572 = arith.subf %min3A_1563, %get3A_1571 : vector<16xf32>
        %lt3A_1573 = arith.constant 0 : i32
        %lt3A_1574 = vector.broadcast %lt3A_1573 : i32 to vector<16xi32>
        %lt3A_1575 = arith.cmpi slt, %select_n3A_1447, %lt3A_1574 : vector<16xi32>
        %add3A_1576 = arith.constant 16 : i32
        %add3A_1577 = vector.broadcast %add3A_1576 : i32 to vector<16xi32>
        %add3A_1578 = arith.addi %select_n3A_1447, %add3A_1577 : vector<16xi32>
        %select_n3A_1579 = arith.select %lt3A_1575, %add3A_1578, %select_n3A_1447 : vector<16xi1>, vector<16xi32>
        %reshape3A_1580 = vector.shape_cast %select_n3A_1579 : vector<16xi32> to vector<16x1xi32>
        %gather3A_1581 = vector.shape_cast %reshape3A_1580 : vector<16x1xi32> to vector<16xi32>
        %gather3A_1582 = tpu.dynamic_gather %sub3A_1089[%gather3A_1581] in [0] : vector<16xf32>, vector<16xi32> -> vector<16xf32>
        %select_n3A_1583 = arith.select %eq3A_1450, %gather3A_1552, %gather3A_1582 : vector<16xi1>, vector<16xf32>
        %le3A_1584 = arith.cmpf ole, %select_n3A_1583, %sub3A_1089 : vector<16xf32>
        %jit3A_1585 = arith.constant 1.000000e+00 : f32
        %jit3A_1586 = arith.constant 0.000000e+00 : f32
        %broadcast_in_dim3A_1587 = vector.broadcast %jit3A_1585 : f32 to vector<16xf32>
        %broadcast_in_dim3A_1588 = vector.broadcast %jit3A_1586 : f32 to vector<16xf32>
        %select_n3A_1589 = arith.select %le3A_1584, %broadcast_in_dim3A_1587, %broadcast_in_dim3A_1588 : vector<16xi1>, vector<16xf32>
        %swap3A_1590 = arith.index_cast %scan3A_1421 : i32 to index
        %swap3A_1591 = arith.constant 64 : index
        %swap3A_1592 = tpu.vector_load %arg5[%swap3A_1590, %swap3A_1591] {strides = array<i32>} : memref<64x256xf32, #tpu.memory_space<vmem>>, vector<16xf32>,
        tpu.vector_store %arg5[%swap3A_1590, %swap3A_1591], %select_n3A_1589 {strides = array<i32>} : memref<64x256xf32, #tpu.memory_space<vmem>>, vector<16xf32>,
        %min3A_1593 = arith.minimumf %sub3A_1089, %select_n3A_1583 : vector<16xf32>
        %get3A_1594 = arith.constant 0 : i32
        %get3A_1595 = arith.constant 0 : i32
        %get3A_1596 = arith.constant 0 : i32
        %get3A_1597 = tpu.memref_slice %arg4[%get3A_1594, %get3A_1595, %get3A_1596] : memref<2x64x256xf32, #tpu.memory_space<vmem>> -> memref<1x64x256xf32, #tpu.memory_space<vmem>>
        %get3A_1598 = tpu.memref_squeeze %get3A_1597 : memref<1x64x256xf32, #tpu.memory_space<vmem>> -> memref<64x256xf32, #tpu.memory_space<vmem>>
        %get3A_1599 = arith.index_cast %scan3A_1421 : i32 to index
        %get3A_1600 = arith.constant 64 : index
        %get3A_1601 = tpu.vector_load %get3A_1598[%get3A_1599, %get3A_1600] {strides = array<i32>} : memref<64x256xf32, #tpu.memory_space<vmem>>, vector<16xf32>,
        %sub3A_1602 = arith.subf %min3A_1593, %get3A_1601 : vector<16xf32>
        %lt3A_1603 = arith.constant 0 : i32
        %lt3A_1604 = vector.broadcast %lt3A_1603 : i32 to vector<16xi32>
        %lt3A_1605 = arith.cmpi slt, %select_n3A_1447, %lt3A_1604 : vector<16xi32>
        %add3A_1606 = arith.constant 16 : i32
        %add3A_1607 = vector.broadcast %add3A_1606 : i32 to vector<16xi32>
        %add3A_1608 = arith.addi %select_n3A_1447, %add3A_1607 : vector<16xi32>
        %select_n3A_1609 = arith.select %lt3A_1605, %add3A_1608, %select_n3A_1447 : vector<16xi1>, vector<16xi32>
        %reshape3A_1610 = vector.shape_cast %select_n3A_1609 : vector<16xi32> to vector<16x1xi32>
        %gather3A_1611 = vector.shape_cast %reshape3A_1610 : vector<16x1xi32> to vector<16xi32>
        %gather3A_1612 = tpu.dynamic_gather %sub3A_1119[%gather3A_1611] in [0] : vector<16xf32>, vector<16xi32> -> vector<16xf32>
        %select_n3A_1613 = arith.select %eq3A_1450, %gather3A_1582, %gather3A_1612 : vector<16xi1>, vector<16xf32>
        %le3A_1614 = arith.cmpf ole, %select_n3A_1613, %sub3A_1119 : vector<16xf32>
        %jit3A_1615 = arith.constant 1.000000e+00 : f32
        %jit3A_1616 = arith.constant 0.000000e+00 : f32
        %broadcast_in_dim3A_1617 = vector.broadcast %jit3A_1615 : f32 to vector<16xf32>
        %broadcast_in_dim3A_1618 = vector.broadcast %jit3A_1616 : f32 to vector<16xf32>
        %select_n3A_1619 = arith.select %le3A_1614, %broadcast_in_dim3A_1617, %broadcast_in_dim3A_1618 : vector<16xi1>, vector<16xf32>
        %swap3A_1620 = arith.index_cast %scan3A_1421 : i32 to index
        %swap3A_1621 = arith.constant 80 : index
        %swap3A_1622 = tpu.vector_load %arg5[%swap3A_1620, %swap3A_1621] {strides = array<i32>} : memref<64x256xf32, #tpu.memory_space<vmem>>, vector<16xf32>,
        tpu.vector_store %arg5[%swap3A_1620, %swap3A_1621], %select_n3A_1619 {strides = array<i32>} : memref<64x256xf32, #tpu.memory_space<vmem>>, vector<16xf32>,
        %min3A_1623 = arith.minimumf %sub3A_1119, %select_n3A_1613 : vector<16xf32>
        %get3A_1624 = arith.constant 0 : i32
        %get3A_1625 = arith.constant 0 : i32
        %get3A_1626 = arith.constant 0 : i32
        %get3A_1627 = tpu.memref_slice %arg4[%get3A_1624, %get3A_1625, %get3A_1626] : memref<2x64x256xf32, #tpu.memory_space<vmem>> -> memref<1x64x256xf32, #tpu.memory_space<vmem>>
        %get3A_1628 = tpu.memref_squeeze %get3A_1627 : memref<1x64x256xf32, #tpu.memory_space<vmem>> -> memref<64x256xf32, #tpu.memory_space<vmem>>
        %get3A_1629 = arith.index_cast %scan3A_1421 : i32 to index
        %get3A_1630 = arith.constant 80 : index
        %get3A_1631 = tpu.vector_load %get3A_1628[%get3A_1629, %get3A_1630] {strides = array<i32>} : memref<64x256xf32, #tpu.memory_space<vmem>>, vector<16xf32>,
        %sub3A_1632 = arith.subf %min3A_1623, %get3A_1631 : vector<16xf32>
        %lt3A_1633 = arith.constant 0 : i32
        %lt3A_1634 = vector.broadcast %lt3A_1633 : i32 to vector<16xi32>
        %lt3A_1635 = arith.cmpi slt, %select_n3A_1447, %lt3A_1634 : vector<16xi32>
        %add3A_1636 = arith.constant 16 : i32
        %add3A_1637 = vector.broadcast %add3A_1636 : i32 to vector<16xi32>
        %add3A_1638 = arith.addi %select_n3A_1447, %add3A_1637 : vector<16xi32>
        %select_n3A_1639 = arith.select %lt3A_1635, %add3A_1638, %select_n3A_1447 : vector<16xi1>, vector<16xi32>
        %reshape3A_1640 = vector.shape_cast %select_n3A_1639 : vector<16xi32> to vector<16x1xi32>
        %gather3A_1641 = vector.shape_cast %reshape3A_1640 : vector<16x1xi32> to vector<16xi32>
        %gather3A_1642 = tpu.dynamic_gather %sub3A_1149[%gather3A_1641] in [0] : vector<16xf32>, vector<16xi32> -> vector<16xf32>
        %select_n3A_1643 = arith.select %eq3A_1450, %gather3A_1612, %gather3A_1642 : vector<16xi1>, vector<16xf32>
        %le3A_1644 = arith.cmpf ole, %select_n3A_1643, %sub3A_1149 : vector<16xf32>
        %jit3A_1645 = arith.constant 1.000000e+00 : f32
        %jit3A_1646 = arith.constant 0.000000e+00 : f32
        %broadcast_in_dim3A_1647 = vector.broadcast %jit3A_1645 : f32 to vector<16xf32>
        %broadcast_in_dim3A_1648 = vector.broadcast %jit3A_1646 : f32 to vector<16xf32>
        %select_n3A_1649 = arith.select %le3A_1644, %broadcast_in_dim3A_1647, %broadcast_in_dim3A_1648 : vector<16xi1>, vector<16xf32>
        %swap3A_1650 = arith.index_cast %scan3A_1421 : i32 to index
        %swap3A_1651 = arith.constant 96 : index
        %swap3A_1652 = tpu.vector_load %arg5[%swap3A_1650, %swap3A_1651] {strides = array<i32>} : memref<64x256xf32, #tpu.memory_space<vmem>>, vector<16xf32>,
        tpu.vector_store %arg5[%swap3A_1650, %swap3A_1651], %select_n3A_1649 {strides = array<i32>} : memref<64x256xf32, #tpu.memory_space<vmem>>, vector<16xf32>,
        %min3A_1653 = arith.minimumf %sub3A_1149, %select_n3A_1643 : vector<16xf32>
        %get3A_1654 = arith.constant 0 : i32
        %get3A_1655 = arith.constant 0 : i32
        %get3A_1656 = arith.constant 0 : i32
        %get3A_1657 = tpu.memref_slice %arg4[%get3A_1654, %get3A_1655, %get3A_1656] : memref<2x64x256xf32, #tpu.memory_space<vmem>> -> memref<1x64x256xf32, #tpu.memory_space<vmem>>
        %get3A_1658 = tpu.memref_squeeze %get3A_1657 : memref<1x64x256xf32, #tpu.memory_space<vmem>> -> memref<64x256xf32, #tpu.memory_space<vmem>>
        %get3A_1659 = arith.index_cast %scan3A_1421 : i32 to index
        %get3A_1660 = arith.constant 96 : index
        %get3A_1661 = tpu.vector_load %get3A_1658[%get3A_1659, %get3A_1660] {strides = array<i32>} : memref<64x256xf32, #tpu.memory_space<vmem>>, vector<16xf32>,
        %sub3A_1662 = arith.subf %min3A_1653, %get3A_1661 : vector<16xf32>
        %lt3A_1663 = arith.constant 0 : i32
        %lt3A_1664 = vector.broadcast %lt3A_1663 : i32 to vector<16xi32>
        %lt3A_1665 = arith.cmpi slt, %select_n3A_1447, %lt3A_1664 : vector<16xi32>
        %add3A_1666 = arith.constant 16 : i32
        %add3A_1667 = vector.broadcast %add3A_1666 : i32 to vector<16xi32>
        %add3A_1668 = arith.addi %select_n3A_1447, %add3A_1667 : vector<16xi32>
        %select_n3A_1669 = arith.select %lt3A_1665, %add3A_1668, %select_n3A_1447 : vector<16xi1>, vector<16xi32>
        %reshape3A_1670 = vector.shape_cast %select_n3A_1669 : vector<16xi32> to vector<16x1xi32>
        %gather3A_1671 = vector.shape_cast %reshape3A_1670 : vector<16x1xi32> to vector<16xi32>
        %gather3A_1672 = tpu.dynamic_gather %sub3A_1179[%gather3A_1671] in [0] : vector<16xf32>, vector<16xi32> -> vector<16xf32>
        %select_n3A_1673 = arith.select %eq3A_1450, %gather3A_1642, %gather3A_1672 : vector<16xi1>, vector<16xf32>
        %le3A_1674 = arith.cmpf ole, %select_n3A_1673, %sub3A_1179 : vector<16xf32>
        %jit3A_1675 = arith.constant 1.000000e+00 : f32
        %jit3A_1676 = arith.constant 0.000000e+00 : f32
        %broadcast_in_dim3A_1677 = vector.broadcast %jit3A_1675 : f32 to vector<16xf32>
        %broadcast_in_dim3A_1678 = vector.broadcast %jit3A_1676 : f32 to vector<16xf32>
        %select_n3A_1679 = arith.select %le3A_1674, %broadcast_in_dim3A_1677, %broadcast_in_dim3A_1678 : vector<16xi1>, vector<16xf32>
        %swap3A_1680 = arith.index_cast %scan3A_1421 : i32 to index
        %swap3A_1681 = arith.constant 112 : index
        %swap3A_1682 = tpu.vector_load %arg5[%swap3A_1680, %swap3A_1681] {strides = array<i32>} : memref<64x256xf32, #tpu.memory_space<vmem>>, vector<16xf32>,
        tpu.vector_store %arg5[%swap3A_1680, %swap3A_1681], %select_n3A_1679 {strides = array<i32>} : memref<64x256xf32, #tpu.memory_space<vmem>>, vector<16xf32>,
        %min3A_1683 = arith.minimumf %sub3A_1179, %select_n3A_1673 : vector<16xf32>
        %get3A_1684 = arith.constant 0 : i32
        %get3A_1685 = arith.constant 0 : i32
        %get3A_1686 = arith.constant 0 : i32
        %get3A_1687 = tpu.memref_slice %arg4[%get3A_1684, %get3A_1685, %get3A_1686] : memref<2x64x256xf32, #tpu.memory_space<vmem>> -> memref<1x64x256xf32, #tpu.memory_space<vmem>>
        %get3A_1688 = tpu.memref_squeeze %get3A_1687 : memref<1x64x256xf32, #tpu.memory_space<vmem>> -> memref<64x256xf32, #tpu.memory_space<vmem>>
        %get3A_1689 = arith.index_cast %scan3A_1421 : i32 to index
        %get3A_1690 = arith.constant 112 : index
        %get3A_1691 = tpu.vector_load %get3A_1688[%get3A_1689, %get3A_1690] {strides = array<i32>} : memref<64x256xf32, #tpu.memory_space<vmem>>, vector<16xf32>,
        %sub3A_1692 = arith.subf %min3A_1683, %get3A_1691 : vector<16xf32>
        %lt3A_1693 = arith.constant 0 : i32
        %lt3A_1694 = vector.broadcast %lt3A_1693 : i32 to vector<16xi32>
        %lt3A_1695 = arith.cmpi slt, %select_n3A_1447, %lt3A_1694 : vector<16xi32>
        %add3A_1696 = arith.constant 16 : i32
        %add3A_1697 = vector.broadcast %add3A_1696 : i32 to vector<16xi32>
        %add3A_1698 = arith.addi %select_n3A_1447, %add3A_1697 : vector<16xi32>
        %select_n3A_1699 = arith.select %lt3A_1695, %add3A_1698, %select_n3A_1447 : vector<16xi1>, vector<16xi32>
        %reshape3A_1700 = vector.shape_cast %select_n3A_1699 : vector<16xi32> to vector<16x1xi32>
        %gather3A_1701 = vector.shape_cast %reshape3A_1700 : vector<16x1xi32> to vector<16xi32>
        %gather3A_1702 = tpu.dynamic_gather %sub3A_1209[%gather3A_1701] in [0] : vector<16xf32>, vector<16xi32> -> vector<16xf32>
        %select_n3A_1703 = arith.select %eq3A_1450, %gather3A_1672, %gather3A_1702 : vector<16xi1>, vector<16xf32>
        %le3A_1704 = arith.cmpf ole, %select_n3A_1703, %sub3A_1209 : vector<16xf32>
        %jit3A_1705 = arith.constant 1.000000e+00 : f32
        %jit3A_1706 = arith.constant 0.000000e+00 : f32
        %broadcast_in_dim3A_1707 = vector.broadcast %jit3A_1705 : f32 to vector<16xf32>
        %broadcast_in_dim3A_1708 = vector.broadcast %jit3A_1706 : f32 to vector<16xf32>
        %select_n3A_1709 = arith.select %le3A_1704, %broadcast_in_dim3A_1707, %broadcast_in_dim3A_1708 : vector<16xi1>, vector<16xf32>
        %swap3A_1710 = arith.index_cast %scan3A_1421 : i32 to index
        %swap3A_1711 = arith.constant 128 : index
        %swap3A_1712 = tpu.vector_load %arg5[%swap3A_1710, %swap3A_1711] {strides = array<i32>} : memref<64x256xf32, #tpu.memory_space<vmem>>, vector<16xf32>,
        tpu.vector_store %arg5[%swap3A_1710, %swap3A_1711], %select_n3A_1709 {strides = array<i32>} : memref<64x256xf32, #tpu.memory_space<vmem>>, vector<16xf32>,
        %min3A_1713 = arith.minimumf %sub3A_1209, %select_n3A_1703 : vector<16xf32>
        %get3A_1714 = arith.constant 0 : i32
        %get3A_1715 = arith.constant 0 : i32
        %get3A_1716 = arith.constant 0 : i32
        %get3A_1717 = tpu.memref_slice %arg4[%get3A_1714, %get3A_1715, %get3A_1716] : memref<2x64x256xf32, #tpu.memory_space<vmem>> -> memref<1x64x256xf32, #tpu.memory_space<vmem>>
        %get3A_1718 = tpu.memref_squeeze %get3A_1717 : memref<1x64x256xf32, #tpu.memory_space<vmem>> -> memref<64x256xf32, #tpu.memory_space<vmem>>
        %get3A_1719 = arith.index_cast %scan3A_1421 : i32 to index
        %get3A_1720 = arith.constant 128 : index
        %get3A_1721 = tpu.vector_load %get3A_1718[%get3A_1719, %get3A_1720] {strides = array<i32>} : memref<64x256xf32, #tpu.memory_space<vmem>>, vector<16xf32>,
        %sub3A_1722 = arith.subf %min3A_1713, %get3A_1721 : vector<16xf32>
        %lt3A_1723 = arith.constant 0 : i32
        %lt3A_1724 = vector.broadcast %lt3A_1723 : i32 to vector<16xi32>
        %lt3A_1725 = arith.cmpi slt, %select_n3A_1447, %lt3A_1724 : vector<16xi32>
        %add3A_1726 = arith.constant 16 : i32
        %add3A_1727 = vector.broadcast %add3A_1726 : i32 to vector<16xi32>
        %add3A_1728 = arith.addi %select_n3A_1447, %add3A_1727 : vector<16xi32>
        %select_n3A_1729 = arith.select %lt3A_1725, %add3A_1728, %select_n3A_1447 : vector<16xi1>, vector<16xi32>
        %reshape3A_1730 = vector.shape_cast %select_n3A_1729 : vector<16xi32> to vector<16x1xi32>
        %gather3A_1731 = vector.shape_cast %reshape3A_1730 : vector<16x1xi32> to vector<16xi32>
        %gather3A_1732 = tpu.dynamic_gather %sub3A_1239[%gather3A_1731] in [0] : vector<16xf32>, vector<16xi32> -> vector<16xf32>
        %select_n3A_1733 = arith.select %eq3A_1450, %gather3A_1702, %gather3A_1732 : vector<16xi1>, vector<16xf32>
        %le3A_1734 = arith.cmpf ole, %select_n3A_1733, %sub3A_1239 : vector<16xf32>
        %jit3A_1735 = arith.constant 1.000000e+00 : f32
        %jit3A_1736 = arith.constant 0.000000e+00 : f32
        %broadcast_in_dim3A_1737 = vector.broadcast %jit3A_1735 : f32 to vector<16xf32>
        %broadcast_in_dim3A_1738 = vector.broadcast %jit3A_1736 : f32 to vector<16xf32>
        %select_n3A_1739 = arith.select %le3A_1734, %broadcast_in_dim3A_1737, %broadcast_in_dim3A_1738 : vector<16xi1>, vector<16xf32>
        %swap3A_1740 = arith.index_cast %scan3A_1421 : i32 to index
        %swap3A_1741 = arith.constant 144 : index
        %swap3A_1742 = tpu.vector_load %arg5[%swap3A_1740, %swap3A_1741] {strides = array<i32>} : memref<64x256xf32, #tpu.memory_space<vmem>>, vector<16xf32>,
        tpu.vector_store %arg5[%swap3A_1740, %swap3A_1741], %select_n3A_1739 {strides = array<i32>} : memref<64x256xf32, #tpu.memory_space<vmem>>, vector<16xf32>,
        %min3A_1743 = arith.minimumf %sub3A_1239, %select_n3A_1733 : vector<16xf32>
        %get3A_1744 = arith.constant 0 : i32
        %get3A_1745 = arith.constant 0 : i32
        %get3A_1746 = arith.constant 0 : i32
        %get3A_1747 = tpu.memref_slice %arg4[%get3A_1744, %get3A_1745, %get3A_1746] : memref<2x64x256xf32, #tpu.memory_space<vmem>> -> memref<1x64x256xf32, #tpu.memory_space<vmem>>
        %get3A_1748 = tpu.memref_squeeze %get3A_1747 : memref<1x64x256xf32, #tpu.memory_space<vmem>> -> memref<64x256xf32, #tpu.memory_space<vmem>>
        %get3A_1749 = arith.index_cast %scan3A_1421 : i32 to index
        %get3A_1750 = arith.constant 144 : index
        %get3A_1751 = tpu.vector_load %get3A_1748[%get3A_1749, %get3A_1750] {strides = array<i32>} : memref<64x256xf32, #tpu.memory_space<vmem>>, vector<16xf32>,
        %sub3A_1752 = arith.subf %min3A_1743, %get3A_1751 : vector<16xf32>
        %lt3A_1753 = arith.constant 0 : i32
        %lt3A_1754 = vector.broadcast %lt3A_1753 : i32 to vector<16xi32>
        %lt3A_1755 = arith.cmpi slt, %select_n3A_1447, %lt3A_1754 : vector<16xi32>
        %add3A_1756 = arith.constant 16 : i32
        %add3A_1757 = vector.broadcast %add3A_1756 : i32 to vector<16xi32>
        %add3A_1758 = arith.addi %select_n3A_1447, %add3A_1757 : vector<16xi32>
        %select_n3A_1759 = arith.select %lt3A_1755, %add3A_1758, %select_n3A_1447 : vector<16xi1>, vector<16xi32>
        %reshape3A_1760 = vector.shape_cast %select_n3A_1759 : vector<16xi32> to vector<16x1xi32>
        %gather3A_1761 = vector.shape_cast %reshape3A_1760 : vector<16x1xi32> to vector<16xi32>
        %gather3A_1762 = tpu.dynamic_gather %sub3A_1269[%gather3A_1761] in [0] : vector<16xf32>, vector<16xi32> -> vector<16xf32>
        %select_n3A_1763 = arith.select %eq3A_1450, %gather3A_1732, %gather3A_1762 : vector<16xi1>, vector<16xf32>
        %le3A_1764 = arith.cmpf ole, %select_n3A_1763, %sub3A_1269 : vector<16xf32>
        %jit3A_1765 = arith.constant 1.000000e+00 : f32
        %jit3A_1766 = arith.constant 0.000000e+00 : f32
        %broadcast_in_dim3A_1767 = vector.broadcast %jit3A_1765 : f32 to vector<16xf32>
        %broadcast_in_dim3A_1768 = vector.broadcast %jit3A_1766 : f32 to vector<16xf32>
        %select_n3A_1769 = arith.select %le3A_1764, %broadcast_in_dim3A_1767, %broadcast_in_dim3A_1768 : vector<16xi1>, vector<16xf32>
        %swap3A_1770 = arith.index_cast %scan3A_1421 : i32 to index
        %swap3A_1771 = arith.constant 160 : index
        %swap3A_1772 = tpu.vector_load %arg5[%swap3A_1770, %swap3A_1771] {strides = array<i32>} : memref<64x256xf32, #tpu.memory_space<vmem>>, vector<16xf32>,
        tpu.vector_store %arg5[%swap3A_1770, %swap3A_1771], %select_n3A_1769 {strides = array<i32>} : memref<64x256xf32, #tpu.memory_space<vmem>>, vector<16xf32>,
        %min3A_1773 = arith.minimumf %sub3A_1269, %select_n3A_1763 : vector<16xf32>
        %get3A_1774 = arith.constant 0 : i32
        %get3A_1775 = arith.constant 0 : i32
        %get3A_1776 = arith.constant 0 : i32
        %get3A_1777 = tpu.memref_slice %arg4[%get3A_1774, %get3A_1775, %get3A_1776] : memref<2x64x256xf32, #tpu.memory_space<vmem>> -> memref<1x64x256xf32, #tpu.memory_space<vmem>>
        %get3A_1778 = tpu.memref_squeeze %get3A_1777 : memref<1x64x256xf32, #tpu.memory_space<vmem>> -> memref<64x256xf32, #tpu.memory_space<vmem>>
        %get3A_1779 = arith.index_cast %scan3A_1421 : i32 to index
        %get3A_1780 = arith.constant 160 : index
        %get3A_1781 = tpu.vector_load %get3A_1778[%get3A_1779, %get3A_1780] {strides = array<i32>} : memref<64x256xf32, #tpu.memory_space<vmem>>, vector<16xf32>,
        %sub3A_1782 = arith.subf %min3A_1773, %get3A_1781 : vector<16xf32>
        %lt3A_1783 = arith.constant 0 : i32
        %lt3A_1784 = vector.broadcast %lt3A_1783 : i32 to vector<16xi32>
        %lt3A_1785 = arith.cmpi slt, %select_n3A_1447, %lt3A_1784 : vector<16xi32>
        %add3A_1786 = arith.constant 16 : i32
        %add3A_1787 = vector.broadcast %add3A_1786 : i32 to vector<16xi32>
        %add3A_1788 = arith.addi %select_n3A_1447, %add3A_1787 : vector<16xi32>
        %select_n3A_1789 = arith.select %lt3A_1785, %add3A_1788, %select_n3A_1447 : vector<16xi1>, vector<16xi32>
        %reshape3A_1790 = vector.shape_cast %select_n3A_1789 : vector<16xi32> to vector<16x1xi32>
        %gather3A_1791 = vector.shape_cast %reshape3A_1790 : vector<16x1xi32> to vector<16xi32>
        %gather3A_1792 = tpu.dynamic_gather %sub3A_1299[%gather3A_1791] in [0] : vector<16xf32>, vector<16xi32> -> vector<16xf32>
        %select_n3A_1793 = arith.select %eq3A_1450, %gather3A_1762, %gather3A_1792 : vector<16xi1>, vector<16xf32>
        %le3A_1794 = arith.cmpf ole, %select_n3A_1793, %sub3A_1299 : vector<16xf32>
        %jit3A_1795 = arith.constant 1.000000e+00 : f32
        %jit3A_1796 = arith.constant 0.000000e+00 : f32
        %broadcast_in_dim3A_1797 = vector.broadcast %jit3A_1795 : f32 to vector<16xf32>
        %broadcast_in_dim3A_1798 = vector.broadcast %jit3A_1796 : f32 to vector<16xf32>
        %select_n3A_1799 = arith.select %le3A_1794, %broadcast_in_dim3A_1797, %broadcast_in_dim3A_1798 : vector<16xi1>, vector<16xf32>
        %swap3A_1800 = arith.index_cast %scan3A_1421 : i32 to index
        %swap3A_1801 = arith.constant 176 : index
        %swap3A_1802 = tpu.vector_load %arg5[%swap3A_1800, %swap3A_1801] {strides = array<i32>} : memref<64x256xf32, #tpu.memory_space<vmem>>, vector<16xf32>,
        tpu.vector_store %arg5[%swap3A_1800, %swap3A_1801], %select_n3A_1799 {strides = array<i32>} : memref<64x256xf32, #tpu.memory_space<vmem>>, vector<16xf32>,
        %min3A_1803 = arith.minimumf %sub3A_1299, %select_n3A_1793 : vector<16xf32>
        %get3A_1804 = arith.constant 0 : i32
        %get3A_1805 = arith.constant 0 : i32
        %get3A_1806 = arith.constant 0 : i32
        %get3A_1807 = tpu.memref_slice %arg4[%get3A_1804, %get3A_1805, %get3A_1806] : memref<2x64x256xf32, #tpu.memory_space<vmem>> -> memref<1x64x256xf32, #tpu.memory_space<vmem>>
        %get3A_1808 = tpu.memref_squeeze %get3A_1807 : memref<1x64x256xf32, #tpu.memory_space<vmem>> -> memref<64x256xf32, #tpu.memory_space<vmem>>
        %get3A_1809 = arith.index_cast %scan3A_1421 : i32 to index
        %get3A_1810 = arith.constant 176 : index
        %get3A_1811 = tpu.vector_load %get3A_1808[%get3A_1809, %get3A_1810] {strides = array<i32>} : memref<64x256xf32, #tpu.memory_space<vmem>>, vector<16xf32>,
        %sub3A_1812 = arith.subf %min3A_1803, %get3A_1811 : vector<16xf32>
        %lt3A_1813 = arith.constant 0 : i32
        %lt3A_1814 = vector.broadcast %lt3A_1813 : i32 to vector<16xi32>
        %lt3A_1815 = arith.cmpi slt, %select_n3A_1447, %lt3A_1814 : vector<16xi32>
        %add3A_1816 = arith.constant 16 : i32
        %add3A_1817 = vector.broadcast %add3A_1816 : i32 to vector<16xi32>
        %add3A_1818 = arith.addi %select_n3A_1447, %add3A_1817 : vector<16xi32>
        %select_n3A_1819 = arith.select %lt3A_1815, %add3A_1818, %select_n3A_1447 : vector<16xi1>, vector<16xi32>
        %reshape3A_1820 = vector.shape_cast %select_n3A_1819 : vector<16xi32> to vector<16x1xi32>
        %gather3A_1821 = vector.shape_cast %reshape3A_1820 : vector<16x1xi32> to vector<16xi32>
        %gather3A_1822 = tpu.dynamic_gather %sub3A_1329[%gather3A_1821] in [0] : vector<16xf32>, vector<16xi32> -> vector<16xf32>
        %select_n3A_1823 = arith.select %eq3A_1450, %gather3A_1792, %gather3A_1822 : vector<16xi1>, vector<16xf32>
        %le3A_1824 = arith.cmpf ole, %select_n3A_1823, %sub3A_1329 : vector<16xf32>
        %jit3A_1825 = arith.constant 1.000000e+00 : f32
        %jit3A_1826 = arith.constant 0.000000e+00 : f32
        %broadcast_in_dim3A_1827 = vector.broadcast %jit3A_1825 : f32 to vector<16xf32>
        %broadcast_in_dim3A_1828 = vector.broadcast %jit3A_1826 : f32 to vector<16xf32>
        %select_n3A_1829 = arith.select %le3A_1824, %broadcast_in_dim3A_1827, %broadcast_in_dim3A_1828 : vector<16xi1>, vector<16xf32>
        %swap3A_1830 = arith.index_cast %scan3A_1421 : i32 to index
        %swap3A_1831 = arith.constant 192 : index
        %swap3A_1832 = tpu.vector_load %arg5[%swap3A_1830, %swap3A_1831] {strides = array<i32>} : memref<64x256xf32, #tpu.memory_space<vmem>>, vector<16xf32>,
        tpu.vector_store %arg5[%swap3A_1830, %swap3A_1831], %select_n3A_1829 {strides = array<i32>} : memref<64x256xf32, #tpu.memory_space<vmem>>, vector<16xf32>,
        %min3A_1833 = arith.minimumf %sub3A_1329, %select_n3A_1823 : vector<16xf32>
        %get3A_1834 = arith.constant 0 : i32
        %get3A_1835 = arith.constant 0 : i32
        %get3A_1836 = arith.constant 0 : i32
        %get3A_1837 = tpu.memref_slice %arg4[%get3A_1834, %get3A_1835, %get3A_1836] : memref<2x64x256xf32, #tpu.memory_space<vmem>> -> memref<1x64x256xf32, #tpu.memory_space<vmem>>
        %get3A_1838 = tpu.memref_squeeze %get3A_1837 : memref<1x64x256xf32, #tpu.memory_space<vmem>> -> memref<64x256xf32, #tpu.memory_space<vmem>>
        %get3A_1839 = arith.index_cast %scan3A_1421 : i32 to index
        %get3A_1840 = arith.constant 192 : index
        %get3A_1841 = tpu.vector_load %get3A_1838[%get3A_1839, %get3A_1840] {strides = array<i32>} : memref<64x256xf32, #tpu.memory_space<vmem>>, vector<16xf32>,
        %sub3A_1842 = arith.subf %min3A_1833, %get3A_1841 : vector<16xf32>
        %lt3A_1843 = arith.constant 0 : i32
        %lt3A_1844 = vector.broadcast %lt3A_1843 : i32 to vector<16xi32>
        %lt3A_1845 = arith.cmpi slt, %select_n3A_1447, %lt3A_1844 : vector<16xi32>
        %add3A_1846 = arith.constant 16 : i32
        %add3A_1847 = vector.broadcast %add3A_1846 : i32 to vector<16xi32>
        %add3A_1848 = arith.addi %select_n3A_1447, %add3A_1847 : vector<16xi32>
        %select_n3A_1849 = arith.select %lt3A_1845, %add3A_1848, %select_n3A_1447 : vector<16xi1>, vector<16xi32>
        %reshape3A_1850 = vector.shape_cast %select_n3A_1849 : vector<16xi32> to vector<16x1xi32>
        %gather3A_1851 = vector.shape_cast %reshape3A_1850 : vector<16x1xi32> to vector<16xi32>
        %gather3A_1852 = tpu.dynamic_gather %sub3A_1359[%gather3A_1851] in [0] : vector<16xf32>, vector<16xi32> -> vector<16xf32>
        %select_n3A_1853 = arith.select %eq3A_1450, %gather3A_1822, %gather3A_1852 : vector<16xi1>, vector<16xf32>
        %le3A_1854 = arith.cmpf ole, %select_n3A_1853, %sub3A_1359 : vector<16xf32>
        %jit3A_1855 = arith.constant 1.000000e+00 : f32
        %jit3A_1856 = arith.constant 0.000000e+00 : f32
        %broadcast_in_dim3A_1857 = vector.broadcast %jit3A_1855 : f32 to vector<16xf32>
        %broadcast_in_dim3A_1858 = vector.broadcast %jit3A_1856 : f32 to vector<16xf32>
        %select_n3A_1859 = arith.select %le3A_1854, %broadcast_in_dim3A_1857, %broadcast_in_dim3A_1858 : vector<16xi1>, vector<16xf32>
        %swap3A_1860 = arith.index_cast %scan3A_1421 : i32 to index
        %swap3A_1861 = arith.constant 208 : index
        %swap3A_1862 = tpu.vector_load %arg5[%swap3A_1860, %swap3A_1861] {strides = array<i32>} : memref<64x256xf32, #tpu.memory_space<vmem>>, vector<16xf32>,
        tpu.vector_store %arg5[%swap3A_1860, %swap3A_1861], %select_n3A_1859 {strides = array<i32>} : memref<64x256xf32, #tpu.memory_space<vmem>>, vector<16xf32>,
        %min3A_1863 = arith.minimumf %sub3A_1359, %select_n3A_1853 : vector<16xf32>
        %get3A_1864 = arith.constant 0 : i32
        %get3A_1865 = arith.constant 0 : i32
        %get3A_1866 = arith.constant 0 : i32
        %get3A_1867 = tpu.memref_slice %arg4[%get3A_1864, %get3A_1865, %get3A_1866] : memref<2x64x256xf32, #tpu.memory_space<vmem>> -> memref<1x64x256xf32, #tpu.memory_space<vmem>>
        %get3A_1868 = tpu.memref_squeeze %get3A_1867 : memref<1x64x256xf32, #tpu.memory_space<vmem>> -> memref<64x256xf32, #tpu.memory_space<vmem>>
        %get3A_1869 = arith.index_cast %scan3A_1421 : i32 to index
        %get3A_1870 = arith.constant 208 : index
        %get3A_1871 = tpu.vector_load %get3A_1868[%get3A_1869, %get3A_1870] {strides = array<i32>} : memref<64x256xf32, #tpu.memory_space<vmem>>, vector<16xf32>,
        %sub3A_1872 = arith.subf %min3A_1863, %get3A_1871 : vector<16xf32>
        %lt3A_1873 = arith.constant 0 : i32
        %lt3A_1874 = vector.broadcast %lt3A_1873 : i32 to vector<16xi32>
        %lt3A_1875 = arith.cmpi slt, %select_n3A_1447, %lt3A_1874 : vector<16xi32>
        %add3A_1876 = arith.constant 16 : i32
        %add3A_1877 = vector.broadcast %add3A_1876 : i32 to vector<16xi32>
        %add3A_1878 = arith.addi %select_n3A_1447, %add3A_1877 : vector<16xi32>
        %select_n3A_1879 = arith.select %lt3A_1875, %add3A_1878, %select_n3A_1447 : vector<16xi1>, vector<16xi32>
        %reshape3A_1880 = vector.shape_cast %select_n3A_1879 : vector<16xi32> to vector<16x1xi32>
        %gather3A_1881 = vector.shape_cast %reshape3A_1880 : vector<16x1xi32> to vector<16xi32>
        %gather3A_1882 = tpu.dynamic_gather %sub3A_1389[%gather3A_1881] in [0] : vector<16xf32>, vector<16xi32> -> vector<16xf32>
        %select_n3A_1883 = arith.select %eq3A_1450, %gather3A_1852, %gather3A_1882 : vector<16xi1>, vector<16xf32>
        %le3A_1884 = arith.cmpf ole, %select_n3A_1883, %sub3A_1389 : vector<16xf32>
        %jit3A_1885 = arith.constant 1.000000e+00 : f32
        %jit3A_1886 = arith.constant 0.000000e+00 : f32
        %broadcast_in_dim3A_1887 = vector.broadcast %jit3A_1885 : f32 to vector<16xf32>
        %broadcast_in_dim3A_1888 = vector.broadcast %jit3A_1886 : f32 to vector<16xf32>
        %select_n3A_1889 = arith.select %le3A_1884, %broadcast_in_dim3A_1887, %broadcast_in_dim3A_1888 : vector<16xi1>, vector<16xf32>
        %swap3A_1890 = arith.index_cast %scan3A_1421 : i32 to index
        %swap3A_1891 = arith.constant 224 : index
        %swap3A_1892 = tpu.vector_load %arg5[%swap3A_1890, %swap3A_1891] {strides = array<i32>} : memref<64x256xf32, #tpu.memory_space<vmem>>, vector<16xf32>,
        tpu.vector_store %arg5[%swap3A_1890, %swap3A_1891], %select_n3A_1889 {strides = array<i32>} : memref<64x256xf32, #tpu.memory_space<vmem>>, vector<16xf32>,
        %min3A_1893 = arith.minimumf %sub3A_1389, %select_n3A_1883 : vector<16xf32>
        %get3A_1894 = arith.constant 0 : i32
        %get3A_1895 = arith.constant 0 : i32
        %get3A_1896 = arith.constant 0 : i32
        %get3A_1897 = tpu.memref_slice %arg4[%get3A_1894, %get3A_1895, %get3A_1896] : memref<2x64x256xf32, #tpu.memory_space<vmem>> -> memref<1x64x256xf32, #tpu.memory_space<vmem>>
        %get3A_1898 = tpu.memref_squeeze %get3A_1897 : memref<1x64x256xf32, #tpu.memory_space<vmem>> -> memref<64x256xf32, #tpu.memory_space<vmem>>
        %get3A_1899 = arith.index_cast %scan3A_1421 : i32 to index
        %get3A_1900 = arith.constant 224 : index
        %get3A_1901 = tpu.vector_load %get3A_1898[%get3A_1899, %get3A_1900] {strides = array<i32>} : memref<64x256xf32, #tpu.memory_space<vmem>>, vector<16xf32>,
        %sub3A_1902 = arith.subf %min3A_1893, %get3A_1901 : vector<16xf32>
        %lt3A_1903 = arith.constant 0 : i32
        %lt3A_1904 = vector.broadcast %lt3A_1903 : i32 to vector<16xi32>
        %lt3A_1905 = arith.cmpi slt, %select_n3A_1447, %lt3A_1904 : vector<16xi32>
        %add3A_1906 = arith.constant 16 : i32
        %add3A_1907 = vector.broadcast %add3A_1906 : i32 to vector<16xi32>
        %add3A_1908 = arith.addi %select_n3A_1447, %add3A_1907 : vector<16xi32>
        %select_n3A_1909 = arith.select %lt3A_1905, %add3A_1908, %select_n3A_1447 : vector<16xi1>, vector<16xi32>
        %reshape3A_1910 = vector.shape_cast %select_n3A_1909 : vector<16xi32> to vector<16x1xi32>
        %gather3A_1911 = vector.shape_cast %reshape3A_1910 : vector<16x1xi32> to vector<16xi32>
        %gather3A_1912 = tpu.dynamic_gather %sub3A_1419[%gather3A_1911] in [0] : vector<16xf32>, vector<16xi32> -> vector<16xf32>
        %select_n3A_1913 = arith.select %eq3A_1450, %gather3A_1882, %gather3A_1912 : vector<16xi1>, vector<16xf32>
        %le3A_1914 = arith.cmpf ole, %select_n3A_1913, %sub3A_1419 : vector<16xf32>
        %jit3A_1915 = arith.constant 1.000000e+00 : f32
        %jit3A_1916 = arith.constant 0.000000e+00 : f32
        %broadcast_in_dim3A_1917 = vector.broadcast %jit3A_1915 : f32 to vector<16xf32>
        %broadcast_in_dim3A_1918 = vector.broadcast %jit3A_1916 : f32 to vector<16xf32>
        %select_n3A_1919 = arith.select %le3A_1914, %broadcast_in_dim3A_1917, %broadcast_in_dim3A_1918 : vector<16xi1>, vector<16xf32>
        %swap3A_1920 = arith.index_cast %scan3A_1421 : i32 to index
        %swap3A_1921 = arith.constant 240 : index
        %swap3A_1922 = tpu.vector_load %arg5[%swap3A_1920, %swap3A_1921] {strides = array<i32>} : memref<64x256xf32, #tpu.memory_space<vmem>>, vector<16xf32>,
        tpu.vector_store %arg5[%swap3A_1920, %swap3A_1921], %select_n3A_1919 {strides = array<i32>} : memref<64x256xf32, #tpu.memory_space<vmem>>, vector<16xf32>,
        %min3A_1923 = arith.minimumf %sub3A_1419, %select_n3A_1913 : vector<16xf32>
        %get3A_1924 = arith.constant 0 : i32
        %get3A_1925 = arith.constant 0 : i32
        %get3A_1926 = arith.constant 0 : i32
        %get3A_1927 = tpu.memref_slice %arg4[%get3A_1924, %get3A_1925, %get3A_1926] : memref<2x64x256xf32, #tpu.memory_space<vmem>> -> memref<1x64x256xf32, #tpu.memory_space<vmem>>
        %get3A_1928 = tpu.memref_squeeze %get3A_1927 : memref<1x64x256xf32, #tpu.memory_space<vmem>> -> memref<64x256xf32, #tpu.memory_space<vmem>>
        %get3A_1929 = arith.index_cast %scan3A_1421 : i32 to index
        %get3A_1930 = arith.constant 240 : index
        %get3A_1931 = tpu.vector_load %get3A_1928[%get3A_1929, %get3A_1930] {strides = array<i32>} : memref<64x256xf32, #tpu.memory_space<vmem>>, vector<16xf32>,
        %sub3A_1932 = arith.subf %min3A_1923, %get3A_1931 : vector<16xf32>
        scf.yield %sub3A_1482, %sub3A_1512, %sub3A_1542, %sub3A_1572, %sub3A_1602, %sub3A_1632, %sub3A_1662, %sub3A_1692, %sub3A_1722, %sub3A_1752, %sub3A_1782, %sub3A_1812, %sub3A_1842, %sub3A_1872, %sub3A_1902, %sub3A_1932 : vector<16xf32>, vector<16xf32>, vector<16xf32>, vector<16xf32>, vector<16xf32>, vector<16xf32>, vector<16xf32>, vector<16xf32>, vector<16xf32>, vector<16xf32>, vector<16xf32>, vector<16xf32>, vector<16xf32>, vector<16xf32>, vector<16xf32>, vector<16xf32>
      }
      %scan3A_350 = arith.constant 63 : i32
      "tpu.region"() ({
        %run_scoped3A = tpu.sem_alloc : memref<!tpu.dma_semaphore, #tpu.memory_space<semaphore_mem>>
        %dma_start3A_387 = arith.constant 0 : i32
        %dma_start3A_388 = arith.constant 0 : i32
        %dma_start3A_389 = tpu.memref_slice %arg8[%arg1, %dma_start3A_387, %dma_start3A_388] : memref<4x1024x256xf32, #tpu.memory_space<vmem_shared>> -> memref<1x64x256xf32, #tpu.memory_space<vmem_shared>>
        %dma_start3A_390 = tpu.memref_squeeze %dma_start3A_389 : memref<1x64x256xf32, #tpu.memory_space<vmem_shared>> -> memref<64x256xf32, #tpu.memory_space<vmem_shared>>
        %dma_start3A_391 = arith.constant 0 : i32
        %dma_start3A_392 = arith.constant 0 : i32
        %dma_start3A_393 = tpu.memref_slice %arg8[%arg1, %dma_start3A_391, %dma_start3A_392] : memref<4x1024x256xf32, #tpu.memory_space<vmem_shared>> -> memref<1x64x256xf32, #tpu.memory_space<vmem_shared>>
        %dma_start3A_394 = tpu.memref_squeeze %dma_start3A_393 : memref<1x64x256xf32, #tpu.memory_space<vmem_shared>> -> memref<64x256xf32, #tpu.memory_space<vmem_shared>>
        tpu.enqueue_dma source(%arg5 : memref<64x256xf32, #tpu.memory_space<vmem>>) target(%dma_start3A_394 : memref<64x256xf32, #tpu.memory_space<vmem_shared>>) target_semaphore(%run_scoped3A : memref<!tpu.dma_semaphore, #tpu.memory_space<semaphore_mem>>)
        %dma_wait3A_395 = arith.constant 0 : i32
        %dma_wait3A_396 = arith.constant 0 : i32
        %dma_wait3A_397 = tpu.memref_slice %arg8[%arg1, %dma_wait3A_395, %dma_wait3A_396] : memref<4x1024x256xf32, #tpu.memory_space<vmem_shared>> -> memref<1x64x256xf32, #tpu.memory_space<vmem_shared>>
        %dma_wait3A_398 = tpu.memref_squeeze %dma_wait3A_397 : memref<1x64x256xf32, #tpu.memory_space<vmem_shared>> -> memref<64x256xf32, #tpu.memory_space<vmem_shared>>
        %dma_wait3A_399 = arith.constant 0 : i32
        %dma_wait3A_400 = arith.constant 0 : i32
        %dma_wait3A_401 = tpu.memref_slice %arg8[%arg1, %dma_wait3A_399, %dma_wait3A_400] : memref<4x1024x256xf32, #tpu.memory_space<vmem_shared>> -> memref<1x64x256xf32, #tpu.memory_space<vmem_shared>>
        %dma_wait3A_402 = tpu.memref_squeeze %dma_wait3A_401 : memref<1x64x256xf32, #tpu.memory_space<vmem_shared>> -> memref<64x256xf32, #tpu.memory_space<vmem_shared>>
        tpu.wait_dma2 semaphore(%run_scoped3A : memref<!tpu.dma_semaphore, #tpu.memory_space<semaphore_mem>>) src(%arg5 : memref<64x256xf32, #tpu.memory_space<vmem>>) dst(%dma_wait3A_402 : memref<64x256xf32, #tpu.memory_space<vmem_shared>>)
        tpu.yield
      }) : () -> ()
      %scan3A_351 = arith.constant 1 : i32
      %scan3A_352 = arith.constant 15 : i32
      %scan3A_353 = arith.addi %scan3A_351, %scan3A_352 : i32
      %scan3A_354 = arith.constant 1 : i32
      %scan3A_355:16 = scf.for %scan3A_387 = %scan3A_351 to %scan3A_353 step %scan3A_354 iter_args(%scan3A_388 = %scan3A_349#0, %scan3A_389 = %scan3A_349#1, %scan3A_390 = %scan3A_349#2, %scan3A_391 = %scan3A_349#3, %scan3A_392 = %scan3A_349#4, %scan3A_393 = %scan3A_349#5, %scan3A_394 = %scan3A_349#6, %scan3A_395 = %scan3A_349#7, %scan3A_396 = %scan3A_349#8, %scan3A_397 = %scan3A_349#9, %scan3A_398 = %scan3A_349#10, %scan3A_399 = %scan3A_349#11, %scan3A_400 = %scan3A_349#12, %scan3A_401 = %scan3A_349#13, %scan3A_402 = %scan3A_349#14, %scan3A_403 = %scan3A_349#15) -> (vector<16xf32>, vector<16xf32>, vector<16xf32>, vector<16xf32>, vector<16xf32>, vector<16xf32>, vector<16xf32>, vector<16xf32>, vector<16xf32>, vector<16xf32>, vector<16xf32>, vector<16xf32>, vector<16xf32>, vector<16xf32>, vector<16xf32>, vector<16xf32>)  : i32 {
        %rem3A = arith.constant 2 : i32
        %rem3A_404 = arith.remsi %scan3A_387, %rem3A : i32
        %mul3A_405 = arith.constant 64 : i32
        %mul3A_406 = arith.muli %scan3A_387, %mul3A_405 : i32
        %dma_wait3A_407 = arith.constant 0 : i32
        %dma_wait3A_408 = arith.constant 0 : i32
        %dma_wait3A_409 = tpu.memref_slice %arg4[%rem3A_404, %dma_wait3A_407, %dma_wait3A_408] : memref<2x64x256xf32, #tpu.memory_space<vmem>> -> memref<1x64x256xf32, #tpu.memory_space<vmem>>
        %dma_wait3A_410 = tpu.memref_squeeze %dma_wait3A_409 : memref<1x64x256xf32, #tpu.memory_space<vmem>> -> memref<64x256xf32, #tpu.memory_space<vmem>>
        %dma_wait3A_411 = arith.constant 0 : i32
        %dma_wait3A_412 = tpu.memref_slice %arg2[%add3A, %mul3A_406, %dma_wait3A_411] : memref<8x1024x256xf32, #tpu.memory_space<hbm>> -> memref<1x64x256xf32, #tpu.memory_space<hbm>>
        %dma_wait3A_413 = tpu.memref_squeeze %dma_wait3A_412 : memref<1x64x256xf32, #tpu.memory_space<hbm>> -> memref<64x256xf32, #tpu.memory_space<hbm>>
        %dma_wait3A_414 = tpu.memref_slice %arg9[%rem3A_404] : memref<2x!tpu.dma_semaphore, #tpu.memory_space<semaphore_mem>> -> memref<1x!tpu.dma_semaphore, #tpu.memory_space<semaphore_mem>>
        %dma_wait3A_415 = tpu.memref_squeeze %dma_wait3A_414 : memref<1x!tpu.dma_semaphore, #tpu.memory_space<semaphore_mem>> -> memref<!tpu.dma_semaphore, #tpu.memory_space<semaphore_mem>>
        %dma_wait3A_416 = arith.constant 0 : i32
        %dma_wait3A_417 = arith.constant 0 : i32
        %dma_wait3A_418 = tpu.memref_slice %arg4[%rem3A_404, %dma_wait3A_416, %dma_wait3A_417] : memref<2x64x256xf32, #tpu.memory_space<vmem>> -> memref<1x64x256xf32, #tpu.memory_space<vmem>>
        %dma_wait3A_419 = tpu.memref_squeeze %dma_wait3A_418 : memref<1x64x256xf32, #tpu.memory_space<vmem>> -> memref<64x256xf32, #tpu.memory_space<vmem>>
        %dma_wait3A_420 = arith.constant 0 : i32
        %dma_wait3A_421 = tpu.memref_slice %arg2[%add3A, %mul3A_406, %dma_wait3A_420] : memref<8x1024x256xf32, #tpu.memory_space<hbm>> -> memref<1x64x256xf32, #tpu.memory_space<hbm>>
        %dma_wait3A_422 = tpu.memref_squeeze %dma_wait3A_421 : memref<1x64x256xf32, #tpu.memory_space<hbm>> -> memref<64x256xf32, #tpu.memory_space<hbm>>
        tpu.wait_dma2 semaphore(%dma_wait3A_415 : memref<!tpu.dma_semaphore, #tpu.memory_space<semaphore_mem>>) src(%dma_wait3A_422 : memref<64x256xf32, #tpu.memory_space<hbm>>) dst(%dma_wait3A_419 : memref<64x256xf32, #tpu.memory_space<vmem>>)
        %lt3A_423 = arith.constant 15 : i32
        %lt3A_424 = arith.cmpi slt, %scan3A_387, %lt3A_423 : i32
        %convert_element_type3A_425 = arith.extui %lt3A_424 : i1 to i32
        %cond3A_426 = arith.constant 0 : i32
        %cond3A_427 = arith.cmpi ne, %convert_element_type3A_425, %cond3A_426 : i32
        scf.if %cond3A_427 {
          %add3A_436 = arith.constant 1 : i32
          %add3A_437 = arith.addi %scan3A_387, %add3A_436 : i32
          %mul3A_438 = arith.constant 64 : i32
          %mul3A_439 = arith.muli %add3A_437, %mul3A_438 : i32
          %sub3A = arith.constant 1 : i32
          %sub3A_440 = arith.subi %sub3A, %rem3A_404 : i32
          %sub3A_441 = arith.constant 1 : i32
          %sub3A_442 = arith.subi %sub3A_441, %rem3A_404 : i32
          %dma_start3A_443 = arith.constant 0 : i32
          %dma_start3A_444 = arith.constant 0 : i32
          %dma_start3A_445 = tpu.memref_slice %arg4[%sub3A_440, %dma_start3A_443, %dma_start3A_444] : memref<2x64x256xf32, #tpu.memory_space<vmem>> -> memref<1x64x256xf32, #tpu.memory_space<vmem>>
          %dma_start3A_446 = tpu.memref_squeeze %dma_start3A_445 : memref<1x64x256xf32, #tpu.memory_space<vmem>> -> memref<64x256xf32, #tpu.memory_space<vmem>>
          %dma_start3A_447 = arith.constant 0 : i32
          %dma_start3A_448 = tpu.memref_slice %arg2[%add3A, %mul3A_439, %dma_start3A_447] : memref<8x1024x256xf32, #tpu.memory_space<hbm>> -> memref<1x64x256xf32, #tpu.memory_space<hbm>>
          %dma_start3A_449 = tpu.memref_squeeze %dma_start3A_448 : memref<1x64x256xf32, #tpu.memory_space<hbm>> -> memref<64x256xf32, #tpu.memory_space<hbm>>
          %dma_start3A_450 = tpu.memref_slice %arg9[%sub3A_442] : memref<2x!tpu.dma_semaphore, #tpu.memory_space<semaphore_mem>> -> memref<1x!tpu.dma_semaphore, #tpu.memory_space<semaphore_mem>>
          %dma_start3A_451 = tpu.memref_squeeze %dma_start3A_450 : memref<1x!tpu.dma_semaphore, #tpu.memory_space<semaphore_mem>> -> memref<!tpu.dma_semaphore, #tpu.memory_space<semaphore_mem>>
          %dma_start3A_452 = arith.constant 0 : i32
          %dma_start3A_453 = arith.constant 0 : i32
          %dma_start3A_454 = tpu.memref_slice %arg4[%sub3A_440, %dma_start3A_452, %dma_start3A_453] : memref<2x64x256xf32, #tpu.memory_space<vmem>> -> memref<1x64x256xf32, #tpu.memory_space<vmem>>
          %dma_start3A_455 = tpu.memref_squeeze %dma_start3A_454 : memref<1x64x256xf32, #tpu.memory_space<vmem>> -> memref<64x256xf32, #tpu.memory_space<vmem>>
          %dma_start3A_456 = arith.constant 0 : i32
          %dma_start3A_457 = tpu.memref_slice %arg2[%add3A, %mul3A_439, %dma_start3A_456] : memref<8x1024x256xf32, #tpu.memory_space<hbm>> -> memref<1x64x256xf32, #tpu.memory_space<hbm>>
          %dma_start3A_458 = tpu.memref_squeeze %dma_start3A_457 : memref<1x64x256xf32, #tpu.memory_space<hbm>> -> memref<64x256xf32, #tpu.memory_space<hbm>>
          tpu.enqueue_dma source(%dma_start3A_458 : memref<64x256xf32, #tpu.memory_space<hbm>>) target(%dma_start3A_455 : memref<64x256xf32, #tpu.memory_space<vmem>>) target_semaphore(%dma_start3A_451 : memref<!tpu.dma_semaphore, #tpu.memory_space<semaphore_mem>>)
        } else {
        }
        %scan3A_428 = arith.constant 0 : i32
        %scan3A_429 = arith.constant 64 : i32
        %scan3A_430 = arith.addi %scan3A_428, %scan3A_429 : i32
        %scan3A_431 = arith.constant 4 : i32
        %scan3A_432:16 = scf.for %scan3A_436 = %scan3A_428 to %scan3A_430 step %scan3A_431 iter_args(%scan3A_437 = %scan3A_388, %scan3A_438 = %scan3A_389, %scan3A_439 = %scan3A_390, %scan3A_440 = %scan3A_391, %scan3A_441 = %scan3A_392, %scan3A_442 = %scan3A_393, %scan3A_443 = %scan3A_394, %scan3A_444 = %scan3A_395, %scan3A_445 = %scan3A_396, %scan3A_446 = %scan3A_397, %scan3A_447 = %scan3A_398, %scan3A_448 = %scan3A_399, %scan3A_449 = %scan3A_400, %scan3A_450 = %scan3A_401, %scan3A_451 = %scan3A_402, %scan3A_452 = %scan3A_403) -> (vector<16xf32>, vector<16xf32>, vector<16xf32>, vector<16xf32>, vector<16xf32>, vector<16xf32>, vector<16xf32>, vector<16xf32>, vector<16xf32>, vector<16xf32>, vector<16xf32>, vector<16xf32>, vector<16xf32>, vector<16xf32>, vector<16xf32>, vector<16xf32>)  : i32 {
          %iota3A_453 = tpu.iota {dimensions = array<i32: 0>} : vector<16xi32>
          %add3A_454 = arith.constant 15 : i32
          %add3A_455 = vector.broadcast %add3A_454 : i32 to vector<16xi32>
          %add3A_456 = arith.addi %iota3A_453, %add3A_455 : vector<16xi32>
          %jit3A_457 = arith.constant 16 : i32
          %eq3A_458 = arith.constant 0 : i32
          %eq3A_459 = arith.cmpi eq, %jit3A_457, %eq3A_458 : i32
          %jit3A_460 = arith.constant 1 : i32
          %select_n3A_461 = arith.select %eq3A_459, %jit3A_460, %jit3A_457 : i32
          %rem3A_462 = vector.broadcast %select_n3A_461 : i32 to vector<16xi32>
          %rem3A_463 = arith.remsi %add3A_456, %rem3A_462 : vector<16xi32>
          %ne3A = arith.constant 0 : i32
          %ne3A_464 = vector.broadcast %ne3A : i32 to vector<16xi32>
          %ne3A_465 = arith.cmpi ne, %rem3A_463, %ne3A_464 : vector<16xi32>
          %lt3A_466 = arith.constant 0 : i32
          %lt3A_467 = vector.broadcast %lt3A_466 : i32 to vector<16xi32>
          %lt3A_468 = arith.cmpi slt, %rem3A_463, %lt3A_467 : vector<16xi32>
          %lt3A_469 = arith.constant 0 : i32
          %lt3A_470 = arith.cmpi slt, %select_n3A_461, %lt3A_469 : i32
          %ne3A_471 = vector.broadcast %lt3A_470 : i1 to vector<16xi1>
          %ne3A_472 = vector.broadcast %ne3A_471 : vector<16xi1> to vector<16xi1>
          %ne3A_473 = arith.xori %lt3A_468, %ne3A_472 : vector<16xi1>
          %and3A_474 = arith.andi %ne3A_473, %ne3A_465 : vector<16xi1>
          %add3A_475 = vector.broadcast %select_n3A_461 : i32 to vector<16xi32>
          %add3A_476 = arith.addi %rem3A_463, %add3A_475 : vector<16xi32>
          %select_n3A_477 = arith.select %and3A_474, %add3A_476, %rem3A_463 : vector<16xi1>, vector<16xi32>
          %eq3A_478 = arith.constant 0 : i32
          %eq3A_479 = vector.broadcast %eq3A_478 : i32 to vector<16xi32>
          %eq3A_480 = arith.cmpi eq, %iota3A_453, %eq3A_479 : vector<16xi32>
          %lt3A_481 = arith.constant 0 : i32
          %lt3A_482 = vector.broadcast %lt3A_481 : i32 to vector<16xi32>
          %lt3A_483 = arith.cmpi slt, %select_n3A_477, %lt3A_482 : vector<16xi32>
          %add3A_484 = arith.constant 16 : i32
          %add3A_485 = vector.broadcast %add3A_484 : i32 to vector<16xi32>
          %add3A_486 = arith.addi %select_n3A_477, %add3A_485 : vector<16xi32>
          %select_n3A_487 = arith.select %lt3A_483, %add3A_486, %select_n3A_477 : vector<16xi1>, vector<16xi32>
          %reshape3A = vector.shape_cast %select_n3A_487 : vector<16xi32> to vector<16x1xi32>
          %gather3A = vector.shape_cast %reshape3A : vector<16x1xi32> to vector<16xi32>
          %gather3A_488 = tpu.dynamic_gather %scan3A_437[%gather3A] in [0] : vector<16xf32>, vector<16xi32> -> vector<16xf32>
          %jit3A_489 = arith.constant 0x7F800000 : f32
          %broadcast_in_dim3A_490 = vector.broadcast %jit3A_489 : f32 to vector<16xf32>
          %select_n3A_491 = arith.select %eq3A_480, %broadcast_in_dim3A_490, %gather3A_488 : vector<16xi1>, vector<16xf32>
          %le3A = arith.cmpf ole, %select_n3A_491, %scan3A_437 : vector<16xf32>
          %jit3A_492 = arith.constant 1.000000e+00 : f32
          %jit3A_493 = arith.constant 0.000000e+00 : f32
          %broadcast_in_dim3A_494 = vector.broadcast %jit3A_492 : f32 to vector<16xf32>
          %broadcast_in_dim3A_495 = vector.broadcast %jit3A_493 : f32 to vector<16xf32>
          %select_n3A_496 = arith.select %le3A, %broadcast_in_dim3A_494, %broadcast_in_dim3A_495 : vector<16xi1>, vector<16xf32>
          %swap3A = arith.index_cast %scan3A_436 : i32 to index
          %swap3A_497 = arith.constant 0 : index
          %swap3A_498 = tpu.vector_load %arg5[%swap3A, %swap3A_497] {strides = array<i32>} : memref<64x256xf32, #tpu.memory_space<vmem>>, vector<16xf32>,
          tpu.vector_store %arg5[%swap3A, %swap3A_497], %select_n3A_496 {strides = array<i32>} : memref<64x256xf32, #tpu.memory_space<vmem>>, vector<16xf32>,
          %min3A = arith.minimumf %scan3A_437, %select_n3A_491 : vector<16xf32>
          %get3A_499 = arith.constant 0 : i32
          %get3A_500 = arith.constant 0 : i32
          %get3A_501 = tpu.memref_slice %arg4[%rem3A_404, %get3A_499, %get3A_500] : memref<2x64x256xf32, #tpu.memory_space<vmem>> -> memref<1x64x256xf32, #tpu.memory_space<vmem>>
          %get3A_502 = tpu.memref_squeeze %get3A_501 : memref<1x64x256xf32, #tpu.memory_space<vmem>> -> memref<64x256xf32, #tpu.memory_space<vmem>>
          %get3A_503 = arith.index_cast %scan3A_436 : i32 to index
          %get3A_504 = arith.constant 0 : index
          %get3A_505 = tpu.vector_load %get3A_502[%get3A_503, %get3A_504] {strides = array<i32>} : memref<64x256xf32, #tpu.memory_space<vmem>>, vector<16xf32>,
          %sub3A = arith.subf %min3A, %get3A_505 : vector<16xf32>
          %lt3A_506 = arith.constant 0 : i32
          %lt3A_507 = vector.broadcast %lt3A_506 : i32 to vector<16xi32>
          %lt3A_508 = arith.cmpi slt, %select_n3A_477, %lt3A_507 : vector<16xi32>
          %add3A_509 = arith.constant 16 : i32
          %add3A_510 = vector.broadcast %add3A_509 : i32 to vector<16xi32>
          %add3A_511 = arith.addi %select_n3A_477, %add3A_510 : vector<16xi32>
          %select_n3A_512 = arith.select %lt3A_508, %add3A_511, %select_n3A_477 : vector<16xi1>, vector<16xi32>
          %reshape3A_513 = vector.shape_cast %select_n3A_512 : vector<16xi32> to vector<16x1xi32>
          %gather3A_514 = vector.shape_cast %reshape3A_513 : vector<16x1xi32> to vector<16xi32>
          %gather3A_515 = tpu.dynamic_gather %scan3A_438[%gather3A_514] in [0] : vector<16xf32>, vector<16xi32> -> vector<16xf32>
          %select_n3A_516 = arith.select %eq3A_480, %gather3A_488, %gather3A_515 : vector<16xi1>, vector<16xf32>
          %le3A_517 = arith.cmpf ole, %select_n3A_516, %scan3A_438 : vector<16xf32>
          %jit3A_518 = arith.constant 1.000000e+00 : f32
          %jit3A_519 = arith.constant 0.000000e+00 : f32
          %broadcast_in_dim3A_520 = vector.broadcast %jit3A_518 : f32 to vector<16xf32>
          %broadcast_in_dim3A_521 = vector.broadcast %jit3A_519 : f32 to vector<16xf32>
          %select_n3A_522 = arith.select %le3A_517, %broadcast_in_dim3A_520, %broadcast_in_dim3A_521 : vector<16xi1>, vector<16xf32>
          %swap3A_523 = arith.index_cast %scan3A_436 : i32 to index
          %swap3A_524 = arith.constant 16 : index
          %swap3A_525 = tpu.vector_load %arg5[%swap3A_523, %swap3A_524] {strides = array<i32>} : memref<64x256xf32, #tpu.memory_space<vmem>>, vector<16xf32>,
          tpu.vector_store %arg5[%swap3A_523, %swap3A_524], %select_n3A_522 {strides = array<i32>} : memref<64x256xf32, #tpu.memory_space<vmem>>, vector<16xf32>,
          %min3A_526 = arith.minimumf %scan3A_438, %select_n3A_516 : vector<16xf32>
          %get3A_527 = arith.constant 0 : i32
          %get3A_528 = arith.constant 0 : i32
          %get3A_529 = tpu.memref_slice %arg4[%rem3A_404, %get3A_527, %get3A_528] : memref<2x64x256xf32, #tpu.memory_space<vmem>> -> memref<1x64x256xf32, #tpu.memory_space<vmem>>
          %get3A_530 = tpu.memref_squeeze %get3A_529 : memref<1x64x256xf32, #tpu.memory_space<vmem>> -> memref<64x256xf32, #tpu.memory_space<vmem>>
          %get3A_531 = arith.index_cast %scan3A_436 : i32 to index
          %get3A_532 = arith.constant 16 : index
          %get3A_533 = tpu.vector_load %get3A_530[%get3A_531, %get3A_532] {strides = array<i32>} : memref<64x256xf32, #tpu.memory_space<vmem>>, vector<16xf32>,
          %sub3A_534 = arith.subf %min3A_526, %get3A_533 : vector<16xf32>
          %lt3A_535 = arith.constant 0 : i32
          %lt3A_536 = vector.broadcast %lt3A_535 : i32 to vector<16xi32>
          %lt3A_537 = arith.cmpi slt, %select_n3A_477, %lt3A_536 : vector<16xi32>
          %add3A_538 = arith.constant 16 : i32
          %add3A_539 = vector.broadcast %add3A_538 : i32 to vector<16xi32>
          %add3A_540 = arith.addi %select_n3A_477, %add3A_539 : vector<16xi32>
          %select_n3A_541 = arith.select %lt3A_537, %add3A_540, %select_n3A_477 : vector<16xi1>, vector<16xi32>
          %reshape3A_542 = vector.shape_cast %select_n3A_541 : vector<16xi32> to vector<16x1xi32>
          %gather3A_543 = vector.shape_cast %reshape3A_542 : vector<16x1xi32> to vector<16xi32>
          %gather3A_544 = tpu.dynamic_gather %scan3A_439[%gather3A_543] in [0] : vector<16xf32>, vector<16xi32> -> vector<16xf32>
          %select_n3A_545 = arith.select %eq3A_480, %gather3A_515, %gather3A_544 : vector<16xi1>, vector<16xf32>
          %le3A_546 = arith.cmpf ole, %select_n3A_545, %scan3A_439 : vector<16xf32>
          %jit3A_547 = arith.constant 1.000000e+00 : f32
          %jit3A_548 = arith.constant 0.000000e+00 : f32
          %broadcast_in_dim3A_549 = vector.broadcast %jit3A_547 : f32 to vector<16xf32>
          %broadcast_in_dim3A_550 = vector.broadcast %jit3A_548 : f32 to vector<16xf32>
          %select_n3A_551 = arith.select %le3A_546, %broadcast_in_dim3A_549, %broadcast_in_dim3A_550 : vector<16xi1>, vector<16xf32>
          %swap3A_552 = arith.index_cast %scan3A_436 : i32 to index
          %swap3A_553 = arith.constant 32 : index
          %swap3A_554 = tpu.vector_load %arg5[%swap3A_552, %swap3A_553] {strides = array<i32>} : memref<64x256xf32, #tpu.memory_space<vmem>>, vector<16xf32>,
          tpu.vector_store %arg5[%swap3A_552, %swap3A_553], %select_n3A_551 {strides = array<i32>} : memref<64x256xf32, #tpu.memory_space<vmem>>, vector<16xf32>,
          %min3A_555 = arith.minimumf %scan3A_439, %select_n3A_545 : vector<16xf32>
          %get3A_556 = arith.constant 0 : i32
          %get3A_557 = arith.constant 0 : i32
          %get3A_558 = tpu.memref_slice %arg4[%rem3A_404, %get3A_556, %get3A_557] : memref<2x64x256xf32, #tpu.memory_space<vmem>> -> memref<1x64x256xf32, #tpu.memory_space<vmem>>
          %get3A_559 = tpu.memref_squeeze %get3A_558 : memref<1x64x256xf32, #tpu.memory_space<vmem>> -> memref<64x256xf32, #tpu.memory_space<vmem>>
          %get3A_560 = arith.index_cast %scan3A_436 : i32 to index
          %get3A_561 = arith.constant 32 : index
          %get3A_562 = tpu.vector_load %get3A_559[%get3A_560, %get3A_561] {strides = array<i32>} : memref<64x256xf32, #tpu.memory_space<vmem>>, vector<16xf32>,
          %sub3A_563 = arith.subf %min3A_555, %get3A_562 : vector<16xf32>
          %lt3A_564 = arith.constant 0 : i32
          %lt3A_565 = vector.broadcast %lt3A_564 : i32 to vector<16xi32>
          %lt3A_566 = arith.cmpi slt, %select_n3A_477, %lt3A_565 : vector<16xi32>
          %add3A_567 = arith.constant 16 : i32
          %add3A_568 = vector.broadcast %add3A_567 : i32 to vector<16xi32>
          %add3A_569 = arith.addi %select_n3A_477, %add3A_568 : vector<16xi32>
          %select_n3A_570 = arith.select %lt3A_566, %add3A_569, %select_n3A_477 : vector<16xi1>, vector<16xi32>
          %reshape3A_571 = vector.shape_cast %select_n3A_570 : vector<16xi32> to vector<16x1xi32>
          %gather3A_572 = vector.shape_cast %reshape3A_571 : vector<16x1xi32> to vector<16xi32>
          %gather3A_573 = tpu.dynamic_gather %scan3A_440[%gather3A_572] in [0] : vector<16xf32>, vector<16xi32> -> vector<16xf32>
          %select_n3A_574 = arith.select %eq3A_480, %gather3A_544, %gather3A_573 : vector<16xi1>, vector<16xf32>
          %le3A_575 = arith.cmpf ole, %select_n3A_574, %scan3A_440 : vector<16xf32>
          %jit3A_576 = arith.constant 1.000000e+00 : f32
          %jit3A_577 = arith.constant 0.000000e+00 : f32
          %broadcast_in_dim3A_578 = vector.broadcast %jit3A_576 : f32 to vector<16xf32>
          %broadcast_in_dim3A_579 = vector.broadcast %jit3A_577 : f32 to vector<16xf32>
          %select_n3A_580 = arith.select %le3A_575, %broadcast_in_dim3A_578, %broadcast_in_dim3A_579 : vector<16xi1>, vector<16xf32>
          %swap3A_581 = arith.index_cast %scan3A_436 : i32 to index
          %swap3A_582 = arith.constant 48 : index
          %swap3A_583 = tpu.vector_load %arg5[%swap3A_581, %swap3A_582] {strides = array<i32>} : memref<64x256xf32, #tpu.memory_space<vmem>>, vector<16xf32>,
          tpu.vector_store %arg5[%swap3A_581, %swap3A_582], %select_n3A_580 {strides = array<i32>} : memref<64x256xf32, #tpu.memory_space<vmem>>, vector<16xf32>,
          %min3A_584 = arith.minimumf %scan3A_440, %select_n3A_574 : vector<16xf32>
          %get3A_585 = arith.constant 0 : i32
          %get3A_586 = arith.constant 0 : i32
          %get3A_587 = tpu.memref_slice %arg4[%rem3A_404, %get3A_585, %get3A_586] : memref<2x64x256xf32, #tpu.memory_space<vmem>> -> memref<1x64x256xf32, #tpu.memory_space<vmem>>
          %get3A_588 = tpu.memref_squeeze %get3A_587 : memref<1x64x256xf32, #tpu.memory_space<vmem>> -> memref<64x256xf32, #tpu.memory_space<vmem>>
          %get3A_589 = arith.index_cast %scan3A_436 : i32 to index
          %get3A_590 = arith.constant 48 : index
          %get3A_591 = tpu.vector_load %get3A_588[%get3A_589, %get3A_590] {strides = array<i32>} : memref<64x256xf32, #tpu.memory_space<vmem>>, vector<16xf32>,
          %sub3A_592 = arith.subf %min3A_584, %get3A_591 : vector<16xf32>
          %lt3A_593 = arith.constant 0 : i32
          %lt3A_594 = vector.broadcast %lt3A_593 : i32 to vector<16xi32>
          %lt3A_595 = arith.cmpi slt, %select_n3A_477, %lt3A_594 : vector<16xi32>
          %add3A_596 = arith.constant 16 : i32
          %add3A_597 = vector.broadcast %add3A_596 : i32 to vector<16xi32>
          %add3A_598 = arith.addi %select_n3A_477, %add3A_597 : vector<16xi32>
          %select_n3A_599 = arith.select %lt3A_595, %add3A_598, %select_n3A_477 : vector<16xi1>, vector<16xi32>
          %reshape3A_600 = vector.shape_cast %select_n3A_599 : vector<16xi32> to vector<16x1xi32>
          %gather3A_601 = vector.shape_cast %reshape3A_600 : vector<16x1xi32> to vector<16xi32>
          %gather3A_602 = tpu.dynamic_gather %scan3A_441[%gather3A_601] in [0] : vector<16xf32>, vector<16xi32> -> vector<16xf32>
          %select_n3A_603 = arith.select %eq3A_480, %gather3A_573, %gather3A_602 : vector<16xi1>, vector<16xf32>
          %le3A_604 = arith.cmpf ole, %select_n3A_603, %scan3A_441 : vector<16xf32>
          %jit3A_605 = arith.constant 1.000000e+00 : f32
          %jit3A_606 = arith.constant 0.000000e+00 : f32
          %broadcast_in_dim3A_607 = vector.broadcast %jit3A_605 : f32 to vector<16xf32>
          %broadcast_in_dim3A_608 = vector.broadcast %jit3A_606 : f32 to vector<16xf32>
          %select_n3A_609 = arith.select %le3A_604, %broadcast_in_dim3A_607, %broadcast_in_dim3A_608 : vector<16xi1>, vector<16xf32>
          %swap3A_610 = arith.index_cast %scan3A_436 : i32 to index
          %swap3A_611 = arith.constant 64 : index
          %swap3A_612 = tpu.vector_load %arg5[%swap3A_610, %swap3A_611] {strides = array<i32>} : memref<64x256xf32, #tpu.memory_space<vmem>>, vector<16xf32>,
          tpu.vector_store %arg5[%swap3A_610, %swap3A_611], %select_n3A_609 {strides = array<i32>} : memref<64x256xf32, #tpu.memory_space<vmem>>, vector<16xf32>,
          %min3A_613 = arith.minimumf %scan3A_441, %select_n3A_603 : vector<16xf32>
          %get3A_614 = arith.constant 0 : i32
          %get3A_615 = arith.constant 0 : i32
          %get3A_616 = tpu.memref_slice %arg4[%rem3A_404, %get3A_614, %get3A_615] : memref<2x64x256xf32, #tpu.memory_space<vmem>> -> memref<1x64x256xf32, #tpu.memory_space<vmem>>
          %get3A_617 = tpu.memref_squeeze %get3A_616 : memref<1x64x256xf32, #tpu.memory_space<vmem>> -> memref<64x256xf32, #tpu.memory_space<vmem>>
          %get3A_618 = arith.index_cast %scan3A_436 : i32 to index
          %get3A_619 = arith.constant 64 : index
          %get3A_620 = tpu.vector_load %get3A_617[%get3A_618, %get3A_619] {strides = array<i32>} : memref<64x256xf32, #tpu.memory_space<vmem>>, vector<16xf32>,
          %sub3A_621 = arith.subf %min3A_613, %get3A_620 : vector<16xf32>
          %lt3A_622 = arith.constant 0 : i32
          %lt3A_623 = vector.broadcast %lt3A_622 : i32 to vector<16xi32>
          %lt3A_624 = arith.cmpi slt, %select_n3A_477, %lt3A_623 : vector<16xi32>
          %add3A_625 = arith.constant 16 : i32
          %add3A_626 = vector.broadcast %add3A_625 : i32 to vector<16xi32>
          %add3A_627 = arith.addi %select_n3A_477, %add3A_626 : vector<16xi32>
          %select_n3A_628 = arith.select %lt3A_624, %add3A_627, %select_n3A_477 : vector<16xi1>, vector<16xi32>
          %reshape3A_629 = vector.shape_cast %select_n3A_628 : vector<16xi32> to vector<16x1xi32>
          %gather3A_630 = vector.shape_cast %reshape3A_629 : vector<16x1xi32> to vector<16xi32>
          %gather3A_631 = tpu.dynamic_gather %scan3A_442[%gather3A_630] in [0] : vector<16xf32>, vector<16xi32> -> vector<16xf32>
          %select_n3A_632 = arith.select %eq3A_480, %gather3A_602, %gather3A_631 : vector<16xi1>, vector<16xf32>
          %le3A_633 = arith.cmpf ole, %select_n3A_632, %scan3A_442 : vector<16xf32>
          %jit3A_634 = arith.constant 1.000000e+00 : f32
          %jit3A_635 = arith.constant 0.000000e+00 : f32
          %broadcast_in_dim3A_636 = vector.broadcast %jit3A_634 : f32 to vector<16xf32>
          %broadcast_in_dim3A_637 = vector.broadcast %jit3A_635 : f32 to vector<16xf32>
          %select_n3A_638 = arith.select %le3A_633, %broadcast_in_dim3A_636, %broadcast_in_dim3A_637 : vector<16xi1>, vector<16xf32>
          %swap3A_639 = arith.index_cast %scan3A_436 : i32 to index
          %swap3A_640 = arith.constant 80 : index
          %swap3A_641 = tpu.vector_load %arg5[%swap3A_639, %swap3A_640] {strides = array<i32>} : memref<64x256xf32, #tpu.memory_space<vmem>>, vector<16xf32>,
          tpu.vector_store %arg5[%swap3A_639, %swap3A_640], %select_n3A_638 {strides = array<i32>} : memref<64x256xf32, #tpu.memory_space<vmem>>, vector<16xf32>,
          %min3A_642 = arith.minimumf %scan3A_442, %select_n3A_632 : vector<16xf32>
          %get3A_643 = arith.constant 0 : i32
          %get3A_644 = arith.constant 0 : i32
          %get3A_645 = tpu.memref_slice %arg4[%rem3A_404, %get3A_643, %get3A_644] : memref<2x64x256xf32, #tpu.memory_space<vmem>> -> memref<1x64x256xf32, #tpu.memory_space<vmem>>
          %get3A_646 = tpu.memref_squeeze %get3A_645 : memref<1x64x256xf32, #tpu.memory_space<vmem>> -> memref<64x256xf32, #tpu.memory_space<vmem>>
          %get3A_647 = arith.index_cast %scan3A_436 : i32 to index
          %get3A_648 = arith.constant 80 : index
          %get3A_649 = tpu.vector_load %get3A_646[%get3A_647, %get3A_648] {strides = array<i32>} : memref<64x256xf32, #tpu.memory_space<vmem>>, vector<16xf32>,
          %sub3A_650 = arith.subf %min3A_642, %get3A_649 : vector<16xf32>
          %lt3A_651 = arith.constant 0 : i32
          %lt3A_652 = vector.broadcast %lt3A_651 : i32 to vector<16xi32>
          %lt3A_653 = arith.cmpi slt, %select_n3A_477, %lt3A_652 : vector<16xi32>
          %add3A_654 = arith.constant 16 : i32
          %add3A_655 = vector.broadcast %add3A_654 : i32 to vector<16xi32>
          %add3A_656 = arith.addi %select_n3A_477, %add3A_655 : vector<16xi32>
          %select_n3A_657 = arith.select %lt3A_653, %add3A_656, %select_n3A_477 : vector<16xi1>, vector<16xi32>
          %reshape3A_658 = vector.shape_cast %select_n3A_657 : vector<16xi32> to vector<16x1xi32>
          %gather3A_659 = vector.shape_cast %reshape3A_658 : vector<16x1xi32> to vector<16xi32>
          %gather3A_660 = tpu.dynamic_gather %scan3A_443[%gather3A_659] in [0] : vector<16xf32>, vector<16xi32> -> vector<16xf32>
          %select_n3A_661 = arith.select %eq3A_480, %gather3A_631, %gather3A_660 : vector<16xi1>, vector<16xf32>
          %le3A_662 = arith.cmpf ole, %select_n3A_661, %scan3A_443 : vector<16xf32>
          %jit3A_663 = arith.constant 1.000000e+00 : f32
          %jit3A_664 = arith.constant 0.000000e+00 : f32
          %broadcast_in_dim3A_665 = vector.broadcast %jit3A_663 : f32 to vector<16xf32>
          %broadcast_in_dim3A_666 = vector.broadcast %jit3A_664 : f32 to vector<16xf32>
          %select_n3A_667 = arith.select %le3A_662, %broadcast_in_dim3A_665, %broadcast_in_dim3A_666 : vector<16xi1>, vector<16xf32>
          %swap3A_668 = arith.index_cast %scan3A_436 : i32 to index
          %swap3A_669 = arith.constant 96 : index
          %swap3A_670 = tpu.vector_load %arg5[%swap3A_668, %swap3A_669] {strides = array<i32>} : memref<64x256xf32, #tpu.memory_space<vmem>>, vector<16xf32>,
          tpu.vector_store %arg5[%swap3A_668, %swap3A_669], %select_n3A_667 {strides = array<i32>} : memref<64x256xf32, #tpu.memory_space<vmem>>, vector<16xf32>,
          %min3A_671 = arith.minimumf %scan3A_443, %select_n3A_661 : vector<16xf32>
          %get3A_672 = arith.constant 0 : i32
          %get3A_673 = arith.constant 0 : i32
          %get3A_674 = tpu.memref_slice %arg4[%rem3A_404, %get3A_672, %get3A_673] : memref<2x64x256xf32, #tpu.memory_space<vmem>> -> memref<1x64x256xf32, #tpu.memory_space<vmem>>
          %get3A_675 = tpu.memref_squeeze %get3A_674 : memref<1x64x256xf32, #tpu.memory_space<vmem>> -> memref<64x256xf32, #tpu.memory_space<vmem>>
          %get3A_676 = arith.index_cast %scan3A_436 : i32 to index
          %get3A_677 = arith.constant 96 : index
          %get3A_678 = tpu.vector_load %get3A_675[%get3A_676, %get3A_677] {strides = array<i32>} : memref<64x256xf32, #tpu.memory_space<vmem>>, vector<16xf32>,
          %sub3A_679 = arith.subf %min3A_671, %get3A_678 : vector<16xf32>
          %lt3A_680 = arith.constant 0 : i32
          %lt3A_681 = vector.broadcast %lt3A_680 : i32 to vector<16xi32>
          %lt3A_682 = arith.cmpi slt, %select_n3A_477, %lt3A_681 : vector<16xi32>
          %add3A_683 = arith.constant 16 : i32
          %add3A_684 = vector.broadcast %add3A_683 : i32 to vector<16xi32>
          %add3A_685 = arith.addi %select_n3A_477, %add3A_684 : vector<16xi32>
          %select_n3A_686 = arith.select %lt3A_682, %add3A_685, %select_n3A_477 : vector<16xi1>, vector<16xi32>
          %reshape3A_687 = vector.shape_cast %select_n3A_686 : vector<16xi32> to vector<16x1xi32>
          %gather3A_688 = vector.shape_cast %reshape3A_687 : vector<16x1xi32> to vector<16xi32>
          %gather3A_689 = tpu.dynamic_gather %scan3A_444[%gather3A_688] in [0] : vector<16xf32>, vector<16xi32> -> vector<16xf32>
          %select_n3A_690 = arith.select %eq3A_480, %gather3A_660, %gather3A_689 : vector<16xi1>, vector<16xf32>
          %le3A_691 = arith.cmpf ole, %select_n3A_690, %scan3A_444 : vector<16xf32>
          %jit3A_692 = arith.constant 1.000000e+00 : f32
          %jit3A_693 = arith.constant 0.000000e+00 : f32
          %broadcast_in_dim3A_694 = vector.broadcast %jit3A_692 : f32 to vector<16xf32>
          %broadcast_in_dim3A_695 = vector.broadcast %jit3A_693 : f32 to vector<16xf32>
          %select_n3A_696 = arith.select %le3A_691, %broadcast_in_dim3A_694, %broadcast_in_dim3A_695 : vector<16xi1>, vector<16xf32>
          %swap3A_697 = arith.index_cast %scan3A_436 : i32 to index
          %swap3A_698 = arith.constant 112 : index
          %swap3A_699 = tpu.vector_load %arg5[%swap3A_697, %swap3A_698] {strides = array<i32>} : memref<64x256xf32, #tpu.memory_space<vmem>>, vector<16xf32>,
          tpu.vector_store %arg5[%swap3A_697, %swap3A_698], %select_n3A_696 {strides = array<i32>} : memref<64x256xf32, #tpu.memory_space<vmem>>, vector<16xf32>,
          %min3A_700 = arith.minimumf %scan3A_444, %select_n3A_690 : vector<16xf32>
          %get3A_701 = arith.constant 0 : i32
          %get3A_702 = arith.constant 0 : i32
          %get3A_703 = tpu.memref_slice %arg4[%rem3A_404, %get3A_701, %get3A_702] : memref<2x64x256xf32, #tpu.memory_space<vmem>> -> memref<1x64x256xf32, #tpu.memory_space<vmem>>
          %get3A_704 = tpu.memref_squeeze %get3A_703 : memref<1x64x256xf32, #tpu.memory_space<vmem>> -> memref<64x256xf32, #tpu.memory_space<vmem>>
          %get3A_705 = arith.index_cast %scan3A_436 : i32 to index
          %get3A_706 = arith.constant 112 : index
          %get3A_707 = tpu.vector_load %get3A_704[%get3A_705, %get3A_706] {strides = array<i32>} : memref<64x256xf32, #tpu.memory_space<vmem>>, vector<16xf32>,
          %sub3A_708 = arith.subf %min3A_700, %get3A_707 : vector<16xf32>
          %lt3A_709 = arith.constant 0 : i32
          %lt3A_710 = vector.broadcast %lt3A_709 : i32 to vector<16xi32>
          %lt3A_711 = arith.cmpi slt, %select_n3A_477, %lt3A_710 : vector<16xi32>
          %add3A_712 = arith.constant 16 : i32
          %add3A_713 = vector.broadcast %add3A_712 : i32 to vector<16xi32>
          %add3A_714 = arith.addi %select_n3A_477, %add3A_713 : vector<16xi32>
          %select_n3A_715 = arith.select %lt3A_711, %add3A_714, %select_n3A_477 : vector<16xi1>, vector<16xi32>
          %reshape3A_716 = vector.shape_cast %select_n3A_715 : vector<16xi32> to vector<16x1xi32>
          %gather3A_717 = vector.shape_cast %reshape3A_716 : vector<16x1xi32> to vector<16xi32>
          %gather3A_718 = tpu.dynamic_gather %scan3A_445[%gather3A_717] in [0] : vector<16xf32>, vector<16xi32> -> vector<16xf32>
          %select_n3A_719 = arith.select %eq3A_480, %gather3A_689, %gather3A_718 : vector<16xi1>, vector<16xf32>
          %le3A_720 = arith.cmpf ole, %select_n3A_719, %scan3A_445 : vector<16xf32>
          %jit3A_721 = arith.constant 1.000000e+00 : f32
          %jit3A_722 = arith.constant 0.000000e+00 : f32
          %broadcast_in_dim3A_723 = vector.broadcast %jit3A_721 : f32 to vector<16xf32>
          %broadcast_in_dim3A_724 = vector.broadcast %jit3A_722 : f32 to vector<16xf32>
          %select_n3A_725 = arith.select %le3A_720, %broadcast_in_dim3A_723, %broadcast_in_dim3A_724 : vector<16xi1>, vector<16xf32>
          %swap3A_726 = arith.index_cast %scan3A_436 : i32 to index
          %swap3A_727 = arith.constant 128 : index
          %swap3A_728 = tpu.vector_load %arg5[%swap3A_726, %swap3A_727] {strides = array<i32>} : memref<64x256xf32, #tpu.memory_space<vmem>>, vector<16xf32>,
          tpu.vector_store %arg5[%swap3A_726, %swap3A_727], %select_n3A_725 {strides = array<i32>} : memref<64x256xf32, #tpu.memory_space<vmem>>, vector<16xf32>,
          %min3A_729 = arith.minimumf %scan3A_445, %select_n3A_719 : vector<16xf32>
          %get3A_730 = arith.constant 0 : i32
          %get3A_731 = arith.constant 0 : i32
          %get3A_732 = tpu.memref_slice %arg4[%rem3A_404, %get3A_730, %get3A_731] : memref<2x64x256xf32, #tpu.memory_space<vmem>> -> memref<1x64x256xf32, #tpu.memory_space<vmem>>
          %get3A_733 = tpu.memref_squeeze %get3A_732 : memref<1x64x256xf32, #tpu.memory_space<vmem>> -> memref<64x256xf32, #tpu.memory_space<vmem>>
          %get3A_734 = arith.index_cast %scan3A_436 : i32 to index
          %get3A_735 = arith.constant 128 : index
          %get3A_736 = tpu.vector_load %get3A_733[%get3A_734, %get3A_735] {strides = array<i32>} : memref<64x256xf32, #tpu.memory_space<vmem>>, vector<16xf32>,
          %sub3A_737 = arith.subf %min3A_729, %get3A_736 : vector<16xf32>
          %lt3A_738 = arith.constant 0 : i32
          %lt3A_739 = vector.broadcast %lt3A_738 : i32 to vector<16xi32>
          %lt3A_740 = arith.cmpi slt, %select_n3A_477, %lt3A_739 : vector<16xi32>
          %add3A_741 = arith.constant 16 : i32
          %add3A_742 = vector.broadcast %add3A_741 : i32 to vector<16xi32>
          %add3A_743 = arith.addi %select_n3A_477, %add3A_742 : vector<16xi32>
          %select_n3A_744 = arith.select %lt3A_740, %add3A_743, %select_n3A_477 : vector<16xi1>, vector<16xi32>
          %reshape3A_745 = vector.shape_cast %select_n3A_744 : vector<16xi32> to vector<16x1xi32>
          %gather3A_746 = vector.shape_cast %reshape3A_745 : vector<16x1xi32> to vector<16xi32>
          %gather3A_747 = tpu.dynamic_gather %scan3A_446[%gather3A_746] in [0] : vector<16xf32>, vector<16xi32> -> vector<16xf32>
          %select_n3A_748 = arith.select %eq3A_480, %gather3A_718, %gather3A_747 : vector<16xi1>, vector<16xf32>
          %le3A_749 = arith.cmpf ole, %select_n3A_748, %scan3A_446 : vector<16xf32>
          %jit3A_750 = arith.constant 1.000000e+00 : f32
          %jit3A_751 = arith.constant 0.000000e+00 : f32
          %broadcast_in_dim3A_752 = vector.broadcast %jit3A_750 : f32 to vector<16xf32>
          %broadcast_in_dim3A_753 = vector.broadcast %jit3A_751 : f32 to vector<16xf32>
          %select_n3A_754 = arith.select %le3A_749, %broadcast_in_dim3A_752, %broadcast_in_dim3A_753 : vector<16xi1>, vector<16xf32>
          %swap3A_755 = arith.index_cast %scan3A_436 : i32 to index
          %swap3A_756 = arith.constant 144 : index
          %swap3A_757 = tpu.vector_load %arg5[%swap3A_755, %swap3A_756] {strides = array<i32>} : memref<64x256xf32, #tpu.memory_space<vmem>>, vector<16xf32>,
          tpu.vector_store %arg5[%swap3A_755, %swap3A_756], %select_n3A_754 {strides = array<i32>} : memref<64x256xf32, #tpu.memory_space<vmem>>, vector<16xf32>,
          %min3A_758 = arith.minimumf %scan3A_446, %select_n3A_748 : vector<16xf32>
          %get3A_759 = arith.constant 0 : i32
          %get3A_760 = arith.constant 0 : i32
          %get3A_761 = tpu.memref_slice %arg4[%rem3A_404, %get3A_759, %get3A_760] : memref<2x64x256xf32, #tpu.memory_space<vmem>> -> memref<1x64x256xf32, #tpu.memory_space<vmem>>
          %get3A_762 = tpu.memref_squeeze %get3A_761 : memref<1x64x256xf32, #tpu.memory_space<vmem>> -> memref<64x256xf32, #tpu.memory_space<vmem>>
          %get3A_763 = arith.index_cast %scan3A_436 : i32 to index
          %get3A_764 = arith.constant 144 : index
          %get3A_765 = tpu.vector_load %get3A_762[%get3A_763, %get3A_764] {strides = array<i32>} : memref<64x256xf32, #tpu.memory_space<vmem>>, vector<16xf32>,
          %sub3A_766 = arith.subf %min3A_758, %get3A_765 : vector<16xf32>
          %lt3A_767 = arith.constant 0 : i32
          %lt3A_768 = vector.broadcast %lt3A_767 : i32 to vector<16xi32>
          %lt3A_769 = arith.cmpi slt, %select_n3A_477, %lt3A_768 : vector<16xi32>
          %add3A_770 = arith.constant 16 : i32
          %add3A_771 = vector.broadcast %add3A_770 : i32 to vector<16xi32>
          %add3A_772 = arith.addi %select_n3A_477, %add3A_771 : vector<16xi32>
          %select_n3A_773 = arith.select %lt3A_769, %add3A_772, %select_n3A_477 : vector<16xi1>, vector<16xi32>
          %reshape3A_774 = vector.shape_cast %select_n3A_773 : vector<16xi32> to vector<16x1xi32>
          %gather3A_775 = vector.shape_cast %reshape3A_774 : vector<16x1xi32> to vector<16xi32>
          %gather3A_776 = tpu.dynamic_gather %scan3A_447[%gather3A_775] in [0] : vector<16xf32>, vector<16xi32> -> vector<16xf32>
          %select_n3A_777 = arith.select %eq3A_480, %gather3A_747, %gather3A_776 : vector<16xi1>, vector<16xf32>
          %le3A_778 = arith.cmpf ole, %select_n3A_777, %scan3A_447 : vector<16xf32>
          %jit3A_779 = arith.constant 1.000000e+00 : f32
          %jit3A_780 = arith.constant 0.000000e+00 : f32
          %broadcast_in_dim3A_781 = vector.broadcast %jit3A_779 : f32 to vector<16xf32>
          %broadcast_in_dim3A_782 = vector.broadcast %jit3A_780 : f32 to vector<16xf32>
          %select_n3A_783 = arith.select %le3A_778, %broadcast_in_dim3A_781, %broadcast_in_dim3A_782 : vector<16xi1>, vector<16xf32>
          %swap3A_784 = arith.index_cast %scan3A_436 : i32 to index
          %swap3A_785 = arith.constant 160 : index
          %swap3A_786 = tpu.vector_load %arg5[%swap3A_784, %swap3A_785] {strides = array<i32>} : memref<64x256xf32, #tpu.memory_space<vmem>>, vector<16xf32>,
          tpu.vector_store %arg5[%swap3A_784, %swap3A_785], %select_n3A_783 {strides = array<i32>} : memref<64x256xf32, #tpu.memory_space<vmem>>, vector<16xf32>,
          %min3A_787 = arith.minimumf %scan3A_447, %select_n3A_777 : vector<16xf32>
          %get3A_788 = arith.constant 0 : i32
          %get3A_789 = arith.constant 0 : i32
          %get3A_790 = tpu.memref_slice %arg4[%rem3A_404, %get3A_788, %get3A_789] : memref<2x64x256xf32, #tpu.memory_space<vmem>> -> memref<1x64x256xf32, #tpu.memory_space<vmem>>
          %get3A_791 = tpu.memref_squeeze %get3A_790 : memref<1x64x256xf32, #tpu.memory_space<vmem>> -> memref<64x256xf32, #tpu.memory_space<vmem>>
          %get3A_792 = arith.index_cast %scan3A_436 : i32 to index
          %get3A_793 = arith.constant 160 : index
          %get3A_794 = tpu.vector_load %get3A_791[%get3A_792, %get3A_793] {strides = array<i32>} : memref<64x256xf32, #tpu.memory_space<vmem>>, vector<16xf32>,
          %sub3A_795 = arith.subf %min3A_787, %get3A_794 : vector<16xf32>
          %lt3A_796 = arith.constant 0 : i32
          %lt3A_797 = vector.broadcast %lt3A_796 : i32 to vector<16xi32>
          %lt3A_798 = arith.cmpi slt, %select_n3A_477, %lt3A_797 : vector<16xi32>
          %add3A_799 = arith.constant 16 : i32
          %add3A_800 = vector.broadcast %add3A_799 : i32 to vector<16xi32>
          %add3A_801 = arith.addi %select_n3A_477, %add3A_800 : vector<16xi32>
          %select_n3A_802 = arith.select %lt3A_798, %add3A_801, %select_n3A_477 : vector<16xi1>, vector<16xi32>
          %reshape3A_803 = vector.shape_cast %select_n3A_802 : vector<16xi32> to vector<16x1xi32>
          %gather3A_804 = vector.shape_cast %reshape3A_803 : vector<16x1xi32> to vector<16xi32>
          %gather3A_805 = tpu.dynamic_gather %scan3A_448[%gather3A_804] in [0] : vector<16xf32>, vector<16xi32> -> vector<16xf32>
          %select_n3A_806 = arith.select %eq3A_480, %gather3A_776, %gather3A_805 : vector<16xi1>, vector<16xf32>
          %le3A_807 = arith.cmpf ole, %select_n3A_806, %scan3A_448 : vector<16xf32>
          %jit3A_808 = arith.constant 1.000000e+00 : f32
          %jit3A_809 = arith.constant 0.000000e+00 : f32
          %broadcast_in_dim3A_810 = vector.broadcast %jit3A_808 : f32 to vector<16xf32>
          %broadcast_in_dim3A_811 = vector.broadcast %jit3A_809 : f32 to vector<16xf32>
          %select_n3A_812 = arith.select %le3A_807, %broadcast_in_dim3A_810, %broadcast_in_dim3A_811 : vector<16xi1>, vector<16xf32>
          %swap3A_813 = arith.index_cast %scan3A_436 : i32 to index
          %swap3A_814 = arith.constant 176 : index
          %swap3A_815 = tpu.vector_load %arg5[%swap3A_813, %swap3A_814] {strides = array<i32>} : memref<64x256xf32, #tpu.memory_space<vmem>>, vector<16xf32>,
          tpu.vector_store %arg5[%swap3A_813, %swap3A_814], %select_n3A_812 {strides = array<i32>} : memref<64x256xf32, #tpu.memory_space<vmem>>, vector<16xf32>,
          %min3A_816 = arith.minimumf %scan3A_448, %select_n3A_806 : vector<16xf32>
          %get3A_817 = arith.constant 0 : i32
          %get3A_818 = arith.constant 0 : i32
          %get3A_819 = tpu.memref_slice %arg4[%rem3A_404, %get3A_817, %get3A_818] : memref<2x64x256xf32, #tpu.memory_space<vmem>> -> memref<1x64x256xf32, #tpu.memory_space<vmem>>
          %get3A_820 = tpu.memref_squeeze %get3A_819 : memref<1x64x256xf32, #tpu.memory_space<vmem>> -> memref<64x256xf32, #tpu.memory_space<vmem>>
          %get3A_821 = arith.index_cast %scan3A_436 : i32 to index
          %get3A_822 = arith.constant 176 : index
          %get3A_823 = tpu.vector_load %get3A_820[%get3A_821, %get3A_822] {strides = array<i32>} : memref<64x256xf32, #tpu.memory_space<vmem>>, vector<16xf32>,
          %sub3A_824 = arith.subf %min3A_816, %get3A_823 : vector<16xf32>
          %lt3A_825 = arith.constant 0 : i32
          %lt3A_826 = vector.broadcast %lt3A_825 : i32 to vector<16xi32>
          %lt3A_827 = arith.cmpi slt, %select_n3A_477, %lt3A_826 : vector<16xi32>
          %add3A_828 = arith.constant 16 : i32
          %add3A_829 = vector.broadcast %add3A_828 : i32 to vector<16xi32>
          %add3A_830 = arith.addi %select_n3A_477, %add3A_829 : vector<16xi32>
          %select_n3A_831 = arith.select %lt3A_827, %add3A_830, %select_n3A_477 : vector<16xi1>, vector<16xi32>
          %reshape3A_832 = vector.shape_cast %select_n3A_831 : vector<16xi32> to vector<16x1xi32>
          %gather3A_833 = vector.shape_cast %reshape3A_832 : vector<16x1xi32> to vector<16xi32>
          %gather3A_834 = tpu.dynamic_gather %scan3A_449[%gather3A_833] in [0] : vector<16xf32>, vector<16xi32> -> vector<16xf32>
          %select_n3A_835 = arith.select %eq3A_480, %gather3A_805, %gather3A_834 : vector<16xi1>, vector<16xf32>
          %le3A_836 = arith.cmpf ole, %select_n3A_835, %scan3A_449 : vector<16xf32>
          %jit3A_837 = arith.constant 1.000000e+00 : f32
          %jit3A_838 = arith.constant 0.000000e+00 : f32
          %broadcast_in_dim3A_839 = vector.broadcast %jit3A_837 : f32 to vector<16xf32>
          %broadcast_in_dim3A_840 = vector.broadcast %jit3A_838 : f32 to vector<16xf32>
          %select_n3A_841 = arith.select %le3A_836, %broadcast_in_dim3A_839, %broadcast_in_dim3A_840 : vector<16xi1>, vector<16xf32>
          %swap3A_842 = arith.index_cast %scan3A_436 : i32 to index
          %swap3A_843 = arith.constant 192 : index
          %swap3A_844 = tpu.vector_load %arg5[%swap3A_842, %swap3A_843] {strides = array<i32>} : memref<64x256xf32, #tpu.memory_space<vmem>>, vector<16xf32>,
          tpu.vector_store %arg5[%swap3A_842, %swap3A_843], %select_n3A_841 {strides = array<i32>} : memref<64x256xf32, #tpu.memory_space<vmem>>, vector<16xf32>,
          %min3A_845 = arith.minimumf %scan3A_449, %select_n3A_835 : vector<16xf32>
          %get3A_846 = arith.constant 0 : i32
          %get3A_847 = arith.constant 0 : i32
          %get3A_848 = tpu.memref_slice %arg4[%rem3A_404, %get3A_846, %get3A_847] : memref<2x64x256xf32, #tpu.memory_space<vmem>> -> memref<1x64x256xf32, #tpu.memory_space<vmem>>
          %get3A_849 = tpu.memref_squeeze %get3A_848 : memref<1x64x256xf32, #tpu.memory_space<vmem>> -> memref<64x256xf32, #tpu.memory_space<vmem>>
          %get3A_850 = arith.index_cast %scan3A_436 : i32 to index
          %get3A_851 = arith.constant 192 : index
          %get3A_852 = tpu.vector_load %get3A_849[%get3A_850, %get3A_851] {strides = array<i32>} : memref<64x256xf32, #tpu.memory_space<vmem>>, vector<16xf32>,
          %sub3A_853 = arith.subf %min3A_845, %get3A_852 : vector<16xf32>
          %lt3A_854 = arith.constant 0 : i32
          %lt3A_855 = vector.broadcast %lt3A_854 : i32 to vector<16xi32>
          %lt3A_856 = arith.cmpi slt, %select_n3A_477, %lt3A_855 : vector<16xi32>
          %add3A_857 = arith.constant 16 : i32
          %add3A_858 = vector.broadcast %add3A_857 : i32 to vector<16xi32>
          %add3A_859 = arith.addi %select_n3A_477, %add3A_858 : vector<16xi32>
          %select_n3A_860 = arith.select %lt3A_856, %add3A_859, %select_n3A_477 : vector<16xi1>, vector<16xi32>
          %reshape3A_861 = vector.shape_cast %select_n3A_860 : vector<16xi32> to vector<16x1xi32>
          %gather3A_862 = vector.shape_cast %reshape3A_861 : vector<16x1xi32> to vector<16xi32>
          %gather3A_863 = tpu.dynamic_gather %scan3A_450[%gather3A_862] in [0] : vector<16xf32>, vector<16xi32> -> vector<16xf32>
          %select_n3A_864 = arith.select %eq3A_480, %gather3A_834, %gather3A_863 : vector<16xi1>, vector<16xf32>
          %le3A_865 = arith.cmpf ole, %select_n3A_864, %scan3A_450 : vector<16xf32>
          %jit3A_866 = arith.constant 1.000000e+00 : f32
          %jit3A_867 = arith.constant 0.000000e+00 : f32
          %broadcast_in_dim3A_868 = vector.broadcast %jit3A_866 : f32 to vector<16xf32>
          %broadcast_in_dim3A_869 = vector.broadcast %jit3A_867 : f32 to vector<16xf32>
          %select_n3A_870 = arith.select %le3A_865, %broadcast_in_dim3A_868, %broadcast_in_dim3A_869 : vector<16xi1>, vector<16xf32>
          %swap3A_871 = arith.index_cast %scan3A_436 : i32 to index
          %swap3A_872 = arith.constant 208 : index
          %swap3A_873 = tpu.vector_load %arg5[%swap3A_871, %swap3A_872] {strides = array<i32>} : memref<64x256xf32, #tpu.memory_space<vmem>>, vector<16xf32>,
          tpu.vector_store %arg5[%swap3A_871, %swap3A_872], %select_n3A_870 {strides = array<i32>} : memref<64x256xf32, #tpu.memory_space<vmem>>, vector<16xf32>,
          %min3A_874 = arith.minimumf %scan3A_450, %select_n3A_864 : vector<16xf32>
          %get3A_875 = arith.constant 0 : i32
          %get3A_876 = arith.constant 0 : i32
          %get3A_877 = tpu.memref_slice %arg4[%rem3A_404, %get3A_875, %get3A_876] : memref<2x64x256xf32, #tpu.memory_space<vmem>> -> memref<1x64x256xf32, #tpu.memory_space<vmem>>
          %get3A_878 = tpu.memref_squeeze %get3A_877 : memref<1x64x256xf32, #tpu.memory_space<vmem>> -> memref<64x256xf32, #tpu.memory_space<vmem>>
          %get3A_879 = arith.index_cast %scan3A_436 : i32 to index
          %get3A_880 = arith.constant 208 : index
          %get3A_881 = tpu.vector_load %get3A_878[%get3A_879, %get3A_880] {strides = array<i32>} : memref<64x256xf32, #tpu.memory_space<vmem>>, vector<16xf32>,
          %sub3A_882 = arith.subf %min3A_874, %get3A_881 : vector<16xf32>
          %lt3A_883 = arith.constant 0 : i32
          %lt3A_884 = vector.broadcast %lt3A_883 : i32 to vector<16xi32>
          %lt3A_885 = arith.cmpi slt, %select_n3A_477, %lt3A_884 : vector<16xi32>
          %add3A_886 = arith.constant 16 : i32
          %add3A_887 = vector.broadcast %add3A_886 : i32 to vector<16xi32>
          %add3A_888 = arith.addi %select_n3A_477, %add3A_887 : vector<16xi32>
          %select_n3A_889 = arith.select %lt3A_885, %add3A_888, %select_n3A_477 : vector<16xi1>, vector<16xi32>
          %reshape3A_890 = vector.shape_cast %select_n3A_889 : vector<16xi32> to vector<16x1xi32>
          %gather3A_891 = vector.shape_cast %reshape3A_890 : vector<16x1xi32> to vector<16xi32>
          %gather3A_892 = tpu.dynamic_gather %scan3A_451[%gather3A_891] in [0] : vector<16xf32>, vector<16xi32> -> vector<16xf32>
          %select_n3A_893 = arith.select %eq3A_480, %gather3A_863, %gather3A_892 : vector<16xi1>, vector<16xf32>
          %le3A_894 = arith.cmpf ole, %select_n3A_893, %scan3A_451 : vector<16xf32>
          %jit3A_895 = arith.constant 1.000000e+00 : f32
          %jit3A_896 = arith.constant 0.000000e+00 : f32
          %broadcast_in_dim3A_897 = vector.broadcast %jit3A_895 : f32 to vector<16xf32>
          %broadcast_in_dim3A_898 = vector.broadcast %jit3A_896 : f32 to vector<16xf32>
          %select_n3A_899 = arith.select %le3A_894, %broadcast_in_dim3A_897, %broadcast_in_dim3A_898 : vector<16xi1>, vector<16xf32>
          %swap3A_900 = arith.index_cast %scan3A_436 : i32 to index
          %swap3A_901 = arith.constant 224 : index
          %swap3A_902 = tpu.vector_load %arg5[%swap3A_900, %swap3A_901] {strides = array<i32>} : memref<64x256xf32, #tpu.memory_space<vmem>>, vector<16xf32>,
          tpu.vector_store %arg5[%swap3A_900, %swap3A_901], %select_n3A_899 {strides = array<i32>} : memref<64x256xf32, #tpu.memory_space<vmem>>, vector<16xf32>,
          %min3A_903 = arith.minimumf %scan3A_451, %select_n3A_893 : vector<16xf32>
          %get3A_904 = arith.constant 0 : i32
          %get3A_905 = arith.constant 0 : i32
          %get3A_906 = tpu.memref_slice %arg4[%rem3A_404, %get3A_904, %get3A_905] : memref<2x64x256xf32, #tpu.memory_space<vmem>> -> memref<1x64x256xf32, #tpu.memory_space<vmem>>
          %get3A_907 = tpu.memref_squeeze %get3A_906 : memref<1x64x256xf32, #tpu.memory_space<vmem>> -> memref<64x256xf32, #tpu.memory_space<vmem>>
          %get3A_908 = arith.index_cast %scan3A_436 : i32 to index
          %get3A_909 = arith.constant 224 : index
          %get3A_910 = tpu.vector_load %get3A_907[%get3A_908, %get3A_909] {strides = array<i32>} : memref<64x256xf32, #tpu.memory_space<vmem>>, vector<16xf32>,
          %sub3A_911 = arith.subf %min3A_903, %get3A_910 : vector<16xf32>
          %lt3A_912 = arith.constant 0 : i32
          %lt3A_913 = vector.broadcast %lt3A_912 : i32 to vector<16xi32>
          %lt3A_914 = arith.cmpi slt, %select_n3A_477, %lt3A_913 : vector<16xi32>
          %add3A_915 = arith.constant 16 : i32
          %add3A_916 = vector.broadcast %add3A_915 : i32 to vector<16xi32>
          %add3A_917 = arith.addi %select_n3A_477, %add3A_916 : vector<16xi32>
          %select_n3A_918 = arith.select %lt3A_914, %add3A_917, %select_n3A_477 : vector<16xi1>, vector<16xi32>
          %reshape3A_919 = vector.shape_cast %select_n3A_918 : vector<16xi32> to vector<16x1xi32>
          %gather3A_920 = vector.shape_cast %reshape3A_919 : vector<16x1xi32> to vector<16xi32>
          %gather3A_921 = tpu.dynamic_gather %scan3A_452[%gather3A_920] in [0] : vector<16xf32>, vector<16xi32> -> vector<16xf32>
          %select_n3A_922 = arith.select %eq3A_480, %gather3A_892, %gather3A_921 : vector<16xi1>, vector<16xf32>
          %le3A_923 = arith.cmpf ole, %select_n3A_922, %scan3A_452 : vector<16xf32>
          %jit3A_924 = arith.constant 1.000000e+00 : f32
          %jit3A_925 = arith.constant 0.000000e+00 : f32
          %broadcast_in_dim3A_926 = vector.broadcast %jit3A_924 : f32 to vector<16xf32>
          %broadcast_in_dim3A_927 = vector.broadcast %jit3A_925 : f32 to vector<16xf32>
          %select_n3A_928 = arith.select %le3A_923, %broadcast_in_dim3A_926, %broadcast_in_dim3A_927 : vector<16xi1>, vector<16xf32>
          %swap3A_929 = arith.index_cast %scan3A_436 : i32 to index
          %swap3A_930 = arith.constant 240 : index
          %swap3A_931 = tpu.vector_load %arg5[%swap3A_929, %swap3A_930] {strides = array<i32>} : memref<64x256xf32, #tpu.memory_space<vmem>>, vector<16xf32>,
          tpu.vector_store %arg5[%swap3A_929, %swap3A_930], %select_n3A_928 {strides = array<i32>} : memref<64x256xf32, #tpu.memory_space<vmem>>, vector<16xf32>,
          %min3A_932 = arith.minimumf %scan3A_452, %select_n3A_922 : vector<16xf32>
          %get3A_933 = arith.constant 0 : i32
          %get3A_934 = arith.constant 0 : i32
          %get3A_935 = tpu.memref_slice %arg4[%rem3A_404, %get3A_933, %get3A_934] : memref<2x64x256xf32, #tpu.memory_space<vmem>> -> memref<1x64x256xf32, #tpu.memory_space<vmem>>
          %get3A_936 = tpu.memref_squeeze %get3A_935 : memref<1x64x256xf32, #tpu.memory_space<vmem>> -> memref<64x256xf32, #tpu.memory_space<vmem>>
          %get3A_937 = arith.index_cast %scan3A_436 : i32 to index
          %get3A_938 = arith.constant 240 : index
          %get3A_939 = tpu.vector_load %get3A_936[%get3A_937, %get3A_938] {strides = array<i32>} : memref<64x256xf32, #tpu.memory_space<vmem>>, vector<16xf32>,
          %sub3A_940 = arith.subf %min3A_932, %get3A_939 : vector<16xf32>
          %scan3A_941 = arith.constant 1 : i32
          %scan3A_942 = arith.addi %scan3A_436, %scan3A_941 : i32
          %iota3A_943 = tpu.iota {dimensions = array<i32: 0>} : vector<16xi32>
          %add3A_944 = arith.constant 15 : i32
          %add3A_945 = vector.broadcast %add3A_944 : i32 to vector<16xi32>
          %add3A_946 = arith.addi %iota3A_943, %add3A_945 : vector<16xi32>
          %jit3A_947 = arith.constant 16 : i32
          %eq3A_948 = arith.constant 0 : i32
          %eq3A_949 = arith.cmpi eq, %jit3A_947, %eq3A_948 : i32
          %jit3A_950 = arith.constant 1 : i32
          %select_n3A_951 = arith.select %eq3A_949, %jit3A_950, %jit3A_947 : i32
          %rem3A_952 = vector.broadcast %select_n3A_951 : i32 to vector<16xi32>
          %rem3A_953 = arith.remsi %add3A_946, %rem3A_952 : vector<16xi32>
          %ne3A_954 = arith.constant 0 : i32
          %ne3A_955 = vector.broadcast %ne3A_954 : i32 to vector<16xi32>
          %ne3A_956 = arith.cmpi ne, %rem3A_953, %ne3A_955 : vector<16xi32>
          %lt3A_957 = arith.constant 0 : i32
          %lt3A_958 = vector.broadcast %lt3A_957 : i32 to vector<16xi32>
          %lt3A_959 = arith.cmpi slt, %rem3A_953, %lt3A_958 : vector<16xi32>
          %lt3A_960 = arith.constant 0 : i32
          %lt3A_961 = arith.cmpi slt, %select_n3A_951, %lt3A_960 : i32
          %ne3A_962 = vector.broadcast %lt3A_961 : i1 to vector<16xi1>
          %ne3A_963 = vector.broadcast %ne3A_962 : vector<16xi1> to vector<16xi1>
          %ne3A_964 = arith.xori %lt3A_959, %ne3A_963 : vector<16xi1>
          %and3A_965 = arith.andi %ne3A_964, %ne3A_956 : vector<16xi1>
          %add3A_966 = vector.broadcast %select_n3A_951 : i32 to vector<16xi32>
          %add3A_967 = arith.addi %rem3A_953, %add3A_966 : vector<16xi32>
          %select_n3A_968 = arith.select %and3A_965, %add3A_967, %rem3A_953 : vector<16xi1>, vector<16xi32>
          %eq3A_969 = arith.constant 0 : i32
          %eq3A_970 = vector.broadcast %eq3A_969 : i32 to vector<16xi32>
          %eq3A_971 = arith.cmpi eq, %iota3A_943, %eq3A_970 : vector<16xi32>
          %lt3A_972 = arith.constant 0 : i32
          %lt3A_973 = vector.broadcast %lt3A_972 : i32 to vector<16xi32>
          %lt3A_974 = arith.cmpi slt, %select_n3A_968, %lt3A_973 : vector<16xi32>
          %add3A_975 = arith.constant 16 : i32
          %add3A_976 = vector.broadcast %add3A_975 : i32 to vector<16xi32>
          %add3A_977 = arith.addi %select_n3A_968, %add3A_976 : vector<16xi32>
          %select_n3A_978 = arith.select %lt3A_974, %add3A_977, %select_n3A_968 : vector<16xi1>, vector<16xi32>
          %reshape3A_979 = vector.shape_cast %select_n3A_978 : vector<16xi32> to vector<16x1xi32>
          %gather3A_980 = vector.shape_cast %reshape3A_979 : vector<16x1xi32> to vector<16xi32>
          %gather3A_981 = tpu.dynamic_gather %sub3A[%gather3A_980] in [0] : vector<16xf32>, vector<16xi32> -> vector<16xf32>
          %jit3A_982 = arith.constant 0x7F800000 : f32
          %broadcast_in_dim3A_983 = vector.broadcast %jit3A_982 : f32 to vector<16xf32>
          %select_n3A_984 = arith.select %eq3A_971, %broadcast_in_dim3A_983, %gather3A_981 : vector<16xi1>, vector<16xf32>
          %le3A_985 = arith.cmpf ole, %select_n3A_984, %sub3A : vector<16xf32>
          %jit3A_986 = arith.constant 1.000000e+00 : f32
          %jit3A_987 = arith.constant 0.000000e+00 : f32
          %broadcast_in_dim3A_988 = vector.broadcast %jit3A_986 : f32 to vector<16xf32>
          %broadcast_in_dim3A_989 = vector.broadcast %jit3A_987 : f32 to vector<16xf32>
          %select_n3A_990 = arith.select %le3A_985, %broadcast_in_dim3A_988, %broadcast_in_dim3A_989 : vector<16xi1>, vector<16xf32>
          %swap3A_991 = arith.index_cast %scan3A_942 : i32 to index
          %swap3A_992 = arith.constant 0 : index
          %swap3A_993 = tpu.vector_load %arg5[%swap3A_991, %swap3A_992] {strides = array<i32>} : memref<64x256xf32, #tpu.memory_space<vmem>>, vector<16xf32>,
          tpu.vector_store %arg5[%swap3A_991, %swap3A_992], %select_n3A_990 {strides = array<i32>} : memref<64x256xf32, #tpu.memory_space<vmem>>, vector<16xf32>,
          %min3A_994 = arith.minimumf %sub3A, %select_n3A_984 : vector<16xf32>
          %get3A_995 = arith.constant 0 : i32
          %get3A_996 = arith.constant 0 : i32
          %get3A_997 = tpu.memref_slice %arg4[%rem3A_404, %get3A_995, %get3A_996] : memref<2x64x256xf32, #tpu.memory_space<vmem>> -> memref<1x64x256xf32, #tpu.memory_space<vmem>>
          %get3A_998 = tpu.memref_squeeze %get3A_997 : memref<1x64x256xf32, #tpu.memory_space<vmem>> -> memref<64x256xf32, #tpu.memory_space<vmem>>
          %get3A_999 = arith.index_cast %scan3A_942 : i32 to index
          %get3A_1000 = arith.constant 0 : index
          %get3A_1001 = tpu.vector_load %get3A_998[%get3A_999, %get3A_1000] {strides = array<i32>} : memref<64x256xf32, #tpu.memory_space<vmem>>, vector<16xf32>,
          %sub3A_1002 = arith.subf %min3A_994, %get3A_1001 : vector<16xf32>
          %lt3A_1003 = arith.constant 0 : i32
          %lt3A_1004 = vector.broadcast %lt3A_1003 : i32 to vector<16xi32>
          %lt3A_1005 = arith.cmpi slt, %select_n3A_968, %lt3A_1004 : vector<16xi32>
          %add3A_1006 = arith.constant 16 : i32
          %add3A_1007 = vector.broadcast %add3A_1006 : i32 to vector<16xi32>
          %add3A_1008 = arith.addi %select_n3A_968, %add3A_1007 : vector<16xi32>
          %select_n3A_1009 = arith.select %lt3A_1005, %add3A_1008, %select_n3A_968 : vector<16xi1>, vector<16xi32>
          %reshape3A_1010 = vector.shape_cast %select_n3A_1009 : vector<16xi32> to vector<16x1xi32>
          %gather3A_1011 = vector.shape_cast %reshape3A_1010 : vector<16x1xi32> to vector<16xi32>
          %gather3A_1012 = tpu.dynamic_gather %sub3A_534[%gather3A_1011] in [0] : vector<16xf32>, vector<16xi32> -> vector<16xf32>
          %select_n3A_1013 = arith.select %eq3A_971, %gather3A_981, %gather3A_1012 : vector<16xi1>, vector<16xf32>
          %le3A_1014 = arith.cmpf ole, %select_n3A_1013, %sub3A_534 : vector<16xf32>
          %jit3A_1015 = arith.constant 1.000000e+00 : f32
          %jit3A_1016 = arith.constant 0.000000e+00 : f32
          %broadcast_in_dim3A_1017 = vector.broadcast %jit3A_1015 : f32 to vector<16xf32>
          %broadcast_in_dim3A_1018 = vector.broadcast %jit3A_1016 : f32 to vector<16xf32>
          %select_n3A_1019 = arith.select %le3A_1014, %broadcast_in_dim3A_1017, %broadcast_in_dim3A_1018 : vector<16xi1>, vector<16xf32>
          %swap3A_1020 = arith.index_cast %scan3A_942 : i32 to index
          %swap3A_1021 = arith.constant 16 : index
          %swap3A_1022 = tpu.vector_load %arg5[%swap3A_1020, %swap3A_1021] {strides = array<i32>} : memref<64x256xf32, #tpu.memory_space<vmem>>, vector<16xf32>,
          tpu.vector_store %arg5[%swap3A_1020, %swap3A_1021], %select_n3A_1019 {strides = array<i32>} : memref<64x256xf32, #tpu.memory_space<vmem>>, vector<16xf32>,
          %min3A_1023 = arith.minimumf %sub3A_534, %select_n3A_1013 : vector<16xf32>
          %get3A_1024 = arith.constant 0 : i32
          %get3A_1025 = arith.constant 0 : i32
          %get3A_1026 = tpu.memref_slice %arg4[%rem3A_404, %get3A_1024, %get3A_1025] : memref<2x64x256xf32, #tpu.memory_space<vmem>> -> memref<1x64x256xf32, #tpu.memory_space<vmem>>
          %get3A_1027 = tpu.memref_squeeze %get3A_1026 : memref<1x64x256xf32, #tpu.memory_space<vmem>> -> memref<64x256xf32, #tpu.memory_space<vmem>>
          %get3A_1028 = arith.index_cast %scan3A_942 : i32 to index
          %get3A_1029 = arith.constant 16 : index
          %get3A_1030 = tpu.vector_load %get3A_1027[%get3A_1028, %get3A_1029] {strides = array<i32>} : memref<64x256xf32, #tpu.memory_space<vmem>>, vector<16xf32>,
          %sub3A_1031 = arith.subf %min3A_1023, %get3A_1030 : vector<16xf32>
          %lt3A_1032 = arith.constant 0 : i32
          %lt3A_1033 = vector.broadcast %lt3A_1032 : i32 to vector<16xi32>
          %lt3A_1034 = arith.cmpi slt, %select_n3A_968, %lt3A_1033 : vector<16xi32>
          %add3A_1035 = arith.constant 16 : i32
          %add3A_1036 = vector.broadcast %add3A_1035 : i32 to vector<16xi32>
          %add3A_1037 = arith.addi %select_n3A_968, %add3A_1036 : vector<16xi32>
          %select_n3A_1038 = arith.select %lt3A_1034, %add3A_1037, %select_n3A_968 : vector<16xi1>, vector<16xi32>
          %reshape3A_1039 = vector.shape_cast %select_n3A_1038 : vector<16xi32> to vector<16x1xi32>
          %gather3A_1040 = vector.shape_cast %reshape3A_1039 : vector<16x1xi32> to vector<16xi32>
          %gather3A_1041 = tpu.dynamic_gather %sub3A_563[%gather3A_1040] in [0] : vector<16xf32>, vector<16xi32> -> vector<16xf32>
          %select_n3A_1042 = arith.select %eq3A_971, %gather3A_1012, %gather3A_1041 : vector<16xi1>, vector<16xf32>
          %le3A_1043 = arith.cmpf ole, %select_n3A_1042, %sub3A_563 : vector<16xf32>
          %jit3A_1044 = arith.constant 1.000000e+00 : f32
          %jit3A_1045 = arith.constant 0.000000e+00 : f32
          %broadcast_in_dim3A_1046 = vector.broadcast %jit3A_1044 : f32 to vector<16xf32>
          %broadcast_in_dim3A_1047 = vector.broadcast %jit3A_1045 : f32 to vector<16xf32>
          %select_n3A_1048 = arith.select %le3A_1043, %broadcast_in_dim3A_1046, %broadcast_in_dim3A_1047 : vector<16xi1>, vector<16xf32>
          %swap3A_1049 = arith.index_cast %scan3A_942 : i32 to index
          %swap3A_1050 = arith.constant 32 : index
          %swap3A_1051 = tpu.vector_load %arg5[%swap3A_1049, %swap3A_1050] {strides = array<i32>} : memref<64x256xf32, #tpu.memory_space<vmem>>, vector<16xf32>,
          tpu.vector_store %arg5[%swap3A_1049, %swap3A_1050], %select_n3A_1048 {strides = array<i32>} : memref<64x256xf32, #tpu.memory_space<vmem>>, vector<16xf32>,
          %min3A_1052 = arith.minimumf %sub3A_563, %select_n3A_1042 : vector<16xf32>
          %get3A_1053 = arith.constant 0 : i32
          %get3A_1054 = arith.constant 0 : i32
          %get3A_1055 = tpu.memref_slice %arg4[%rem3A_404, %get3A_1053, %get3A_1054] : memref<2x64x256xf32, #tpu.memory_space<vmem>> -> memref<1x64x256xf32, #tpu.memory_space<vmem>>
          %get3A_1056 = tpu.memref_squeeze %get3A_1055 : memref<1x64x256xf32, #tpu.memory_space<vmem>> -> memref<64x256xf32, #tpu.memory_space<vmem>>
          %get3A_1057 = arith.index_cast %scan3A_942 : i32 to index
          %get3A_1058 = arith.constant 32 : index
          %get3A_1059 = tpu.vector_load %get3A_1056[%get3A_1057, %get3A_1058] {strides = array<i32>} : memref<64x256xf32, #tpu.memory_space<vmem>>, vector<16xf32>,
          %sub3A_1060 = arith.subf %min3A_1052, %get3A_1059 : vector<16xf32>
          %lt3A_1061 = arith.constant 0 : i32
          %lt3A_1062 = vector.broadcast %lt3A_1061 : i32 to vector<16xi32>
          %lt3A_1063 = arith.cmpi slt, %select_n3A_968, %lt3A_1062 : vector<16xi32>
          %add3A_1064 = arith.constant 16 : i32
          %add3A_1065 = vector.broadcast %add3A_1064 : i32 to vector<16xi32>
          %add3A_1066 = arith.addi %select_n3A_968, %add3A_1065 : vector<16xi32>
          %select_n3A_1067 = arith.select %lt3A_1063, %add3A_1066, %select_n3A_968 : vector<16xi1>, vector<16xi32>
          %reshape3A_1068 = vector.shape_cast %select_n3A_1067 : vector<16xi32> to vector<16x1xi32>
          %gather3A_1069 = vector.shape_cast %reshape3A_1068 : vector<16x1xi32> to vector<16xi32>
          %gather3A_1070 = tpu.dynamic_gather %sub3A_592[%gather3A_1069] in [0] : vector<16xf32>, vector<16xi32> -> vector<16xf32>
          %select_n3A_1071 = arith.select %eq3A_971, %gather3A_1041, %gather3A_1070 : vector<16xi1>, vector<16xf32>
          %le3A_1072 = arith.cmpf ole, %select_n3A_1071, %sub3A_592 : vector<16xf32>
          %jit3A_1073 = arith.constant 1.000000e+00 : f32
          %jit3A_1074 = arith.constant 0.000000e+00 : f32
          %broadcast_in_dim3A_1075 = vector.broadcast %jit3A_1073 : f32 to vector<16xf32>
          %broadcast_in_dim3A_1076 = vector.broadcast %jit3A_1074 : f32 to vector<16xf32>
          %select_n3A_1077 = arith.select %le3A_1072, %broadcast_in_dim3A_1075, %broadcast_in_dim3A_1076 : vector<16xi1>, vector<16xf32>
          %swap3A_1078 = arith.index_cast %scan3A_942 : i32 to index
          %swap3A_1079 = arith.constant 48 : index
          %swap3A_1080 = tpu.vector_load %arg5[%swap3A_1078, %swap3A_1079] {strides = array<i32>} : memref<64x256xf32, #tpu.memory_space<vmem>>, vector<16xf32>,
          tpu.vector_store %arg5[%swap3A_1078, %swap3A_1079], %select_n3A_1077 {strides = array<i32>} : memref<64x256xf32, #tpu.memory_space<vmem>>, vector<16xf32>,
          %min3A_1081 = arith.minimumf %sub3A_592, %select_n3A_1071 : vector<16xf32>
          %get3A_1082 = arith.constant 0 : i32
          %get3A_1083 = arith.constant 0 : i32
          %get3A_1084 = tpu.memref_slice %arg4[%rem3A_404, %get3A_1082, %get3A_1083] : memref<2x64x256xf32, #tpu.memory_space<vmem>> -> memref<1x64x256xf32, #tpu.memory_space<vmem>>
          %get3A_1085 = tpu.memref_squeeze %get3A_1084 : memref<1x64x256xf32, #tpu.memory_space<vmem>> -> memref<64x256xf32, #tpu.memory_space<vmem>>
          %get3A_1086 = arith.index_cast %scan3A_942 : i32 to index
          %get3A_1087 = arith.constant 48 : index
          %get3A_1088 = tpu.vector_load %get3A_1085[%get3A_1086, %get3A_1087] {strides = array<i32>} : memref<64x256xf32, #tpu.memory_space<vmem>>, vector<16xf32>,
          %sub3A_1089 = arith.subf %min3A_1081, %get3A_1088 : vector<16xf32>
          %lt3A_1090 = arith.constant 0 : i32
          %lt3A_1091 = vector.broadcast %lt3A_1090 : i32 to vector<16xi32>
          %lt3A_1092 = arith.cmpi slt, %select_n3A_968, %lt3A_1091 : vector<16xi32>
          %add3A_1093 = arith.constant 16 : i32
          %add3A_1094 = vector.broadcast %add3A_1093 : i32 to vector<16xi32>
          %add3A_1095 = arith.addi %select_n3A_968, %add3A_1094 : vector<16xi32>
          %select_n3A_1096 = arith.select %lt3A_1092, %add3A_1095, %select_n3A_968 : vector<16xi1>, vector<16xi32>
          %reshape3A_1097 = vector.shape_cast %select_n3A_1096 : vector<16xi32> to vector<16x1xi32>
          %gather3A_1098 = vector.shape_cast %reshape3A_1097 : vector<16x1xi32> to vector<16xi32>
          %gather3A_1099 = tpu.dynamic_gather %sub3A_621[%gather3A_1098] in [0] : vector<16xf32>, vector<16xi32> -> vector<16xf32>
          %select_n3A_1100 = arith.select %eq3A_971, %gather3A_1070, %gather3A_1099 : vector<16xi1>, vector<16xf32>
          %le3A_1101 = arith.cmpf ole, %select_n3A_1100, %sub3A_621 : vector<16xf32>
          %jit3A_1102 = arith.constant 1.000000e+00 : f32
          %jit3A_1103 = arith.constant 0.000000e+00 : f32
          %broadcast_in_dim3A_1104 = vector.broadcast %jit3A_1102 : f32 to vector<16xf32>
          %broadcast_in_dim3A_1105 = vector.broadcast %jit3A_1103 : f32 to vector<16xf32>
          %select_n3A_1106 = arith.select %le3A_1101, %broadcast_in_dim3A_1104, %broadcast_in_dim3A_1105 : vector<16xi1>, vector<16xf32>
          %swap3A_1107 = arith.index_cast %scan3A_942 : i32 to index
          %swap3A_1108 = arith.constant 64 : index
          %swap3A_1109 = tpu.vector_load %arg5[%swap3A_1107, %swap3A_1108] {strides = array<i32>} : memref<64x256xf32, #tpu.memory_space<vmem>>, vector<16xf32>,
          tpu.vector_store %arg5[%swap3A_1107, %swap3A_1108], %select_n3A_1106 {strides = array<i32>} : memref<64x256xf32, #tpu.memory_space<vmem>>, vector<16xf32>,
          %min3A_1110 = arith.minimumf %sub3A_621, %select_n3A_1100 : vector<16xf32>
          %get3A_1111 = arith.constant 0 : i32
          %get3A_1112 = arith.constant 0 : i32
          %get3A_1113 = tpu.memref_slice %arg4[%rem3A_404, %get3A_1111, %get3A_1112] : memref<2x64x256xf32, #tpu.memory_space<vmem>> -> memref<1x64x256xf32, #tpu.memory_space<vmem>>
          %get3A_1114 = tpu.memref_squeeze %get3A_1113 : memref<1x64x256xf32, #tpu.memory_space<vmem>> -> memref<64x256xf32, #tpu.memory_space<vmem>>
          %get3A_1115 = arith.index_cast %scan3A_942 : i32 to index
          %get3A_1116 = arith.constant 64 : index
          %get3A_1117 = tpu.vector_load %get3A_1114[%get3A_1115, %get3A_1116] {strides = array<i32>} : memref<64x256xf32, #tpu.memory_space<vmem>>, vector<16xf32>,
          %sub3A_1118 = arith.subf %min3A_1110, %get3A_1117 : vector<16xf32>
          %lt3A_1119 = arith.constant 0 : i32
          %lt3A_1120 = vector.broadcast %lt3A_1119 : i32 to vector<16xi32>
          %lt3A_1121 = arith.cmpi slt, %select_n3A_968, %lt3A_1120 : vector<16xi32>
          %add3A_1122 = arith.constant 16 : i32
          %add3A_1123 = vector.broadcast %add3A_1122 : i32 to vector<16xi32>
          %add3A_1124 = arith.addi %select_n3A_968, %add3A_1123 : vector<16xi32>
          %select_n3A_1125 = arith.select %lt3A_1121, %add3A_1124, %select_n3A_968 : vector<16xi1>, vector<16xi32>
          %reshape3A_1126 = vector.shape_cast %select_n3A_1125 : vector<16xi32> to vector<16x1xi32>
          %gather3A_1127 = vector.shape_cast %reshape3A_1126 : vector<16x1xi32> to vector<16xi32>
          %gather3A_1128 = tpu.dynamic_gather %sub3A_650[%gather3A_1127] in [0] : vector<16xf32>, vector<16xi32> -> vector<16xf32>
          %select_n3A_1129 = arith.select %eq3A_971, %gather3A_1099, %gather3A_1128 : vector<16xi1>, vector<16xf32>
          %le3A_1130 = arith.cmpf ole, %select_n3A_1129, %sub3A_650 : vector<16xf32>
          %jit3A_1131 = arith.constant 1.000000e+00 : f32
          %jit3A_1132 = arith.constant 0.000000e+00 : f32
          %broadcast_in_dim3A_1133 = vector.broadcast %jit3A_1131 : f32 to vector<16xf32>
          %broadcast_in_dim3A_1134 = vector.broadcast %jit3A_1132 : f32 to vector<16xf32>
          %select_n3A_1135 = arith.select %le3A_1130, %broadcast_in_dim3A_1133, %broadcast_in_dim3A_1134 : vector<16xi1>, vector<16xf32>
          %swap3A_1136 = arith.index_cast %scan3A_942 : i32 to index
          %swap3A_1137 = arith.constant 80 : index
          %swap3A_1138 = tpu.vector_load %arg5[%swap3A_1136, %swap3A_1137] {strides = array<i32>} : memref<64x256xf32, #tpu.memory_space<vmem>>, vector<16xf32>,
          tpu.vector_store %arg5[%swap3A_1136, %swap3A_1137], %select_n3A_1135 {strides = array<i32>} : memref<64x256xf32, #tpu.memory_space<vmem>>, vector<16xf32>,
          %min3A_1139 = arith.minimumf %sub3A_650, %select_n3A_1129 : vector<16xf32>
          %get3A_1140 = arith.constant 0 : i32
          %get3A_1141 = arith.constant 0 : i32
          %get3A_1142 = tpu.memref_slice %arg4[%rem3A_404, %get3A_1140, %get3A_1141] : memref<2x64x256xf32, #tpu.memory_space<vmem>> -> memref<1x64x256xf32, #tpu.memory_space<vmem>>
          %get3A_1143 = tpu.memref_squeeze %get3A_1142 : memref<1x64x256xf32, #tpu.memory_space<vmem>> -> memref<64x256xf32, #tpu.memory_space<vmem>>
          %get3A_1144 = arith.index_cast %scan3A_942 : i32 to index
          %get3A_1145 = arith.constant 80 : index
          %get3A_1146 = tpu.vector_load %get3A_1143[%get3A_1144, %get3A_1145] {strides = array<i32>} : memref<64x256xf32, #tpu.memory_space<vmem>>, vector<16xf32>,
          %sub3A_1147 = arith.subf %min3A_1139, %get3A_1146 : vector<16xf32>
          %lt3A_1148 = arith.constant 0 : i32
          %lt3A_1149 = vector.broadcast %lt3A_1148 : i32 to vector<16xi32>
          %lt3A_1150 = arith.cmpi slt, %select_n3A_968, %lt3A_1149 : vector<16xi32>
          %add3A_1151 = arith.constant 16 : i32
          %add3A_1152 = vector.broadcast %add3A_1151 : i32 to vector<16xi32>
          %add3A_1153 = arith.addi %select_n3A_968, %add3A_1152 : vector<16xi32>
          %select_n3A_1154 = arith.select %lt3A_1150, %add3A_1153, %select_n3A_968 : vector<16xi1>, vector<16xi32>
          %reshape3A_1155 = vector.shape_cast %select_n3A_1154 : vector<16xi32> to vector<16x1xi32>
          %gather3A_1156 = vector.shape_cast %reshape3A_1155 : vector<16x1xi32> to vector<16xi32>
          %gather3A_1157 = tpu.dynamic_gather %sub3A_679[%gather3A_1156] in [0] : vector<16xf32>, vector<16xi32> -> vector<16xf32>
          %select_n3A_1158 = arith.select %eq3A_971, %gather3A_1128, %gather3A_1157 : vector<16xi1>, vector<16xf32>
          %le3A_1159 = arith.cmpf ole, %select_n3A_1158, %sub3A_679 : vector<16xf32>
          %jit3A_1160 = arith.constant 1.000000e+00 : f32
          %jit3A_1161 = arith.constant 0.000000e+00 : f32
          %broadcast_in_dim3A_1162 = vector.broadcast %jit3A_1160 : f32 to vector<16xf32>
          %broadcast_in_dim3A_1163 = vector.broadcast %jit3A_1161 : f32 to vector<16xf32>
          %select_n3A_1164 = arith.select %le3A_1159, %broadcast_in_dim3A_1162, %broadcast_in_dim3A_1163 : vector<16xi1>, vector<16xf32>
          %swap3A_1165 = arith.index_cast %scan3A_942 : i32 to index
          %swap3A_1166 = arith.constant 96 : index
          %swap3A_1167 = tpu.vector_load %arg5[%swap3A_1165, %swap3A_1166] {strides = array<i32>} : memref<64x256xf32, #tpu.memory_space<vmem>>, vector<16xf32>,
          tpu.vector_store %arg5[%swap3A_1165, %swap3A_1166], %select_n3A_1164 {strides = array<i32>} : memref<64x256xf32, #tpu.memory_space<vmem>>, vector<16xf32>,
          %min3A_1168 = arith.minimumf %sub3A_679, %select_n3A_1158 : vector<16xf32>
          %get3A_1169 = arith.constant 0 : i32
          %get3A_1170 = arith.constant 0 : i32
          %get3A_1171 = tpu.memref_slice %arg4[%rem3A_404, %get3A_1169, %get3A_1170] : memref<2x64x256xf32, #tpu.memory_space<vmem>> -> memref<1x64x256xf32, #tpu.memory_space<vmem>>
          %get3A_1172 = tpu.memref_squeeze %get3A_1171 : memref<1x64x256xf32, #tpu.memory_space<vmem>> -> memref<64x256xf32, #tpu.memory_space<vmem>>
          %get3A_1173 = arith.index_cast %scan3A_942 : i32 to index
          %get3A_1174 = arith.constant 96 : index
          %get3A_1175 = tpu.vector_load %get3A_1172[%get3A_1173, %get3A_1174] {strides = array<i32>} : memref<64x256xf32, #tpu.memory_space<vmem>>, vector<16xf32>,
          %sub3A_1176 = arith.subf %min3A_1168, %get3A_1175 : vector<16xf32>
          %lt3A_1177 = arith.constant 0 : i32
          %lt3A_1178 = vector.broadcast %lt3A_1177 : i32 to vector<16xi32>
          %lt3A_1179 = arith.cmpi slt, %select_n3A_968, %lt3A_1178 : vector<16xi32>
          %add3A_1180 = arith.constant 16 : i32
          %add3A_1181 = vector.broadcast %add3A_1180 : i32 to vector<16xi32>
          %add3A_1182 = arith.addi %select_n3A_968, %add3A_1181 : vector<16xi32>
          %select_n3A_1183 = arith.select %lt3A_1179, %add3A_1182, %select_n3A_968 : vector<16xi1>, vector<16xi32>
          %reshape3A_1184 = vector.shape_cast %select_n3A_1183 : vector<16xi32> to vector<16x1xi32>
          %gather3A_1185 = vector.shape_cast %reshape3A_1184 : vector<16x1xi32> to vector<16xi32>
          %gather3A_1186 = tpu.dynamic_gather %sub3A_708[%gather3A_1185] in [0] : vector<16xf32>, vector<16xi32> -> vector<16xf32>
          %select_n3A_1187 = arith.select %eq3A_971, %gather3A_1157, %gather3A_1186 : vector<16xi1>, vector<16xf32>
          %le3A_1188 = arith.cmpf ole, %select_n3A_1187, %sub3A_708 : vector<16xf32>
          %jit3A_1189 = arith.constant 1.000000e+00 : f32
          %jit3A_1190 = arith.constant 0.000000e+00 : f32
          %broadcast_in_dim3A_1191 = vector.broadcast %jit3A_1189 : f32 to vector<16xf32>
          %broadcast_in_dim3A_1192 = vector.broadcast %jit3A_1190 : f32 to vector<16xf32>
          %select_n3A_1193 = arith.select %le3A_1188, %broadcast_in_dim3A_1191, %broadcast_in_dim3A_1192 : vector<16xi1>, vector<16xf32>
          %swap3A_1194 = arith.index_cast %scan3A_942 : i32 to index
          %swap3A_1195 = arith.constant 112 : index
          %swap3A_1196 = tpu.vector_load %arg5[%swap3A_1194, %swap3A_1195] {strides = array<i32>} : memref<64x256xf32, #tpu.memory_space<vmem>>, vector<16xf32>,
          tpu.vector_store %arg5[%swap3A_1194, %swap3A_1195], %select_n3A_1193 {strides = array<i32>} : memref<64x256xf32, #tpu.memory_space<vmem>>, vector<16xf32>,
          %min3A_1197 = arith.minimumf %sub3A_708, %select_n3A_1187 : vector<16xf32>
          %get3A_1198 = arith.constant 0 : i32
          %get3A_1199 = arith.constant 0 : i32
          %get3A_1200 = tpu.memref_slice %arg4[%rem3A_404, %get3A_1198, %get3A_1199] : memref<2x64x256xf32, #tpu.memory_space<vmem>> -> memref<1x64x256xf32, #tpu.memory_space<vmem>>
          %get3A_1201 = tpu.memref_squeeze %get3A_1200 : memref<1x64x256xf32, #tpu.memory_space<vmem>> -> memref<64x256xf32, #tpu.memory_space<vmem>>
          %get3A_1202 = arith.index_cast %scan3A_942 : i32 to index
          %get3A_1203 = arith.constant 112 : index
          %get3A_1204 = tpu.vector_load %get3A_1201[%get3A_1202, %get3A_1203] {strides = array<i32>} : memref<64x256xf32, #tpu.memory_space<vmem>>, vector<16xf32>,
          %sub3A_1205 = arith.subf %min3A_1197, %get3A_1204 : vector<16xf32>
          %lt3A_1206 = arith.constant 0 : i32
          %lt3A_1207 = vector.broadcast %lt3A_1206 : i32 to vector<16xi32>
          %lt3A_1208 = arith.cmpi slt, %select_n3A_968, %lt3A_1207 : vector<16xi32>
          %add3A_1209 = arith.constant 16 : i32
          %add3A_1210 = vector.broadcast %add3A_1209 : i32 to vector<16xi32>
          %add3A_1211 = arith.addi %select_n3A_968, %add3A_1210 : vector<16xi32>
          %select_n3A_1212 = arith.select %lt3A_1208, %add3A_1211, %select_n3A_968 : vector<16xi1>, vector<16xi32>
          %reshape3A_1213 = vector.shape_cast %select_n3A_1212 : vector<16xi32> to vector<16x1xi32>
          %gather3A_1214 = vector.shape_cast %reshape3A_1213 : vector<16x1xi32> to vector<16xi32>
          %gather3A_1215 = tpu.dynamic_gather %sub3A_737[%gather3A_1214] in [0] : vector<16xf32>, vector<16xi32> -> vector<16xf32>
          %select_n3A_1216 = arith.select %eq3A_971, %gather3A_1186, %gather3A_1215 : vector<16xi1>, vector<16xf32>
          %le3A_1217 = arith.cmpf ole, %select_n3A_1216, %sub3A_737 : vector<16xf32>
          %jit3A_1218 = arith.constant 1.000000e+00 : f32
          %jit3A_1219 = arith.constant 0.000000e+00 : f32
          %broadcast_in_dim3A_1220 = vector.broadcast %jit3A_1218 : f32 to vector<16xf32>
          %broadcast_in_dim3A_1221 = vector.broadcast %jit3A_1219 : f32 to vector<16xf32>
          %select_n3A_1222 = arith.select %le3A_1217, %broadcast_in_dim3A_1220, %broadcast_in_dim3A_1221 : vector<16xi1>, vector<16xf32>
          %swap3A_1223 = arith.index_cast %scan3A_942 : i32 to index
          %swap3A_1224 = arith.constant 128 : index
          %swap3A_1225 = tpu.vector_load %arg5[%swap3A_1223, %swap3A_1224] {strides = array<i32>} : memref<64x256xf32, #tpu.memory_space<vmem>>, vector<16xf32>,
          tpu.vector_store %arg5[%swap3A_1223, %swap3A_1224], %select_n3A_1222 {strides = array<i32>} : memref<64x256xf32, #tpu.memory_space<vmem>>, vector<16xf32>,
          %min3A_1226 = arith.minimumf %sub3A_737, %select_n3A_1216 : vector<16xf32>
          %get3A_1227 = arith.constant 0 : i32
          %get3A_1228 = arith.constant 0 : i32
          %get3A_1229 = tpu.memref_slice %arg4[%rem3A_404, %get3A_1227, %get3A_1228] : memref<2x64x256xf32, #tpu.memory_space<vmem>> -> memref<1x64x256xf32, #tpu.memory_space<vmem>>
          %get3A_1230 = tpu.memref_squeeze %get3A_1229 : memref<1x64x256xf32, #tpu.memory_space<vmem>> -> memref<64x256xf32, #tpu.memory_space<vmem>>
          %get3A_1231 = arith.index_cast %scan3A_942 : i32 to index
          %get3A_1232 = arith.constant 128 : index
          %get3A_1233 = tpu.vector_load %get3A_1230[%get3A_1231, %get3A_1232] {strides = array<i32>} : memref<64x256xf32, #tpu.memory_space<vmem>>, vector<16xf32>,
          %sub3A_1234 = arith.subf %min3A_1226, %get3A_1233 : vector<16xf32>
          %lt3A_1235 = arith.constant 0 : i32
          %lt3A_1236 = vector.broadcast %lt3A_1235 : i32 to vector<16xi32>
          %lt3A_1237 = arith.cmpi slt, %select_n3A_968, %lt3A_1236 : vector<16xi32>
          %add3A_1238 = arith.constant 16 : i32
          %add3A_1239 = vector.broadcast %add3A_1238 : i32 to vector<16xi32>
          %add3A_1240 = arith.addi %select_n3A_968, %add3A_1239 : vector<16xi32>
          %select_n3A_1241 = arith.select %lt3A_1237, %add3A_1240, %select_n3A_968 : vector<16xi1>, vector<16xi32>
          %reshape3A_1242 = vector.shape_cast %select_n3A_1241 : vector<16xi32> to vector<16x1xi32>
          %gather3A_1243 = vector.shape_cast %reshape3A_1242 : vector<16x1xi32> to vector<16xi32>
          %gather3A_1244 = tpu.dynamic_gather %sub3A_766[%gather3A_1243] in [0] : vector<16xf32>, vector<16xi32> -> vector<16xf32>
          %select_n3A_1245 = arith.select %eq3A_971, %gather3A_1215, %gather3A_1244 : vector<16xi1>, vector<16xf32>
          %le3A_1246 = arith.cmpf ole, %select_n3A_1245, %sub3A_766 : vector<16xf32>
          %jit3A_1247 = arith.constant 1.000000e+00 : f32
          %jit3A_1248 = arith.constant 0.000000e+00 : f32
          %broadcast_in_dim3A_1249 = vector.broadcast %jit3A_1247 : f32 to vector<16xf32>
          %broadcast_in_dim3A_1250 = vector.broadcast %jit3A_1248 : f32 to vector<16xf32>
          %select_n3A_1251 = arith.select %le3A_1246, %broadcast_in_dim3A_1249, %broadcast_in_dim3A_1250 : vector<16xi1>, vector<16xf32>
          %swap3A_1252 = arith.index_cast %scan3A_942 : i32 to index
          %swap3A_1253 = arith.constant 144 : index
          %swap3A_1254 = tpu.vector_load %arg5[%swap3A_1252, %swap3A_1253] {strides = array<i32>} : memref<64x256xf32, #tpu.memory_space<vmem>>, vector<16xf32>,
          tpu.vector_store %arg5[%swap3A_1252, %swap3A_1253], %select_n3A_1251 {strides = array<i32>} : memref<64x256xf32, #tpu.memory_space<vmem>>, vector<16xf32>,
          %min3A_1255 = arith.minimumf %sub3A_766, %select_n3A_1245 : vector<16xf32>
          %get3A_1256 = arith.constant 0 : i32
          %get3A_1257 = arith.constant 0 : i32
          %get3A_1258 = tpu.memref_slice %arg4[%rem3A_404, %get3A_1256, %get3A_1257] : memref<2x64x256xf32, #tpu.memory_space<vmem>> -> memref<1x64x256xf32, #tpu.memory_space<vmem>>
          %get3A_1259 = tpu.memref_squeeze %get3A_1258 : memref<1x64x256xf32, #tpu.memory_space<vmem>> -> memref<64x256xf32, #tpu.memory_space<vmem>>
          %get3A_1260 = arith.index_cast %scan3A_942 : i32 to index
          %get3A_1261 = arith.constant 144 : index
          %get3A_1262 = tpu.vector_load %get3A_1259[%get3A_1260, %get3A_1261] {strides = array<i32>} : memref<64x256xf32, #tpu.memory_space<vmem>>, vector<16xf32>,
          %sub3A_1263 = arith.subf %min3A_1255, %get3A_1262 : vector<16xf32>
          %lt3A_1264 = arith.constant 0 : i32
          %lt3A_1265 = vector.broadcast %lt3A_1264 : i32 to vector<16xi32>
          %lt3A_1266 = arith.cmpi slt, %select_n3A_968, %lt3A_1265 : vector<16xi32>
          %add3A_1267 = arith.constant 16 : i32
          %add3A_1268 = vector.broadcast %add3A_1267 : i32 to vector<16xi32>
          %add3A_1269 = arith.addi %select_n3A_968, %add3A_1268 : vector<16xi32>
          %select_n3A_1270 = arith.select %lt3A_1266, %add3A_1269, %select_n3A_968 : vector<16xi1>, vector<16xi32>
          %reshape3A_1271 = vector.shape_cast %select_n3A_1270 : vector<16xi32> to vector<16x1xi32>
          %gather3A_1272 = vector.shape_cast %reshape3A_1271 : vector<16x1xi32> to vector<16xi32>
          %gather3A_1273 = tpu.dynamic_gather %sub3A_795[%gather3A_1272] in [0] : vector<16xf32>, vector<16xi32> -> vector<16xf32>
          %select_n3A_1274 = arith.select %eq3A_971, %gather3A_1244, %gather3A_1273 : vector<16xi1>, vector<16xf32>
          %le3A_1275 = arith.cmpf ole, %select_n3A_1274, %sub3A_795 : vector<16xf32>
          %jit3A_1276 = arith.constant 1.000000e+00 : f32
          %jit3A_1277 = arith.constant 0.000000e+00 : f32
          %broadcast_in_dim3A_1278 = vector.broadcast %jit3A_1276 : f32 to vector<16xf32>
          %broadcast_in_dim3A_1279 = vector.broadcast %jit3A_1277 : f32 to vector<16xf32>
          %select_n3A_1280 = arith.select %le3A_1275, %broadcast_in_dim3A_1278, %broadcast_in_dim3A_1279 : vector<16xi1>, vector<16xf32>
          %swap3A_1281 = arith.index_cast %scan3A_942 : i32 to index
          %swap3A_1282 = arith.constant 160 : index
          %swap3A_1283 = tpu.vector_load %arg5[%swap3A_1281, %swap3A_1282] {strides = array<i32>} : memref<64x256xf32, #tpu.memory_space<vmem>>, vector<16xf32>,
          tpu.vector_store %arg5[%swap3A_1281, %swap3A_1282], %select_n3A_1280 {strides = array<i32>} : memref<64x256xf32, #tpu.memory_space<vmem>>, vector<16xf32>,
          %min3A_1284 = arith.minimumf %sub3A_795, %select_n3A_1274 : vector<16xf32>
          %get3A_1285 = arith.constant 0 : i32
          %get3A_1286 = arith.constant 0 : i32
          %get3A_1287 = tpu.memref_slice %arg4[%rem3A_404, %get3A_1285, %get3A_1286] : memref<2x64x256xf32, #tpu.memory_space<vmem>> -> memref<1x64x256xf32, #tpu.memory_space<vmem>>
          %get3A_1288 = tpu.memref_squeeze %get3A_1287 : memref<1x64x256xf32, #tpu.memory_space<vmem>> -> memref<64x256xf32, #tpu.memory_space<vmem>>
          %get3A_1289 = arith.index_cast %scan3A_942 : i32 to index
          %get3A_1290 = arith.constant 160 : index
          %get3A_1291 = tpu.vector_load %get3A_1288[%get3A_1289, %get3A_1290] {strides = array<i32>} : memref<64x256xf32, #tpu.memory_space<vmem>>, vector<16xf32>,
          %sub3A_1292 = arith.subf %min3A_1284, %get3A_1291 : vector<16xf32>
          %lt3A_1293 = arith.constant 0 : i32
          %lt3A_1294 = vector.broadcast %lt3A_1293 : i32 to vector<16xi32>
          %lt3A_1295 = arith.cmpi slt, %select_n3A_968, %lt3A_1294 : vector<16xi32>
          %add3A_1296 = arith.constant 16 : i32
          %add3A_1297 = vector.broadcast %add3A_1296 : i32 to vector<16xi32>
          %add3A_1298 = arith.addi %select_n3A_968, %add3A_1297 : vector<16xi32>
          %select_n3A_1299 = arith.select %lt3A_1295, %add3A_1298, %select_n3A_968 : vector<16xi1>, vector<16xi32>
          %reshape3A_1300 = vector.shape_cast %select_n3A_1299 : vector<16xi32> to vector<16x1xi32>
          %gather3A_1301 = vector.shape_cast %reshape3A_1300 : vector<16x1xi32> to vector<16xi32>
          %gather3A_1302 = tpu.dynamic_gather %sub3A_824[%gather3A_1301] in [0] : vector<16xf32>, vector<16xi32> -> vector<16xf32>
          %select_n3A_1303 = arith.select %eq3A_971, %gather3A_1273, %gather3A_1302 : vector<16xi1>, vector<16xf32>
          %le3A_1304 = arith.cmpf ole, %select_n3A_1303, %sub3A_824 : vector<16xf32>
          %jit3A_1305 = arith.constant 1.000000e+00 : f32
          %jit3A_1306 = arith.constant 0.000000e+00 : f32
          %broadcast_in_dim3A_1307 = vector.broadcast %jit3A_1305 : f32 to vector<16xf32>
          %broadcast_in_dim3A_1308 = vector.broadcast %jit3A_1306 : f32 to vector<16xf32>
          %select_n3A_1309 = arith.select %le3A_1304, %broadcast_in_dim3A_1307, %broadcast_in_dim3A_1308 : vector<16xi1>, vector<16xf32>
          %swap3A_1310 = arith.index_cast %scan3A_942 : i32 to index
          %swap3A_1311 = arith.constant 176 : index
          %swap3A_1312 = tpu.vector_load %arg5[%swap3A_1310, %swap3A_1311] {strides = array<i32>} : memref<64x256xf32, #tpu.memory_space<vmem>>, vector<16xf32>,
          tpu.vector_store %arg5[%swap3A_1310, %swap3A_1311], %select_n3A_1309 {strides = array<i32>} : memref<64x256xf32, #tpu.memory_space<vmem>>, vector<16xf32>,
          %min3A_1313 = arith.minimumf %sub3A_824, %select_n3A_1303 : vector<16xf32>
          %get3A_1314 = arith.constant 0 : i32
          %get3A_1315 = arith.constant 0 : i32
          %get3A_1316 = tpu.memref_slice %arg4[%rem3A_404, %get3A_1314, %get3A_1315] : memref<2x64x256xf32, #tpu.memory_space<vmem>> -> memref<1x64x256xf32, #tpu.memory_space<vmem>>
          %get3A_1317 = tpu.memref_squeeze %get3A_1316 : memref<1x64x256xf32, #tpu.memory_space<vmem>> -> memref<64x256xf32, #tpu.memory_space<vmem>>
          %get3A_1318 = arith.index_cast %scan3A_942 : i32 to index
          %get3A_1319 = arith.constant 176 : index
          %get3A_1320 = tpu.vector_load %get3A_1317[%get3A_1318, %get3A_1319] {strides = array<i32>} : memref<64x256xf32, #tpu.memory_space<vmem>>, vector<16xf32>,
          %sub3A_1321 = arith.subf %min3A_1313, %get3A_1320 : vector<16xf32>
          %lt3A_1322 = arith.constant 0 : i32
          %lt3A_1323 = vector.broadcast %lt3A_1322 : i32 to vector<16xi32>
          %lt3A_1324 = arith.cmpi slt, %select_n3A_968, %lt3A_1323 : vector<16xi32>
          %add3A_1325 = arith.constant 16 : i32
          %add3A_1326 = vector.broadcast %add3A_1325 : i32 to vector<16xi32>
          %add3A_1327 = arith.addi %select_n3A_968, %add3A_1326 : vector<16xi32>
          %select_n3A_1328 = arith.select %lt3A_1324, %add3A_1327, %select_n3A_968 : vector<16xi1>, vector<16xi32>
          %reshape3A_1329 = vector.shape_cast %select_n3A_1328 : vector<16xi32> to vector<16x1xi32>
          %gather3A_1330 = vector.shape_cast %reshape3A_1329 : vector<16x1xi32> to vector<16xi32>
          %gather3A_1331 = tpu.dynamic_gather %sub3A_853[%gather3A_1330] in [0] : vector<16xf32>, vector<16xi32> -> vector<16xf32>
          %select_n3A_1332 = arith.select %eq3A_971, %gather3A_1302, %gather3A_1331 : vector<16xi1>, vector<16xf32>
          %le3A_1333 = arith.cmpf ole, %select_n3A_1332, %sub3A_853 : vector<16xf32>
          %jit3A_1334 = arith.constant 1.000000e+00 : f32
          %jit3A_1335 = arith.constant 0.000000e+00 : f32
          %broadcast_in_dim3A_1336 = vector.broadcast %jit3A_1334 : f32 to vector<16xf32>
          %broadcast_in_dim3A_1337 = vector.broadcast %jit3A_1335 : f32 to vector<16xf32>
          %select_n3A_1338 = arith.select %le3A_1333, %broadcast_in_dim3A_1336, %broadcast_in_dim3A_1337 : vector<16xi1>, vector<16xf32>
          %swap3A_1339 = arith.index_cast %scan3A_942 : i32 to index
          %swap3A_1340 = arith.constant 192 : index
          %swap3A_1341 = tpu.vector_load %arg5[%swap3A_1339, %swap3A_1340] {strides = array<i32>} : memref<64x256xf32, #tpu.memory_space<vmem>>, vector<16xf32>,
          tpu.vector_store %arg5[%swap3A_1339, %swap3A_1340], %select_n3A_1338 {strides = array<i32>} : memref<64x256xf32, #tpu.memory_space<vmem>>, vector<16xf32>,
          %min3A_1342 = arith.minimumf %sub3A_853, %select_n3A_1332 : vector<16xf32>
          %get3A_1343 = arith.constant 0 : i32
          %get3A_1344 = arith.constant 0 : i32
          %get3A_1345 = tpu.memref_slice %arg4[%rem3A_404, %get3A_1343, %get3A_1344] : memref<2x64x256xf32, #tpu.memory_space<vmem>> -> memref<1x64x256xf32, #tpu.memory_space<vmem>>
          %get3A_1346 = tpu.memref_squeeze %get3A_1345 : memref<1x64x256xf32, #tpu.memory_space<vmem>> -> memref<64x256xf32, #tpu.memory_space<vmem>>
          %get3A_1347 = arith.index_cast %scan3A_942 : i32 to index
          %get3A_1348 = arith.constant 192 : index
          %get3A_1349 = tpu.vector_load %get3A_1346[%get3A_1347, %get3A_1348] {strides = array<i32>} : memref<64x256xf32, #tpu.memory_space<vmem>>, vector<16xf32>,
          %sub3A_1350 = arith.subf %min3A_1342, %get3A_1349 : vector<16xf32>
          %lt3A_1351 = arith.constant 0 : i32
          %lt3A_1352 = vector.broadcast %lt3A_1351 : i32 to vector<16xi32>
          %lt3A_1353 = arith.cmpi slt, %select_n3A_968, %lt3A_1352 : vector<16xi32>
          %add3A_1354 = arith.constant 16 : i32
          %add3A_1355 = vector.broadcast %add3A_1354 : i32 to vector<16xi32>
          %add3A_1356 = arith.addi %select_n3A_968, %add3A_1355 : vector<16xi32>
          %select_n3A_1357 = arith.select %lt3A_1353, %add3A_1356, %select_n3A_968 : vector<16xi1>, vector<16xi32>
          %reshape3A_1358 = vector.shape_cast %select_n3A_1357 : vector<16xi32> to vector<16x1xi32>
          %gather3A_1359 = vector.shape_cast %reshape3A_1358 : vector<16x1xi32> to vector<16xi32>
          %gather3A_1360 = tpu.dynamic_gather %sub3A_882[%gather3A_1359] in [0] : vector<16xf32>, vector<16xi32> -> vector<16xf32>
          %select_n3A_1361 = arith.select %eq3A_971, %gather3A_1331, %gather3A_1360 : vector<16xi1>, vector<16xf32>
          %le3A_1362 = arith.cmpf ole, %select_n3A_1361, %sub3A_882 : vector<16xf32>
          %jit3A_1363 = arith.constant 1.000000e+00 : f32
          %jit3A_1364 = arith.constant 0.000000e+00 : f32
          %broadcast_in_dim3A_1365 = vector.broadcast %jit3A_1363 : f32 to vector<16xf32>
          %broadcast_in_dim3A_1366 = vector.broadcast %jit3A_1364 : f32 to vector<16xf32>
          %select_n3A_1367 = arith.select %le3A_1362, %broadcast_in_dim3A_1365, %broadcast_in_dim3A_1366 : vector<16xi1>, vector<16xf32>
          %swap3A_1368 = arith.index_cast %scan3A_942 : i32 to index
          %swap3A_1369 = arith.constant 208 : index
          %swap3A_1370 = tpu.vector_load %arg5[%swap3A_1368, %swap3A_1369] {strides = array<i32>} : memref<64x256xf32, #tpu.memory_space<vmem>>, vector<16xf32>,
          tpu.vector_store %arg5[%swap3A_1368, %swap3A_1369], %select_n3A_1367 {strides = array<i32>} : memref<64x256xf32, #tpu.memory_space<vmem>>, vector<16xf32>,
          %min3A_1371 = arith.minimumf %sub3A_882, %select_n3A_1361 : vector<16xf32>
          %get3A_1372 = arith.constant 0 : i32
          %get3A_1373 = arith.constant 0 : i32
          %get3A_1374 = tpu.memref_slice %arg4[%rem3A_404, %get3A_1372, %get3A_1373] : memref<2x64x256xf32, #tpu.memory_space<vmem>> -> memref<1x64x256xf32, #tpu.memory_space<vmem>>
          %get3A_1375 = tpu.memref_squeeze %get3A_1374 : memref<1x64x256xf32, #tpu.memory_space<vmem>> -> memref<64x256xf32, #tpu.memory_space<vmem>>
          %get3A_1376 = arith.index_cast %scan3A_942 : i32 to index
          %get3A_1377 = arith.constant 208 : index
          %get3A_1378 = tpu.vector_load %get3A_1375[%get3A_1376, %get3A_1377] {strides = array<i32>} : memref<64x256xf32, #tpu.memory_space<vmem>>, vector<16xf32>,
          %sub3A_1379 = arith.subf %min3A_1371, %get3A_1378 : vector<16xf32>
          %lt3A_1380 = arith.constant 0 : i32
          %lt3A_1381 = vector.broadcast %lt3A_1380 : i32 to vector<16xi32>
          %lt3A_1382 = arith.cmpi slt, %select_n3A_968, %lt3A_1381 : vector<16xi32>
          %add3A_1383 = arith.constant 16 : i32
          %add3A_1384 = vector.broadcast %add3A_1383 : i32 to vector<16xi32>
          %add3A_1385 = arith.addi %select_n3A_968, %add3A_1384 : vector<16xi32>
          %select_n3A_1386 = arith.select %lt3A_1382, %add3A_1385, %select_n3A_968 : vector<16xi1>, vector<16xi32>
          %reshape3A_1387 = vector.shape_cast %select_n3A_1386 : vector<16xi32> to vector<16x1xi32>
          %gather3A_1388 = vector.shape_cast %reshape3A_1387 : vector<16x1xi32> to vector<16xi32>
          %gather3A_1389 = tpu.dynamic_gather %sub3A_911[%gather3A_1388] in [0] : vector<16xf32>, vector<16xi32> -> vector<16xf32>
          %select_n3A_1390 = arith.select %eq3A_971, %gather3A_1360, %gather3A_1389 : vector<16xi1>, vector<16xf32>
          %le3A_1391 = arith.cmpf ole, %select_n3A_1390, %sub3A_911 : vector<16xf32>
          %jit3A_1392 = arith.constant 1.000000e+00 : f32
          %jit3A_1393 = arith.constant 0.000000e+00 : f32
          %broadcast_in_dim3A_1394 = vector.broadcast %jit3A_1392 : f32 to vector<16xf32>
          %broadcast_in_dim3A_1395 = vector.broadcast %jit3A_1393 : f32 to vector<16xf32>
          %select_n3A_1396 = arith.select %le3A_1391, %broadcast_in_dim3A_1394, %broadcast_in_dim3A_1395 : vector<16xi1>, vector<16xf32>
          %swap3A_1397 = arith.index_cast %scan3A_942 : i32 to index
          %swap3A_1398 = arith.constant 224 : index
          %swap3A_1399 = tpu.vector_load %arg5[%swap3A_1397, %swap3A_1398] {strides = array<i32>} : memref<64x256xf32, #tpu.memory_space<vmem>>, vector<16xf32>,
          tpu.vector_store %arg5[%swap3A_1397, %swap3A_1398], %select_n3A_1396 {strides = array<i32>} : memref<64x256xf32, #tpu.memory_space<vmem>>, vector<16xf32>,
          %min3A_1400 = arith.minimumf %sub3A_911, %select_n3A_1390 : vector<16xf32>
          %get3A_1401 = arith.constant 0 : i32
          %get3A_1402 = arith.constant 0 : i32
          %get3A_1403 = tpu.memref_slice %arg4[%rem3A_404, %get3A_1401, %get3A_1402] : memref<2x64x256xf32, #tpu.memory_space<vmem>> -> memref<1x64x256xf32, #tpu.memory_space<vmem>>
          %get3A_1404 = tpu.memref_squeeze %get3A_1403 : memref<1x64x256xf32, #tpu.memory_space<vmem>> -> memref<64x256xf32, #tpu.memory_space<vmem>>
          %get3A_1405 = arith.index_cast %scan3A_942 : i32 to index
          %get3A_1406 = arith.constant 224 : index
          %get3A_1407 = tpu.vector_load %get3A_1404[%get3A_1405, %get3A_1406] {strides = array<i32>} : memref<64x256xf32, #tpu.memory_space<vmem>>, vector<16xf32>,
          %sub3A_1408 = arith.subf %min3A_1400, %get3A_1407 : vector<16xf32>
          %lt3A_1409 = arith.constant 0 : i32
          %lt3A_1410 = vector.broadcast %lt3A_1409 : i32 to vector<16xi32>
          %lt3A_1411 = arith.cmpi slt, %select_n3A_968, %lt3A_1410 : vector<16xi32>
          %add3A_1412 = arith.constant 16 : i32
          %add3A_1413 = vector.broadcast %add3A_1412 : i32 to vector<16xi32>
          %add3A_1414 = arith.addi %select_n3A_968, %add3A_1413 : vector<16xi32>
          %select_n3A_1415 = arith.select %lt3A_1411, %add3A_1414, %select_n3A_968 : vector<16xi1>, vector<16xi32>
          %reshape3A_1416 = vector.shape_cast %select_n3A_1415 : vector<16xi32> to vector<16x1xi32>
          %gather3A_1417 = vector.shape_cast %reshape3A_1416 : vector<16x1xi32> to vector<16xi32>
          %gather3A_1418 = tpu.dynamic_gather %sub3A_940[%gather3A_1417] in [0] : vector<16xf32>, vector<16xi32> -> vector<16xf32>
          %select_n3A_1419 = arith.select %eq3A_971, %gather3A_1389, %gather3A_1418 : vector<16xi1>, vector<16xf32>
          %le3A_1420 = arith.cmpf ole, %select_n3A_1419, %sub3A_940 : vector<16xf32>
          %jit3A_1421 = arith.constant 1.000000e+00 : f32
          %jit3A_1422 = arith.constant 0.000000e+00 : f32
          %broadcast_in_dim3A_1423 = vector.broadcast %jit3A_1421 : f32 to vector<16xf32>
          %broadcast_in_dim3A_1424 = vector.broadcast %jit3A_1422 : f32 to vector<16xf32>
          %select_n3A_1425 = arith.select %le3A_1420, %broadcast_in_dim3A_1423, %broadcast_in_dim3A_1424 : vector<16xi1>, vector<16xf32>
          %swap3A_1426 = arith.index_cast %scan3A_942 : i32 to index
          %swap3A_1427 = arith.constant 240 : index
          %swap3A_1428 = tpu.vector_load %arg5[%swap3A_1426, %swap3A_1427] {strides = array<i32>} : memref<64x256xf32, #tpu.memory_space<vmem>>, vector<16xf32>,
          tpu.vector_store %arg5[%swap3A_1426, %swap3A_1427], %select_n3A_1425 {strides = array<i32>} : memref<64x256xf32, #tpu.memory_space<vmem>>, vector<16xf32>,
          %min3A_1429 = arith.minimumf %sub3A_940, %select_n3A_1419 : vector<16xf32>
          %get3A_1430 = arith.constant 0 : i32
          %get3A_1431 = arith.constant 0 : i32
          %get3A_1432 = tpu.memref_slice %arg4[%rem3A_404, %get3A_1430, %get3A_1431] : memref<2x64x256xf32, #tpu.memory_space<vmem>> -> memref<1x64x256xf32, #tpu.memory_space<vmem>>
          %get3A_1433 = tpu.memref_squeeze %get3A_1432 : memref<1x64x256xf32, #tpu.memory_space<vmem>> -> memref<64x256xf32, #tpu.memory_space<vmem>>
          %get3A_1434 = arith.index_cast %scan3A_942 : i32 to index
          %get3A_1435 = arith.constant 240 : index
          %get3A_1436 = tpu.vector_load %get3A_1433[%get3A_1434, %get3A_1435] {strides = array<i32>} : memref<64x256xf32, #tpu.memory_space<vmem>>, vector<16xf32>,
          %sub3A_1437 = arith.subf %min3A_1429, %get3A_1436 : vector<16xf32>
          %scan3A_1438 = arith.constant 2 : i32
          %scan3A_1439 = arith.addi %scan3A_436, %scan3A_1438 : i32
          %iota3A_1440 = tpu.iota {dimensions = array<i32: 0>} : vector<16xi32>
          %add3A_1441 = arith.constant 15 : i32
          %add3A_1442 = vector.broadcast %add3A_1441 : i32 to vector<16xi32>
          %add3A_1443 = arith.addi %iota3A_1440, %add3A_1442 : vector<16xi32>
          %jit3A_1444 = arith.constant 16 : i32
          %eq3A_1445 = arith.constant 0 : i32
          %eq3A_1446 = arith.cmpi eq, %jit3A_1444, %eq3A_1445 : i32
          %jit3A_1447 = arith.constant 1 : i32
          %select_n3A_1448 = arith.select %eq3A_1446, %jit3A_1447, %jit3A_1444 : i32
          %rem3A_1449 = vector.broadcast %select_n3A_1448 : i32 to vector<16xi32>
          %rem3A_1450 = arith.remsi %add3A_1443, %rem3A_1449 : vector<16xi32>
          %ne3A_1451 = arith.constant 0 : i32
          %ne3A_1452 = vector.broadcast %ne3A_1451 : i32 to vector<16xi32>
          %ne3A_1453 = arith.cmpi ne, %rem3A_1450, %ne3A_1452 : vector<16xi32>
          %lt3A_1454 = arith.constant 0 : i32
          %lt3A_1455 = vector.broadcast %lt3A_1454 : i32 to vector<16xi32>
          %lt3A_1456 = arith.cmpi slt, %rem3A_1450, %lt3A_1455 : vector<16xi32>
          %lt3A_1457 = arith.constant 0 : i32
          %lt3A_1458 = arith.cmpi slt, %select_n3A_1448, %lt3A_1457 : i32
          %ne3A_1459 = vector.broadcast %lt3A_1458 : i1 to vector<16xi1>
          %ne3A_1460 = vector.broadcast %ne3A_1459 : vector<16xi1> to vector<16xi1>
          %ne3A_1461 = arith.xori %lt3A_1456, %ne3A_1460 : vector<16xi1>
          %and3A_1462 = arith.andi %ne3A_1461, %ne3A_1453 : vector<16xi1>
          %add3A_1463 = vector.broadcast %select_n3A_1448 : i32 to vector<16xi32>
          %add3A_1464 = arith.addi %rem3A_1450, %add3A_1463 : vector<16xi32>
          %select_n3A_1465 = arith.select %and3A_1462, %add3A_1464, %rem3A_1450 : vector<16xi1>, vector<16xi32>
          %eq3A_1466 = arith.constant 0 : i32
          %eq3A_1467 = vector.broadcast %eq3A_1466 : i32 to vector<16xi32>
          %eq3A_1468 = arith.cmpi eq, %iota3A_1440, %eq3A_1467 : vector<16xi32>
          %lt3A_1469 = arith.constant 0 : i32
          %lt3A_1470 = vector.broadcast %lt3A_1469 : i32 to vector<16xi32>
          %lt3A_1471 = arith.cmpi slt, %select_n3A_1465, %lt3A_1470 : vector<16xi32>
          %add3A_1472 = arith.constant 16 : i32
          %add3A_1473 = vector.broadcast %add3A_1472 : i32 to vector<16xi32>
          %add3A_1474 = arith.addi %select_n3A_1465, %add3A_1473 : vector<16xi32>
          %select_n3A_1475 = arith.select %lt3A_1471, %add3A_1474, %select_n3A_1465 : vector<16xi1>, vector<16xi32>
          %reshape3A_1476 = vector.shape_cast %select_n3A_1475 : vector<16xi32> to vector<16x1xi32>
          %gather3A_1477 = vector.shape_cast %reshape3A_1476 : vector<16x1xi32> to vector<16xi32>
          %gather3A_1478 = tpu.dynamic_gather %sub3A_1002[%gather3A_1477] in [0] : vector<16xf32>, vector<16xi32> -> vector<16xf32>
          %jit3A_1479 = arith.constant 0x7F800000 : f32
          %broadcast_in_dim3A_1480 = vector.broadcast %jit3A_1479 : f32 to vector<16xf32>
          %select_n3A_1481 = arith.select %eq3A_1468, %broadcast_in_dim3A_1480, %gather3A_1478 : vector<16xi1>, vector<16xf32>
          %le3A_1482 = arith.cmpf ole, %select_n3A_1481, %sub3A_1002 : vector<16xf32>
          %jit3A_1483 = arith.constant 1.000000e+00 : f32
          %jit3A_1484 = arith.constant 0.000000e+00 : f32
          %broadcast_in_dim3A_1485 = vector.broadcast %jit3A_1483 : f32 to vector<16xf32>
          %broadcast_in_dim3A_1486 = vector.broadcast %jit3A_1484 : f32 to vector<16xf32>
          %select_n3A_1487 = arith.select %le3A_1482, %broadcast_in_dim3A_1485, %broadcast_in_dim3A_1486 : vector<16xi1>, vector<16xf32>
          %swap3A_1488 = arith.index_cast %scan3A_1439 : i32 to index
          %swap3A_1489 = arith.constant 0 : index
          %swap3A_1490 = tpu.vector_load %arg5[%swap3A_1488, %swap3A_1489] {strides = array<i32>} : memref<64x256xf32, #tpu.memory_space<vmem>>, vector<16xf32>,
          tpu.vector_store %arg5[%swap3A_1488, %swap3A_1489], %select_n3A_1487 {strides = array<i32>} : memref<64x256xf32, #tpu.memory_space<vmem>>, vector<16xf32>,
          %min3A_1491 = arith.minimumf %sub3A_1002, %select_n3A_1481 : vector<16xf32>
          %get3A_1492 = arith.constant 0 : i32
          %get3A_1493 = arith.constant 0 : i32
          %get3A_1494 = tpu.memref_slice %arg4[%rem3A_404, %get3A_1492, %get3A_1493] : memref<2x64x256xf32, #tpu.memory_space<vmem>> -> memref<1x64x256xf32, #tpu.memory_space<vmem>>
          %get3A_1495 = tpu.memref_squeeze %get3A_1494 : memref<1x64x256xf32, #tpu.memory_space<vmem>> -> memref<64x256xf32, #tpu.memory_space<vmem>>
          %get3A_1496 = arith.index_cast %scan3A_1439 : i32 to index
          %get3A_1497 = arith.constant 0 : index
          %get3A_1498 = tpu.vector_load %get3A_1495[%get3A_1496, %get3A_1497] {strides = array<i32>} : memref<64x256xf32, #tpu.memory_space<vmem>>, vector<16xf32>,
          %sub3A_1499 = arith.subf %min3A_1491, %get3A_1498 : vector<16xf32>
          %lt3A_1500 = arith.constant 0 : i32
          %lt3A_1501 = vector.broadcast %lt3A_1500 : i32 to vector<16xi32>
          %lt3A_1502 = arith.cmpi slt, %select_n3A_1465, %lt3A_1501 : vector<16xi32>
          %add3A_1503 = arith.constant 16 : i32
          %add3A_1504 = vector.broadcast %add3A_1503 : i32 to vector<16xi32>
          %add3A_1505 = arith.addi %select_n3A_1465, %add3A_1504 : vector<16xi32>
          %select_n3A_1506 = arith.select %lt3A_1502, %add3A_1505, %select_n3A_1465 : vector<16xi1>, vector<16xi32>
          %reshape3A_1507 = vector.shape_cast %select_n3A_1506 : vector<16xi32> to vector<16x1xi32>
          %gather3A_1508 = vector.shape_cast %reshape3A_1507 : vector<16x1xi32> to vector<16xi32>
          %gather3A_1509 = tpu.dynamic_gather %sub3A_1031[%gather3A_1508] in [0] : vector<16xf32>, vector<16xi32> -> vector<16xf32>
          %select_n3A_1510 = arith.select %eq3A_1468, %gather3A_1478, %gather3A_1509 : vector<16xi1>, vector<16xf32>
          %le3A_1511 = arith.cmpf ole, %select_n3A_1510, %sub3A_1031 : vector<16xf32>
          %jit3A_1512 = arith.constant 1.000000e+00 : f32
          %jit3A_1513 = arith.constant 0.000000e+00 : f32
          %broadcast_in_dim3A_1514 = vector.broadcast %jit3A_1512 : f32 to vector<16xf32>
          %broadcast_in_dim3A_1515 = vector.broadcast %jit3A_1513 : f32 to vector<16xf32>
          %select_n3A_1516 = arith.select %le3A_1511, %broadcast_in_dim3A_1514, %broadcast_in_dim3A_1515 : vector<16xi1>, vector<16xf32>
          %swap3A_1517 = arith.index_cast %scan3A_1439 : i32 to index
          %swap3A_1518 = arith.constant 16 : index
          %swap3A_1519 = tpu.vector_load %arg5[%swap3A_1517, %swap3A_1518] {strides = array<i32>} : memref<64x256xf32, #tpu.memory_space<vmem>>, vector<16xf32>,
          tpu.vector_store %arg5[%swap3A_1517, %swap3A_1518], %select_n3A_1516 {strides = array<i32>} : memref<64x256xf32, #tpu.memory_space<vmem>>, vector<16xf32>,
          %min3A_1520 = arith.minimumf %sub3A_1031, %select_n3A_1510 : vector<16xf32>
          %get3A_1521 = arith.constant 0 : i32
          %get3A_1522 = arith.constant 0 : i32
          %get3A_1523 = tpu.memref_slice %arg4[%rem3A_404, %get3A_1521, %get3A_1522] : memref<2x64x256xf32, #tpu.memory_space<vmem>> -> memref<1x64x256xf32, #tpu.memory_space<vmem>>
          %get3A_1524 = tpu.memref_squeeze %get3A_1523 : memref<1x64x256xf32, #tpu.memory_space<vmem>> -> memref<64x256xf32, #tpu.memory_space<vmem>>
          %get3A_1525 = arith.index_cast %scan3A_1439 : i32 to index
          %get3A_1526 = arith.constant 16 : index
          %get3A_1527 = tpu.vector_load %get3A_1524[%get3A_1525, %get3A_1526] {strides = array<i32>} : memref<64x256xf32, #tpu.memory_space<vmem>>, vector<16xf32>,
          %sub3A_1528 = arith.subf %min3A_1520, %get3A_1527 : vector<16xf32>
          %lt3A_1529 = arith.constant 0 : i32
          %lt3A_1530 = vector.broadcast %lt3A_1529 : i32 to vector<16xi32>
          %lt3A_1531 = arith.cmpi slt, %select_n3A_1465, %lt3A_1530 : vector<16xi32>
          %add3A_1532 = arith.constant 16 : i32
          %add3A_1533 = vector.broadcast %add3A_1532 : i32 to vector<16xi32>
          %add3A_1534 = arith.addi %select_n3A_1465, %add3A_1533 : vector<16xi32>
          %select_n3A_1535 = arith.select %lt3A_1531, %add3A_1534, %select_n3A_1465 : vector<16xi1>, vector<16xi32>
          %reshape3A_1536 = vector.shape_cast %select_n3A_1535 : vector<16xi32> to vector<16x1xi32>
          %gather3A_1537 = vector.shape_cast %reshape3A_1536 : vector<16x1xi32> to vector<16xi32>
          %gather3A_1538 = tpu.dynamic_gather %sub3A_1060[%gather3A_1537] in [0] : vector<16xf32>, vector<16xi32> -> vector<16xf32>
          %select_n3A_1539 = arith.select %eq3A_1468, %gather3A_1509, %gather3A_1538 : vector<16xi1>, vector<16xf32>
          %le3A_1540 = arith.cmpf ole, %select_n3A_1539, %sub3A_1060 : vector<16xf32>
          %jit3A_1541 = arith.constant 1.000000e+00 : f32
          %jit3A_1542 = arith.constant 0.000000e+00 : f32
          %broadcast_in_dim3A_1543 = vector.broadcast %jit3A_1541 : f32 to vector<16xf32>
          %broadcast_in_dim3A_1544 = vector.broadcast %jit3A_1542 : f32 to vector<16xf32>
          %select_n3A_1545 = arith.select %le3A_1540, %broadcast_in_dim3A_1543, %broadcast_in_dim3A_1544 : vector<16xi1>, vector<16xf32>
          %swap3A_1546 = arith.index_cast %scan3A_1439 : i32 to index
          %swap3A_1547 = arith.constant 32 : index
          %swap3A_1548 = tpu.vector_load %arg5[%swap3A_1546, %swap3A_1547] {strides = array<i32>} : memref<64x256xf32, #tpu.memory_space<vmem>>, vector<16xf32>,
          tpu.vector_store %arg5[%swap3A_1546, %swap3A_1547], %select_n3A_1545 {strides = array<i32>} : memref<64x256xf32, #tpu.memory_space<vmem>>, vector<16xf32>,
          %min3A_1549 = arith.minimumf %sub3A_1060, %select_n3A_1539 : vector<16xf32>
          %get3A_1550 = arith.constant 0 : i32
          %get3A_1551 = arith.constant 0 : i32
          %get3A_1552 = tpu.memref_slice %arg4[%rem3A_404, %get3A_1550, %get3A_1551] : memref<2x64x256xf32, #tpu.memory_space<vmem>> -> memref<1x64x256xf32, #tpu.memory_space<vmem>>
          %get3A_1553 = tpu.memref_squeeze %get3A_1552 : memref<1x64x256xf32, #tpu.memory_space<vmem>> -> memref<64x256xf32, #tpu.memory_space<vmem>>
          %get3A_1554 = arith.index_cast %scan3A_1439 : i32 to index
          %get3A_1555 = arith.constant 32 : index
          %get3A_1556 = tpu.vector_load %get3A_1553[%get3A_1554, %get3A_1555] {strides = array<i32>} : memref<64x256xf32, #tpu.memory_space<vmem>>, vector<16xf32>,
          %sub3A_1557 = arith.subf %min3A_1549, %get3A_1556 : vector<16xf32>
          %lt3A_1558 = arith.constant 0 : i32
          %lt3A_1559 = vector.broadcast %lt3A_1558 : i32 to vector<16xi32>
          %lt3A_1560 = arith.cmpi slt, %select_n3A_1465, %lt3A_1559 : vector<16xi32>
          %add3A_1561 = arith.constant 16 : i32
          %add3A_1562 = vector.broadcast %add3A_1561 : i32 to vector<16xi32>
          %add3A_1563 = arith.addi %select_n3A_1465, %add3A_1562 : vector<16xi32>
          %select_n3A_1564 = arith.select %lt3A_1560, %add3A_1563, %select_n3A_1465 : vector<16xi1>, vector<16xi32>
          %reshape3A_1565 = vector.shape_cast %select_n3A_1564 : vector<16xi32> to vector<16x1xi32>
          %gather3A_1566 = vector.shape_cast %reshape3A_1565 : vector<16x1xi32> to vector<16xi32>
          %gather3A_1567 = tpu.dynamic_gather %sub3A_1089[%gather3A_1566] in [0] : vector<16xf32>, vector<16xi32> -> vector<16xf32>
          %select_n3A_1568 = arith.select %eq3A_1468, %gather3A_1538, %gather3A_1567 : vector<16xi1>, vector<16xf32>
          %le3A_1569 = arith.cmpf ole, %select_n3A_1568, %sub3A_1089 : vector<16xf32>
          %jit3A_1570 = arith.constant 1.000000e+00 : f32
          %jit3A_1571 = arith.constant 0.000000e+00 : f32
          %broadcast_in_dim3A_1572 = vector.broadcast %jit3A_1570 : f32 to vector<16xf32>
          %broadcast_in_dim3A_1573 = vector.broadcast %jit3A_1571 : f32 to vector<16xf32>
          %select_n3A_1574 = arith.select %le3A_1569, %broadcast_in_dim3A_1572, %broadcast_in_dim3A_1573 : vector<16xi1>, vector<16xf32>
          %swap3A_1575 = arith.index_cast %scan3A_1439 : i32 to index
          %swap3A_1576 = arith.constant 48 : index
          %swap3A_1577 = tpu.vector_load %arg5[%swap3A_1575, %swap3A_1576] {strides = array<i32>} : memref<64x256xf32, #tpu.memory_space<vmem>>, vector<16xf32>,
          tpu.vector_store %arg5[%swap3A_1575, %swap3A_1576], %select_n3A_1574 {strides = array<i32>} : memref<64x256xf32, #tpu.memory_space<vmem>>, vector<16xf32>,
          %min3A_1578 = arith.minimumf %sub3A_1089, %select_n3A_1568 : vector<16xf32>
          %get3A_1579 = arith.constant 0 : i32
          %get3A_1580 = arith.constant 0 : i32
          %get3A_1581 = tpu.memref_slice %arg4[%rem3A_404, %get3A_1579, %get3A_1580] : memref<2x64x256xf32, #tpu.memory_space<vmem>> -> memref<1x64x256xf32, #tpu.memory_space<vmem>>
          %get3A_1582 = tpu.memref_squeeze %get3A_1581 : memref<1x64x256xf32, #tpu.memory_space<vmem>> -> memref<64x256xf32, #tpu.memory_space<vmem>>
          %get3A_1583 = arith.index_cast %scan3A_1439 : i32 to index
          %get3A_1584 = arith.constant 48 : index
          %get3A_1585 = tpu.vector_load %get3A_1582[%get3A_1583, %get3A_1584] {strides = array<i32>} : memref<64x256xf32, #tpu.memory_space<vmem>>, vector<16xf32>,
          %sub3A_1586 = arith.subf %min3A_1578, %get3A_1585 : vector<16xf32>
          %lt3A_1587 = arith.constant 0 : i32
          %lt3A_1588 = vector.broadcast %lt3A_1587 : i32 to vector<16xi32>
          %lt3A_1589 = arith.cmpi slt, %select_n3A_1465, %lt3A_1588 : vector<16xi32>
          %add3A_1590 = arith.constant 16 : i32
          %add3A_1591 = vector.broadcast %add3A_1590 : i32 to vector<16xi32>
          %add3A_1592 = arith.addi %select_n3A_1465, %add3A_1591 : vector<16xi32>
          %select_n3A_1593 = arith.select %lt3A_1589, %add3A_1592, %select_n3A_1465 : vector<16xi1>, vector<16xi32>
          %reshape3A_1594 = vector.shape_cast %select_n3A_1593 : vector<16xi32> to vector<16x1xi32>
          %gather3A_1595 = vector.shape_cast %reshape3A_1594 : vector<16x1xi32> to vector<16xi32>
          %gather3A_1596 = tpu.dynamic_gather %sub3A_1118[%gather3A_1595] in [0] : vector<16xf32>, vector<16xi32> -> vector<16xf32>
          %select_n3A_1597 = arith.select %eq3A_1468, %gather3A_1567, %gather3A_1596 : vector<16xi1>, vector<16xf32>
          %le3A_1598 = arith.cmpf ole, %select_n3A_1597, %sub3A_1118 : vector<16xf32>
          %jit3A_1599 = arith.constant 1.000000e+00 : f32
          %jit3A_1600 = arith.constant 0.000000e+00 : f32
          %broadcast_in_dim3A_1601 = vector.broadcast %jit3A_1599 : f32 to vector<16xf32>
          %broadcast_in_dim3A_1602 = vector.broadcast %jit3A_1600 : f32 to vector<16xf32>
          %select_n3A_1603 = arith.select %le3A_1598, %broadcast_in_dim3A_1601, %broadcast_in_dim3A_1602 : vector<16xi1>, vector<16xf32>
          %swap3A_1604 = arith.index_cast %scan3A_1439 : i32 to index
          %swap3A_1605 = arith.constant 64 : index
          %swap3A_1606 = tpu.vector_load %arg5[%swap3A_1604, %swap3A_1605] {strides = array<i32>} : memref<64x256xf32, #tpu.memory_space<vmem>>, vector<16xf32>,
          tpu.vector_store %arg5[%swap3A_1604, %swap3A_1605], %select_n3A_1603 {strides = array<i32>} : memref<64x256xf32, #tpu.memory_space<vmem>>, vector<16xf32>,
          %min3A_1607 = arith.minimumf %sub3A_1118, %select_n3A_1597 : vector<16xf32>
          %get3A_1608 = arith.constant 0 : i32
          %get3A_1609 = arith.constant 0 : i32
          %get3A_1610 = tpu.memref_slice %arg4[%rem3A_404, %get3A_1608, %get3A_1609] : memref<2x64x256xf32, #tpu.memory_space<vmem>> -> memref<1x64x256xf32, #tpu.memory_space<vmem>>
          %get3A_1611 = tpu.memref_squeeze %get3A_1610 : memref<1x64x256xf32, #tpu.memory_space<vmem>> -> memref<64x256xf32, #tpu.memory_space<vmem>>
          %get3A_1612 = arith.index_cast %scan3A_1439 : i32 to index
          %get3A_1613 = arith.constant 64 : index
          %get3A_1614 = tpu.vector_load %get3A_1611[%get3A_1612, %get3A_1613] {strides = array<i32>} : memref<64x256xf32, #tpu.memory_space<vmem>>, vector<16xf32>,
          %sub3A_1615 = arith.subf %min3A_1607, %get3A_1614 : vector<16xf32>
          %lt3A_1616 = arith.constant 0 : i32
          %lt3A_1617 = vector.broadcast %lt3A_1616 : i32 to vector<16xi32>
          %lt3A_1618 = arith.cmpi slt, %select_n3A_1465, %lt3A_1617 : vector<16xi32>
          %add3A_1619 = arith.constant 16 : i32
          %add3A_1620 = vector.broadcast %add3A_1619 : i32 to vector<16xi32>
          %add3A_1621 = arith.addi %select_n3A_1465, %add3A_1620 : vector<16xi32>
          %select_n3A_1622 = arith.select %lt3A_1618, %add3A_1621, %select_n3A_1465 : vector<16xi1>, vector<16xi32>
          %reshape3A_1623 = vector.shape_cast %select_n3A_1622 : vector<16xi32> to vector<16x1xi32>
          %gather3A_1624 = vector.shape_cast %reshape3A_1623 : vector<16x1xi32> to vector<16xi32>
          %gather3A_1625 = tpu.dynamic_gather %sub3A_1147[%gather3A_1624] in [0] : vector<16xf32>, vector<16xi32> -> vector<16xf32>
          %select_n3A_1626 = arith.select %eq3A_1468, %gather3A_1596, %gather3A_1625 : vector<16xi1>, vector<16xf32>
          %le3A_1627 = arith.cmpf ole, %select_n3A_1626, %sub3A_1147 : vector<16xf32>
          %jit3A_1628 = arith.constant 1.000000e+00 : f32
          %jit3A_1629 = arith.constant 0.000000e+00 : f32
          %broadcast_in_dim3A_1630 = vector.broadcast %jit3A_1628 : f32 to vector<16xf32>
          %broadcast_in_dim3A_1631 = vector.broadcast %jit3A_1629 : f32 to vector<16xf32>
          %select_n3A_1632 = arith.select %le3A_1627, %broadcast_in_dim3A_1630, %broadcast_in_dim3A_1631 : vector<16xi1>, vector<16xf32>
          %swap3A_1633 = arith.index_cast %scan3A_1439 : i32 to index
          %swap3A_1634 = arith.constant 80 : index
          %swap3A_1635 = tpu.vector_load %arg5[%swap3A_1633, %swap3A_1634] {strides = array<i32>} : memref<64x256xf32, #tpu.memory_space<vmem>>, vector<16xf32>,
          tpu.vector_store %arg5[%swap3A_1633, %swap3A_1634], %select_n3A_1632 {strides = array<i32>} : memref<64x256xf32, #tpu.memory_space<vmem>>, vector<16xf32>,
          %min3A_1636 = arith.minimumf %sub3A_1147, %select_n3A_1626 : vector<16xf32>
          %get3A_1637 = arith.constant 0 : i32
          %get3A_1638 = arith.constant 0 : i32
          %get3A_1639 = tpu.memref_slice %arg4[%rem3A_404, %get3A_1637, %get3A_1638] : memref<2x64x256xf32, #tpu.memory_space<vmem>> -> memref<1x64x256xf32, #tpu.memory_space<vmem>>
          %get3A_1640 = tpu.memref_squeeze %get3A_1639 : memref<1x64x256xf32, #tpu.memory_space<vmem>> -> memref<64x256xf32, #tpu.memory_space<vmem>>
          %get3A_1641 = arith.index_cast %scan3A_1439 : i32 to index
          %get3A_1642 = arith.constant 80 : index
          %get3A_1643 = tpu.vector_load %get3A_1640[%get3A_1641, %get3A_1642] {strides = array<i32>} : memref<64x256xf32, #tpu.memory_space<vmem>>, vector<16xf32>,
          %sub3A_1644 = arith.subf %min3A_1636, %get3A_1643 : vector<16xf32>
          %lt3A_1645 = arith.constant 0 : i32
          %lt3A_1646 = vector.broadcast %lt3A_1645 : i32 to vector<16xi32>
          %lt3A_1647 = arith.cmpi slt, %select_n3A_1465, %lt3A_1646 : vector<16xi32>
          %add3A_1648 = arith.constant 16 : i32
          %add3A_1649 = vector.broadcast %add3A_1648 : i32 to vector<16xi32>
          %add3A_1650 = arith.addi %select_n3A_1465, %add3A_1649 : vector<16xi32>
          %select_n3A_1651 = arith.select %lt3A_1647, %add3A_1650, %select_n3A_1465 : vector<16xi1>, vector<16xi32>
          %reshape3A_1652 = vector.shape_cast %select_n3A_1651 : vector<16xi32> to vector<16x1xi32>
          %gather3A_1653 = vector.shape_cast %reshape3A_1652 : vector<16x1xi32> to vector<16xi32>
          %gather3A_1654 = tpu.dynamic_gather %sub3A_1176[%gather3A_1653] in [0] : vector<16xf32>, vector<16xi32> -> vector<16xf32>
          %select_n3A_1655 = arith.select %eq3A_1468, %gather3A_1625, %gather3A_1654 : vector<16xi1>, vector<16xf32>
          %le3A_1656 = arith.cmpf ole, %select_n3A_1655, %sub3A_1176 : vector<16xf32>
          %jit3A_1657 = arith.constant 1.000000e+00 : f32
          %jit3A_1658 = arith.constant 0.000000e+00 : f32
          %broadcast_in_dim3A_1659 = vector.broadcast %jit3A_1657 : f32 to vector<16xf32>
          %broadcast_in_dim3A_1660 = vector.broadcast %jit3A_1658 : f32 to vector<16xf32>
          %select_n3A_1661 = arith.select %le3A_1656, %broadcast_in_dim3A_1659, %broadcast_in_dim3A_1660 : vector<16xi1>, vector<16xf32>
          %swap3A_1662 = arith.index_cast %scan3A_1439 : i32 to index
          %swap3A_1663 = arith.constant 96 : index
          %swap3A_1664 = tpu.vector_load %arg5[%swap3A_1662, %swap3A_1663] {strides = array<i32>} : memref<64x256xf32, #tpu.memory_space<vmem>>, vector<16xf32>,
          tpu.vector_store %arg5[%swap3A_1662, %swap3A_1663], %select_n3A_1661 {strides = array<i32>} : memref<64x256xf32, #tpu.memory_space<vmem>>, vector<16xf32>,
          %min3A_1665 = arith.minimumf %sub3A_1176, %select_n3A_1655 : vector<16xf32>
          %get3A_1666 = arith.constant 0 : i32
          %get3A_1667 = arith.constant 0 : i32
          %get3A_1668 = tpu.memref_slice %arg4[%rem3A_404, %get3A_1666, %get3A_1667] : memref<2x64x256xf32, #tpu.memory_space<vmem>> -> memref<1x64x256xf32, #tpu.memory_space<vmem>>
          %get3A_1669 = tpu.memref_squeeze %get3A_1668 : memref<1x64x256xf32, #tpu.memory_space<vmem>> -> memref<64x256xf32, #tpu.memory_space<vmem>>
          %get3A_1670 = arith.index_cast %scan3A_1439 : i32 to index
          %get3A_1671 = arith.constant 96 : index
          %get3A_1672 = tpu.vector_load %get3A_1669[%get3A_1670, %get3A_1671] {strides = array<i32>} : memref<64x256xf32, #tpu.memory_space<vmem>>, vector<16xf32>,
          %sub3A_1673 = arith.subf %min3A_1665, %get3A_1672 : vector<16xf32>
          %lt3A_1674 = arith.constant 0 : i32
          %lt3A_1675 = vector.broadcast %lt3A_1674 : i32 to vector<16xi32>
          %lt3A_1676 = arith.cmpi slt, %select_n3A_1465, %lt3A_1675 : vector<16xi32>
          %add3A_1677 = arith.constant 16 : i32
          %add3A_1678 = vector.broadcast %add3A_1677 : i32 to vector<16xi32>
          %add3A_1679 = arith.addi %select_n3A_1465, %add3A_1678 : vector<16xi32>
          %select_n3A_1680 = arith.select %lt3A_1676, %add3A_1679, %select_n3A_1465 : vector<16xi1>, vector<16xi32>
          %reshape3A_1681 = vector.shape_cast %select_n3A_1680 : vector<16xi32> to vector<16x1xi32>
          %gather3A_1682 = vector.shape_cast %reshape3A_1681 : vector<16x1xi32> to vector<16xi32>
          %gather3A_1683 = tpu.dynamic_gather %sub3A_1205[%gather3A_1682] in [0] : vector<16xf32>, vector<16xi32> -> vector<16xf32>
          %select_n3A_1684 = arith.select %eq3A_1468, %gather3A_1654, %gather3A_1683 : vector<16xi1>, vector<16xf32>
          %le3A_1685 = arith.cmpf ole, %select_n3A_1684, %sub3A_1205 : vector<16xf32>
          %jit3A_1686 = arith.constant 1.000000e+00 : f32
          %jit3A_1687 = arith.constant 0.000000e+00 : f32
          %broadcast_in_dim3A_1688 = vector.broadcast %jit3A_1686 : f32 to vector<16xf32>
          %broadcast_in_dim3A_1689 = vector.broadcast %jit3A_1687 : f32 to vector<16xf32>
          %select_n3A_1690 = arith.select %le3A_1685, %broadcast_in_dim3A_1688, %broadcast_in_dim3A_1689 : vector<16xi1>, vector<16xf32>
          %swap3A_1691 = arith.index_cast %scan3A_1439 : i32 to index
          %swap3A_1692 = arith.constant 112 : index
          %swap3A_1693 = tpu.vector_load %arg5[%swap3A_1691, %swap3A_1692] {strides = array<i32>} : memref<64x256xf32, #tpu.memory_space<vmem>>, vector<16xf32>,
          tpu.vector_store %arg5[%swap3A_1691, %swap3A_1692], %select_n3A_1690 {strides = array<i32>} : memref<64x256xf32, #tpu.memory_space<vmem>>, vector<16xf32>,
          %min3A_1694 = arith.minimumf %sub3A_1205, %select_n3A_1684 : vector<16xf32>
          %get3A_1695 = arith.constant 0 : i32
          %get3A_1696 = arith.constant 0 : i32
          %get3A_1697 = tpu.memref_slice %arg4[%rem3A_404, %get3A_1695, %get3A_1696] : memref<2x64x256xf32, #tpu.memory_space<vmem>> -> memref<1x64x256xf32, #tpu.memory_space<vmem>>
          %get3A_1698 = tpu.memref_squeeze %get3A_1697 : memref<1x64x256xf32, #tpu.memory_space<vmem>> -> memref<64x256xf32, #tpu.memory_space<vmem>>
          %get3A_1699 = arith.index_cast %scan3A_1439 : i32 to index
          %get3A_1700 = arith.constant 112 : index
          %get3A_1701 = tpu.vector_load %get3A_1698[%get3A_1699, %get3A_1700] {strides = array<i32>} : memref<64x256xf32, #tpu.memory_space<vmem>>, vector<16xf32>,
          %sub3A_1702 = arith.subf %min3A_1694, %get3A_1701 : vector<16xf32>
          %lt3A_1703 = arith.constant 0 : i32
          %lt3A_1704 = vector.broadcast %lt3A_1703 : i32 to vector<16xi32>
          %lt3A_1705 = arith.cmpi slt, %select_n3A_1465, %lt3A_1704 : vector<16xi32>
          %add3A_1706 = arith.constant 16 : i32
          %add3A_1707 = vector.broadcast %add3A_1706 : i32 to vector<16xi32>
          %add3A_1708 = arith.addi %select_n3A_1465, %add3A_1707 : vector<16xi32>
          %select_n3A_1709 = arith.select %lt3A_1705, %add3A_1708, %select_n3A_1465 : vector<16xi1>, vector<16xi32>
          %reshape3A_1710 = vector.shape_cast %select_n3A_1709 : vector<16xi32> to vector<16x1xi32>
          %gather3A_1711 = vector.shape_cast %reshape3A_1710 : vector<16x1xi32> to vector<16xi32>
          %gather3A_1712 = tpu.dynamic_gather %sub3A_1234[%gather3A_1711] in [0] : vector<16xf32>, vector<16xi32> -> vector<16xf32>
          %select_n3A_1713 = arith.select %eq3A_1468, %gather3A_1683, %gather3A_1712 : vector<16xi1>, vector<16xf32>
          %le3A_1714 = arith.cmpf ole, %select_n3A_1713, %sub3A_1234 : vector<16xf32>
          %jit3A_1715 = arith.constant 1.000000e+00 : f32
          %jit3A_1716 = arith.constant 0.000000e+00 : f32
          %broadcast_in_dim3A_1717 = vector.broadcast %jit3A_1715 : f32 to vector<16xf32>
          %broadcast_in_dim3A_1718 = vector.broadcast %jit3A_1716 : f32 to vector<16xf32>
          %select_n3A_1719 = arith.select %le3A_1714, %broadcast_in_dim3A_1717, %broadcast_in_dim3A_1718 : vector<16xi1>, vector<16xf32>
          %swap3A_1720 = arith.index_cast %scan3A_1439 : i32 to index
          %swap3A_1721 = arith.constant 128 : index
          %swap3A_1722 = tpu.vector_load %arg5[%swap3A_1720, %swap3A_1721] {strides = array<i32>} : memref<64x256xf32, #tpu.memory_space<vmem>>, vector<16xf32>,
          tpu.vector_store %arg5[%swap3A_1720, %swap3A_1721], %select_n3A_1719 {strides = array<i32>} : memref<64x256xf32, #tpu.memory_space<vmem>>, vector<16xf32>,
          %min3A_1723 = arith.minimumf %sub3A_1234, %select_n3A_1713 : vector<16xf32>
          %get3A_1724 = arith.constant 0 : i32
          %get3A_1725 = arith.constant 0 : i32
          %get3A_1726 = tpu.memref_slice %arg4[%rem3A_404, %get3A_1724, %get3A_1725] : memref<2x64x256xf32, #tpu.memory_space<vmem>> -> memref<1x64x256xf32, #tpu.memory_space<vmem>>
          %get3A_1727 = tpu.memref_squeeze %get3A_1726 : memref<1x64x256xf32, #tpu.memory_space<vmem>> -> memref<64x256xf32, #tpu.memory_space<vmem>>
          %get3A_1728 = arith.index_cast %scan3A_1439 : i32 to index
          %get3A_1729 = arith.constant 128 : index
          %get3A_1730 = tpu.vector_load %get3A_1727[%get3A_1728, %get3A_1729] {strides = array<i32>} : memref<64x256xf32, #tpu.memory_space<vmem>>, vector<16xf32>,
          %sub3A_1731 = arith.subf %min3A_1723, %get3A_1730 : vector<16xf32>
          %lt3A_1732 = arith.constant 0 : i32
          %lt3A_1733 = vector.broadcast %lt3A_1732 : i32 to vector<16xi32>
          %lt3A_1734 = arith.cmpi slt, %select_n3A_1465, %lt3A_1733 : vector<16xi32>
          %add3A_1735 = arith.constant 16 : i32
          %add3A_1736 = vector.broadcast %add3A_1735 : i32 to vector<16xi32>
          %add3A_1737 = arith.addi %select_n3A_1465, %add3A_1736 : vector<16xi32>
          %select_n3A_1738 = arith.select %lt3A_1734, %add3A_1737, %select_n3A_1465 : vector<16xi1>, vector<16xi32>
          %reshape3A_1739 = vector.shape_cast %select_n3A_1738 : vector<16xi32> to vector<16x1xi32>
          %gather3A_1740 = vector.shape_cast %reshape3A_1739 : vector<16x1xi32> to vector<16xi32>
          %gather3A_1741 = tpu.dynamic_gather %sub3A_1263[%gather3A_1740] in [0] : vector<16xf32>, vector<16xi32> -> vector<16xf32>
          %select_n3A_1742 = arith.select %eq3A_1468, %gather3A_1712, %gather3A_1741 : vector<16xi1>, vector<16xf32>
          %le3A_1743 = arith.cmpf ole, %select_n3A_1742, %sub3A_1263 : vector<16xf32>
          %jit3A_1744 = arith.constant 1.000000e+00 : f32
          %jit3A_1745 = arith.constant 0.000000e+00 : f32
          %broadcast_in_dim3A_1746 = vector.broadcast %jit3A_1744 : f32 to vector<16xf32>
          %broadcast_in_dim3A_1747 = vector.broadcast %jit3A_1745 : f32 to vector<16xf32>
          %select_n3A_1748 = arith.select %le3A_1743, %broadcast_in_dim3A_1746, %broadcast_in_dim3A_1747 : vector<16xi1>, vector<16xf32>
          %swap3A_1749 = arith.index_cast %scan3A_1439 : i32 to index
          %swap3A_1750 = arith.constant 144 : index
          %swap3A_1751 = tpu.vector_load %arg5[%swap3A_1749, %swap3A_1750] {strides = array<i32>} : memref<64x256xf32, #tpu.memory_space<vmem>>, vector<16xf32>,
          tpu.vector_store %arg5[%swap3A_1749, %swap3A_1750], %select_n3A_1748 {strides = array<i32>} : memref<64x256xf32, #tpu.memory_space<vmem>>, vector<16xf32>,
          %min3A_1752 = arith.minimumf %sub3A_1263, %select_n3A_1742 : vector<16xf32>
          %get3A_1753 = arith.constant 0 : i32
          %get3A_1754 = arith.constant 0 : i32
          %get3A_1755 = tpu.memref_slice %arg4[%rem3A_404, %get3A_1753, %get3A_1754] : memref<2x64x256xf32, #tpu.memory_space<vmem>> -> memref<1x64x256xf32, #tpu.memory_space<vmem>>
          %get3A_1756 = tpu.memref_squeeze %get3A_1755 : memref<1x64x256xf32, #tpu.memory_space<vmem>> -> memref<64x256xf32, #tpu.memory_space<vmem>>
          %get3A_1757 = arith.index_cast %scan3A_1439 : i32 to index
          %get3A_1758 = arith.constant 144 : index
          %get3A_1759 = tpu.vector_load %get3A_1756[%get3A_1757, %get3A_1758] {strides = array<i32>} : memref<64x256xf32, #tpu.memory_space<vmem>>, vector<16xf32>,
          %sub3A_1760 = arith.subf %min3A_1752, %get3A_1759 : vector<16xf32>
          %lt3A_1761 = arith.constant 0 : i32
          %lt3A_1762 = vector.broadcast %lt3A_1761 : i32 to vector<16xi32>
          %lt3A_1763 = arith.cmpi slt, %select_n3A_1465, %lt3A_1762 : vector<16xi32>
          %add3A_1764 = arith.constant 16 : i32
          %add3A_1765 = vector.broadcast %add3A_1764 : i32 to vector<16xi32>
          %add3A_1766 = arith.addi %select_n3A_1465, %add3A_1765 : vector<16xi32>
          %select_n3A_1767 = arith.select %lt3A_1763, %add3A_1766, %select_n3A_1465 : vector<16xi1>, vector<16xi32>
          %reshape3A_1768 = vector.shape_cast %select_n3A_1767 : vector<16xi32> to vector<16x1xi32>
          %gather3A_1769 = vector.shape_cast %reshape3A_1768 : vector<16x1xi32> to vector<16xi32>
          %gather3A_1770 = tpu.dynamic_gather %sub3A_1292[%gather3A_1769] in [0] : vector<16xf32>, vector<16xi32> -> vector<16xf32>
          %select_n3A_1771 = arith.select %eq3A_1468, %gather3A_1741, %gather3A_1770 : vector<16xi1>, vector<16xf32>
          %le3A_1772 = arith.cmpf ole, %select_n3A_1771, %sub3A_1292 : vector<16xf32>
          %jit3A_1773 = arith.constant 1.000000e+00 : f32
          %jit3A_1774 = arith.constant 0.000000e+00 : f32
          %broadcast_in_dim3A_1775 = vector.broadcast %jit3A_1773 : f32 to vector<16xf32>
          %broadcast_in_dim3A_1776 = vector.broadcast %jit3A_1774 : f32 to vector<16xf32>
          %select_n3A_1777 = arith.select %le3A_1772, %broadcast_in_dim3A_1775, %broadcast_in_dim3A_1776 : vector<16xi1>, vector<16xf32>
          %swap3A_1778 = arith.index_cast %scan3A_1439 : i32 to index
          %swap3A_1779 = arith.constant 160 : index
          %swap3A_1780 = tpu.vector_load %arg5[%swap3A_1778, %swap3A_1779] {strides = array<i32>} : memref<64x256xf32, #tpu.memory_space<vmem>>, vector<16xf32>,
          tpu.vector_store %arg5[%swap3A_1778, %swap3A_1779], %select_n3A_1777 {strides = array<i32>} : memref<64x256xf32, #tpu.memory_space<vmem>>, vector<16xf32>,
          %min3A_1781 = arith.minimumf %sub3A_1292, %select_n3A_1771 : vector<16xf32>
          %get3A_1782 = arith.constant 0 : i32
          %get3A_1783 = arith.constant 0 : i32
          %get3A_1784 = tpu.memref_slice %arg4[%rem3A_404, %get3A_1782, %get3A_1783] : memref<2x64x256xf32, #tpu.memory_space<vmem>> -> memref<1x64x256xf32, #tpu.memory_space<vmem>>
          %get3A_1785 = tpu.memref_squeeze %get3A_1784 : memref<1x64x256xf32, #tpu.memory_space<vmem>> -> memref<64x256xf32, #tpu.memory_space<vmem>>
          %get3A_1786 = arith.index_cast %scan3A_1439 : i32 to index
          %get3A_1787 = arith.constant 160 : index
          %get3A_1788 = tpu.vector_load %get3A_1785[%get3A_1786, %get3A_1787] {strides = array<i32>} : memref<64x256xf32, #tpu.memory_space<vmem>>, vector<16xf32>,
          %sub3A_1789 = arith.subf %min3A_1781, %get3A_1788 : vector<16xf32>
          %lt3A_1790 = arith.constant 0 : i32
          %lt3A_1791 = vector.broadcast %lt3A_1790 : i32 to vector<16xi32>
          %lt3A_1792 = arith.cmpi slt, %select_n3A_1465, %lt3A_1791 : vector<16xi32>
          %add3A_1793 = arith.constant 16 : i32
          %add3A_1794 = vector.broadcast %add3A_1793 : i32 to vector<16xi32>
          %add3A_1795 = arith.addi %select_n3A_1465, %add3A_1794 : vector<16xi32>
          %select_n3A_1796 = arith.select %lt3A_1792, %add3A_1795, %select_n3A_1465 : vector<16xi1>, vector<16xi32>
          %reshape3A_1797 = vector.shape_cast %select_n3A_1796 : vector<16xi32> to vector<16x1xi32>
          %gather3A_1798 = vector.shape_cast %reshape3A_1797 : vector<16x1xi32> to vector<16xi32>
          %gather3A_1799 = tpu.dynamic_gather %sub3A_1321[%gather3A_1798] in [0] : vector<16xf32>, vector<16xi32> -> vector<16xf32>
          %select_n3A_1800 = arith.select %eq3A_1468, %gather3A_1770, %gather3A_1799 : vector<16xi1>, vector<16xf32>
          %le3A_1801 = arith.cmpf ole, %select_n3A_1800, %sub3A_1321 : vector<16xf32>
          %jit3A_1802 = arith.constant 1.000000e+00 : f32
          %jit3A_1803 = arith.constant 0.000000e+00 : f32
          %broadcast_in_dim3A_1804 = vector.broadcast %jit3A_1802 : f32 to vector<16xf32>
          %broadcast_in_dim3A_1805 = vector.broadcast %jit3A_1803 : f32 to vector<16xf32>
          %select_n3A_1806 = arith.select %le3A_1801, %broadcast_in_dim3A_1804, %broadcast_in_dim3A_1805 : vector<16xi1>, vector<16xf32>
          %swap3A_1807 = arith.index_cast %scan3A_1439 : i32 to index
          %swap3A_1808 = arith.constant 176 : index
          %swap3A_1809 = tpu.vector_load %arg5[%swap3A_1807, %swap3A_1808] {strides = array<i32>} : memref<64x256xf32, #tpu.memory_space<vmem>>, vector<16xf32>,
          tpu.vector_store %arg5[%swap3A_1807, %swap3A_1808], %select_n3A_1806 {strides = array<i32>} : memref<64x256xf32, #tpu.memory_space<vmem>>, vector<16xf32>,
          %min3A_1810 = arith.minimumf %sub3A_1321, %select_n3A_1800 : vector<16xf32>
          %get3A_1811 = arith.constant 0 : i32
          %get3A_1812 = arith.constant 0 : i32
          %get3A_1813 = tpu.memref_slice %arg4[%rem3A_404, %get3A_1811, %get3A_1812] : memref<2x64x256xf32, #tpu.memory_space<vmem>> -> memref<1x64x256xf32, #tpu.memory_space<vmem>>
          %get3A_1814 = tpu.memref_squeeze %get3A_1813 : memref<1x64x256xf32, #tpu.memory_space<vmem>> -> memref<64x256xf32, #tpu.memory_space<vmem>>
          %get3A_1815 = arith.index_cast %scan3A_1439 : i32 to index
          %get3A_1816 = arith.constant 176 : index
          %get3A_1817 = tpu.vector_load %get3A_1814[%get3A_1815, %get3A_1816] {strides = array<i32>} : memref<64x256xf32, #tpu.memory_space<vmem>>, vector<16xf32>,
          %sub3A_1818 = arith.subf %min3A_1810, %get3A_1817 : vector<16xf32>
          %lt3A_1819 = arith.constant 0 : i32
          %lt3A_1820 = vector.broadcast %lt3A_1819 : i32 to vector<16xi32>
          %lt3A_1821 = arith.cmpi slt, %select_n3A_1465, %lt3A_1820 : vector<16xi32>
          %add3A_1822 = arith.constant 16 : i32
          %add3A_1823 = vector.broadcast %add3A_1822 : i32 to vector<16xi32>
          %add3A_1824 = arith.addi %select_n3A_1465, %add3A_1823 : vector<16xi32>
          %select_n3A_1825 = arith.select %lt3A_1821, %add3A_1824, %select_n3A_1465 : vector<16xi1>, vector<16xi32>
          %reshape3A_1826 = vector.shape_cast %select_n3A_1825 : vector<16xi32> to vector<16x1xi32>
          %gather3A_1827 = vector.shape_cast %reshape3A_1826 : vector<16x1xi32> to vector<16xi32>
          %gather3A_1828 = tpu.dynamic_gather %sub3A_1350[%gather3A_1827] in [0] : vector<16xf32>, vector<16xi32> -> vector<16xf32>
          %select_n3A_1829 = arith.select %eq3A_1468, %gather3A_1799, %gather3A_1828 : vector<16xi1>, vector<16xf32>
          %le3A_1830 = arith.cmpf ole, %select_n3A_1829, %sub3A_1350 : vector<16xf32>
          %jit3A_1831 = arith.constant 1.000000e+00 : f32
          %jit3A_1832 = arith.constant 0.000000e+00 : f32
          %broadcast_in_dim3A_1833 = vector.broadcast %jit3A_1831 : f32 to vector<16xf32>
          %broadcast_in_dim3A_1834 = vector.broadcast %jit3A_1832 : f32 to vector<16xf32>
          %select_n3A_1835 = arith.select %le3A_1830, %broadcast_in_dim3A_1833, %broadcast_in_dim3A_1834 : vector<16xi1>, vector<16xf32>
          %swap3A_1836 = arith.index_cast %scan3A_1439 : i32 to index
          %swap3A_1837 = arith.constant 192 : index
          %swap3A_1838 = tpu.vector_load %arg5[%swap3A_1836, %swap3A_1837] {strides = array<i32>} : memref<64x256xf32, #tpu.memory_space<vmem>>, vector<16xf32>,
          tpu.vector_store %arg5[%swap3A_1836, %swap3A_1837], %select_n3A_1835 {strides = array<i32>} : memref<64x256xf32, #tpu.memory_space<vmem>>, vector<16xf32>,
          %min3A_1839 = arith.minimumf %sub3A_1350, %select_n3A_1829 : vector<16xf32>
          %get3A_1840 = arith.constant 0 : i32
          %get3A_1841 = arith.constant 0 : i32
          %get3A_1842 = tpu.memref_slice %arg4[%rem3A_404, %get3A_1840, %get3A_1841] : memref<2x64x256xf32, #tpu.memory_space<vmem>> -> memref<1x64x256xf32, #tpu.memory_space<vmem>>
          %get3A_1843 = tpu.memref_squeeze %get3A_1842 : memref<1x64x256xf32, #tpu.memory_space<vmem>> -> memref<64x256xf32, #tpu.memory_space<vmem>>
          %get3A_1844 = arith.index_cast %scan3A_1439 : i32 to index
          %get3A_1845 = arith.constant 192 : index
          %get3A_1846 = tpu.vector_load %get3A_1843[%get3A_1844, %get3A_1845] {strides = array<i32>} : memref<64x256xf32, #tpu.memory_space<vmem>>, vector<16xf32>,
          %sub3A_1847 = arith.subf %min3A_1839, %get3A_1846 : vector<16xf32>
          %lt3A_1848 = arith.constant 0 : i32
          %lt3A_1849 = vector.broadcast %lt3A_1848 : i32 to vector<16xi32>
          %lt3A_1850 = arith.cmpi slt, %select_n3A_1465, %lt3A_1849 : vector<16xi32>
          %add3A_1851 = arith.constant 16 : i32
          %add3A_1852 = vector.broadcast %add3A_1851 : i32 to vector<16xi32>
          %add3A_1853 = arith.addi %select_n3A_1465, %add3A_1852 : vector<16xi32>
          %select_n3A_1854 = arith.select %lt3A_1850, %add3A_1853, %select_n3A_1465 : vector<16xi1>, vector<16xi32>
          %reshape3A_1855 = vector.shape_cast %select_n3A_1854 : vector<16xi32> to vector<16x1xi32>
          %gather3A_1856 = vector.shape_cast %reshape3A_1855 : vector<16x1xi32> to vector<16xi32>
          %gather3A_1857 = tpu.dynamic_gather %sub3A_1379[%gather3A_1856] in [0] : vector<16xf32>, vector<16xi32> -> vector<16xf32>
          %select_n3A_1858 = arith.select %eq3A_1468, %gather3A_1828, %gather3A_1857 : vector<16xi1>, vector<16xf32>
          %le3A_1859 = arith.cmpf ole, %select_n3A_1858, %sub3A_1379 : vector<16xf32>
          %jit3A_1860 = arith.constant 1.000000e+00 : f32
          %jit3A_1861 = arith.constant 0.000000e+00 : f32
          %broadcast_in_dim3A_1862 = vector.broadcast %jit3A_1860 : f32 to vector<16xf32>
          %broadcast_in_dim3A_1863 = vector.broadcast %jit3A_1861 : f32 to vector<16xf32>
          %select_n3A_1864 = arith.select %le3A_1859, %broadcast_in_dim3A_1862, %broadcast_in_dim3A_1863 : vector<16xi1>, vector<16xf32>
          %swap3A_1865 = arith.index_cast %scan3A_1439 : i32 to index
          %swap3A_1866 = arith.constant 208 : index
          %swap3A_1867 = tpu.vector_load %arg5[%swap3A_1865, %swap3A_1866] {strides = array<i32>} : memref<64x256xf32, #tpu.memory_space<vmem>>, vector<16xf32>,
          tpu.vector_store %arg5[%swap3A_1865, %swap3A_1866], %select_n3A_1864 {strides = array<i32>} : memref<64x256xf32, #tpu.memory_space<vmem>>, vector<16xf32>,
          %min3A_1868 = arith.minimumf %sub3A_1379, %select_n3A_1858 : vector<16xf32>
          %get3A_1869 = arith.constant 0 : i32
          %get3A_1870 = arith.constant 0 : i32
          %get3A_1871 = tpu.memref_slice %arg4[%rem3A_404, %get3A_1869, %get3A_1870] : memref<2x64x256xf32, #tpu.memory_space<vmem>> -> memref<1x64x256xf32, #tpu.memory_space<vmem>>
          %get3A_1872 = tpu.memref_squeeze %get3A_1871 : memref<1x64x256xf32, #tpu.memory_space<vmem>> -> memref<64x256xf32, #tpu.memory_space<vmem>>
          %get3A_1873 = arith.index_cast %scan3A_1439 : i32 to index
          %get3A_1874 = arith.constant 208 : index
          %get3A_1875 = tpu.vector_load %get3A_1872[%get3A_1873, %get3A_1874] {strides = array<i32>} : memref<64x256xf32, #tpu.memory_space<vmem>>, vector<16xf32>,
          %sub3A_1876 = arith.subf %min3A_1868, %get3A_1875 : vector<16xf32>
          %lt3A_1877 = arith.constant 0 : i32
          %lt3A_1878 = vector.broadcast %lt3A_1877 : i32 to vector<16xi32>
          %lt3A_1879 = arith.cmpi slt, %select_n3A_1465, %lt3A_1878 : vector<16xi32>
          %add3A_1880 = arith.constant 16 : i32
          %add3A_1881 = vector.broadcast %add3A_1880 : i32 to vector<16xi32>
          %add3A_1882 = arith.addi %select_n3A_1465, %add3A_1881 : vector<16xi32>
          %select_n3A_1883 = arith.select %lt3A_1879, %add3A_1882, %select_n3A_1465 : vector<16xi1>, vector<16xi32>
          %reshape3A_1884 = vector.shape_cast %select_n3A_1883 : vector<16xi32> to vector<16x1xi32>
          %gather3A_1885 = vector.shape_cast %reshape3A_1884 : vector<16x1xi32> to vector<16xi32>
          %gather3A_1886 = tpu.dynamic_gather %sub3A_1408[%gather3A_1885] in [0] : vector<16xf32>, vector<16xi32> -> vector<16xf32>
          %select_n3A_1887 = arith.select %eq3A_1468, %gather3A_1857, %gather3A_1886 : vector<16xi1>, vector<16xf32>
          %le3A_1888 = arith.cmpf ole, %select_n3A_1887, %sub3A_1408 : vector<16xf32>
          %jit3A_1889 = arith.constant 1.000000e+00 : f32
          %jit3A_1890 = arith.constant 0.000000e+00 : f32
          %broadcast_in_dim3A_1891 = vector.broadcast %jit3A_1889 : f32 to vector<16xf32>
          %broadcast_in_dim3A_1892 = vector.broadcast %jit3A_1890 : f32 to vector<16xf32>
          %select_n3A_1893 = arith.select %le3A_1888, %broadcast_in_dim3A_1891, %broadcast_in_dim3A_1892 : vector<16xi1>, vector<16xf32>
          %swap3A_1894 = arith.index_cast %scan3A_1439 : i32 to index
          %swap3A_1895 = arith.constant 224 : index
          %swap3A_1896 = tpu.vector_load %arg5[%swap3A_1894, %swap3A_1895] {strides = array<i32>} : memref<64x256xf32, #tpu.memory_space<vmem>>, vector<16xf32>,
          tpu.vector_store %arg5[%swap3A_1894, %swap3A_1895], %select_n3A_1893 {strides = array<i32>} : memref<64x256xf32, #tpu.memory_space<vmem>>, vector<16xf32>,
          %min3A_1897 = arith.minimumf %sub3A_1408, %select_n3A_1887 : vector<16xf32>
          %get3A_1898 = arith.constant 0 : i32
          %get3A_1899 = arith.constant 0 : i32
          %get3A_1900 = tpu.memref_slice %arg4[%rem3A_404, %get3A_1898, %get3A_1899] : memref<2x64x256xf32, #tpu.memory_space<vmem>> -> memref<1x64x256xf32, #tpu.memory_space<vmem>>
          %get3A_1901 = tpu.memref_squeeze %get3A_1900 : memref<1x64x256xf32, #tpu.memory_space<vmem>> -> memref<64x256xf32, #tpu.memory_space<vmem>>
          %get3A_1902 = arith.index_cast %scan3A_1439 : i32 to index
          %get3A_1903 = arith.constant 224 : index
          %get3A_1904 = tpu.vector_load %get3A_1901[%get3A_1902, %get3A_1903] {strides = array<i32>} : memref<64x256xf32, #tpu.memory_space<vmem>>, vector<16xf32>,
          %sub3A_1905 = arith.subf %min3A_1897, %get3A_1904 : vector<16xf32>
          %lt3A_1906 = arith.constant 0 : i32
          %lt3A_1907 = vector.broadcast %lt3A_1906 : i32 to vector<16xi32>
          %lt3A_1908 = arith.cmpi slt, %select_n3A_1465, %lt3A_1907 : vector<16xi32>
          %add3A_1909 = arith.constant 16 : i32
          %add3A_1910 = vector.broadcast %add3A_1909 : i32 to vector<16xi32>
          %add3A_1911 = arith.addi %select_n3A_1465, %add3A_1910 : vector<16xi32>
          %select_n3A_1912 = arith.select %lt3A_1908, %add3A_1911, %select_n3A_1465 : vector<16xi1>, vector<16xi32>
          %reshape3A_1913 = vector.shape_cast %select_n3A_1912 : vector<16xi32> to vector<16x1xi32>
          %gather3A_1914 = vector.shape_cast %reshape3A_1913 : vector<16x1xi32> to vector<16xi32>
          %gather3A_1915 = tpu.dynamic_gather %sub3A_1437[%gather3A_1914] in [0] : vector<16xf32>, vector<16xi32> -> vector<16xf32>
          %select_n3A_1916 = arith.select %eq3A_1468, %gather3A_1886, %gather3A_1915 : vector<16xi1>, vector<16xf32>
          %le3A_1917 = arith.cmpf ole, %select_n3A_1916, %sub3A_1437 : vector<16xf32>
          %jit3A_1918 = arith.constant 1.000000e+00 : f32
          %jit3A_1919 = arith.constant 0.000000e+00 : f32
          %broadcast_in_dim3A_1920 = vector.broadcast %jit3A_1918 : f32 to vector<16xf32>
          %broadcast_in_dim3A_1921 = vector.broadcast %jit3A_1919 : f32 to vector<16xf32>
          %select_n3A_1922 = arith.select %le3A_1917, %broadcast_in_dim3A_1920, %broadcast_in_dim3A_1921 : vector<16xi1>, vector<16xf32>
          %swap3A_1923 = arith.index_cast %scan3A_1439 : i32 to index
          %swap3A_1924 = arith.constant 240 : index
          %swap3A_1925 = tpu.vector_load %arg5[%swap3A_1923, %swap3A_1924] {strides = array<i32>} : memref<64x256xf32, #tpu.memory_space<vmem>>, vector<16xf32>,
          tpu.vector_store %arg5[%swap3A_1923, %swap3A_1924], %select_n3A_1922 {strides = array<i32>} : memref<64x256xf32, #tpu.memory_space<vmem>>, vector<16xf32>,
          %min3A_1926 = arith.minimumf %sub3A_1437, %select_n3A_1916 : vector<16xf32>
          %get3A_1927 = arith.constant 0 : i32
          %get3A_1928 = arith.constant 0 : i32
          %get3A_1929 = tpu.memref_slice %arg4[%rem3A_404, %get3A_1927, %get3A_1928] : memref<2x64x256xf32, #tpu.memory_space<vmem>> -> memref<1x64x256xf32, #tpu.memory_space<vmem>>
          %get3A_1930 = tpu.memref_squeeze %get3A_1929 : memref<1x64x256xf32, #tpu.memory_space<vmem>> -> memref<64x256xf32, #tpu.memory_space<vmem>>
          %get3A_1931 = arith.index_cast %scan3A_1439 : i32 to index
          %get3A_1932 = arith.constant 240 : index
          %get3A_1933 = tpu.vector_load %get3A_1930[%get3A_1931, %get3A_1932] {strides = array<i32>} : memref<64x256xf32, #tpu.memory_space<vmem>>, vector<16xf32>,
          %sub3A_1934 = arith.subf %min3A_1926, %get3A_1933 : vector<16xf32>
          %scan3A_1935 = arith.constant 3 : i32
          %scan3A_1936 = arith.addi %scan3A_436, %scan3A_1935 : i32
          %iota3A_1937 = tpu.iota {dimensions = array<i32: 0>} : vector<16xi32>
          %add3A_1938 = arith.constant 15 : i32
          %add3A_1939 = vector.broadcast %add3A_1938 : i32 to vector<16xi32>
          %add3A_1940 = arith.addi %iota3A_1937, %add3A_1939 : vector<16xi32>
          %jit3A_1941 = arith.constant 16 : i32
          %eq3A_1942 = arith.constant 0 : i32
          %eq3A_1943 = arith.cmpi eq, %jit3A_1941, %eq3A_1942 : i32
          %jit3A_1944 = arith.constant 1 : i32
          %select_n3A_1945 = arith.select %eq3A_1943, %jit3A_1944, %jit3A_1941 : i32
          %rem3A_1946 = vector.broadcast %select_n3A_1945 : i32 to vector<16xi32>
          %rem3A_1947 = arith.remsi %add3A_1940, %rem3A_1946 : vector<16xi32>
          %ne3A_1948 = arith.constant 0 : i32
          %ne3A_1949 = vector.broadcast %ne3A_1948 : i32 to vector<16xi32>
          %ne3A_1950 = arith.cmpi ne, %rem3A_1947, %ne3A_1949 : vector<16xi32>
          %lt3A_1951 = arith.constant 0 : i32
          %lt3A_1952 = vector.broadcast %lt3A_1951 : i32 to vector<16xi32>
          %lt3A_1953 = arith.cmpi slt, %rem3A_1947, %lt3A_1952 : vector<16xi32>
          %lt3A_1954 = arith.constant 0 : i32
          %lt3A_1955 = arith.cmpi slt, %select_n3A_1945, %lt3A_1954 : i32
          %ne3A_1956 = vector.broadcast %lt3A_1955 : i1 to vector<16xi1>
          %ne3A_1957 = vector.broadcast %ne3A_1956 : vector<16xi1> to vector<16xi1>
          %ne3A_1958 = arith.xori %lt3A_1953, %ne3A_1957 : vector<16xi1>
          %and3A_1959 = arith.andi %ne3A_1958, %ne3A_1950 : vector<16xi1>
          %add3A_1960 = vector.broadcast %select_n3A_1945 : i32 to vector<16xi32>
          %add3A_1961 = arith.addi %rem3A_1947, %add3A_1960 : vector<16xi32>
          %select_n3A_1962 = arith.select %and3A_1959, %add3A_1961, %rem3A_1947 : vector<16xi1>, vector<16xi32>
          %eq3A_1963 = arith.constant 0 : i32
          %eq3A_1964 = vector.broadcast %eq3A_1963 : i32 to vector<16xi32>
          %eq3A_1965 = arith.cmpi eq, %iota3A_1937, %eq3A_1964 : vector<16xi32>
          %lt3A_1966 = arith.constant 0 : i32
          %lt3A_1967 = vector.broadcast %lt3A_1966 : i32 to vector<16xi32>
          %lt3A_1968 = arith.cmpi slt, %select_n3A_1962, %lt3A_1967 : vector<16xi32>
          %add3A_1969 = arith.constant 16 : i32
          %add3A_1970 = vector.broadcast %add3A_1969 : i32 to vector<16xi32>
          %add3A_1971 = arith.addi %select_n3A_1962, %add3A_1970 : vector<16xi32>
          %select_n3A_1972 = arith.select %lt3A_1968, %add3A_1971, %select_n3A_1962 : vector<16xi1>, vector<16xi32>
          %reshape3A_1973 = vector.shape_cast %select_n3A_1972 : vector<16xi32> to vector<16x1xi32>
          %gather3A_1974 = vector.shape_cast %reshape3A_1973 : vector<16x1xi32> to vector<16xi32>
          %gather3A_1975 = tpu.dynamic_gather %sub3A_1499[%gather3A_1974] in [0] : vector<16xf32>, vector<16xi32> -> vector<16xf32>
          %jit3A_1976 = arith.constant 0x7F800000 : f32
          %broadcast_in_dim3A_1977 = vector.broadcast %jit3A_1976 : f32 to vector<16xf32>
          %select_n3A_1978 = arith.select %eq3A_1965, %broadcast_in_dim3A_1977, %gather3A_1975 : vector<16xi1>, vector<16xf32>
          %le3A_1979 = arith.cmpf ole, %select_n3A_1978, %sub3A_1499 : vector<16xf32>
          %jit3A_1980 = arith.constant 1.000000e+00 : f32
          %jit3A_1981 = arith.constant 0.000000e+00 : f32
          %broadcast_in_dim3A_1982 = vector.broadcast %jit3A_1980 : f32 to vector<16xf32>
          %broadcast_in_dim3A_1983 = vector.broadcast %jit3A_1981 : f32 to vector<16xf32>
          %select_n3A_1984 = arith.select %le3A_1979, %broadcast_in_dim3A_1982, %broadcast_in_dim3A_1983 : vector<16xi1>, vector<16xf32>
          %swap3A_1985 = arith.index_cast %scan3A_1936 : i32 to index
          %swap3A_1986 = arith.constant 0 : index
          %swap3A_1987 = tpu.vector_load %arg5[%swap3A_1985, %swap3A_1986] {strides = array<i32>} : memref<64x256xf32, #tpu.memory_space<vmem>>, vector<16xf32>,
          tpu.vector_store %arg5[%swap3A_1985, %swap3A_1986], %select_n3A_1984 {strides = array<i32>} : memref<64x256xf32, #tpu.memory_space<vmem>>, vector<16xf32>,
          %min3A_1988 = arith.minimumf %sub3A_1499, %select_n3A_1978 : vector<16xf32>
          %get3A_1989 = arith.constant 0 : i32
          %get3A_1990 = arith.constant 0 : i32
          %get3A_1991 = tpu.memref_slice %arg4[%rem3A_404, %get3A_1989, %get3A_1990] : memref<2x64x256xf32, #tpu.memory_space<vmem>> -> memref<1x64x256xf32, #tpu.memory_space<vmem>>
          %get3A_1992 = tpu.memref_squeeze %get3A_1991 : memref<1x64x256xf32, #tpu.memory_space<vmem>> -> memref<64x256xf32, #tpu.memory_space<vmem>>
          %get3A_1993 = arith.index_cast %scan3A_1936 : i32 to index
          %get3A_1994 = arith.constant 0 : index
          %get3A_1995 = tpu.vector_load %get3A_1992[%get3A_1993, %get3A_1994] {strides = array<i32>} : memref<64x256xf32, #tpu.memory_space<vmem>>, vector<16xf32>,
          %sub3A_1996 = arith.subf %min3A_1988, %get3A_1995 : vector<16xf32>
          %lt3A_1997 = arith.constant 0 : i32
          %lt3A_1998 = vector.broadcast %lt3A_1997 : i32 to vector<16xi32>
          %lt3A_1999 = arith.cmpi slt, %select_n3A_1962, %lt3A_1998 : vector<16xi32>
          %add3A_2000 = arith.constant 16 : i32
          %add3A_2001 = vector.broadcast %add3A_2000 : i32 to vector<16xi32>
          %add3A_2002 = arith.addi %select_n3A_1962, %add3A_2001 : vector<16xi32>
          %select_n3A_2003 = arith.select %lt3A_1999, %add3A_2002, %select_n3A_1962 : vector<16xi1>, vector<16xi32>
          %reshape3A_2004 = vector.shape_cast %select_n3A_2003 : vector<16xi32> to vector<16x1xi32>
          %gather3A_2005 = vector.shape_cast %reshape3A_2004 : vector<16x1xi32> to vector<16xi32>
          %gather3A_2006 = tpu.dynamic_gather %sub3A_1528[%gather3A_2005] in [0] : vector<16xf32>, vector<16xi32> -> vector<16xf32>
          %select_n3A_2007 = arith.select %eq3A_1965, %gather3A_1975, %gather3A_2006 : vector<16xi1>, vector<16xf32>
          %le3A_2008 = arith.cmpf ole, %select_n3A_2007, %sub3A_1528 : vector<16xf32>
          %jit3A_2009 = arith.constant 1.000000e+00 : f32
          %jit3A_2010 = arith.constant 0.000000e+00 : f32
          %broadcast_in_dim3A_2011 = vector.broadcast %jit3A_2009 : f32 to vector<16xf32>
          %broadcast_in_dim3A_2012 = vector.broadcast %jit3A_2010 : f32 to vector<16xf32>
          %select_n3A_2013 = arith.select %le3A_2008, %broadcast_in_dim3A_2011, %broadcast_in_dim3A_2012 : vector<16xi1>, vector<16xf32>
          %swap3A_2014 = arith.index_cast %scan3A_1936 : i32 to index
          %swap3A_2015 = arith.constant 16 : index
          %swap3A_2016 = tpu.vector_load %arg5[%swap3A_2014, %swap3A_2015] {strides = array<i32>} : memref<64x256xf32, #tpu.memory_space<vmem>>, vector<16xf32>,
          tpu.vector_store %arg5[%swap3A_2014, %swap3A_2015], %select_n3A_2013 {strides = array<i32>} : memref<64x256xf32, #tpu.memory_space<vmem>>, vector<16xf32>,
          %min3A_2017 = arith.minimumf %sub3A_1528, %select_n3A_2007 : vector<16xf32>
          %get3A_2018 = arith.constant 0 : i32
          %get3A_2019 = arith.constant 0 : i32
          %get3A_2020 = tpu.memref_slice %arg4[%rem3A_404, %get3A_2018, %get3A_2019] : memref<2x64x256xf32, #tpu.memory_space<vmem>> -> memref<1x64x256xf32, #tpu.memory_space<vmem>>
          %get3A_2021 = tpu.memref_squeeze %get3A_2020 : memref<1x64x256xf32, #tpu.memory_space<vmem>> -> memref<64x256xf32, #tpu.memory_space<vmem>>
          %get3A_2022 = arith.index_cast %scan3A_1936 : i32 to index
          %get3A_2023 = arith.constant 16 : index
          %get3A_2024 = tpu.vector_load %get3A_2021[%get3A_2022, %get3A_2023] {strides = array<i32>} : memref<64x256xf32, #tpu.memory_space<vmem>>, vector<16xf32>,
          %sub3A_2025 = arith.subf %min3A_2017, %get3A_2024 : vector<16xf32>
          %lt3A_2026 = arith.constant 0 : i32
          %lt3A_2027 = vector.broadcast %lt3A_2026 : i32 to vector<16xi32>
          %lt3A_2028 = arith.cmpi slt, %select_n3A_1962, %lt3A_2027 : vector<16xi32>
          %add3A_2029 = arith.constant 16 : i32
          %add3A_2030 = vector.broadcast %add3A_2029 : i32 to vector<16xi32>
          %add3A_2031 = arith.addi %select_n3A_1962, %add3A_2030 : vector<16xi32>
          %select_n3A_2032 = arith.select %lt3A_2028, %add3A_2031, %select_n3A_1962 : vector<16xi1>, vector<16xi32>
          %reshape3A_2033 = vector.shape_cast %select_n3A_2032 : vector<16xi32> to vector<16x1xi32>
          %gather3A_2034 = vector.shape_cast %reshape3A_2033 : vector<16x1xi32> to vector<16xi32>
          %gather3A_2035 = tpu.dynamic_gather %sub3A_1557[%gather3A_2034] in [0] : vector<16xf32>, vector<16xi32> -> vector<16xf32>
          %select_n3A_2036 = arith.select %eq3A_1965, %gather3A_2006, %gather3A_2035 : vector<16xi1>, vector<16xf32>
          %le3A_2037 = arith.cmpf ole, %select_n3A_2036, %sub3A_1557 : vector<16xf32>
          %jit3A_2038 = arith.constant 1.000000e+00 : f32
          %jit3A_2039 = arith.constant 0.000000e+00 : f32
          %broadcast_in_dim3A_2040 = vector.broadcast %jit3A_2038 : f32 to vector<16xf32>
          %broadcast_in_dim3A_2041 = vector.broadcast %jit3A_2039 : f32 to vector<16xf32>
          %select_n3A_2042 = arith.select %le3A_2037, %broadcast_in_dim3A_2040, %broadcast_in_dim3A_2041 : vector<16xi1>, vector<16xf32>
          %swap3A_2043 = arith.index_cast %scan3A_1936 : i32 to index
          %swap3A_2044 = arith.constant 32 : index
          %swap3A_2045 = tpu.vector_load %arg5[%swap3A_2043, %swap3A_2044] {strides = array<i32>} : memref<64x256xf32, #tpu.memory_space<vmem>>, vector<16xf32>,
          tpu.vector_store %arg5[%swap3A_2043, %swap3A_2044], %select_n3A_2042 {strides = array<i32>} : memref<64x256xf32, #tpu.memory_space<vmem>>, vector<16xf32>,
          %min3A_2046 = arith.minimumf %sub3A_1557, %select_n3A_2036 : vector<16xf32>
          %get3A_2047 = arith.constant 0 : i32
          %get3A_2048 = arith.constant 0 : i32
          %get3A_2049 = tpu.memref_slice %arg4[%rem3A_404, %get3A_2047, %get3A_2048] : memref<2x64x256xf32, #tpu.memory_space<vmem>> -> memref<1x64x256xf32, #tpu.memory_space<vmem>>
          %get3A_2050 = tpu.memref_squeeze %get3A_2049 : memref<1x64x256xf32, #tpu.memory_space<vmem>> -> memref<64x256xf32, #tpu.memory_space<vmem>>
          %get3A_2051 = arith.index_cast %scan3A_1936 : i32 to index
          %get3A_2052 = arith.constant 32 : index
          %get3A_2053 = tpu.vector_load %get3A_2050[%get3A_2051, %get3A_2052] {strides = array<i32>} : memref<64x256xf32, #tpu.memory_space<vmem>>, vector<16xf32>,
          %sub3A_2054 = arith.subf %min3A_2046, %get3A_2053 : vector<16xf32>
          %lt3A_2055 = arith.constant 0 : i32
          %lt3A_2056 = vector.broadcast %lt3A_2055 : i32 to vector<16xi32>
          %lt3A_2057 = arith.cmpi slt, %select_n3A_1962, %lt3A_2056 : vector<16xi32>
          %add3A_2058 = arith.constant 16 : i32
          %add3A_2059 = vector.broadcast %add3A_2058 : i32 to vector<16xi32>
          %add3A_2060 = arith.addi %select_n3A_1962, %add3A_2059 : vector<16xi32>
          %select_n3A_2061 = arith.select %lt3A_2057, %add3A_2060, %select_n3A_1962 : vector<16xi1>, vector<16xi32>
          %reshape3A_2062 = vector.shape_cast %select_n3A_2061 : vector<16xi32> to vector<16x1xi32>
          %gather3A_2063 = vector.shape_cast %reshape3A_2062 : vector<16x1xi32> to vector<16xi32>
          %gather3A_2064 = tpu.dynamic_gather %sub3A_1586[%gather3A_2063] in [0] : vector<16xf32>, vector<16xi32> -> vector<16xf32>
          %select_n3A_2065 = arith.select %eq3A_1965, %gather3A_2035, %gather3A_2064 : vector<16xi1>, vector<16xf32>
          %le3A_2066 = arith.cmpf ole, %select_n3A_2065, %sub3A_1586 : vector<16xf32>
          %jit3A_2067 = arith.constant 1.000000e+00 : f32
          %jit3A_2068 = arith.constant 0.000000e+00 : f32
          %broadcast_in_dim3A_2069 = vector.broadcast %jit3A_2067 : f32 to vector<16xf32>
          %broadcast_in_dim3A_2070 = vector.broadcast %jit3A_2068 : f32 to vector<16xf32>
          %select_n3A_2071 = arith.select %le3A_2066, %broadcast_in_dim3A_2069, %broadcast_in_dim3A_2070 : vector<16xi1>, vector<16xf32>
          %swap3A_2072 = arith.index_cast %scan3A_1936 : i32 to index
          %swap3A_2073 = arith.constant 48 : index
          %swap3A_2074 = tpu.vector_load %arg5[%swap3A_2072, %swap3A_2073] {strides = array<i32>} : memref<64x256xf32, #tpu.memory_space<vmem>>, vector<16xf32>,
          tpu.vector_store %arg5[%swap3A_2072, %swap3A_2073], %select_n3A_2071 {strides = array<i32>} : memref<64x256xf32, #tpu.memory_space<vmem>>, vector<16xf32>,
          %min3A_2075 = arith.minimumf %sub3A_1586, %select_n3A_2065 : vector<16xf32>
          %get3A_2076 = arith.constant 0 : i32
          %get3A_2077 = arith.constant 0 : i32
          %get3A_2078 = tpu.memref_slice %arg4[%rem3A_404, %get3A_2076, %get3A_2077] : memref<2x64x256xf32, #tpu.memory_space<vmem>> -> memref<1x64x256xf32, #tpu.memory_space<vmem>>
          %get3A_2079 = tpu.memref_squeeze %get3A_2078 : memref<1x64x256xf32, #tpu.memory_space<vmem>> -> memref<64x256xf32, #tpu.memory_space<vmem>>
          %get3A_2080 = arith.index_cast %scan3A_1936 : i32 to index
          %get3A_2081 = arith.constant 48 : index
          %get3A_2082 = tpu.vector_load %get3A_2079[%get3A_2080, %get3A_2081] {strides = array<i32>} : memref<64x256xf32, #tpu.memory_space<vmem>>, vector<16xf32>,
          %sub3A_2083 = arith.subf %min3A_2075, %get3A_2082 : vector<16xf32>
          %lt3A_2084 = arith.constant 0 : i32
          %lt3A_2085 = vector.broadcast %lt3A_2084 : i32 to vector<16xi32>
          %lt3A_2086 = arith.cmpi slt, %select_n3A_1962, %lt3A_2085 : vector<16xi32>
          %add3A_2087 = arith.constant 16 : i32
          %add3A_2088 = vector.broadcast %add3A_2087 : i32 to vector<16xi32>
          %add3A_2089 = arith.addi %select_n3A_1962, %add3A_2088 : vector<16xi32>
          %select_n3A_2090 = arith.select %lt3A_2086, %add3A_2089, %select_n3A_1962 : vector<16xi1>, vector<16xi32>
          %reshape3A_2091 = vector.shape_cast %select_n3A_2090 : vector<16xi32> to vector<16x1xi32>
          %gather3A_2092 = vector.shape_cast %reshape3A_2091 : vector<16x1xi32> to vector<16xi32>
          %gather3A_2093 = tpu.dynamic_gather %sub3A_1615[%gather3A_2092] in [0] : vector<16xf32>, vector<16xi32> -> vector<16xf32>
          %select_n3A_2094 = arith.select %eq3A_1965, %gather3A_2064, %gather3A_2093 : vector<16xi1>, vector<16xf32>
          %le3A_2095 = arith.cmpf ole, %select_n3A_2094, %sub3A_1615 : vector<16xf32>
          %jit3A_2096 = arith.constant 1.000000e+00 : f32
          %jit3A_2097 = arith.constant 0.000000e+00 : f32
          %broadcast_in_dim3A_2098 = vector.broadcast %jit3A_2096 : f32 to vector<16xf32>
          %broadcast_in_dim3A_2099 = vector.broadcast %jit3A_2097 : f32 to vector<16xf32>
          %select_n3A_2100 = arith.select %le3A_2095, %broadcast_in_dim3A_2098, %broadcast_in_dim3A_2099 : vector<16xi1>, vector<16xf32>
          %swap3A_2101 = arith.index_cast %scan3A_1936 : i32 to index
          %swap3A_2102 = arith.constant 64 : index
          %swap3A_2103 = tpu.vector_load %arg5[%swap3A_2101, %swap3A_2102] {strides = array<i32>} : memref<64x256xf32, #tpu.memory_space<vmem>>, vector<16xf32>,
          tpu.vector_store %arg5[%swap3A_2101, %swap3A_2102], %select_n3A_2100 {strides = array<i32>} : memref<64x256xf32, #tpu.memory_space<vmem>>, vector<16xf32>,
          %min3A_2104 = arith.minimumf %sub3A_1615, %select_n3A_2094 : vector<16xf32>
          %get3A_2105 = arith.constant 0 : i32
          %get3A_2106 = arith.constant 0 : i32
          %get3A_2107 = tpu.memref_slice %arg4[%rem3A_404, %get3A_2105, %get3A_2106] : memref<2x64x256xf32, #tpu.memory_space<vmem>> -> memref<1x64x256xf32, #tpu.memory_space<vmem>>
          %get3A_2108 = tpu.memref_squeeze %get3A_2107 : memref<1x64x256xf32, #tpu.memory_space<vmem>> -> memref<64x256xf32, #tpu.memory_space<vmem>>
          %get3A_2109 = arith.index_cast %scan3A_1936 : i32 to index
          %get3A_2110 = arith.constant 64 : index
          %get3A_2111 = tpu.vector_load %get3A_2108[%get3A_2109, %get3A_2110] {strides = array<i32>} : memref<64x256xf32, #tpu.memory_space<vmem>>, vector<16xf32>,
          %sub3A_2112 = arith.subf %min3A_2104, %get3A_2111 : vector<16xf32>
          %lt3A_2113 = arith.constant 0 : i32
          %lt3A_2114 = vector.broadcast %lt3A_2113 : i32 to vector<16xi32>
          %lt3A_2115 = arith.cmpi slt, %select_n3A_1962, %lt3A_2114 : vector<16xi32>
          %add3A_2116 = arith.constant 16 : i32
          %add3A_2117 = vector.broadcast %add3A_2116 : i32 to vector<16xi32>
          %add3A_2118 = arith.addi %select_n3A_1962, %add3A_2117 : vector<16xi32>
          %select_n3A_2119 = arith.select %lt3A_2115, %add3A_2118, %select_n3A_1962 : vector<16xi1>, vector<16xi32>
          %reshape3A_2120 = vector.shape_cast %select_n3A_2119 : vector<16xi32> to vector<16x1xi32>
          %gather3A_2121 = vector.shape_cast %reshape3A_2120 : vector<16x1xi32> to vector<16xi32>
          %gather3A_2122 = tpu.dynamic_gather %sub3A_1644[%gather3A_2121] in [0] : vector<16xf32>, vector<16xi32> -> vector<16xf32>
          %select_n3A_2123 = arith.select %eq3A_1965, %gather3A_2093, %gather3A_2122 : vector<16xi1>, vector<16xf32>
          %le3A_2124 = arith.cmpf ole, %select_n3A_2123, %sub3A_1644 : vector<16xf32>
          %jit3A_2125 = arith.constant 1.000000e+00 : f32
          %jit3A_2126 = arith.constant 0.000000e+00 : f32
          %broadcast_in_dim3A_2127 = vector.broadcast %jit3A_2125 : f32 to vector<16xf32>
          %broadcast_in_dim3A_2128 = vector.broadcast %jit3A_2126 : f32 to vector<16xf32>
          %select_n3A_2129 = arith.select %le3A_2124, %broadcast_in_dim3A_2127, %broadcast_in_dim3A_2128 : vector<16xi1>, vector<16xf32>
          %swap3A_2130 = arith.index_cast %scan3A_1936 : i32 to index
          %swap3A_2131 = arith.constant 80 : index
          %swap3A_2132 = tpu.vector_load %arg5[%swap3A_2130, %swap3A_2131] {strides = array<i32>} : memref<64x256xf32, #tpu.memory_space<vmem>>, vector<16xf32>,
          tpu.vector_store %arg5[%swap3A_2130, %swap3A_2131], %select_n3A_2129 {strides = array<i32>} : memref<64x256xf32, #tpu.memory_space<vmem>>, vector<16xf32>,
          %min3A_2133 = arith.minimumf %sub3A_1644, %select_n3A_2123 : vector<16xf32>
          %get3A_2134 = arith.constant 0 : i32
          %get3A_2135 = arith.constant 0 : i32
          %get3A_2136 = tpu.memref_slice %arg4[%rem3A_404, %get3A_2134, %get3A_2135] : memref<2x64x256xf32, #tpu.memory_space<vmem>> -> memref<1x64x256xf32, #tpu.memory_space<vmem>>
          %get3A_2137 = tpu.memref_squeeze %get3A_2136 : memref<1x64x256xf32, #tpu.memory_space<vmem>> -> memref<64x256xf32, #tpu.memory_space<vmem>>
          %get3A_2138 = arith.index_cast %scan3A_1936 : i32 to index
          %get3A_2139 = arith.constant 80 : index
          %get3A_2140 = tpu.vector_load %get3A_2137[%get3A_2138, %get3A_2139] {strides = array<i32>} : memref<64x256xf32, #tpu.memory_space<vmem>>, vector<16xf32>,
          %sub3A_2141 = arith.subf %min3A_2133, %get3A_2140 : vector<16xf32>
          %lt3A_2142 = arith.constant 0 : i32
          %lt3A_2143 = vector.broadcast %lt3A_2142 : i32 to vector<16xi32>
          %lt3A_2144 = arith.cmpi slt, %select_n3A_1962, %lt3A_2143 : vector<16xi32>
          %add3A_2145 = arith.constant 16 : i32
          %add3A_2146 = vector.broadcast %add3A_2145 : i32 to vector<16xi32>
          %add3A_2147 = arith.addi %select_n3A_1962, %add3A_2146 : vector<16xi32>
          %select_n3A_2148 = arith.select %lt3A_2144, %add3A_2147, %select_n3A_1962 : vector<16xi1>, vector<16xi32>
          %reshape3A_2149 = vector.shape_cast %select_n3A_2148 : vector<16xi32> to vector<16x1xi32>
          %gather3A_2150 = vector.shape_cast %reshape3A_2149 : vector<16x1xi32> to vector<16xi32>
          %gather3A_2151 = tpu.dynamic_gather %sub3A_1673[%gather3A_2150] in [0] : vector<16xf32>, vector<16xi32> -> vector<16xf32>
          %select_n3A_2152 = arith.select %eq3A_1965, %gather3A_2122, %gather3A_2151 : vector<16xi1>, vector<16xf32>
          %le3A_2153 = arith.cmpf ole, %select_n3A_2152, %sub3A_1673 : vector<16xf32>
          %jit3A_2154 = arith.constant 1.000000e+00 : f32
          %jit3A_2155 = arith.constant 0.000000e+00 : f32
          %broadcast_in_dim3A_2156 = vector.broadcast %jit3A_2154 : f32 to vector<16xf32>
          %broadcast_in_dim3A_2157 = vector.broadcast %jit3A_2155 : f32 to vector<16xf32>
          %select_n3A_2158 = arith.select %le3A_2153, %broadcast_in_dim3A_2156, %broadcast_in_dim3A_2157 : vector<16xi1>, vector<16xf32>
          %swap3A_2159 = arith.index_cast %scan3A_1936 : i32 to index
          %swap3A_2160 = arith.constant 96 : index
          %swap3A_2161 = tpu.vector_load %arg5[%swap3A_2159, %swap3A_2160] {strides = array<i32>} : memref<64x256xf32, #tpu.memory_space<vmem>>, vector<16xf32>,
          tpu.vector_store %arg5[%swap3A_2159, %swap3A_2160], %select_n3A_2158 {strides = array<i32>} : memref<64x256xf32, #tpu.memory_space<vmem>>, vector<16xf32>,
          %min3A_2162 = arith.minimumf %sub3A_1673, %select_n3A_2152 : vector<16xf32>
          %get3A_2163 = arith.constant 0 : i32
          %get3A_2164 = arith.constant 0 : i32
          %get3A_2165 = tpu.memref_slice %arg4[%rem3A_404, %get3A_2163, %get3A_2164] : memref<2x64x256xf32, #tpu.memory_space<vmem>> -> memref<1x64x256xf32, #tpu.memory_space<vmem>>
          %get3A_2166 = tpu.memref_squeeze %get3A_2165 : memref<1x64x256xf32, #tpu.memory_space<vmem>> -> memref<64x256xf32, #tpu.memory_space<vmem>>
          %get3A_2167 = arith.index_cast %scan3A_1936 : i32 to index
          %get3A_2168 = arith.constant 96 : index
          %get3A_2169 = tpu.vector_load %get3A_2166[%get3A_2167, %get3A_2168] {strides = array<i32>} : memref<64x256xf32, #tpu.memory_space<vmem>>, vector<16xf32>,
          %sub3A_2170 = arith.subf %min3A_2162, %get3A_2169 : vector<16xf32>
          %lt3A_2171 = arith.constant 0 : i32
          %lt3A_2172 = vector.broadcast %lt3A_2171 : i32 to vector<16xi32>
          %lt3A_2173 = arith.cmpi slt, %select_n3A_1962, %lt3A_2172 : vector<16xi32>
          %add3A_2174 = arith.constant 16 : i32
          %add3A_2175 = vector.broadcast %add3A_2174 : i32 to vector<16xi32>
          %add3A_2176 = arith.addi %select_n3A_1962, %add3A_2175 : vector<16xi32>
          %select_n3A_2177 = arith.select %lt3A_2173, %add3A_2176, %select_n3A_1962 : vector<16xi1>, vector<16xi32>
          %reshape3A_2178 = vector.shape_cast %select_n3A_2177 : vector<16xi32> to vector<16x1xi32>
          %gather3A_2179 = vector.shape_cast %reshape3A_2178 : vector<16x1xi32> to vector<16xi32>
          %gather3A_2180 = tpu.dynamic_gather %sub3A_1702[%gather3A_2179] in [0] : vector<16xf32>, vector<16xi32> -> vector<16xf32>
          %select_n3A_2181 = arith.select %eq3A_1965, %gather3A_2151, %gather3A_2180 : vector<16xi1>, vector<16xf32>
          %le3A_2182 = arith.cmpf ole, %select_n3A_2181, %sub3A_1702 : vector<16xf32>
          %jit3A_2183 = arith.constant 1.000000e+00 : f32
          %jit3A_2184 = arith.constant 0.000000e+00 : f32
          %broadcast_in_dim3A_2185 = vector.broadcast %jit3A_2183 : f32 to vector<16xf32>
          %broadcast_in_dim3A_2186 = vector.broadcast %jit3A_2184 : f32 to vector<16xf32>
          %select_n3A_2187 = arith.select %le3A_2182, %broadcast_in_dim3A_2185, %broadcast_in_dim3A_2186 : vector<16xi1>, vector<16xf32>
          %swap3A_2188 = arith.index_cast %scan3A_1936 : i32 to index
          %swap3A_2189 = arith.constant 112 : index
          %swap3A_2190 = tpu.vector_load %arg5[%swap3A_2188, %swap3A_2189] {strides = array<i32>} : memref<64x256xf32, #tpu.memory_space<vmem>>, vector<16xf32>,
          tpu.vector_store %arg5[%swap3A_2188, %swap3A_2189], %select_n3A_2187 {strides = array<i32>} : memref<64x256xf32, #tpu.memory_space<vmem>>, vector<16xf32>,
          %min3A_2191 = arith.minimumf %sub3A_1702, %select_n3A_2181 : vector<16xf32>
          %get3A_2192 = arith.constant 0 : i32
          %get3A_2193 = arith.constant 0 : i32
          %get3A_2194 = tpu.memref_slice %arg4[%rem3A_404, %get3A_2192, %get3A_2193] : memref<2x64x256xf32, #tpu.memory_space<vmem>> -> memref<1x64x256xf32, #tpu.memory_space<vmem>>
          %get3A_2195 = tpu.memref_squeeze %get3A_2194 : memref<1x64x256xf32, #tpu.memory_space<vmem>> -> memref<64x256xf32, #tpu.memory_space<vmem>>
          %get3A_2196 = arith.index_cast %scan3A_1936 : i32 to index
          %get3A_2197 = arith.constant 112 : index
          %get3A_2198 = tpu.vector_load %get3A_2195[%get3A_2196, %get3A_2197] {strides = array<i32>} : memref<64x256xf32, #tpu.memory_space<vmem>>, vector<16xf32>,
          %sub3A_2199 = arith.subf %min3A_2191, %get3A_2198 : vector<16xf32>
          %lt3A_2200 = arith.constant 0 : i32
          %lt3A_2201 = vector.broadcast %lt3A_2200 : i32 to vector<16xi32>
          %lt3A_2202 = arith.cmpi slt, %select_n3A_1962, %lt3A_2201 : vector<16xi32>
          %add3A_2203 = arith.constant 16 : i32
          %add3A_2204 = vector.broadcast %add3A_2203 : i32 to vector<16xi32>
          %add3A_2205 = arith.addi %select_n3A_1962, %add3A_2204 : vector<16xi32>
          %select_n3A_2206 = arith.select %lt3A_2202, %add3A_2205, %select_n3A_1962 : vector<16xi1>, vector<16xi32>
          %reshape3A_2207 = vector.shape_cast %select_n3A_2206 : vector<16xi32> to vector<16x1xi32>
          %gather3A_2208 = vector.shape_cast %reshape3A_2207 : vector<16x1xi32> to vector<16xi32>
          %gather3A_2209 = tpu.dynamic_gather %sub3A_1731[%gather3A_2208] in [0] : vector<16xf32>, vector<16xi32> -> vector<16xf32>
          %select_n3A_2210 = arith.select %eq3A_1965, %gather3A_2180, %gather3A_2209 : vector<16xi1>, vector<16xf32>
          %le3A_2211 = arith.cmpf ole, %select_n3A_2210, %sub3A_1731 : vector<16xf32>
          %jit3A_2212 = arith.constant 1.000000e+00 : f32
          %jit3A_2213 = arith.constant 0.000000e+00 : f32
          %broadcast_in_dim3A_2214 = vector.broadcast %jit3A_2212 : f32 to vector<16xf32>
          %broadcast_in_dim3A_2215 = vector.broadcast %jit3A_2213 : f32 to vector<16xf32>
          %select_n3A_2216 = arith.select %le3A_2211, %broadcast_in_dim3A_2214, %broadcast_in_dim3A_2215 : vector<16xi1>, vector<16xf32>
          %swap3A_2217 = arith.index_cast %scan3A_1936 : i32 to index
          %swap3A_2218 = arith.constant 128 : index
          %swap3A_2219 = tpu.vector_load %arg5[%swap3A_2217, %swap3A_2218] {strides = array<i32>} : memref<64x256xf32, #tpu.memory_space<vmem>>, vector<16xf32>,
          tpu.vector_store %arg5[%swap3A_2217, %swap3A_2218], %select_n3A_2216 {strides = array<i32>} : memref<64x256xf32, #tpu.memory_space<vmem>>, vector<16xf32>,
          %min3A_2220 = arith.minimumf %sub3A_1731, %select_n3A_2210 : vector<16xf32>
          %get3A_2221 = arith.constant 0 : i32
          %get3A_2222 = arith.constant 0 : i32
          %get3A_2223 = tpu.memref_slice %arg4[%rem3A_404, %get3A_2221, %get3A_2222] : memref<2x64x256xf32, #tpu.memory_space<vmem>> -> memref<1x64x256xf32, #tpu.memory_space<vmem>>
          %get3A_2224 = tpu.memref_squeeze %get3A_2223 : memref<1x64x256xf32, #tpu.memory_space<vmem>> -> memref<64x256xf32, #tpu.memory_space<vmem>>
          %get3A_2225 = arith.index_cast %scan3A_1936 : i32 to index
          %get3A_2226 = arith.constant 128 : index
          %get3A_2227 = tpu.vector_load %get3A_2224[%get3A_2225, %get3A_2226] {strides = array<i32>} : memref<64x256xf32, #tpu.memory_space<vmem>>, vector<16xf32>,
          %sub3A_2228 = arith.subf %min3A_2220, %get3A_2227 : vector<16xf32>
          %lt3A_2229 = arith.constant 0 : i32
          %lt3A_2230 = vector.broadcast %lt3A_2229 : i32 to vector<16xi32>
          %lt3A_2231 = arith.cmpi slt, %select_n3A_1962, %lt3A_2230 : vector<16xi32>
          %add3A_2232 = arith.constant 16 : i32
          %add3A_2233 = vector.broadcast %add3A_2232 : i32 to vector<16xi32>
          %add3A_2234 = arith.addi %select_n3A_1962, %add3A_2233 : vector<16xi32>
          %select_n3A_2235 = arith.select %lt3A_2231, %add3A_2234, %select_n3A_1962 : vector<16xi1>, vector<16xi32>
          %reshape3A_2236 = vector.shape_cast %select_n3A_2235 : vector<16xi32> to vector<16x1xi32>
          %gather3A_2237 = vector.shape_cast %reshape3A_2236 : vector<16x1xi32> to vector<16xi32>
          %gather3A_2238 = tpu.dynamic_gather %sub3A_1760[%gather3A_2237] in [0] : vector<16xf32>, vector<16xi32> -> vector<16xf32>
          %select_n3A_2239 = arith.select %eq3A_1965, %gather3A_2209, %gather3A_2238 : vector<16xi1>, vector<16xf32>
          %le3A_2240 = arith.cmpf ole, %select_n3A_2239, %sub3A_1760 : vector<16xf32>
          %jit3A_2241 = arith.constant 1.000000e+00 : f32
          %jit3A_2242 = arith.constant 0.000000e+00 : f32
          %broadcast_in_dim3A_2243 = vector.broadcast %jit3A_2241 : f32 to vector<16xf32>
          %broadcast_in_dim3A_2244 = vector.broadcast %jit3A_2242 : f32 to vector<16xf32>
          %select_n3A_2245 = arith.select %le3A_2240, %broadcast_in_dim3A_2243, %broadcast_in_dim3A_2244 : vector<16xi1>, vector<16xf32>
          %swap3A_2246 = arith.index_cast %scan3A_1936 : i32 to index
          %swap3A_2247 = arith.constant 144 : index
          %swap3A_2248 = tpu.vector_load %arg5[%swap3A_2246, %swap3A_2247] {strides = array<i32>} : memref<64x256xf32, #tpu.memory_space<vmem>>, vector<16xf32>,
          tpu.vector_store %arg5[%swap3A_2246, %swap3A_2247], %select_n3A_2245 {strides = array<i32>} : memref<64x256xf32, #tpu.memory_space<vmem>>, vector<16xf32>,
          %min3A_2249 = arith.minimumf %sub3A_1760, %select_n3A_2239 : vector<16xf32>
          %get3A_2250 = arith.constant 0 : i32
          %get3A_2251 = arith.constant 0 : i32
          %get3A_2252 = tpu.memref_slice %arg4[%rem3A_404, %get3A_2250, %get3A_2251] : memref<2x64x256xf32, #tpu.memory_space<vmem>> -> memref<1x64x256xf32, #tpu.memory_space<vmem>>
          %get3A_2253 = tpu.memref_squeeze %get3A_2252 : memref<1x64x256xf32, #tpu.memory_space<vmem>> -> memref<64x256xf32, #tpu.memory_space<vmem>>
          %get3A_2254 = arith.index_cast %scan3A_1936 : i32 to index
          %get3A_2255 = arith.constant 144 : index
          %get3A_2256 = tpu.vector_load %get3A_2253[%get3A_2254, %get3A_2255] {strides = array<i32>} : memref<64x256xf32, #tpu.memory_space<vmem>>, vector<16xf32>,
          %sub3A_2257 = arith.subf %min3A_2249, %get3A_2256 : vector<16xf32>
          %lt3A_2258 = arith.constant 0 : i32
          %lt3A_2259 = vector.broadcast %lt3A_2258 : i32 to vector<16xi32>
          %lt3A_2260 = arith.cmpi slt, %select_n3A_1962, %lt3A_2259 : vector<16xi32>
          %add3A_2261 = arith.constant 16 : i32
          %add3A_2262 = vector.broadcast %add3A_2261 : i32 to vector<16xi32>
          %add3A_2263 = arith.addi %select_n3A_1962, %add3A_2262 : vector<16xi32>
          %select_n3A_2264 = arith.select %lt3A_2260, %add3A_2263, %select_n3A_1962 : vector<16xi1>, vector<16xi32>
          %reshape3A_2265 = vector.shape_cast %select_n3A_2264 : vector<16xi32> to vector<16x1xi32>
          %gather3A_2266 = vector.shape_cast %reshape3A_2265 : vector<16x1xi32> to vector<16xi32>
          %gather3A_2267 = tpu.dynamic_gather %sub3A_1789[%gather3A_2266] in [0] : vector<16xf32>, vector<16xi32> -> vector<16xf32>
          %select_n3A_2268 = arith.select %eq3A_1965, %gather3A_2238, %gather3A_2267 : vector<16xi1>, vector<16xf32>
          %le3A_2269 = arith.cmpf ole, %select_n3A_2268, %sub3A_1789 : vector<16xf32>
          %jit3A_2270 = arith.constant 1.000000e+00 : f32
          %jit3A_2271 = arith.constant 0.000000e+00 : f32
          %broadcast_in_dim3A_2272 = vector.broadcast %jit3A_2270 : f32 to vector<16xf32>
          %broadcast_in_dim3A_2273 = vector.broadcast %jit3A_2271 : f32 to vector<16xf32>
          %select_n3A_2274 = arith.select %le3A_2269, %broadcast_in_dim3A_2272, %broadcast_in_dim3A_2273 : vector<16xi1>, vector<16xf32>
          %swap3A_2275 = arith.index_cast %scan3A_1936 : i32 to index
          %swap3A_2276 = arith.constant 160 : index
          %swap3A_2277 = tpu.vector_load %arg5[%swap3A_2275, %swap3A_2276] {strides = array<i32>} : memref<64x256xf32, #tpu.memory_space<vmem>>, vector<16xf32>,
          tpu.vector_store %arg5[%swap3A_2275, %swap3A_2276], %select_n3A_2274 {strides = array<i32>} : memref<64x256xf32, #tpu.memory_space<vmem>>, vector<16xf32>,
          %min3A_2278 = arith.minimumf %sub3A_1789, %select_n3A_2268 : vector<16xf32>
          %get3A_2279 = arith.constant 0 : i32
          %get3A_2280 = arith.constant 0 : i32
          %get3A_2281 = tpu.memref_slice %arg4[%rem3A_404, %get3A_2279, %get3A_2280] : memref<2x64x256xf32, #tpu.memory_space<vmem>> -> memref<1x64x256xf32, #tpu.memory_space<vmem>>
          %get3A_2282 = tpu.memref_squeeze %get3A_2281 : memref<1x64x256xf32, #tpu.memory_space<vmem>> -> memref<64x256xf32, #tpu.memory_space<vmem>>
          %get3A_2283 = arith.index_cast %scan3A_1936 : i32 to index
          %get3A_2284 = arith.constant 160 : index
          %get3A_2285 = tpu.vector_load %get3A_2282[%get3A_2283, %get3A_2284] {strides = array<i32>} : memref<64x256xf32, #tpu.memory_space<vmem>>, vector<16xf32>,
          %sub3A_2286 = arith.subf %min3A_2278, %get3A_2285 : vector<16xf32>
          %lt3A_2287 = arith.constant 0 : i32
          %lt3A_2288 = vector.broadcast %lt3A_2287 : i32 to vector<16xi32>
          %lt3A_2289 = arith.cmpi slt, %select_n3A_1962, %lt3A_2288 : vector<16xi32>
          %add3A_2290 = arith.constant 16 : i32
          %add3A_2291 = vector.broadcast %add3A_2290 : i32 to vector<16xi32>
          %add3A_2292 = arith.addi %select_n3A_1962, %add3A_2291 : vector<16xi32>
          %select_n3A_2293 = arith.select %lt3A_2289, %add3A_2292, %select_n3A_1962 : vector<16xi1>, vector<16xi32>
          %reshape3A_2294 = vector.shape_cast %select_n3A_2293 : vector<16xi32> to vector<16x1xi32>
          %gather3A_2295 = vector.shape_cast %reshape3A_2294 : vector<16x1xi32> to vector<16xi32>
          %gather3A_2296 = tpu.dynamic_gather %sub3A_1818[%gather3A_2295] in [0] : vector<16xf32>, vector<16xi32> -> vector<16xf32>
          %select_n3A_2297 = arith.select %eq3A_1965, %gather3A_2267, %gather3A_2296 : vector<16xi1>, vector<16xf32>
          %le3A_2298 = arith.cmpf ole, %select_n3A_2297, %sub3A_1818 : vector<16xf32>
          %jit3A_2299 = arith.constant 1.000000e+00 : f32
          %jit3A_2300 = arith.constant 0.000000e+00 : f32
          %broadcast_in_dim3A_2301 = vector.broadcast %jit3A_2299 : f32 to vector<16xf32>
          %broadcast_in_dim3A_2302 = vector.broadcast %jit3A_2300 : f32 to vector<16xf32>
          %select_n3A_2303 = arith.select %le3A_2298, %broadcast_in_dim3A_2301, %broadcast_in_dim3A_2302 : vector<16xi1>, vector<16xf32>
          %swap3A_2304 = arith.index_cast %scan3A_1936 : i32 to index
          %swap3A_2305 = arith.constant 176 : index
          %swap3A_2306 = tpu.vector_load %arg5[%swap3A_2304, %swap3A_2305] {strides = array<i32>} : memref<64x256xf32, #tpu.memory_space<vmem>>, vector<16xf32>,
          tpu.vector_store %arg5[%swap3A_2304, %swap3A_2305], %select_n3A_2303 {strides = array<i32>} : memref<64x256xf32, #tpu.memory_space<vmem>>, vector<16xf32>,
          %min3A_2307 = arith.minimumf %sub3A_1818, %select_n3A_2297 : vector<16xf32>
          %get3A_2308 = arith.constant 0 : i32
          %get3A_2309 = arith.constant 0 : i32
          %get3A_2310 = tpu.memref_slice %arg4[%rem3A_404, %get3A_2308, %get3A_2309] : memref<2x64x256xf32, #tpu.memory_space<vmem>> -> memref<1x64x256xf32, #tpu.memory_space<vmem>>
          %get3A_2311 = tpu.memref_squeeze %get3A_2310 : memref<1x64x256xf32, #tpu.memory_space<vmem>> -> memref<64x256xf32, #tpu.memory_space<vmem>>
          %get3A_2312 = arith.index_cast %scan3A_1936 : i32 to index
          %get3A_2313 = arith.constant 176 : index
          %get3A_2314 = tpu.vector_load %get3A_2311[%get3A_2312, %get3A_2313] {strides = array<i32>} : memref<64x256xf32, #tpu.memory_space<vmem>>, vector<16xf32>,
          %sub3A_2315 = arith.subf %min3A_2307, %get3A_2314 : vector<16xf32>
          %lt3A_2316 = arith.constant 0 : i32
          %lt3A_2317 = vector.broadcast %lt3A_2316 : i32 to vector<16xi32>
          %lt3A_2318 = arith.cmpi slt, %select_n3A_1962, %lt3A_2317 : vector<16xi32>
          %add3A_2319 = arith.constant 16 : i32
          %add3A_2320 = vector.broadcast %add3A_2319 : i32 to vector<16xi32>
          %add3A_2321 = arith.addi %select_n3A_1962, %add3A_2320 : vector<16xi32>
          %select_n3A_2322 = arith.select %lt3A_2318, %add3A_2321, %select_n3A_1962 : vector<16xi1>, vector<16xi32>
          %reshape3A_2323 = vector.shape_cast %select_n3A_2322 : vector<16xi32> to vector<16x1xi32>
          %gather3A_2324 = vector.shape_cast %reshape3A_2323 : vector<16x1xi32> to vector<16xi32>
          %gather3A_2325 = tpu.dynamic_gather %sub3A_1847[%gather3A_2324] in [0] : vector<16xf32>, vector<16xi32> -> vector<16xf32>
          %select_n3A_2326 = arith.select %eq3A_1965, %gather3A_2296, %gather3A_2325 : vector<16xi1>, vector<16xf32>
          %le3A_2327 = arith.cmpf ole, %select_n3A_2326, %sub3A_1847 : vector<16xf32>
          %jit3A_2328 = arith.constant 1.000000e+00 : f32
          %jit3A_2329 = arith.constant 0.000000e+00 : f32
          %broadcast_in_dim3A_2330 = vector.broadcast %jit3A_2328 : f32 to vector<16xf32>
          %broadcast_in_dim3A_2331 = vector.broadcast %jit3A_2329 : f32 to vector<16xf32>
          %select_n3A_2332 = arith.select %le3A_2327, %broadcast_in_dim3A_2330, %broadcast_in_dim3A_2331 : vector<16xi1>, vector<16xf32>
          %swap3A_2333 = arith.index_cast %scan3A_1936 : i32 to index
          %swap3A_2334 = arith.constant 192 : index
          %swap3A_2335 = tpu.vector_load %arg5[%swap3A_2333, %swap3A_2334] {strides = array<i32>} : memref<64x256xf32, #tpu.memory_space<vmem>>, vector<16xf32>,
          tpu.vector_store %arg5[%swap3A_2333, %swap3A_2334], %select_n3A_2332 {strides = array<i32>} : memref<64x256xf32, #tpu.memory_space<vmem>>, vector<16xf32>,
          %min3A_2336 = arith.minimumf %sub3A_1847, %select_n3A_2326 : vector<16xf32>
          %get3A_2337 = arith.constant 0 : i32
          %get3A_2338 = arith.constant 0 : i32
          %get3A_2339 = tpu.memref_slice %arg4[%rem3A_404, %get3A_2337, %get3A_2338] : memref<2x64x256xf32, #tpu.memory_space<vmem>> -> memref<1x64x256xf32, #tpu.memory_space<vmem>>
          %get3A_2340 = tpu.memref_squeeze %get3A_2339 : memref<1x64x256xf32, #tpu.memory_space<vmem>> -> memref<64x256xf32, #tpu.memory_space<vmem>>
          %get3A_2341 = arith.index_cast %scan3A_1936 : i32 to index
          %get3A_2342 = arith.constant 192 : index
          %get3A_2343 = tpu.vector_load %get3A_2340[%get3A_2341, %get3A_2342] {strides = array<i32>} : memref<64x256xf32, #tpu.memory_space<vmem>>, vector<16xf32>,
          %sub3A_2344 = arith.subf %min3A_2336, %get3A_2343 : vector<16xf32>
          %lt3A_2345 = arith.constant 0 : i32
          %lt3A_2346 = vector.broadcast %lt3A_2345 : i32 to vector<16xi32>
          %lt3A_2347 = arith.cmpi slt, %select_n3A_1962, %lt3A_2346 : vector<16xi32>
          %add3A_2348 = arith.constant 16 : i32
          %add3A_2349 = vector.broadcast %add3A_2348 : i32 to vector<16xi32>
          %add3A_2350 = arith.addi %select_n3A_1962, %add3A_2349 : vector<16xi32>
          %select_n3A_2351 = arith.select %lt3A_2347, %add3A_2350, %select_n3A_1962 : vector<16xi1>, vector<16xi32>
          %reshape3A_2352 = vector.shape_cast %select_n3A_2351 : vector<16xi32> to vector<16x1xi32>
          %gather3A_2353 = vector.shape_cast %reshape3A_2352 : vector<16x1xi32> to vector<16xi32>
          %gather3A_2354 = tpu.dynamic_gather %sub3A_1876[%gather3A_2353] in [0] : vector<16xf32>, vector<16xi32> -> vector<16xf32>
          %select_n3A_2355 = arith.select %eq3A_1965, %gather3A_2325, %gather3A_2354 : vector<16xi1>, vector<16xf32>
          %le3A_2356 = arith.cmpf ole, %select_n3A_2355, %sub3A_1876 : vector<16xf32>
          %jit3A_2357 = arith.constant 1.000000e+00 : f32
          %jit3A_2358 = arith.constant 0.000000e+00 : f32
          %broadcast_in_dim3A_2359 = vector.broadcast %jit3A_2357 : f32 to vector<16xf32>
          %broadcast_in_dim3A_2360 = vector.broadcast %jit3A_2358 : f32 to vector<16xf32>
          %select_n3A_2361 = arith.select %le3A_2356, %broadcast_in_dim3A_2359, %broadcast_in_dim3A_2360 : vector<16xi1>, vector<16xf32>
          %swap3A_2362 = arith.index_cast %scan3A_1936 : i32 to index
          %swap3A_2363 = arith.constant 208 : index
          %swap3A_2364 = tpu.vector_load %arg5[%swap3A_2362, %swap3A_2363] {strides = array<i32>} : memref<64x256xf32, #tpu.memory_space<vmem>>, vector<16xf32>,
          tpu.vector_store %arg5[%swap3A_2362, %swap3A_2363], %select_n3A_2361 {strides = array<i32>} : memref<64x256xf32, #tpu.memory_space<vmem>>, vector<16xf32>,
          %min3A_2365 = arith.minimumf %sub3A_1876, %select_n3A_2355 : vector<16xf32>
          %get3A_2366 = arith.constant 0 : i32
          %get3A_2367 = arith.constant 0 : i32
          %get3A_2368 = tpu.memref_slice %arg4[%rem3A_404, %get3A_2366, %get3A_2367] : memref<2x64x256xf32, #tpu.memory_space<vmem>> -> memref<1x64x256xf32, #tpu.memory_space<vmem>>
          %get3A_2369 = tpu.memref_squeeze %get3A_2368 : memref<1x64x256xf32, #tpu.memory_space<vmem>> -> memref<64x256xf32, #tpu.memory_space<vmem>>
          %get3A_2370 = arith.index_cast %scan3A_1936 : i32 to index
          %get3A_2371 = arith.constant 208 : index
          %get3A_2372 = tpu.vector_load %get3A_2369[%get3A_2370, %get3A_2371] {strides = array<i32>} : memref<64x256xf32, #tpu.memory_space<vmem>>, vector<16xf32>,
          %sub3A_2373 = arith.subf %min3A_2365, %get3A_2372 : vector<16xf32>
          %lt3A_2374 = arith.constant 0 : i32
          %lt3A_2375 = vector.broadcast %lt3A_2374 : i32 to vector<16xi32>
          %lt3A_2376 = arith.cmpi slt, %select_n3A_1962, %lt3A_2375 : vector<16xi32>
          %add3A_2377 = arith.constant 16 : i32
          %add3A_2378 = vector.broadcast %add3A_2377 : i32 to vector<16xi32>
          %add3A_2379 = arith.addi %select_n3A_1962, %add3A_2378 : vector<16xi32>
          %select_n3A_2380 = arith.select %lt3A_2376, %add3A_2379, %select_n3A_1962 : vector<16xi1>, vector<16xi32>
          %reshape3A_2381 = vector.shape_cast %select_n3A_2380 : vector<16xi32> to vector<16x1xi32>
          %gather3A_2382 = vector.shape_cast %reshape3A_2381 : vector<16x1xi32> to vector<16xi32>
          %gather3A_2383 = tpu.dynamic_gather %sub3A_1905[%gather3A_2382] in [0] : vector<16xf32>, vector<16xi32> -> vector<16xf32>
          %select_n3A_2384 = arith.select %eq3A_1965, %gather3A_2354, %gather3A_2383 : vector<16xi1>, vector<16xf32>
          %le3A_2385 = arith.cmpf ole, %select_n3A_2384, %sub3A_1905 : vector<16xf32>
          %jit3A_2386 = arith.constant 1.000000e+00 : f32
          %jit3A_2387 = arith.constant 0.000000e+00 : f32
          %broadcast_in_dim3A_2388 = vector.broadcast %jit3A_2386 : f32 to vector<16xf32>
          %broadcast_in_dim3A_2389 = vector.broadcast %jit3A_2387 : f32 to vector<16xf32>
          %select_n3A_2390 = arith.select %le3A_2385, %broadcast_in_dim3A_2388, %broadcast_in_dim3A_2389 : vector<16xi1>, vector<16xf32>
          %swap3A_2391 = arith.index_cast %scan3A_1936 : i32 to index
          %swap3A_2392 = arith.constant 224 : index
          %swap3A_2393 = tpu.vector_load %arg5[%swap3A_2391, %swap3A_2392] {strides = array<i32>} : memref<64x256xf32, #tpu.memory_space<vmem>>, vector<16xf32>,
          tpu.vector_store %arg5[%swap3A_2391, %swap3A_2392], %select_n3A_2390 {strides = array<i32>} : memref<64x256xf32, #tpu.memory_space<vmem>>, vector<16xf32>,
          %min3A_2394 = arith.minimumf %sub3A_1905, %select_n3A_2384 : vector<16xf32>
          %get3A_2395 = arith.constant 0 : i32
          %get3A_2396 = arith.constant 0 : i32
          %get3A_2397 = tpu.memref_slice %arg4[%rem3A_404, %get3A_2395, %get3A_2396] : memref<2x64x256xf32, #tpu.memory_space<vmem>> -> memref<1x64x256xf32, #tpu.memory_space<vmem>>
          %get3A_2398 = tpu.memref_squeeze %get3A_2397 : memref<1x64x256xf32, #tpu.memory_space<vmem>> -> memref<64x256xf32, #tpu.memory_space<vmem>>
          %get3A_2399 = arith.index_cast %scan3A_1936 : i32 to index
          %get3A_2400 = arith.constant 224 : index
          %get3A_2401 = tpu.vector_load %get3A_2398[%get3A_2399, %get3A_2400] {strides = array<i32>} : memref<64x256xf32, #tpu.memory_space<vmem>>, vector<16xf32>,
          %sub3A_2402 = arith.subf %min3A_2394, %get3A_2401 : vector<16xf32>
          %lt3A_2403 = arith.constant 0 : i32
          %lt3A_2404 = vector.broadcast %lt3A_2403 : i32 to vector<16xi32>
          %lt3A_2405 = arith.cmpi slt, %select_n3A_1962, %lt3A_2404 : vector<16xi32>
          %add3A_2406 = arith.constant 16 : i32
          %add3A_2407 = vector.broadcast %add3A_2406 : i32 to vector<16xi32>
          %add3A_2408 = arith.addi %select_n3A_1962, %add3A_2407 : vector<16xi32>
          %select_n3A_2409 = arith.select %lt3A_2405, %add3A_2408, %select_n3A_1962 : vector<16xi1>, vector<16xi32>
          %reshape3A_2410 = vector.shape_cast %select_n3A_2409 : vector<16xi32> to vector<16x1xi32>
          %gather3A_2411 = vector.shape_cast %reshape3A_2410 : vector<16x1xi32> to vector<16xi32>
          %gather3A_2412 = tpu.dynamic_gather %sub3A_1934[%gather3A_2411] in [0] : vector<16xf32>, vector<16xi32> -> vector<16xf32>
          %select_n3A_2413 = arith.select %eq3A_1965, %gather3A_2383, %gather3A_2412 : vector<16xi1>, vector<16xf32>
          %le3A_2414 = arith.cmpf ole, %select_n3A_2413, %sub3A_1934 : vector<16xf32>
          %jit3A_2415 = arith.constant 1.000000e+00 : f32
          %jit3A_2416 = arith.constant 0.000000e+00 : f32
          %broadcast_in_dim3A_2417 = vector.broadcast %jit3A_2415 : f32 to vector<16xf32>
          %broadcast_in_dim3A_2418 = vector.broadcast %jit3A_2416 : f32 to vector<16xf32>
          %select_n3A_2419 = arith.select %le3A_2414, %broadcast_in_dim3A_2417, %broadcast_in_dim3A_2418 : vector<16xi1>, vector<16xf32>
          %swap3A_2420 = arith.index_cast %scan3A_1936 : i32 to index
          %swap3A_2421 = arith.constant 240 : index
          %swap3A_2422 = tpu.vector_load %arg5[%swap3A_2420, %swap3A_2421] {strides = array<i32>} : memref<64x256xf32, #tpu.memory_space<vmem>>, vector<16xf32>,
          tpu.vector_store %arg5[%swap3A_2420, %swap3A_2421], %select_n3A_2419 {strides = array<i32>} : memref<64x256xf32, #tpu.memory_space<vmem>>, vector<16xf32>,
          %min3A_2423 = arith.minimumf %sub3A_1934, %select_n3A_2413 : vector<16xf32>
          %get3A_2424 = arith.constant 0 : i32
          %get3A_2425 = arith.constant 0 : i32
          %get3A_2426 = tpu.memref_slice %arg4[%rem3A_404, %get3A_2424, %get3A_2425] : memref<2x64x256xf32, #tpu.memory_space<vmem>> -> memref<1x64x256xf32, #tpu.memory_space<vmem>>
          %get3A_2427 = tpu.memref_squeeze %get3A_2426 : memref<1x64x256xf32, #tpu.memory_space<vmem>> -> memref<64x256xf32, #tpu.memory_space<vmem>>
          %get3A_2428 = arith.index_cast %scan3A_1936 : i32 to index
          %get3A_2429 = arith.constant 240 : index
          %get3A_2430 = tpu.vector_load %get3A_2427[%get3A_2428, %get3A_2429] {strides = array<i32>} : memref<64x256xf32, #tpu.memory_space<vmem>>, vector<16xf32>,
          %sub3A_2431 = arith.subf %min3A_2423, %get3A_2430 : vector<16xf32>
          scf.yield %sub3A_1996, %sub3A_2025, %sub3A_2054, %sub3A_2083, %sub3A_2112, %sub3A_2141, %sub3A_2170, %sub3A_2199, %sub3A_2228, %sub3A_2257, %sub3A_2286, %sub3A_2315, %sub3A_2344, %sub3A_2373, %sub3A_2402, %sub3A_2431 : vector<16xf32>, vector<16xf32>, vector<16xf32>, vector<16xf32>, vector<16xf32>, vector<16xf32>, vector<16xf32>, vector<16xf32>, vector<16xf32>, vector<16xf32>, vector<16xf32>, vector<16xf32>, vector<16xf32>, vector<16xf32>, vector<16xf32>, vector<16xf32>
        }
        %scan3A_433 = arith.constant 64 : i32
        %mul3A_434 = arith.constant 64 : i32
        %mul3A_435 = arith.muli %scan3A_387, %mul3A_434 : i32
        "tpu.region"() ({
          %run_scoped3A = tpu.sem_alloc : memref<!tpu.dma_semaphore, #tpu.memory_space<semaphore_mem>>
          %dma_start3A_436 = arith.constant 0 : i32
          %dma_start3A_437 = tpu.memref_slice %arg8[%arg1, %mul3A_435, %dma_start3A_436] : memref<4x1024x256xf32, #tpu.memory_space<vmem_shared>> -> memref<1x64x256xf32, #tpu.memory_space<vmem_shared>>
          %dma_start3A_438 = tpu.memref_squeeze %dma_start3A_437 : memref<1x64x256xf32, #tpu.memory_space<vmem_shared>> -> memref<64x256xf32, #tpu.memory_space<vmem_shared>>
          %dma_start3A_439 = arith.constant 0 : i32
          %dma_start3A_440 = tpu.memref_slice %arg8[%arg1, %mul3A_435, %dma_start3A_439] : memref<4x1024x256xf32, #tpu.memory_space<vmem_shared>> -> memref<1x64x256xf32, #tpu.memory_space<vmem_shared>>
          %dma_start3A_441 = tpu.memref_squeeze %dma_start3A_440 : memref<1x64x256xf32, #tpu.memory_space<vmem_shared>> -> memref<64x256xf32, #tpu.memory_space<vmem_shared>>
          tpu.enqueue_dma source(%arg5 : memref<64x256xf32, #tpu.memory_space<vmem>>) target(%dma_start3A_441 : memref<64x256xf32, #tpu.memory_space<vmem_shared>>) target_semaphore(%run_scoped3A : memref<!tpu.dma_semaphore, #tpu.memory_space<semaphore_mem>>)
          %dma_wait3A_442 = arith.constant 0 : i32
          %dma_wait3A_443 = tpu.memref_slice %arg8[%arg1, %mul3A_435, %dma_wait3A_442] : memref<4x1024x256xf32, #tpu.memory_space<vmem_shared>> -> memref<1x64x256xf32, #tpu.memory_space<vmem_shared>>
          %dma_wait3A_444 = tpu.memref_squeeze %dma_wait3A_443 : memref<1x64x256xf32, #tpu.memory_space<vmem_shared>> -> memref<64x256xf32, #tpu.memory_space<vmem_shared>>
          %dma_wait3A_445 = arith.constant 0 : i32
          %dma_wait3A_446 = tpu.memref_slice %arg8[%arg1, %mul3A_435, %dma_wait3A_445] : memref<4x1024x256xf32, #tpu.memory_space<vmem_shared>> -> memref<1x64x256xf32, #tpu.memory_space<vmem_shared>>
          %dma_wait3A_447 = tpu.memref_squeeze %dma_wait3A_446 : memref<1x64x256xf32, #tpu.memory_space<vmem_shared>> -> memref<64x256xf32, #tpu.memory_space<vmem_shared>>
          tpu.wait_dma2 semaphore(%run_scoped3A : memref<!tpu.dma_semaphore, #tpu.memory_space<semaphore_mem>>) src(%arg5 : memref<64x256xf32, #tpu.memory_space<vmem>>) dst(%dma_wait3A_447 : memref<64x256xf32, #tpu.memory_space<vmem_shared>>)
          tpu.yield
        }) : () -> ()
        scf.yield %scan3A_432#0, %scan3A_432#1, %scan3A_432#2, %scan3A_432#3, %scan3A_432#4, %scan3A_432#5, %scan3A_432#6, %scan3A_432#7, %scan3A_432#8, %scan3A_432#9, %scan3A_432#10, %scan3A_432#11, %scan3A_432#12, %scan3A_432#13, %scan3A_432#14, %scan3A_432#15 : vector<16xf32>, vector<16xf32>, vector<16xf32>, vector<16xf32>, vector<16xf32>, vector<16xf32>, vector<16xf32>, vector<16xf32>, vector<16xf32>, vector<16xf32>, vector<16xf32>, vector<16xf32>, vector<16xf32>, vector<16xf32>, vector<16xf32>, vector<16xf32>
      }
      %scan3A_356 = arith.constant 15 : i32
      %scan3A_357 = arith.constant 0 : i32
      %scan3A_358 = arith.constant 0 : i32
      %scan3A_359 = arith.constant 32 : i32
      %scan3A_360 = arith.addi %scan3A_358, %scan3A_359 : i32
      %scan3A_361 = arith.constant 1 : i32
      %scan3A_362 = scf.for %scan3A_387 = %scan3A_358 to %scan3A_360 step %scan3A_361 iter_args(%scan3A_388 = %scan3A_357) -> (i32)  : i32 {
        %swap3A = arith.index_cast %scan3A_387 : i32 to index
        %swap3A_389 = arith.constant 0 : index
        %swap3A_390 = tpu.vector_load %arg7[%swap3A, %swap3A_389] {strides = array<i32>} : memref<32x256xf32, #tpu.memory_space<vmem>>, vector<16xf32>,
        tpu.vector_store %arg7[%swap3A, %swap3A_389], %broadcast_in_dim3A_5 {strides = array<i32>} : memref<32x256xf32, #tpu.memory_space<vmem>>, vector<16xf32>,
        %swap3A_391 = arith.index_cast %scan3A_387 : i32 to index
        %swap3A_392 = arith.constant 16 : index
        %swap3A_393 = tpu.vector_load %arg7[%swap3A_391, %swap3A_392] {strides = array<i32>} : memref<32x256xf32, #tpu.memory_space<vmem>>, vector<16xf32>,
        tpu.vector_store %arg7[%swap3A_391, %swap3A_392], %broadcast_in_dim3A_5 {strides = array<i32>} : memref<32x256xf32, #tpu.memory_space<vmem>>, vector<16xf32>,
        %swap3A_394 = arith.index_cast %scan3A_387 : i32 to index
        %swap3A_395 = arith.constant 32 : index
        %swap3A_396 = tpu.vector_load %arg7[%swap3A_394, %swap3A_395] {strides = array<i32>} : memref<32x256xf32, #tpu.memory_space<vmem>>, vector<16xf32>,
        tpu.vector_store %arg7[%swap3A_394, %swap3A_395], %broadcast_in_dim3A_5 {strides = array<i32>} : memref<32x256xf32, #tpu.memory_space<vmem>>, vector<16xf32>,
        %swap3A_397 = arith.index_cast %scan3A_387 : i32 to index
        %swap3A_398 = arith.constant 48 : index
        %swap3A_399 = tpu.vector_load %arg7[%swap3A_397, %swap3A_398] {strides = array<i32>} : memref<32x256xf32, #tpu.memory_space<vmem>>, vector<16xf32>,
        tpu.vector_store %arg7[%swap3A_397, %swap3A_398], %broadcast_in_dim3A_5 {strides = array<i32>} : memref<32x256xf32, #tpu.memory_space<vmem>>, vector<16xf32>,
        %swap3A_400 = arith.index_cast %scan3A_387 : i32 to index
        %swap3A_401 = arith.constant 64 : index
        %swap3A_402 = tpu.vector_load %arg7[%swap3A_400, %swap3A_401] {strides = array<i32>} : memref<32x256xf32, #tpu.memory_space<vmem>>, vector<16xf32>,
        tpu.vector_store %arg7[%swap3A_400, %swap3A_401], %broadcast_in_dim3A_5 {strides = array<i32>} : memref<32x256xf32, #tpu.memory_space<vmem>>, vector<16xf32>,
        %swap3A_403 = arith.index_cast %scan3A_387 : i32 to index
        %swap3A_404 = arith.constant 80 : index
        %swap3A_405 = tpu.vector_load %arg7[%swap3A_403, %swap3A_404] {strides = array<i32>} : memref<32x256xf32, #tpu.memory_space<vmem>>, vector<16xf32>,
        tpu.vector_store %arg7[%swap3A_403, %swap3A_404], %broadcast_in_dim3A_5 {strides = array<i32>} : memref<32x256xf32, #tpu.memory_space<vmem>>, vector<16xf32>,
        %swap3A_406 = arith.index_cast %scan3A_387 : i32 to index
        %swap3A_407 = arith.constant 96 : index
        %swap3A_408 = tpu.vector_load %arg7[%swap3A_406, %swap3A_407] {strides = array<i32>} : memref<32x256xf32, #tpu.memory_space<vmem>>, vector<16xf32>,
        tpu.vector_store %arg7[%swap3A_406, %swap3A_407], %broadcast_in_dim3A_5 {strides = array<i32>} : memref<32x256xf32, #tpu.memory_space<vmem>>, vector<16xf32>,
        %swap3A_409 = arith.index_cast %scan3A_387 : i32 to index
        %swap3A_410 = arith.constant 112 : index
        %swap3A_411 = tpu.vector_load %arg7[%swap3A_409, %swap3A_410] {strides = array<i32>} : memref<32x256xf32, #tpu.memory_space<vmem>>, vector<16xf32>,
        tpu.vector_store %arg7[%swap3A_409, %swap3A_410], %broadcast_in_dim3A_5 {strides = array<i32>} : memref<32x256xf32, #tpu.memory_space<vmem>>, vector<16xf32>,
        %swap3A_412 = arith.index_cast %scan3A_387 : i32 to index
        %swap3A_413 = arith.constant 128 : index
        %swap3A_414 = tpu.vector_load %arg7[%swap3A_412, %swap3A_413] {strides = array<i32>} : memref<32x256xf32, #tpu.memory_space<vmem>>, vector<16xf32>,
        tpu.vector_store %arg7[%swap3A_412, %swap3A_413], %broadcast_in_dim3A_5 {strides = array<i32>} : memref<32x256xf32, #tpu.memory_space<vmem>>, vector<16xf32>,
        %swap3A_415 = arith.index_cast %scan3A_387 : i32 to index
        %swap3A_416 = arith.constant 144 : index
        %swap3A_417 = tpu.vector_load %arg7[%swap3A_415, %swap3A_416] {strides = array<i32>} : memref<32x256xf32, #tpu.memory_space<vmem>>, vector<16xf32>,
        tpu.vector_store %arg7[%swap3A_415, %swap3A_416], %broadcast_in_dim3A_5 {strides = array<i32>} : memref<32x256xf32, #tpu.memory_space<vmem>>, vector<16xf32>,
        %swap3A_418 = arith.index_cast %scan3A_387 : i32 to index
        %swap3A_419 = arith.constant 160 : index
        %swap3A_420 = tpu.vector_load %arg7[%swap3A_418, %swap3A_419] {strides = array<i32>} : memref<32x256xf32, #tpu.memory_space<vmem>>, vector<16xf32>,
        tpu.vector_store %arg7[%swap3A_418, %swap3A_419], %broadcast_in_dim3A_5 {strides = array<i32>} : memref<32x256xf32, #tpu.memory_space<vmem>>, vector<16xf32>,
        %swap3A_421 = arith.index_cast %scan3A_387 : i32 to index
        %swap3A_422 = arith.constant 176 : index
        %swap3A_423 = tpu.vector_load %arg7[%swap3A_421, %swap3A_422] {strides = array<i32>} : memref<32x256xf32, #tpu.memory_space<vmem>>, vector<16xf32>,
        tpu.vector_store %arg7[%swap3A_421, %swap3A_422], %broadcast_in_dim3A_5 {strides = array<i32>} : memref<32x256xf32, #tpu.memory_space<vmem>>, vector<16xf32>,
        %swap3A_424 = arith.index_cast %scan3A_387 : i32 to index
        %swap3A_425 = arith.constant 192 : index
        %swap3A_426 = tpu.vector_load %arg7[%swap3A_424, %swap3A_425] {strides = array<i32>} : memref<32x256xf32, #tpu.memory_space<vmem>>, vector<16xf32>,
        tpu.vector_store %arg7[%swap3A_424, %swap3A_425], %broadcast_in_dim3A_5 {strides = array<i32>} : memref<32x256xf32, #tpu.memory_space<vmem>>, vector<16xf32>,
        %swap3A_427 = arith.index_cast %scan3A_387 : i32 to index
        %swap3A_428 = arith.constant 208 : index
        %swap3A_429 = tpu.vector_load %arg7[%swap3A_427, %swap3A_428] {strides = array<i32>} : memref<32x256xf32, #tpu.memory_space<vmem>>, vector<16xf32>,
        tpu.vector_store %arg7[%swap3A_427, %swap3A_428], %broadcast_in_dim3A_5 {strides = array<i32>} : memref<32x256xf32, #tpu.memory_space<vmem>>, vector<16xf32>,
        %swap3A_430 = arith.index_cast %scan3A_387 : i32 to index
        %swap3A_431 = arith.constant 224 : index
        %swap3A_432 = tpu.vector_load %arg7[%swap3A_430, %swap3A_431] {strides = array<i32>} : memref<32x256xf32, #tpu.memory_space<vmem>>, vector<16xf32>,
        tpu.vector_store %arg7[%swap3A_430, %swap3A_431], %broadcast_in_dim3A_5 {strides = array<i32>} : memref<32x256xf32, #tpu.memory_space<vmem>>, vector<16xf32>,
        %swap3A_433 = arith.index_cast %scan3A_387 : i32 to index
        %swap3A_434 = arith.constant 240 : index
        %swap3A_435 = tpu.vector_load %arg7[%swap3A_433, %swap3A_434] {strides = array<i32>} : memref<32x256xf32, #tpu.memory_space<vmem>>, vector<16xf32>,
        tpu.vector_store %arg7[%swap3A_433, %swap3A_434], %broadcast_in_dim3A_5 {strides = array<i32>} : memref<32x256xf32, #tpu.memory_space<vmem>>, vector<16xf32>,
        %scan3A_436 = arith.constant 0 : i32
        scf.yield %scan3A_436 : i32
      }
      %scan3A_363 = arith.constant 32 : i32
      %eq3A_364 = arith.constant 15 : i32
      %eq3A_365 = vector.broadcast %eq3A_364 : i32 to vector<16xi32>
      %eq3A_366 = arith.cmpi eq, %iota3A, %eq3A_365 : vector<16xi32>
      %jit3A_367 = arith.constant 255 : i32
      %jit3A_368 = arith.constant 0 : i32
      %broadcast_in_dim3A_369 = vector.broadcast %jit3A_367 : i32 to vector<16xi32>
      %broadcast_in_dim3A_370 = vector.broadcast %jit3A_368 : i32 to vector<16xi32>
      %select_n3A_371 = arith.select %eq3A_366, %broadcast_in_dim3A_369, %broadcast_in_dim3A_370 : vector<16xi1>, vector<16xi32>
      %broadcast_in_dim3A_372 = arith.constant 255 : i32
      %broadcast_in_dim3A_373 = vector.broadcast %broadcast_in_dim3A_372 : i32 to vector<16xi32>
      %scan3A_374 = arith.constant 0 : i32
      %scan3A_375 = arith.constant 16 : i32
      %scan3A_376 = arith.addi %scan3A_374, %scan3A_375 : i32
      %scan3A_377 = arith.constant 1 : i32
      %scan3A_378:2 = scf.for %scan3A_387 = %scan3A_374 to %scan3A_376 step %scan3A_377 iter_args(%scan3A_388 = %broadcast_in_dim3A_373, %scan3A_389 = %select_n3A_371) -> (vector<16xi32>, vector<16xi32>)  : i32 {
        %sub3A = arith.constant 15 : i32
        %sub3A_390 = arith.subi %sub3A, %scan3A_387 : i32
        %mul3A_391 = arith.constant 64 : i32
        %mul3A_392 = arith.muli %sub3A_390, %mul3A_391 : i32
        "tpu.region"() ({
          %run_scoped3A = tpu.sem_alloc : memref<!tpu.dma_semaphore, #tpu.memory_space<semaphore_mem>>
          %dma_start3A_399 = arith.constant 0 : i32
          %dma_start3A_400 = tpu.memref_slice %arg8[%arg1, %mul3A_392, %dma_start3A_399] : memref<4x1024x256xf32, #tpu.memory_space<vmem_shared>> -> memref<1x64x256xf32, #tpu.memory_space<vmem_shared>>
          %dma_start3A_401 = tpu.memref_squeeze %dma_start3A_400 : memref<1x64x256xf32, #tpu.memory_space<vmem_shared>> -> memref<64x256xf32, #tpu.memory_space<vmem_shared>>
          %dma_start3A_402 = arith.constant 0 : i32
          %dma_start3A_403 = tpu.memref_slice %arg8[%arg1, %mul3A_392, %dma_start3A_402] : memref<4x1024x256xf32, #tpu.memory_space<vmem_shared>> -> memref<1x64x256xf32, #tpu.memory_space<vmem_shared>>
          %dma_start3A_404 = tpu.memref_squeeze %dma_start3A_403 : memref<1x64x256xf32, #tpu.memory_space<vmem_shared>> -> memref<64x256xf32, #tpu.memory_space<vmem_shared>>
          tpu.enqueue_dma source(%dma_start3A_404 : memref<64x256xf32, #tpu.memory_space<vmem_shared>>) target(%arg5 : memref<64x256xf32, #tpu.memory_space<vmem>>) target_semaphore(%run_scoped3A : memref<!tpu.dma_semaphore, #tpu.memory_space<semaphore_mem>>)
          %dma_wait3A_405 = arith.constant 0 : i32
          %dma_wait3A_406 = tpu.memref_slice %arg8[%arg1, %mul3A_392, %dma_wait3A_405] : memref<4x1024x256xf32, #tpu.memory_space<vmem_shared>> -> memref<1x64x256xf32, #tpu.memory_space<vmem_shared>>
          %dma_wait3A_407 = tpu.memref_squeeze %dma_wait3A_406 : memref<1x64x256xf32, #tpu.memory_space<vmem_shared>> -> memref<64x256xf32, #tpu.memory_space<vmem_shared>>
          %dma_wait3A_408 = arith.constant 0 : i32
          %dma_wait3A_409 = tpu.memref_slice %arg8[%arg1, %mul3A_392, %dma_wait3A_408] : memref<4x1024x256xf32, #tpu.memory_space<vmem_shared>> -> memref<1x64x256xf32, #tpu.memory_space<vmem_shared>>
          %dma_wait3A_410 = tpu.memref_squeeze %dma_wait3A_409 : memref<1x64x256xf32, #tpu.memory_space<vmem_shared>> -> memref<64x256xf32, #tpu.memory_space<vmem_shared>>
          tpu.wait_dma2 semaphore(%run_scoped3A : memref<!tpu.dma_semaphore, #tpu.memory_space<semaphore_mem>>) src(%dma_wait3A_410 : memref<64x256xf32, #tpu.memory_space<vmem_shared>>) dst(%arg5 : memref<64x256xf32, #tpu.memory_space<vmem>>)
          tpu.yield
        }) : () -> ()
        %scan3A_393 = arith.constant 0 : i32
        %scan3A_394 = arith.constant 64 : i32
        %scan3A_395 = arith.addi %scan3A_393, %scan3A_394 : i32
        %scan3A_396 = arith.constant 8 : i32
        %scan3A_397:2 = scf.for %scan3A_399 = %scan3A_393 to %scan3A_395 step %scan3A_396 iter_args(%scan3A_400 = %scan3A_388, %scan3A_401 = %scan3A_389) -> (vector<16xi32>, vector<16xi32>)  : i32 {
          %mul3A_402 = arith.constant 64 : i32
          %mul3A_403 = arith.muli %sub3A_390, %mul3A_402 : i32
          %add3A_404 = arith.constant 64 : i32
          %add3A_405 = arith.addi %mul3A_403, %add3A_404 : i32
          %sub3A_406 = arith.constant 1 : i32
          %sub3A_407 = arith.subi %add3A_405, %sub3A_406 : i32
          %sub3A_408 = arith.subi %sub3A_407, %scan3A_399 : i32
          %mul3A_409 = arith.constant 64 : i32
          %mul3A_410 = arith.muli %sub3A_390, %mul3A_409 : i32
          %sub3A_411 = arith.subi %sub3A_408, %mul3A_410 : i32
          %broadcast_in_dim3A_412 = vector.broadcast %sub3A_411 : i32 to vector<16xi32>
          %gather3A = tpu.vector_load_idx %arg5[%broadcast_in_dim3A_412, %scan3A_400] : memref<64x256xf32, #tpu.memory_space<vmem>>[vector<16xi32>, vector<16xi32>], vector<16xf32>,
          %convert_element_type3A_413 = arith.fptosi %gather3A : vector<16xf32> to vector<16xi32>
          %sub3A_414 = arith.subi %scan3A_400, %convert_element_type3A_413 : vector<16xi32>
          %sub3A_415 = arith.constant 1 : i32
          %sub3A_416 = arith.subi %sub3A_408, %sub3A_415 : i32
          %jit3A_417 = arith.constant 16 : i32
          %eq3A_418 = arith.constant 0 : i32
          %eq3A_419 = arith.cmpi eq, %jit3A_417, %eq3A_418 : i32
          %jit3A_420 = arith.constant 1 : i32
          %select_n3A_421 = arith.select %eq3A_419, %jit3A_420, %jit3A_417 : i32
          %rem3A = arith.remsi %sub3A_416, %select_n3A_421 : i32
          %ne3A = arith.constant 0 : i32
          %ne3A_422 = arith.cmpi ne, %rem3A, %ne3A : i32
          %lt3A_423 = arith.constant 0 : i32
          %lt3A_424 = arith.cmpi slt, %rem3A, %lt3A_423 : i32
          %lt3A_425 = arith.constant 0 : i32
          %lt3A_426 = arith.cmpi slt, %select_n3A_421, %lt3A_425 : i32
          %ne3A_427 = arith.xori %lt3A_424, %lt3A_426 : i1
          %and3A_428 = arith.andi %ne3A_427, %ne3A_422 : i1
          %add3A_429 = arith.addi %rem3A, %select_n3A_421 : i32
          %select_n3A_430 = arith.select %and3A_428, %add3A_429, %rem3A : i32
          %eq3A_431 = vector.broadcast %select_n3A_430 : i32 to vector<16xi32>
          %eq3A_432 = arith.cmpi eq, %iota3A, %eq3A_431 : vector<16xi32>
          %select_n3A_433 = arith.select %eq3A_432, %sub3A_414, %scan3A_401 : vector<16xi1>, vector<16xi32>
          %sub3A_434 = arith.constant 1 : i32
          %sub3A_435 = arith.subi %sub3A_408, %sub3A_434 : i32
          %jit3A_436 = arith.constant 16 : i32
          %eq3A_437 = arith.constant 0 : i32
          %eq3A_438 = arith.cmpi eq, %jit3A_436, %eq3A_437 : i32
          %jit3A_439 = arith.constant 1 : i32
          %select_n3A_440 = arith.select %eq3A_438, %jit3A_439, %jit3A_436 : i32
          %rem3A_441 = arith.remsi %sub3A_435, %select_n3A_440 : i32
          %ne3A_442 = arith.constant 0 : i32
          %ne3A_443 = arith.cmpi ne, %rem3A_441, %ne3A_442 : i32
          %lt3A_444 = arith.constant 0 : i32
          %lt3A_445 = arith.cmpi slt, %rem3A_441, %lt3A_444 : i32
          %lt3A_446 = arith.constant 0 : i32
          %lt3A_447 = arith.cmpi slt, %select_n3A_440, %lt3A_446 : i32
          %ne3A_448 = arith.xori %lt3A_445, %lt3A_447 : i1
          %and3A_449 = arith.andi %ne3A_448, %ne3A_443 : i1
          %add3A_450 = arith.addi %rem3A_441, %select_n3A_440 : i32
          %select_n3A_451 = arith.select %and3A_449, %add3A_450, %rem3A_441 : i32
          %eq3A_452 = arith.constant 0 : i32
          %eq3A_453 = arith.cmpi eq, %select_n3A_451, %eq3A_452 : i32
          %gt3A = arith.constant 0 : i32
          %gt3A_454 = arith.cmpi sgt, %sub3A_408, %gt3A : i32
          %and3A_455 = arith.andi %eq3A_453, %gt3A_454 : i1
          %convert_element_type3A_456 = arith.extui %and3A_455 : i1 to i32
          %cond3A_457 = arith.constant 0 : i32
          %cond3A_458 = arith.cmpi ne, %convert_element_type3A_456, %cond3A_457 : i32
          scf.if %cond3A_458 {
            %sub3A_900 = arith.constant 1 : i32
            %sub3A_901 = arith.subi %sub3A_408, %sub3A_900 : i32
            %multiple_of3A = tpu.assume_multiple %sub3A_901, 16 : i32
            %swap3A = arith.index_cast %multiple_of3A : i32 to index
            %swap3A_902 = tpu.vector_load %arg6[%swap3A] {strides = array<i32>} : memref<1024xi32, #tpu.memory_space<vmem>>, vector<16xi32>,
            tpu.vector_store %arg6[%swap3A], %select_n3A_433 {strides = array<i32>} : memref<1024xi32, #tpu.memory_space<vmem>>, vector<16xi32>,
          } else {
          }
          %scan3A_459 = arith.constant 1 : i32
          %scan3A_460 = arith.addi %scan3A_399, %scan3A_459 : i32
          %mul3A_461 = arith.constant 64 : i32
          %mul3A_462 = arith.muli %sub3A_390, %mul3A_461 : i32
          %add3A_463 = arith.constant 64 : i32
          %add3A_464 = arith.addi %mul3A_462, %add3A_463 : i32
          %sub3A_465 = arith.constant 1 : i32
          %sub3A_466 = arith.subi %add3A_464, %sub3A_465 : i32
          %sub3A_467 = arith.subi %sub3A_466, %scan3A_460 : i32
          %mul3A_468 = arith.constant 64 : i32
          %mul3A_469 = arith.muli %sub3A_390, %mul3A_468 : i32
          %sub3A_470 = arith.subi %sub3A_467, %mul3A_469 : i32
          %broadcast_in_dim3A_471 = vector.broadcast %sub3A_470 : i32 to vector<16xi32>
          %gather3A_472 = tpu.vector_load_idx %arg5[%broadcast_in_dim3A_471, %sub3A_414] : memref<64x256xf32, #tpu.memory_space<vmem>>[vector<16xi32>, vector<16xi32>], vector<16xf32>,
          %convert_element_type3A_473 = arith.fptosi %gather3A_472 : vector<16xf32> to vector<16xi32>
          %sub3A_474 = arith.subi %sub3A_414, %convert_element_type3A_473 : vector<16xi32>
          %sub3A_475 = arith.constant 1 : i32
          %sub3A_476 = arith.subi %sub3A_467, %sub3A_475 : i32
          %jit3A_477 = arith.constant 16 : i32
          %eq3A_478 = arith.constant 0 : i32
          %eq3A_479 = arith.cmpi eq, %jit3A_477, %eq3A_478 : i32
          %jit3A_480 = arith.constant 1 : i32
          %select_n3A_481 = arith.select %eq3A_479, %jit3A_480, %jit3A_477 : i32
          %rem3A_482 = arith.remsi %sub3A_476, %select_n3A_481 : i32
          %ne3A_483 = arith.constant 0 : i32
          %ne3A_484 = arith.cmpi ne, %rem3A_482, %ne3A_483 : i32
          %lt3A_485 = arith.constant 0 : i32
          %lt3A_486 = arith.cmpi slt, %rem3A_482, %lt3A_485 : i32
          %lt3A_487 = arith.constant 0 : i32
          %lt3A_488 = arith.cmpi slt, %select_n3A_481, %lt3A_487 : i32
          %ne3A_489 = arith.xori %lt3A_486, %lt3A_488 : i1
          %and3A_490 = arith.andi %ne3A_489, %ne3A_484 : i1
          %add3A_491 = arith.addi %rem3A_482, %select_n3A_481 : i32
          %select_n3A_492 = arith.select %and3A_490, %add3A_491, %rem3A_482 : i32
          %eq3A_493 = vector.broadcast %select_n3A_492 : i32 to vector<16xi32>
          %eq3A_494 = arith.cmpi eq, %iota3A, %eq3A_493 : vector<16xi32>
          %select_n3A_495 = arith.select %eq3A_494, %sub3A_474, %select_n3A_433 : vector<16xi1>, vector<16xi32>
          %sub3A_496 = arith.constant 1 : i32
          %sub3A_497 = arith.subi %sub3A_467, %sub3A_496 : i32
          %jit3A_498 = arith.constant 16 : i32
          %eq3A_499 = arith.constant 0 : i32
          %eq3A_500 = arith.cmpi eq, %jit3A_498, %eq3A_499 : i32
          %jit3A_501 = arith.constant 1 : i32
          %select_n3A_502 = arith.select %eq3A_500, %jit3A_501, %jit3A_498 : i32
          %rem3A_503 = arith.remsi %sub3A_497, %select_n3A_502 : i32
          %ne3A_504 = arith.constant 0 : i32
          %ne3A_505 = arith.cmpi ne, %rem3A_503, %ne3A_504 : i32
          %lt3A_506 = arith.constant 0 : i32
          %lt3A_507 = arith.cmpi slt, %rem3A_503, %lt3A_506 : i32
          %lt3A_508 = arith.constant 0 : i32
          %lt3A_509 = arith.cmpi slt, %select_n3A_502, %lt3A_508 : i32
          %ne3A_510 = arith.xori %lt3A_507, %lt3A_509 : i1
          %and3A_511 = arith.andi %ne3A_510, %ne3A_505 : i1
          %add3A_512 = arith.addi %rem3A_503, %select_n3A_502 : i32
          %select_n3A_513 = arith.select %and3A_511, %add3A_512, %rem3A_503 : i32
          %eq3A_514 = arith.constant 0 : i32
          %eq3A_515 = arith.cmpi eq, %select_n3A_513, %eq3A_514 : i32
          %gt3A_516 = arith.constant 0 : i32
          %gt3A_517 = arith.cmpi sgt, %sub3A_467, %gt3A_516 : i32
          %and3A_518 = arith.andi %eq3A_515, %gt3A_517 : i1
          %convert_element_type3A_519 = arith.extui %and3A_518 : i1 to i32
          %cond3A_520 = arith.constant 0 : i32
          %cond3A_521 = arith.cmpi ne, %convert_element_type3A_519, %cond3A_520 : i32
          scf.if %cond3A_521 {
            %sub3A_900 = arith.constant 1 : i32
            %sub3A_901 = arith.subi %sub3A_467, %sub3A_900 : i32
            %multiple_of3A = tpu.assume_multiple %sub3A_901, 16 : i32
            %swap3A = arith.index_cast %multiple_of3A : i32 to index
            %swap3A_902 = tpu.vector_load %arg6[%swap3A] {strides = array<i32>} : memref<1024xi32, #tpu.memory_space<vmem>>, vector<16xi32>,
            tpu.vector_store %arg6[%swap3A], %select_n3A_495 {strides = array<i32>} : memref<1024xi32, #tpu.memory_space<vmem>>, vector<16xi32>,
          } else {
          }
          %scan3A_522 = arith.constant 2 : i32
          %scan3A_523 = arith.addi %scan3A_399, %scan3A_522 : i32
          %mul3A_524 = arith.constant 64 : i32
          %mul3A_525 = arith.muli %sub3A_390, %mul3A_524 : i32
          %add3A_526 = arith.constant 64 : i32
          %add3A_527 = arith.addi %mul3A_525, %add3A_526 : i32
          %sub3A_528 = arith.constant 1 : i32
          %sub3A_529 = arith.subi %add3A_527, %sub3A_528 : i32
          %sub3A_530 = arith.subi %sub3A_529, %scan3A_523 : i32
          %mul3A_531 = arith.constant 64 : i32
          %mul3A_532 = arith.muli %sub3A_390, %mul3A_531 : i32
          %sub3A_533 = arith.subi %sub3A_530, %mul3A_532 : i32
          %broadcast_in_dim3A_534 = vector.broadcast %sub3A_533 : i32 to vector<16xi32>
          %gather3A_535 = tpu.vector_load_idx %arg5[%broadcast_in_dim3A_534, %sub3A_474] : memref<64x256xf32, #tpu.memory_space<vmem>>[vector<16xi32>, vector<16xi32>], vector<16xf32>,
          %convert_element_type3A_536 = arith.fptosi %gather3A_535 : vector<16xf32> to vector<16xi32>
          %sub3A_537 = arith.subi %sub3A_474, %convert_element_type3A_536 : vector<16xi32>
          %sub3A_538 = arith.constant 1 : i32
          %sub3A_539 = arith.subi %sub3A_530, %sub3A_538 : i32
          %jit3A_540 = arith.constant 16 : i32
          %eq3A_541 = arith.constant 0 : i32
          %eq3A_542 = arith.cmpi eq, %jit3A_540, %eq3A_541 : i32
          %jit3A_543 = arith.constant 1 : i32
          %select_n3A_544 = arith.select %eq3A_542, %jit3A_543, %jit3A_540 : i32
          %rem3A_545 = arith.remsi %sub3A_539, %select_n3A_544 : i32
          %ne3A_546 = arith.constant 0 : i32
          %ne3A_547 = arith.cmpi ne, %rem3A_545, %ne3A_546 : i32
          %lt3A_548 = arith.constant 0 : i32
          %lt3A_549 = arith.cmpi slt, %rem3A_545, %lt3A_548 : i32
          %lt3A_550 = arith.constant 0 : i32
          %lt3A_551 = arith.cmpi slt, %select_n3A_544, %lt3A_550 : i32
          %ne3A_552 = arith.xori %lt3A_549, %lt3A_551 : i1
          %and3A_553 = arith.andi %ne3A_552, %ne3A_547 : i1
          %add3A_554 = arith.addi %rem3A_545, %select_n3A_544 : i32
          %select_n3A_555 = arith.select %and3A_553, %add3A_554, %rem3A_545 : i32
          %eq3A_556 = vector.broadcast %select_n3A_555 : i32 to vector<16xi32>
          %eq3A_557 = arith.cmpi eq, %iota3A, %eq3A_556 : vector<16xi32>
          %select_n3A_558 = arith.select %eq3A_557, %sub3A_537, %select_n3A_495 : vector<16xi1>, vector<16xi32>
          %sub3A_559 = arith.constant 1 : i32
          %sub3A_560 = arith.subi %sub3A_530, %sub3A_559 : i32
          %jit3A_561 = arith.constant 16 : i32
          %eq3A_562 = arith.constant 0 : i32
          %eq3A_563 = arith.cmpi eq, %jit3A_561, %eq3A_562 : i32
          %jit3A_564 = arith.constant 1 : i32
          %select_n3A_565 = arith.select %eq3A_563, %jit3A_564, %jit3A_561 : i32
          %rem3A_566 = arith.remsi %sub3A_560, %select_n3A_565 : i32
          %ne3A_567 = arith.constant 0 : i32
          %ne3A_568 = arith.cmpi ne, %rem3A_566, %ne3A_567 : i32
          %lt3A_569 = arith.constant 0 : i32
          %lt3A_570 = arith.cmpi slt, %rem3A_566, %lt3A_569 : i32
          %lt3A_571 = arith.constant 0 : i32
          %lt3A_572 = arith.cmpi slt, %select_n3A_565, %lt3A_571 : i32
          %ne3A_573 = arith.xori %lt3A_570, %lt3A_572 : i1
          %and3A_574 = arith.andi %ne3A_573, %ne3A_568 : i1
          %add3A_575 = arith.addi %rem3A_566, %select_n3A_565 : i32
          %select_n3A_576 = arith.select %and3A_574, %add3A_575, %rem3A_566 : i32
          %eq3A_577 = arith.constant 0 : i32
          %eq3A_578 = arith.cmpi eq, %select_n3A_576, %eq3A_577 : i32
          %gt3A_579 = arith.constant 0 : i32
          %gt3A_580 = arith.cmpi sgt, %sub3A_530, %gt3A_579 : i32
          %and3A_581 = arith.andi %eq3A_578, %gt3A_580 : i1
          %convert_element_type3A_582 = arith.extui %and3A_581 : i1 to i32
          %cond3A_583 = arith.constant 0 : i32
          %cond3A_584 = arith.cmpi ne, %convert_element_type3A_582, %cond3A_583 : i32
          scf.if %cond3A_584 {
            %sub3A_900 = arith.constant 1 : i32
            %sub3A_901 = arith.subi %sub3A_530, %sub3A_900 : i32
            %multiple_of3A = tpu.assume_multiple %sub3A_901, 16 : i32
            %swap3A = arith.index_cast %multiple_of3A : i32 to index
            %swap3A_902 = tpu.vector_load %arg6[%swap3A] {strides = array<i32>} : memref<1024xi32, #tpu.memory_space<vmem>>, vector<16xi32>,
            tpu.vector_store %arg6[%swap3A], %select_n3A_558 {strides = array<i32>} : memref<1024xi32, #tpu.memory_space<vmem>>, vector<16xi32>,
          } else {
          }
          %scan3A_585 = arith.constant 3 : i32
          %scan3A_586 = arith.addi %scan3A_399, %scan3A_585 : i32
          %mul3A_587 = arith.constant 64 : i32
          %mul3A_588 = arith.muli %sub3A_390, %mul3A_587 : i32
          %add3A_589 = arith.constant 64 : i32
          %add3A_590 = arith.addi %mul3A_588, %add3A_589 : i32
          %sub3A_591 = arith.constant 1 : i32
          %sub3A_592 = arith.subi %add3A_590, %sub3A_591 : i32
          %sub3A_593 = arith.subi %sub3A_592, %scan3A_586 : i32
          %mul3A_594 = arith.constant 64 : i32
          %mul3A_595 = arith.muli %sub3A_390, %mul3A_594 : i32
          %sub3A_596 = arith.subi %sub3A_593, %mul3A_595 : i32
          %broadcast_in_dim3A_597 = vector.broadcast %sub3A_596 : i32 to vector<16xi32>
          %gather3A_598 = tpu.vector_load_idx %arg5[%broadcast_in_dim3A_597, %sub3A_537] : memref<64x256xf32, #tpu.memory_space<vmem>>[vector<16xi32>, vector<16xi32>], vector<16xf32>,
          %convert_element_type3A_599 = arith.fptosi %gather3A_598 : vector<16xf32> to vector<16xi32>
          %sub3A_600 = arith.subi %sub3A_537, %convert_element_type3A_599 : vector<16xi32>
          %sub3A_601 = arith.constant 1 : i32
          %sub3A_602 = arith.subi %sub3A_593, %sub3A_601 : i32
          %jit3A_603 = arith.constant 16 : i32
          %eq3A_604 = arith.constant 0 : i32
          %eq3A_605 = arith.cmpi eq, %jit3A_603, %eq3A_604 : i32
          %jit3A_606 = arith.constant 1 : i32
          %select_n3A_607 = arith.select %eq3A_605, %jit3A_606, %jit3A_603 : i32
          %rem3A_608 = arith.remsi %sub3A_602, %select_n3A_607 : i32
          %ne3A_609 = arith.constant 0 : i32
          %ne3A_610 = arith.cmpi ne, %rem3A_608, %ne3A_609 : i32
          %lt3A_611 = arith.constant 0 : i32
          %lt3A_612 = arith.cmpi slt, %rem3A_608, %lt3A_611 : i32
          %lt3A_613 = arith.constant 0 : i32
          %lt3A_614 = arith.cmpi slt, %select_n3A_607, %lt3A_613 : i32
          %ne3A_615 = arith.xori %lt3A_612, %lt3A_614 : i1
          %and3A_616 = arith.andi %ne3A_615, %ne3A_610 : i1
          %add3A_617 = arith.addi %rem3A_608, %select_n3A_607 : i32
          %select_n3A_618 = arith.select %and3A_616, %add3A_617, %rem3A_608 : i32
          %eq3A_619 = vector.broadcast %select_n3A_618 : i32 to vector<16xi32>
          %eq3A_620 = arith.cmpi eq, %iota3A, %eq3A_619 : vector<16xi32>
          %select_n3A_621 = arith.select %eq3A_620, %sub3A_600, %select_n3A_558 : vector<16xi1>, vector<16xi32>
          %sub3A_622 = arith.constant 1 : i32
          %sub3A_623 = arith.subi %sub3A_593, %sub3A_622 : i32
          %jit3A_624 = arith.constant 16 : i32
          %eq3A_625 = arith.constant 0 : i32
          %eq3A_626 = arith.cmpi eq, %jit3A_624, %eq3A_625 : i32
          %jit3A_627 = arith.constant 1 : i32
          %select_n3A_628 = arith.select %eq3A_626, %jit3A_627, %jit3A_624 : i32
          %rem3A_629 = arith.remsi %sub3A_623, %select_n3A_628 : i32
          %ne3A_630 = arith.constant 0 : i32
          %ne3A_631 = arith.cmpi ne, %rem3A_629, %ne3A_630 : i32
          %lt3A_632 = arith.constant 0 : i32
          %lt3A_633 = arith.cmpi slt, %rem3A_629, %lt3A_632 : i32
          %lt3A_634 = arith.constant 0 : i32
          %lt3A_635 = arith.cmpi slt, %select_n3A_628, %lt3A_634 : i32
          %ne3A_636 = arith.xori %lt3A_633, %lt3A_635 : i1
          %and3A_637 = arith.andi %ne3A_636, %ne3A_631 : i1
          %add3A_638 = arith.addi %rem3A_629, %select_n3A_628 : i32
          %select_n3A_639 = arith.select %and3A_637, %add3A_638, %rem3A_629 : i32
          %eq3A_640 = arith.constant 0 : i32
          %eq3A_641 = arith.cmpi eq, %select_n3A_639, %eq3A_640 : i32
          %gt3A_642 = arith.constant 0 : i32
          %gt3A_643 = arith.cmpi sgt, %sub3A_593, %gt3A_642 : i32
          %and3A_644 = arith.andi %eq3A_641, %gt3A_643 : i1
          %convert_element_type3A_645 = arith.extui %and3A_644 : i1 to i32
          %cond3A_646 = arith.constant 0 : i32
          %cond3A_647 = arith.cmpi ne, %convert_element_type3A_645, %cond3A_646 : i32
          scf.if %cond3A_647 {
            %sub3A_900 = arith.constant 1 : i32
            %sub3A_901 = arith.subi %sub3A_593, %sub3A_900 : i32
            %multiple_of3A = tpu.assume_multiple %sub3A_901, 16 : i32
            %swap3A = arith.index_cast %multiple_of3A : i32 to index
            %swap3A_902 = tpu.vector_load %arg6[%swap3A] {strides = array<i32>} : memref<1024xi32, #tpu.memory_space<vmem>>, vector<16xi32>,
            tpu.vector_store %arg6[%swap3A], %select_n3A_621 {strides = array<i32>} : memref<1024xi32, #tpu.memory_space<vmem>>, vector<16xi32>,
          } else {
          }
          %scan3A_648 = arith.constant 4 : i32
          %scan3A_649 = arith.addi %scan3A_399, %scan3A_648 : i32
          %mul3A_650 = arith.constant 64 : i32
          %mul3A_651 = arith.muli %sub3A_390, %mul3A_650 : i32
          %add3A_652 = arith.constant 64 : i32
          %add3A_653 = arith.addi %mul3A_651, %add3A_652 : i32
          %sub3A_654 = arith.constant 1 : i32
          %sub3A_655 = arith.subi %add3A_653, %sub3A_654 : i32
          %sub3A_656 = arith.subi %sub3A_655, %scan3A_649 : i32
          %mul3A_657 = arith.constant 64 : i32
          %mul3A_658 = arith.muli %sub3A_390, %mul3A_657 : i32
          %sub3A_659 = arith.subi %sub3A_656, %mul3A_658 : i32
          %broadcast_in_dim3A_660 = vector.broadcast %sub3A_659 : i32 to vector<16xi32>
          %gather3A_661 = tpu.vector_load_idx %arg5[%broadcast_in_dim3A_660, %sub3A_600] : memref<64x256xf32, #tpu.memory_space<vmem>>[vector<16xi32>, vector<16xi32>], vector<16xf32>,
          %convert_element_type3A_662 = arith.fptosi %gather3A_661 : vector<16xf32> to vector<16xi32>
          %sub3A_663 = arith.subi %sub3A_600, %convert_element_type3A_662 : vector<16xi32>
          %sub3A_664 = arith.constant 1 : i32
          %sub3A_665 = arith.subi %sub3A_656, %sub3A_664 : i32
          %jit3A_666 = arith.constant 16 : i32
          %eq3A_667 = arith.constant 0 : i32
          %eq3A_668 = arith.cmpi eq, %jit3A_666, %eq3A_667 : i32
          %jit3A_669 = arith.constant 1 : i32
          %select_n3A_670 = arith.select %eq3A_668, %jit3A_669, %jit3A_666 : i32
          %rem3A_671 = arith.remsi %sub3A_665, %select_n3A_670 : i32
          %ne3A_672 = arith.constant 0 : i32
          %ne3A_673 = arith.cmpi ne, %rem3A_671, %ne3A_672 : i32
          %lt3A_674 = arith.constant 0 : i32
          %lt3A_675 = arith.cmpi slt, %rem3A_671, %lt3A_674 : i32
          %lt3A_676 = arith.constant 0 : i32
          %lt3A_677 = arith.cmpi slt, %select_n3A_670, %lt3A_676 : i32
          %ne3A_678 = arith.xori %lt3A_675, %lt3A_677 : i1
          %and3A_679 = arith.andi %ne3A_678, %ne3A_673 : i1
          %add3A_680 = arith.addi %rem3A_671, %select_n3A_670 : i32
          %select_n3A_681 = arith.select %and3A_679, %add3A_680, %rem3A_671 : i32
          %eq3A_682 = vector.broadcast %select_n3A_681 : i32 to vector<16xi32>
          %eq3A_683 = arith.cmpi eq, %iota3A, %eq3A_682 : vector<16xi32>
          %select_n3A_684 = arith.select %eq3A_683, %sub3A_663, %select_n3A_621 : vector<16xi1>, vector<16xi32>
          %sub3A_685 = arith.constant 1 : i32
          %sub3A_686 = arith.subi %sub3A_656, %sub3A_685 : i32
          %jit3A_687 = arith.constant 16 : i32
          %eq3A_688 = arith.constant 0 : i32
          %eq3A_689 = arith.cmpi eq, %jit3A_687, %eq3A_688 : i32
          %jit3A_690 = arith.constant 1 : i32
          %select_n3A_691 = arith.select %eq3A_689, %jit3A_690, %jit3A_687 : i32
          %rem3A_692 = arith.remsi %sub3A_686, %select_n3A_691 : i32
          %ne3A_693 = arith.constant 0 : i32
          %ne3A_694 = arith.cmpi ne, %rem3A_692, %ne3A_693 : i32
          %lt3A_695 = arith.constant 0 : i32
          %lt3A_696 = arith.cmpi slt, %rem3A_692, %lt3A_695 : i32
          %lt3A_697 = arith.constant 0 : i32
          %lt3A_698 = arith.cmpi slt, %select_n3A_691, %lt3A_697 : i32
          %ne3A_699 = arith.xori %lt3A_696, %lt3A_698 : i1
          %and3A_700 = arith.andi %ne3A_699, %ne3A_694 : i1
          %add3A_701 = arith.addi %rem3A_692, %select_n3A_691 : i32
          %select_n3A_702 = arith.select %and3A_700, %add3A_701, %rem3A_692 : i32
          %eq3A_703 = arith.constant 0 : i32
          %eq3A_704 = arith.cmpi eq, %select_n3A_702, %eq3A_703 : i32
          %gt3A_705 = arith.constant 0 : i32
          %gt3A_706 = arith.cmpi sgt, %sub3A_656, %gt3A_705 : i32
          %and3A_707 = arith.andi %eq3A_704, %gt3A_706 : i1
          %convert_element_type3A_708 = arith.extui %and3A_707 : i1 to i32
          %cond3A_709 = arith.constant 0 : i32
          %cond3A_710 = arith.cmpi ne, %convert_element_type3A_708, %cond3A_709 : i32
          scf.if %cond3A_710 {
            %sub3A_900 = arith.constant 1 : i32
            %sub3A_901 = arith.subi %sub3A_656, %sub3A_900 : i32
            %multiple_of3A = tpu.assume_multiple %sub3A_901, 16 : i32
            %swap3A = arith.index_cast %multiple_of3A : i32 to index
            %swap3A_902 = tpu.vector_load %arg6[%swap3A] {strides = array<i32>} : memref<1024xi32, #tpu.memory_space<vmem>>, vector<16xi32>,
            tpu.vector_store %arg6[%swap3A], %select_n3A_684 {strides = array<i32>} : memref<1024xi32, #tpu.memory_space<vmem>>, vector<16xi32>,
          } else {
          }
          %scan3A_711 = arith.constant 5 : i32
          %scan3A_712 = arith.addi %scan3A_399, %scan3A_711 : i32
          %mul3A_713 = arith.constant 64 : i32
          %mul3A_714 = arith.muli %sub3A_390, %mul3A_713 : i32
          %add3A_715 = arith.constant 64 : i32
          %add3A_716 = arith.addi %mul3A_714, %add3A_715 : i32
          %sub3A_717 = arith.constant 1 : i32
          %sub3A_718 = arith.subi %add3A_716, %sub3A_717 : i32
          %sub3A_719 = arith.subi %sub3A_718, %scan3A_712 : i32
          %mul3A_720 = arith.constant 64 : i32
          %mul3A_721 = arith.muli %sub3A_390, %mul3A_720 : i32
          %sub3A_722 = arith.subi %sub3A_719, %mul3A_721 : i32
          %broadcast_in_dim3A_723 = vector.broadcast %sub3A_722 : i32 to vector<16xi32>
          %gather3A_724 = tpu.vector_load_idx %arg5[%broadcast_in_dim3A_723, %sub3A_663] : memref<64x256xf32, #tpu.memory_space<vmem>>[vector<16xi32>, vector<16xi32>], vector<16xf32>,
          %convert_element_type3A_725 = arith.fptosi %gather3A_724 : vector<16xf32> to vector<16xi32>
          %sub3A_726 = arith.subi %sub3A_663, %convert_element_type3A_725 : vector<16xi32>
          %sub3A_727 = arith.constant 1 : i32
          %sub3A_728 = arith.subi %sub3A_719, %sub3A_727 : i32
          %jit3A_729 = arith.constant 16 : i32
          %eq3A_730 = arith.constant 0 : i32
          %eq3A_731 = arith.cmpi eq, %jit3A_729, %eq3A_730 : i32
          %jit3A_732 = arith.constant 1 : i32
          %select_n3A_733 = arith.select %eq3A_731, %jit3A_732, %jit3A_729 : i32
          %rem3A_734 = arith.remsi %sub3A_728, %select_n3A_733 : i32
          %ne3A_735 = arith.constant 0 : i32
          %ne3A_736 = arith.cmpi ne, %rem3A_734, %ne3A_735 : i32
          %lt3A_737 = arith.constant 0 : i32
          %lt3A_738 = arith.cmpi slt, %rem3A_734, %lt3A_737 : i32
          %lt3A_739 = arith.constant 0 : i32
          %lt3A_740 = arith.cmpi slt, %select_n3A_733, %lt3A_739 : i32
          %ne3A_741 = arith.xori %lt3A_738, %lt3A_740 : i1
          %and3A_742 = arith.andi %ne3A_741, %ne3A_736 : i1
          %add3A_743 = arith.addi %rem3A_734, %select_n3A_733 : i32
          %select_n3A_744 = arith.select %and3A_742, %add3A_743, %rem3A_734 : i32
          %eq3A_745 = vector.broadcast %select_n3A_744 : i32 to vector<16xi32>
          %eq3A_746 = arith.cmpi eq, %iota3A, %eq3A_745 : vector<16xi32>
          %select_n3A_747 = arith.select %eq3A_746, %sub3A_726, %select_n3A_684 : vector<16xi1>, vector<16xi32>
          %sub3A_748 = arith.constant 1 : i32
          %sub3A_749 = arith.subi %sub3A_719, %sub3A_748 : i32
          %jit3A_750 = arith.constant 16 : i32
          %eq3A_751 = arith.constant 0 : i32
          %eq3A_752 = arith.cmpi eq, %jit3A_750, %eq3A_751 : i32
          %jit3A_753 = arith.constant 1 : i32
          %select_n3A_754 = arith.select %eq3A_752, %jit3A_753, %jit3A_750 : i32
          %rem3A_755 = arith.remsi %sub3A_749, %select_n3A_754 : i32
          %ne3A_756 = arith.constant 0 : i32
          %ne3A_757 = arith.cmpi ne, %rem3A_755, %ne3A_756 : i32
          %lt3A_758 = arith.constant 0 : i32
          %lt3A_759 = arith.cmpi slt, %rem3A_755, %lt3A_758 : i32
          %lt3A_760 = arith.constant 0 : i32
          %lt3A_761 = arith.cmpi slt, %select_n3A_754, %lt3A_760 : i32
          %ne3A_762 = arith.xori %lt3A_759, %lt3A_761 : i1
          %and3A_763 = arith.andi %ne3A_762, %ne3A_757 : i1
          %add3A_764 = arith.addi %rem3A_755, %select_n3A_754 : i32
          %select_n3A_765 = arith.select %and3A_763, %add3A_764, %rem3A_755 : i32
          %eq3A_766 = arith.constant 0 : i32
          %eq3A_767 = arith.cmpi eq, %select_n3A_765, %eq3A_766 : i32
          %gt3A_768 = arith.constant 0 : i32
          %gt3A_769 = arith.cmpi sgt, %sub3A_719, %gt3A_768 : i32
          %and3A_770 = arith.andi %eq3A_767, %gt3A_769 : i1
          %convert_element_type3A_771 = arith.extui %and3A_770 : i1 to i32
          %cond3A_772 = arith.constant 0 : i32
          %cond3A_773 = arith.cmpi ne, %convert_element_type3A_771, %cond3A_772 : i32
          scf.if %cond3A_773 {
            %sub3A_900 = arith.constant 1 : i32
            %sub3A_901 = arith.subi %sub3A_719, %sub3A_900 : i32
            %multiple_of3A = tpu.assume_multiple %sub3A_901, 16 : i32
            %swap3A = arith.index_cast %multiple_of3A : i32 to index
            %swap3A_902 = tpu.vector_load %arg6[%swap3A] {strides = array<i32>} : memref<1024xi32, #tpu.memory_space<vmem>>, vector<16xi32>,
            tpu.vector_store %arg6[%swap3A], %select_n3A_747 {strides = array<i32>} : memref<1024xi32, #tpu.memory_space<vmem>>, vector<16xi32>,
          } else {
          }
          %scan3A_774 = arith.constant 6 : i32
          %scan3A_775 = arith.addi %scan3A_399, %scan3A_774 : i32
          %mul3A_776 = arith.constant 64 : i32
          %mul3A_777 = arith.muli %sub3A_390, %mul3A_776 : i32
          %add3A_778 = arith.constant 64 : i32
          %add3A_779 = arith.addi %mul3A_777, %add3A_778 : i32
          %sub3A_780 = arith.constant 1 : i32
          %sub3A_781 = arith.subi %add3A_779, %sub3A_780 : i32
          %sub3A_782 = arith.subi %sub3A_781, %scan3A_775 : i32
          %mul3A_783 = arith.constant 64 : i32
          %mul3A_784 = arith.muli %sub3A_390, %mul3A_783 : i32
          %sub3A_785 = arith.subi %sub3A_782, %mul3A_784 : i32
          %broadcast_in_dim3A_786 = vector.broadcast %sub3A_785 : i32 to vector<16xi32>
          %gather3A_787 = tpu.vector_load_idx %arg5[%broadcast_in_dim3A_786, %sub3A_726] : memref<64x256xf32, #tpu.memory_space<vmem>>[vector<16xi32>, vector<16xi32>], vector<16xf32>,
          %convert_element_type3A_788 = arith.fptosi %gather3A_787 : vector<16xf32> to vector<16xi32>
          %sub3A_789 = arith.subi %sub3A_726, %convert_element_type3A_788 : vector<16xi32>
          %sub3A_790 = arith.constant 1 : i32
          %sub3A_791 = arith.subi %sub3A_782, %sub3A_790 : i32
          %jit3A_792 = arith.constant 16 : i32
          %eq3A_793 = arith.constant 0 : i32
          %eq3A_794 = arith.cmpi eq, %jit3A_792, %eq3A_793 : i32
          %jit3A_795 = arith.constant 1 : i32
          %select_n3A_796 = arith.select %eq3A_794, %jit3A_795, %jit3A_792 : i32
          %rem3A_797 = arith.remsi %sub3A_791, %select_n3A_796 : i32
          %ne3A_798 = arith.constant 0 : i32
          %ne3A_799 = arith.cmpi ne, %rem3A_797, %ne3A_798 : i32
          %lt3A_800 = arith.constant 0 : i32
          %lt3A_801 = arith.cmpi slt, %rem3A_797, %lt3A_800 : i32
          %lt3A_802 = arith.constant 0 : i32
          %lt3A_803 = arith.cmpi slt, %select_n3A_796, %lt3A_802 : i32
          %ne3A_804 = arith.xori %lt3A_801, %lt3A_803 : i1
          %and3A_805 = arith.andi %ne3A_804, %ne3A_799 : i1
          %add3A_806 = arith.addi %rem3A_797, %select_n3A_796 : i32
          %select_n3A_807 = arith.select %and3A_805, %add3A_806, %rem3A_797 : i32
          %eq3A_808 = vector.broadcast %select_n3A_807 : i32 to vector<16xi32>
          %eq3A_809 = arith.cmpi eq, %iota3A, %eq3A_808 : vector<16xi32>
          %select_n3A_810 = arith.select %eq3A_809, %sub3A_789, %select_n3A_747 : vector<16xi1>, vector<16xi32>
          %sub3A_811 = arith.constant 1 : i32
          %sub3A_812 = arith.subi %sub3A_782, %sub3A_811 : i32
          %jit3A_813 = arith.constant 16 : i32
          %eq3A_814 = arith.constant 0 : i32
          %eq3A_815 = arith.cmpi eq, %jit3A_813, %eq3A_814 : i32
          %jit3A_816 = arith.constant 1 : i32
          %select_n3A_817 = arith.select %eq3A_815, %jit3A_816, %jit3A_813 : i32
          %rem3A_818 = arith.remsi %sub3A_812, %select_n3A_817 : i32
          %ne3A_819 = arith.constant 0 : i32
          %ne3A_820 = arith.cmpi ne, %rem3A_818, %ne3A_819 : i32
          %lt3A_821 = arith.constant 0 : i32
          %lt3A_822 = arith.cmpi slt, %rem3A_818, %lt3A_821 : i32
          %lt3A_823 = arith.constant 0 : i32
          %lt3A_824 = arith.cmpi slt, %select_n3A_817, %lt3A_823 : i32
          %ne3A_825 = arith.xori %lt3A_822, %lt3A_824 : i1
          %and3A_826 = arith.andi %ne3A_825, %ne3A_820 : i1
          %add3A_827 = arith.addi %rem3A_818, %select_n3A_817 : i32
          %select_n3A_828 = arith.select %and3A_826, %add3A_827, %rem3A_818 : i32
          %eq3A_829 = arith.constant 0 : i32
          %eq3A_830 = arith.cmpi eq, %select_n3A_828, %eq3A_829 : i32
          %gt3A_831 = arith.constant 0 : i32
          %gt3A_832 = arith.cmpi sgt, %sub3A_782, %gt3A_831 : i32
          %and3A_833 = arith.andi %eq3A_830, %gt3A_832 : i1
          %convert_element_type3A_834 = arith.extui %and3A_833 : i1 to i32
          %cond3A_835 = arith.constant 0 : i32
          %cond3A_836 = arith.cmpi ne, %convert_element_type3A_834, %cond3A_835 : i32
          scf.if %cond3A_836 {
            %sub3A_900 = arith.constant 1 : i32
            %sub3A_901 = arith.subi %sub3A_782, %sub3A_900 : i32
            %multiple_of3A = tpu.assume_multiple %sub3A_901, 16 : i32
            %swap3A = arith.index_cast %multiple_of3A : i32 to index
            %swap3A_902 = tpu.vector_load %arg6[%swap3A] {strides = array<i32>} : memref<1024xi32, #tpu.memory_space<vmem>>, vector<16xi32>,
            tpu.vector_store %arg6[%swap3A], %select_n3A_810 {strides = array<i32>} : memref<1024xi32, #tpu.memory_space<vmem>>, vector<16xi32>,
          } else {
          }
          %scan3A_837 = arith.constant 7 : i32
          %scan3A_838 = arith.addi %scan3A_399, %scan3A_837 : i32
          %mul3A_839 = arith.constant 64 : i32
          %mul3A_840 = arith.muli %sub3A_390, %mul3A_839 : i32
          %add3A_841 = arith.constant 64 : i32
          %add3A_842 = arith.addi %mul3A_840, %add3A_841 : i32
          %sub3A_843 = arith.constant 1 : i32
          %sub3A_844 = arith.subi %add3A_842, %sub3A_843 : i32
          %sub3A_845 = arith.subi %sub3A_844, %scan3A_838 : i32
          %mul3A_846 = arith.constant 64 : i32
          %mul3A_847 = arith.muli %sub3A_390, %mul3A_846 : i32
          %sub3A_848 = arith.subi %sub3A_845, %mul3A_847 : i32
          %broadcast_in_dim3A_849 = vector.broadcast %sub3A_848 : i32 to vector<16xi32>
          %gather3A_850 = tpu.vector_load_idx %arg5[%broadcast_in_dim3A_849, %sub3A_789] : memref<64x256xf32, #tpu.memory_space<vmem>>[vector<16xi32>, vector<16xi32>], vector<16xf32>,
          %convert_element_type3A_851 = arith.fptosi %gather3A_850 : vector<16xf32> to vector<16xi32>
          %sub3A_852 = arith.subi %sub3A_789, %convert_element_type3A_851 : vector<16xi32>
          %sub3A_853 = arith.constant 1 : i32
          %sub3A_854 = arith.subi %sub3A_845, %sub3A_853 : i32
          %jit3A_855 = arith.constant 16 : i32
          %eq3A_856 = arith.constant 0 : i32
          %eq3A_857 = arith.cmpi eq, %jit3A_855, %eq3A_856 : i32
          %jit3A_858 = arith.constant 1 : i32
          %select_n3A_859 = arith.select %eq3A_857, %jit3A_858, %jit3A_855 : i32
          %rem3A_860 = arith.remsi %sub3A_854, %select_n3A_859 : i32
          %ne3A_861 = arith.constant 0 : i32
          %ne3A_862 = arith.cmpi ne, %rem3A_860, %ne3A_861 : i32
          %lt3A_863 = arith.constant 0 : i32
          %lt3A_864 = arith.cmpi slt, %rem3A_860, %lt3A_863 : i32
          %lt3A_865 = arith.constant 0 : i32
          %lt3A_866 = arith.cmpi slt, %select_n3A_859, %lt3A_865 : i32
          %ne3A_867 = arith.xori %lt3A_864, %lt3A_866 : i1
          %and3A_868 = arith.andi %ne3A_867, %ne3A_862 : i1
          %add3A_869 = arith.addi %rem3A_860, %select_n3A_859 : i32
          %select_n3A_870 = arith.select %and3A_868, %add3A_869, %rem3A_860 : i32
          %eq3A_871 = vector.broadcast %select_n3A_870 : i32 to vector<16xi32>
          %eq3A_872 = arith.cmpi eq, %iota3A, %eq3A_871 : vector<16xi32>
          %select_n3A_873 = arith.select %eq3A_872, %sub3A_852, %select_n3A_810 : vector<16xi1>, vector<16xi32>
          %sub3A_874 = arith.constant 1 : i32
          %sub3A_875 = arith.subi %sub3A_845, %sub3A_874 : i32
          %jit3A_876 = arith.constant 16 : i32
          %eq3A_877 = arith.constant 0 : i32
          %eq3A_878 = arith.cmpi eq, %jit3A_876, %eq3A_877 : i32
          %jit3A_879 = arith.constant 1 : i32
          %select_n3A_880 = arith.select %eq3A_878, %jit3A_879, %jit3A_876 : i32
          %rem3A_881 = arith.remsi %sub3A_875, %select_n3A_880 : i32
          %ne3A_882 = arith.constant 0 : i32
          %ne3A_883 = arith.cmpi ne, %rem3A_881, %ne3A_882 : i32
          %lt3A_884 = arith.constant 0 : i32
          %lt3A_885 = arith.cmpi slt, %rem3A_881, %lt3A_884 : i32
          %lt3A_886 = arith.constant 0 : i32
          %lt3A_887 = arith.cmpi slt, %select_n3A_880, %lt3A_886 : i32
          %ne3A_888 = arith.xori %lt3A_885, %lt3A_887 : i1
          %and3A_889 = arith.andi %ne3A_888, %ne3A_883 : i1
          %add3A_890 = arith.addi %rem3A_881, %select_n3A_880 : i32
          %select_n3A_891 = arith.select %and3A_889, %add3A_890, %rem3A_881 : i32
          %eq3A_892 = arith.constant 0 : i32
          %eq3A_893 = arith.cmpi eq, %select_n3A_891, %eq3A_892 : i32
          %gt3A_894 = arith.constant 0 : i32
          %gt3A_895 = arith.cmpi sgt, %sub3A_845, %gt3A_894 : i32
          %and3A_896 = arith.andi %eq3A_893, %gt3A_895 : i1
          %convert_element_type3A_897 = arith.extui %and3A_896 : i1 to i32
          %cond3A_898 = arith.constant 0 : i32
          %cond3A_899 = arith.cmpi ne, %convert_element_type3A_897, %cond3A_898 : i32
          scf.if %cond3A_899 {
            %sub3A_900 = arith.constant 1 : i32
            %sub3A_901 = arith.subi %sub3A_845, %sub3A_900 : i32
            %multiple_of3A = tpu.assume_multiple %sub3A_901, 16 : i32
            %swap3A = arith.index_cast %multiple_of3A : i32 to index
            %swap3A_902 = tpu.vector_load %arg6[%swap3A] {strides = array<i32>} : memref<1024xi32, #tpu.memory_space<vmem>>, vector<16xi32>,
            tpu.vector_store %arg6[%swap3A], %select_n3A_873 {strides = array<i32>} : memref<1024xi32, #tpu.memory_space<vmem>>, vector<16xi32>,
          } else {
          }
          scf.yield %sub3A_852, %select_n3A_873 : vector<16xi32>, vector<16xi32>
        }
        %scan3A_398 = arith.constant 64 : i32
        scf.yield %scan3A_397#0, %scan3A_397#1 : vector<16xi32>, vector<16xi32>
      }
      %scan3A_379 = arith.constant 16 : i32
      %scan3A_380 = arith.constant 0 : i32
      %scan3A_381 = arith.constant 0 : i32
      %scan3A_382 = arith.constant 32 : i32
      %scan3A_383 = arith.addi %scan3A_381, %scan3A_382 : i32
      %scan3A_384 = arith.constant 1 : i32
      %scan3A_385 = scf.for %scan3A_387 = %scan3A_381 to %scan3A_383 step %scan3A_384 iter_args(%scan3A_388 = %scan3A_380) -> (i32)  : i32 {
        %add3A_389 = arith.constant 0 : i32
        %add3A_390 = vector.broadcast %add3A_389 : i32 to vector<16xi32>
        %add3A_391 = arith.addi %iota3A, %add3A_390 : vector<16xi32>
        %mul3A_392 = arith.constant 32 : i32
        %mul3A_393 = arith.muli %scan3A_387, %mul3A_392 : i32
        %add3A_394 = arith.constant 0 : i32
        %add3A_395 = arith.addi %mul3A_393, %add3A_394 : i32
        %multiple_of3A = tpu.assume_multiple %add3A_395, 16 : i32
        %get3A_396 = arith.index_cast %multiple_of3A : i32 to index
        %get3A_397 = tpu.vector_load %arg6[%get3A_396] {strides = array<i32>} : memref<1024xi32, #tpu.memory_space<vmem>>, vector<16xi32>,
        tpu.vector_store_idx %arg7[%add3A_391, %get3A_397], %broadcast_in_dim3A_3 : memref<32x256xf32, #tpu.memory_space<vmem>>[vector<16xi32>, vector<16xi32>], vector<16xf32>,
        %add3A_398 = arith.constant 16 : i32
        %add3A_399 = vector.broadcast %add3A_398 : i32 to vector<16xi32>
        %add3A_400 = arith.addi %iota3A, %add3A_399 : vector<16xi32>
        %mul3A_401 = arith.constant 32 : i32
        %mul3A_402 = arith.muli %scan3A_387, %mul3A_401 : i32
        %add3A_403 = arith.constant 16 : i32
        %add3A_404 = arith.addi %mul3A_402, %add3A_403 : i32
        %multiple_of3A_405 = tpu.assume_multiple %add3A_404, 16 : i32
        %get3A_406 = arith.index_cast %multiple_of3A_405 : i32 to index
        %get3A_407 = tpu.vector_load %arg6[%get3A_406] {strides = array<i32>} : memref<1024xi32, #tpu.memory_space<vmem>>, vector<16xi32>,
        tpu.vector_store_idx %arg7[%add3A_400, %get3A_407], %broadcast_in_dim3A_3 : memref<32x256xf32, #tpu.memory_space<vmem>>[vector<16xi32>, vector<16xi32>], vector<16xf32>,
        %mul3A_408 = arith.constant 32 : i32
        %mul3A_409 = arith.muli %scan3A_387, %mul3A_408 : i32
        "tpu.region"() ({
          %run_scoped3A = tpu.sem_alloc : memref<!tpu.dma_semaphore, #tpu.memory_space<semaphore_mem>>
          %dma_start3A_431 = arith.constant 0 : i32
          %dma_start3A_432 = tpu.memref_slice %arg3[%add3A, %mul3A_409, %dma_start3A_431] : memref<8x1024x256xf32, #tpu.memory_space<hbm>> -> memref<1x32x256xf32, #tpu.memory_space<hbm>>
          %dma_start3A_433 = tpu.memref_squeeze %dma_start3A_432 : memref<1x32x256xf32, #tpu.memory_space<hbm>> -> memref<32x256xf32, #tpu.memory_space<hbm>>
          %dma_start3A_434 = arith.constant 0 : i32
          %dma_start3A_435 = tpu.memref_slice %arg3[%add3A, %mul3A_409, %dma_start3A_434] : memref<8x1024x256xf32, #tpu.memory_space<hbm>> -> memref<1x32x256xf32, #tpu.memory_space<hbm>>
          %dma_start3A_436 = tpu.memref_squeeze %dma_start3A_435 : memref<1x32x256xf32, #tpu.memory_space<hbm>> -> memref<32x256xf32, #tpu.memory_space<hbm>>
          tpu.enqueue_dma source(%arg7 : memref<32x256xf32, #tpu.memory_space<vmem>>) target(%dma_start3A_436 : memref<32x256xf32, #tpu.memory_space<hbm>>) target_semaphore(%run_scoped3A : memref<!tpu.dma_semaphore, #tpu.memory_space<semaphore_mem>>)
          %dma_wait3A_437 = arith.constant 0 : i32
          %dma_wait3A_438 = tpu.memref_slice %arg3[%add3A, %mul3A_409, %dma_wait3A_437] : memref<8x1024x256xf32, #tpu.memory_space<hbm>> -> memref<1x32x256xf32, #tpu.memory_space<hbm>>
          %dma_wait3A_439 = tpu.memref_squeeze %dma_wait3A_438 : memref<1x32x256xf32, #tpu.memory_space<hbm>> -> memref<32x256xf32, #tpu.memory_space<hbm>>
          %dma_wait3A_440 = arith.constant 0 : i32
          %dma_wait3A_441 = tpu.memref_slice %arg3[%add3A, %mul3A_409, %dma_wait3A_440] : memref<8x1024x256xf32, #tpu.memory_space<hbm>> -> memref<1x32x256xf32, #tpu.memory_space<hbm>>
          %dma_wait3A_442 = tpu.memref_squeeze %dma_wait3A_441 : memref<1x32x256xf32, #tpu.memory_space<hbm>> -> memref<32x256xf32, #tpu.memory_space<hbm>>
          tpu.wait_dma2 semaphore(%run_scoped3A : memref<!tpu.dma_semaphore, #tpu.memory_space<semaphore_mem>>) src(%arg7 : memref<32x256xf32, #tpu.memory_space<vmem>>) dst(%dma_wait3A_442 : memref<32x256xf32, #tpu.memory_space<hbm>>)
          tpu.yield
        }) : () -> ()
        %add3A_410 = arith.constant 0 : i32
        %add3A_411 = vector.broadcast %add3A_410 : i32 to vector<16xi32>
        %add3A_412 = arith.addi %iota3A, %add3A_411 : vector<16xi32>
        %mul3A_413 = arith.constant 32 : i32
        %mul3A_414 = arith.muli %scan3A_387, %mul3A_413 : i32
        %add3A_415 = arith.constant 0 : i32
        %add3A_416 = arith.addi %mul3A_414, %add3A_415 : i32
        %multiple_of3A_417 = tpu.assume_multiple %add3A_416, 16 : i32
        %get3A_418 = arith.index_cast %multiple_of3A_417 : i32 to index
        %get3A_419 = tpu.vector_load %arg6[%get3A_418] {strides = array<i32>} : memref<1024xi32, #tpu.memory_space<vmem>>, vector<16xi32>,
        tpu.vector_store_idx %arg7[%add3A_412, %get3A_419], %broadcast_in_dim3A_5 : memref<32x256xf32, #tpu.memory_space<vmem>>[vector<16xi32>, vector<16xi32>], vector<16xf32>,
        %add3A_420 = arith.constant 16 : i32
        %add3A_421 = vector.broadcast %add3A_420 : i32 to vector<16xi32>
        %add3A_422 = arith.addi %iota3A, %add3A_421 : vector<16xi32>
        %mul3A_423 = arith.constant 32 : i32
        %mul3A_424 = arith.muli %scan3A_387, %mul3A_423 : i32
        %add3A_425 = arith.constant 16 : i32
        %add3A_426 = arith.addi %mul3A_424, %add3A_425 : i32
        %multiple_of3A_427 = tpu.assume_multiple %add3A_426, 16 : i32
        %get3A_428 = arith.index_cast %multiple_of3A_427 : i32 to index
        %get3A_429 = tpu.vector_load %arg6[%get3A_428] {strides = array<i32>} : memref<1024xi32, #tpu.memory_space<vmem>>, vector<16xi32>,
        tpu.vector_store_idx %arg7[%add3A_422, %get3A_429], %broadcast_in_dim3A_5 : memref<32x256xf32, #tpu.memory_space<vmem>>[vector<16xi32>, vector<16xi32>], vector<16xf32>,
        %scan3A_430 = arith.constant 0 : i32
        scf.yield %scan3A_430 : i32
      }
      %scan3A_386 = arith.constant 32 : i32
    } else {
    }
    return
  }
}

module attributes {stable_mosaic.version = 14 : i64} {
  func.func @_bmm_kernel(%arg0: i32, %arg1: memref<1x1024x256xf32, #tpu.memory_space<vmem>>, %arg2: memref<1x256x256xf32, #tpu.memory_space<vmem>>, %arg3: memref<1x1024x256xf32, #tpu.memory_space<vmem>>) attributes {dimension_semantics = [#tpu.dimension_semantics<arbitrary>], iteration_bounds = array<i64: 8>, scalar_prefetch = 0 : i64, scratch_operands = 0 : i64, tpu.core_type = #tpu.core_type<tc>, window_params = [{transform_indices = @transform_0, window_bounds = array<i64: 1, 1024, 256>}, {transform_indices = @transform_1, window_bounds = array<i64: 1, 256, 256>}, {transform_indices = @transform_2, window_bounds = array<i64: 1, 1024, 256>}]} {
    %get3A = arith.constant 0 : index
    %get3A_0 = arith.constant 0 : index
    %get3A_1 = arith.constant 0 : index
    %get3A_2 = vector.load %arg1[%get3A, %get3A_0, %get3A_1] : memref<1x1024x256xf32, #tpu.memory_space<vmem>>, vector<1x1024x256xf32>
    %get3A_3 = vector.shape_cast %get3A_2 : vector<1x1024x256xf32> to vector<1024x256xf32>
    %get3A_4 = arith.constant 0 : index
    %get3A_5 = arith.constant 0 : index
    %get3A_6 = arith.constant 0 : index
    %get3A_7 = vector.load %arg2[%get3A_4, %get3A_5, %get3A_6] : memref<1x256x256xf32, #tpu.memory_space<vmem>>, vector<1x256x256xf32>
    %get3A_8 = vector.shape_cast %get3A_7 : vector<1x256x256xf32> to vector<256x256xf32>
    %dot_general3A = arith.constant dense<0.000000e+00> : vector<1024x256xf32>
    %dot_general3A_9 = tpu.matmul %get3A_3, %get3A_8, %dot_general3A {dimension_numbers = #tpu.dot_dimension_numbers<[1], [1], [0], [0], [0, 0, 1, 0], [], []>, transpose_lhs_hint = false} : vector<1024x256xf32>, vector<256x256xf32>, vector<1024x256xf32> -> vector<1024x256xf32>
    %swap3A = arith.constant 0 : index
    %swap3A_10 = arith.constant 0 : index
    %swap3A_11 = arith.constant 0 : index
    %swap3A_12 = vector.load %arg3[%swap3A, %swap3A_10, %swap3A_11] : memref<1x1024x256xf32, #tpu.memory_space<vmem>>, vector<1x1024x256xf32>
    %swap3A_13 = vector.shape_cast %swap3A_12 : vector<1x1024x256xf32> to vector<1024x256xf32>
    %swap3A_14 = vector.shape_cast %dot_general3A_9 : vector<1024x256xf32> to vector<1x1024x256xf32>
    tpu.vector_store %arg3[%swap3A, %swap3A_10, %swap3A_11], %swap3A_14 {strides = array<i32>} : memref<1x1024x256xf32, #tpu.memory_space<vmem>>, vector<1x1024x256xf32>,
    return
  }
  func.func @transform_0(%arg0: i32) -> (i32, i32, i32) {
    %c0_i32 = arith.constant 0 : i32
    %c0_i32_0 = arith.constant 0 : i32
    %c0_i32_1 = arith.constant 0 : i32
    return %arg0, %c0_i32, %c0_i32_0 : i32, i32, i32
  }
  func.func @transform_1(%arg0: i32) -> (i32, i32, i32) {
    %c0_i32 = arith.constant 0 : i32
    %c0_i32_0 = arith.constant 0 : i32
    %c0_i32_1 = arith.constant 0 : i32
    return %arg0, %c0_i32, %c0_i32_0 : i32, i32, i32
  }
  func.func @transform_2(%arg0: i32) -> (i32, i32, i32) {
    %c0_i32 = arith.constant 0 : i32
    %c0_i32_0 = arith.constant 0 : i32
    %c0_i32_1 = arith.constant 0 : i32
    return %arg0, %c0_i32, %c0_i32_0 : i32, i32, i32
  }
}

</mosaic_0001>

<sc_bundles>
// kernel: kernel.4.cloned.1.call-start
scs
__scs_entry_jumppad:
0x0: {  	(pc) =	sbr.rel $0x88, $3  }
0x1: {  	(tag) =	ssettag $0x0;
	lr =	simm.s32 $0x1  }
0x2: {  	[smem:$0x3F9F] =	sst lr;
	_ =	strace $0xD0000000  }
0x3: {  	_ = 	snop  }
0x4: {  	_ = 	snop  }
0x5: {  	_ = 	snop  }
0x6: {  	_ = 	snop  }
0x7: {  	_ = 	snop  }
__scs_overlays_trampoline_lowered:
0x8: {  	[smem:$0x3FAE] =	sst s0  }
0x9: {  	[smem:$0x3FAF] =	sst s1  }
0xa: {  	[smem:$0x3FB0] =	sst s2  }
0xb: {  	[smem:$0x3FB1] =	sst s3  }
0xc: {  	[smem:$0x3FB2] =	sst s4  }
0xd: {  	[smem:$0x3FB3] =	sst s5  }
0xe: {  	[smem:$0x3FB4] =	sst s6  }
0xf: {  	[smem:$0x3FB5] =	sst s7  }
0x10: {  	[smem:$0x3FB6] =	sst s8  }
0x11: {  	[smem:$0x3FB7] =	sst s9;
	s0 =	simm.s32 @!p0 $0x0  }
0x12: {  	s1 =	sld [smem:$0x3F9D];
	s0 =	simm.s32 @p0 $0x1  }
0x13: {  	[smem:$0x3FB8] =	sst s0;
	s0 =	simm.s32 @!p1 $0x0  }
0x14: {  	s2 =	sld [smem:$0x3F9C];
	s0 =	simm.s32 @p1 $0x1  }
0x15: {  	[smem:$0x3FB9] =	sst s0;
	s0 =	simm.s32 @!p2 $0x0  }
0x16: {  	s3 =	sld [smem:$0x3FDB];
	s0 =	simm.s32 @p2 $0x1  }
0x17: {  	s4 =	simm.s32 $0x1BF5;
	[smem:$0x3FBB] =	sst s0  }
0x18: {  	s0 =	sld [smem:$0x3F9E];
	_ =	swait.ge [sflag:s4], $0x0  }
0x19: {  	s7 =	sld [smem:$0x3F9F]  }
0x1a: {  	s8 =	sadd.s32 $0xFFFFE003, lr  }
0x1b: {  	s9 =	sadd.s32 $0xFFFFFEF7, lr;
	s5 =	simm.s32 $0xFFFFFFFF;
	p2 =	slt.u32 s8, $0xFFFFF086  }
0x1c: {  	p1 =	slt.u32 s9, $0xF7A;
	s5 =	simm.s32 @!p2 $0x0  }
0x1d: {  	s5 =	simm.s32 @p1 $0x1;
	p0 =	seq.s32 s7, s2  }
0x1e: {  	s7 =	smul.u32 @!p0 $0xF7A, s2;
	p2 =	seq.s32 @!p0 s5, $0x0  }
0x1f: {  	s9 =	smul.u32 $0xF7A, s1;
	s8 =	simm.s32 @!p0 $0x1BF5;
	p2 =	por !p2, p0  }
0x20: {  	[sflag:s8] =	ssyncset.s32 @!p0 $0xFFFFF086;
	s6 =	sadd.s32 @!p0 s3, s7;
	s7 =	simm.s32 @!p0 $0x108  }
0x21: {  	s3 =	sadd.s32 s3, s9;
	s6 =	sadd.s32 @!p0 $0x88, s6;
	s7 =	simm.s32 @p2 $0x1082  }
0x22: {  	[simem:s7], [sflag:s8] =	dma.local @!p0 [hbm:s6], $0xF7A  }
0x23: {  	s9 =	sor.u32 $0xD0000000, s2;
	s6 =	simm.s32 $0x108;
	_ =	swait.ge @!p0 [sflag:s8], $0x0  }
0x24: {  	s3 =	sadd.s32 $0x88, s3;
	s6 =	simm.s32 @!p1 $0x1082;
	[sflag:s4] =	ssyncset.s32 $0xFFFFF086  }
0x25: {  	[simem:s6], [sflag:s4] =	dma.local [hbm:s3], $0xF7A  }
0x26: {  	[smem:$0x3F9F] =	sst s1;
	(tag) =	ssettag s2;
	_ =	strace s9  }
0x27: {  	s1 =	sld [smem:$0x3FAF]  }
0x28: {  	s2 =	sld [smem:$0x3FB0]  }
0x29: {  	s4 =	sld [smem:$0x3FB2]  }
0x2a: {  	p0 =	seq.s32 s5, $0x0;
	s5 =	sld [smem:$0x3FB3]  }
0x2b: {  	s6 =	sld [smem:$0x3FB4]  }
0x2c: {  	s7 =	sld [smem:$0x3FB5]  }
0x2d: {  	s3 =	simm.s32 $0x108;
	s8 =	sld [smem:$0x3FB6]  }
0x2e: {  	s3 =	simm.s32 @!p0 $0x1082;
	s9 =	sld [smem:$0x3FB7]  }
0x2f: {  	lr =	sadd.s32 s0, s3;
	s0 =	sld [smem:$0x3FAE]  }
0x30: {  	s3 =	sld [smem:$0x3FB1]  }
0x31: {  	[smem:$0x3FBA] =	sst s10  }
0x32: {  	s10 =	sld [smem:$0x3FB8];
	_ =	sdelay $0x3  }
0x33: {  	p0 =	seq.s32 s10, $0x1;
	s10 =	sld [smem:$0x3FBA];
	_ =	sdelay $0x3  }
0x34: {  	[smem:$0x3FBA] =	sst s10  }
0x35: {  	s10 =	sld [smem:$0x3FB9];
	_ =	sdelay $0x3  }
0x36: {  	p1 =	seq.s32 s10, $0x1;
	s10 =	sld [smem:$0x3FBA];
	_ =	sdelay $0x3  }
0x37: {  	[smem:$0x3FBA] =	sst s10  }
0x38: {  	s10 =	sld [smem:$0x3FBB]  }
0x39: {  	_ = 	snop;
	(pc) =	sbr.ind lr, $3  }
0x3a: {  	_ = 	snop  }
0x3b: {  	_ = 	snop  }
0x3c: {  	p2 =	seq.s32 s10, $0x1;
	s10 =	sld [smem:$0x3FBA]  }
0x3d: {  	_ =	shalt  }
0x3e: {  	_ =	shalt  }
0x3f: {  	_ =	shalt  }
0x40: {  	_ =	shalt  }
0x41: {  	_ =	shalt  }
0x42: {  	_ =	shalt  }
0x43: {  	_ =	shalt  }
0x44: {  	_ =	shalt  }
0x45: {  	_ =	shalt  }
0x46: {  	_ =	shalt  }
0x47: {  	_ =	shalt  }
0x48: {  	_ =	shalt  }
0x49: {  	_ =	shalt  }
0x4a: {  	_ =	shalt  }
0x4b: {  	_ =	shalt  }
0x4c: {  	_ =	shalt  }
0x4d: {  	_ =	shalt  }
0x4e: {  	_ =	shalt  }
0x4f: {  	_ =	shalt  }
0x50: {  	_ =	shalt  }
0x51: {  	_ =	shalt  }
0x52: {  	_ =	shalt  }
0x53: {  	_ =	shalt  }
0x54: {  	_ =	shalt  }
0x55: {  	_ =	shalt  }
0x56: {  	_ =	shalt  }
0x57: {  	_ =	shalt  }
0x58: {  	_ =	shalt  }
0x59: {  	_ =	shalt  }
0x5a: {  	_ =	shalt  }
0x5b: {  	_ =	shalt  }
0x5c: {  	_ =	shalt  }
0x5d: {  	_ =	shalt  }
0x5e: {  	_ =	shalt  }
0x5f: {  	_ =	shalt  }
0x60: {  	_ =	shalt  }
0x61: {  	_ =	shalt  }
0x62: {  	_ =	shalt  }
0x63: {  	_ =	shalt  }
0x64: {  	_ =	shalt  }
0x65: {  	_ =	shalt  }
0x66: {  	_ =	shalt  }
0x67: {  	_ =	shalt  }
0x68: {  	_ =	shalt  }
0x69: {  	_ =	shalt  }
0x6a: {  	_ =	shalt  }
0x6b: {  	_ =	shalt  }
0x6c: {  	_ =	shalt  }
0x6d: {  	_ =	shalt  }
0x6e: {  	_ =	shalt  }
0x6f: {  	_ =	shalt  }
0x70: {  	_ =	shalt  }
0x71: {  	_ =	shalt  }
0x72: {  	_ =	shalt  }
0x73: {  	_ =	shalt  }
0x74: {  	_ =	shalt  }
0x75: {  	_ =	shalt  }
0x76: {  	_ =	shalt  }
0x77: {  	_ =	shalt  }
0x78: {  	_ =	shalt  }
0x79: {  	_ =	shalt  }
0x7a: {  	_ =	shalt  }
0x7b: {  	_ =	shalt  }
0x7c: {  	_ =	shalt  }
0x7d: {  	_ =	shalt  }
0x7e: {  	_ =	shalt  }
0x7f: {  	_ =	shalt  }
0x80: {  	_ =	shalt  }
0x81: {  	_ =	shalt  }
0x82: {  	_ =	shalt  }
0x83: {  	_ =	shalt  }
0x84: {  	_ =	shalt  }
0x85: {  	_ =	shalt  }
0x86: {  	_ =	shalt  }
0x87: {  	_ =	shalt  }
.Lfunc_end0:
.L_simem_size_0:
called_computation_lowered:
.L_overlay_start_0:
0x88: {  	s2 =	sld [smem:$0x3FD9]  }
0x89: {  	s3 =	sld [smem:$0x3FFE];
	_ =	sdelay $0x1  }
0x8a: {  	s1 =	srdreg.scid  }
0x8b: {  	s0 =	sand.u32 $0x1, s1  }
0x8c: {  	s17 =	sshll.u32 s0, $0xA;
	s2 =	sadd.s32 s3, s2  }
0x8d: {  	s2 =	sadd.s32 s2, s17  }
0x8e: {  	[smem:$0x3FC6] =	sst s2  }
0x8f: {  	_ = 	snop  }
0x90: {  	s2 =	sld [smem:$0x3FD0];
	(tm) =	ssettm $0x1  }
0x91: {  	s18 =	sld [smem:$0x3FFB];
	_ =	sdelay $0x3  }
0x92: {  	_ =	strace s18  }
0x93: {  	s3 =	sld [smem:$0x3FFC];
	_ =	sdelay $0x3  }
0x94: {  	_ =	strace s3  }
0x95: {  	s3 =	sld [smem:$0x3FFD];
	_ =	sdelay $0x3  }
0x96: {  	_ =	strace s3  }
0x97: {  	_ =	strace $0x8FFFFFFF  }
0x98: {  	s19 =	sld [smem:$0x3FDB];
	_ =	sdelay $0x1  }
0x99: {  	s4 =	simm.s32 $_scs_section_size  }
0x9a: {  	s5 =	simm.s32 $_size__tile_overlayer_lowered;
	s6 =	simm.s32 $_tile_overlayer_lowered  }
0x9b: {  	s22 =	simm.s32 $0x1BFF;
	s21 =	sshll.u32 s6, $0x1;
	s3 =	sadd.s32 s4, s19  }
0x9c: {  	s7 =	simm.s32 $0x0;
	s20 =	sshll.u32 s5, $0x1;
	s5 =	sadd.s32 s21, s3  }
0x9d: {  	[timem:s7], [sflag:s22] =	dma.local [hbm:s5], s20  }
0x9e: {  	_ =	swait.ge [sflag:s22], s20  }
0x9f: {  	s4 =	ssub.s32 $0x0, s20;
	[sflag:s22] =	ssyncset.done $0x0  }
0xa0: {  	[sflag:s22] =	ssyncadd.s32 s4;
	_ =	sdelay $0x1  }
0xa1: {  	s23 =	simm.s32 $0x1B8B  }
0xa2: {  	_ =	swait.ge [sflag:s23], $0x1  }
0xa3: {  	[sflag:s23] =	ssyncset.done $0x0  }
0xa4: {  	s25 =	simm.s32 $0x1B8E;
	s24 =	sld [smem:$0x3FFE];
	[sflag:s23] =	ssyncadd.s32 $0xFFFFFFFF  }
0xa5: {  	s26 =	simm.s32 $execute0_lowered;
	[smem:$0x3FD2] =	sst s25  }
0xa6: {  	s5 =	sshll.u32 s26, $0x1;
	_ =	strace $0x80000046;
	[dreg:$0x1] =	wrdreg $0xFFFFFFFF  }
0xa7: {  	s28 =	simm.s32 $_size_execute0_lowered;
	s3 =	sadd.s32 s3, s5;
	[dreg:$0x0] =	wrdreg $0x0  }
0xa8: {  	s5 =	sshll.u32 s28, $0x1;
	[dreg:$0x2] =	wrdreg s3  }
0xa9: {  	[dreg:$0x3] =	wrdreg s5  }
0xaa: {  	[dreg:$0x4] =	wrdreg $0xC0  }
0xab: {  	_ =	task [dreg:s7], $0x5FFFF  }
0xac: {  	[dreg:$0x1] =	wrdreg $0xFFFFFFFF  }
0xad: {  	[dreg:$0x0] =	wrdreg $0x60  }
0xae: {  	[dreg:$0x2] =	wrdreg s24  }
0xaf: {  	[dreg:$0x3] =	wrdreg s2  }
0xb0: {  	[dreg:$0x4] =	wrdreg $0xE4000  }
0xb1: {  	[dreg:$0x5] =	wrdreg $0x9  }
0xb2: {  	_ =	task.clear_ibuf [dreg:s7], $0x6FFFF;
	_ =	strace $0x90000046  }
0xb3: {  	s29 =	simm.s32 $0x9;
	_ =	strace $0x80000048  }
0xb4: {  	_ =	swait.ge [sflag:s29], $0x1  }
0xb5: {  	[sflag:s29] =	ssyncadd.s32 $0xFFFFFFFF  }
0xb6: {  	_ =	strace $0x90000048  }
0xb7: {  	_ =	sfence  }
0xb8: {  	s30 =	sld [smem:$0x0];
	_ =	sdelay $0x2  }
0xb9: {  	s31 =	sshll.u32 s1, $0xD;
	s1 =	sshrl.u32 s1, $0x2  }
0xba: {  	s3 =	sand.u32 $0x4000, s31;
	s1 =	sadd.s32 s1, s30  }
0xbb: {  	s0 =	sor.u32 s3, s0;
	s1 =	sshll.u32 s1, $0x11  }
0xbc: {  	s0 =	sor.u32 s1, s0  }
0xbd: {  	s0 =	sadd.s32 $0x8F2B, s0  }
0xbe: {  	[sflag:s0] =	ssyncadd.remote.s32 $0x1  }
0xbf: {  	_ =	sfence.sel $0xFFFF  }
0xc0: {  	[dreg:$0x0] =	wrdreg $0xFFFFFFFF;
	(pc) =	sbr.abs _section_cstart, $3  }
0xc1: {  	[dreg:$0x1] =	wrdreg $0xFFFFFFFF  }
0xc2: {  	_ =	task.clear_ibuf [dreg:s7], $0x2FFFF;
	_ =	strace $0x9FFFFFFF  }
0xc3: {  	(tm) =	ssettm $0x7FFFFFFF  }
tec
execute0_lowered:
.L_overlay_start_1:
0x0: {  	(tag) =	ssettag $0x1  }
0x1: {  	s1 =	stileid.u32  }
0x2: {  	p0 =	sgt.u32 s1, $0x3  }
.Ltmp0:
0x3: {  	s3 =	rddreg [dreg:$0x0];
	(pc) =	sbr.rel @p0 .LBB2_17-.Ltmp0, $4  }
0x4: {  	s9 =	rddreg [dreg:$0x1]  }
0x5: {  	s4 =	rddreg [dreg:$0x2];
	s2 =	simm.s32 $0x0  }
0x6: {  	[smem:$0x7FF] =	sst s2  }
0x7: {  	s0 =	rddreg [dreg:$0x3];
	_ =	strace $0x80000047  }
0x8: {  	v0 =	vimm.s32 $0xEDCBA987;
	v1 =	vimm.s32 $0x6543210F  }
0x9: {  	v0 =	vunpack.c.l.s4.s8 v0;
	v1 =	vunpack.c.l.s4.s8 v1  }
0xa: {  	vm0 =	vmmov $0x1  }
0xb: {  	vm1 =	vcmask $0x300;
	v0 =	vunpack.c.0.s8.s32 v0;
	v1 =	vunpack.c.0.s8.s32 v1  }
0xc: {  	v2 =	vimm.s32 $0xB80;
	v3 =	vimm.s32 $0x1B80;
	v6 =	vimm.f32 $1.000000000e+00  }
0xd: {  	v2 =	vsel vm1, $0x0, v2;
	v0 =	vcombine.low v1, v0;
	v1 =	vimm.s32 $0x0  }
0xe: {  	v3 =	vsel vm1, $0x1000, v3;
	v1 =	vsel vm1, $0xB, v1;
	vm1 =	vcmask $0x704  }
0xf: {  	v2 =	vsel vm1, $0x80, v2;
	v3 =	vsel vm1, $0x1080, v3;
	vm1 =	vcmask $0xB08  }
0x10: {  	v2 =	vsel vm1, $0x100, v2;
	v3 =	vsel vm1, $0x1100, v3;
	vm1 =	vcmask $0xF0C  }
0x11: {  	v2 =	vsel vm1, $0x180, v2;
	v3 =	vsel vm1, $0x1180, v3;
	vm1 =	vcmask $0x1310  }
0x12: {  	v2 =	vsel vm1, $0x200, v2;
	v3 =	vsel vm1, $0x1200, v3;
	vm1 =	vcmask $0x1714  }
0x13: {  	v2 =	vsel vm1, $0x280, v2;
	v3 =	vsel vm1, $0x1280, v3;
	vm1 =	vcmask $0x1B18  }
0x14: {  	v2 =	vsel vm1, $0x300, v2;
	v3 =	vsel vm1, $0x1300, v3;
	vm1 =	vcmask $0x1F1C  }
0x15: {  	s5 =	srdreg.scid;
	s30 =	sshll.u32 s1, $0x1;
	s8 =	sshll.u32 s1, $0x12;
	v2 =	vsel vm1, $0x380, v2;
	v3 =	vsel vm1, $0x1380, v3;
	vm1 =	vcmask $0x2320  }
0x16: {  	s3 =	sadd.s32 $0xA00, s3;
	s10 =	sshll.u32 s1, $0x13;
	s12 =	simm.s32 $0x8000;
	v2 =	vsel vm1, $0x800, v2;
	v3 =	vsel vm1, $0x1800, v3;
	vm1 =	vcmask $0x2724  }
0x17: {  	s13 =	simm.s32 $0x3;
	s14 =	simm.s32 $0xC400;
	s6 =	sand.u32 $0x1, s5;
	v2 =	vsel vm1, $0x880, v2;
	v3 =	vsel vm1, $0x1880, v3;
	vm1 =	vcmask $0x2B28  }
0x18: {  	s15 =	simm.s32 $0x0;
	s4 =	sadd.s32 s8, s4;
	s7 =	sor.u32 s6, s30;
	v2 =	vsel vm1, $0x900, v2;
	v3 =	vsel vm1, $0x1900, v3;
	vm1 =	vcmask $0x2F2C  }
0x19: {  	s31 =	ssub.s32 $0x2, s6;
	s6 =	sshll.u32 s6, $0x12;
	s5 =	sshll.u32 s7, $0x12;
	v2 =	vsel vm1, $0x980, v2;
	v3 =	vsel vm1, $0x1980, v3;
	vm1 =	vcmask $0x3330  }
0x1a: {  	s11 =	sshrl.u32 s31, $0x1;
	s7 =	sshll.u32 s7, $0xF;
	s10 =	sor.u32 s6, s10;
	v2 =	vsel vm1, $0xA00, v2;
	v3 =	vsel vm1, $0x1A00, v3;
	vm1 =	vcmask $0x3734  }
0x1b: {  	s5 =	sor.u32 $0x4000, s5;
	s8 =	ssub.s32 s31, s11;
	s6 =	sadd.s32 s3, s7;
	v0 =	vand.u32 $0xF, v0;
	v4 =	vsel vm1, $0xA80, v2;
	v5 =	vsel vm1, $0x1A80, v3  }
0x1c: {  	s10 =	sshrl.u32 s10, $0x3;
	s11 =	simm.s32 $0x1;
	s7 =	sadd.s32 $0x800, s6;
	vm1 =	vcmask $0x3B38;
	v2 =	vlaneseq.u32;
	v3 =	vimm.f32 $0.0e+00  }
0x1d: {  	s8 =	smax.u32 s8, $0x1;
	s9 =	sadd.s32 s10, s9;
	s10 =	simm.s32 $0x4000;
	v4 =	vsel vm1, $0xB00, v4;
	v5 =	vsel vm1, $0x1B00, v5;
	vm1 =	vcmask $0x3B00  }
.LBB2_2:
0x1e: {  	[tilespmem:s2], [sflag:$0x1] =	stream.linear.gather [hbm4b:s6+s2], $0x4000, $0x38;
	[tilespmem:$0x1E400] =	vst v63  }
0x1f: {  	_ = 	snop  }
0x20: {  	[tilespmem:s10], [sflag:$0x2] =	stream.linear.gather [hbm4b:s7+s2], $0x4000, $0x38;
	[tilespmem:$0x1E400] =	vst v63  }
0x21: {  	_ =	swait.ge [sflag:s11], $0x4000  }
0x22: {  	[sflag:s11] =	ssyncset.done $0x0  }
0x23: {  	[sflag:s11] =	ssyncadd.s32 $0xFFFFC000  }
0x24: {  	v7 =	vld [tilespmem:$0x0];
	_ =	sdelay $0x1  }
0x25: {  	v10 =	vimm.f32 $+Inf;
	v9 =	vimm.f32 $+Inf  }
0x26: {  	v8 =	vimm.f32 $+Inf;
	v16 =	vimm.f32 $+Inf;
	v11 =	vimm.f32 $+Inf  }
0x27: {  	v17 =	vimm.f32 $+Inf;
	v22 =	vimm.f32 $+Inf;
	v23 =	vimm.f32 $+Inf  }
0x28: {  	v21 =	vimm.f32 $+Inf;
	v20 =	vimm.f32 $+Inf;
	v7 =	vsub.f32 $0.0e+00, v7  }
0x29: {  	v18 =	vimm.f32 $+Inf;
	v19 =	vimm.f32 $+Inf;
	v14 =	vimm.f32 $+Inf  }
0x2a: {  	s16 =	simm.s32 $0xFFFFFFFE;
	s17 =	simm.s32 $0x180;
	s18 =	simm.s32 $0x300;
	v13 =	vimm.f32 $+Inf;
	v15 =	vimm.f32 $+Inf;
	v12 =	vnsel vm0, $0x7F800000, v7  }
.LBB2_3:
0x2b: {  	s19 =	sadd.s32 $0xFFFFFE00, s18;
	s20 =	sadd.s32 $0xFFFFFF00, s17;
	v7 =	vperm.xlane v12, v0;
	v26 =	vperm.xlane v15, v0  }
0x2c: {  	v29 =	vperm.xlane v13, v0;
	v51 =	vperm.xlane v14, v0;
	s19 =	sand.u32 $0x3800, s19;
	s20 =	sand.u32 $0x380, s20  }
0x2d: {  	v31 =	vperm.xlane v19, v0;
	v55 =	vperm.xlane v18, v0;
	s19 =	sor.u32 s20, s19  }
0x2e: {  	v57 =	vperm.xlane v20, v0;
	v59 =	vperm.xlane v21, v0;
	v24 =	vld [tilespmem:s19+$0x0]  }
0x2f: {  	vm2 =	veq.s32 v2, $0x0;
	v35 =	vperm.xlane v23, v0;
	v41 =	vperm.xlane v8, v0;
	v28 =	vld [tilespmem:s19+$0x10]  }
0x30: {  	v37 =	vperm.xlane v17, v0;
	v46 =	vperm.xlane v10, v0;
	v25 =	vsel vm2, $0x7F800000, v7  }
0x31: {  	v50 =	vsel vm0, v7, v26;
	v52 =	vsel vm0, v26, v29;
	vm3 =	vle.f32 v25, v12;
	v53 =	vld [tilespmem:s19+$0x30]  }
0x32: {  	v29 =	vsel vm0, v29, v51;
	v12 =	vmin.f32 v12, v25;
	v27 =	vsel vm3, $0x3F800000, v3  }
0x33: {  	vm3 =	vle.f32 v50, v15;
	v15 =	vmin.f32 v15, v50;
	v7 =	vsub.f32 v12, v24;
	v12 =	vld [tilespmem:s19+$0x20]  }
0x34: {  	v30 =	vsel vm3, $0x3F800000, v3;
	vm3 =	vle.f32 v52, v13;
	v28 =	vsub.f32 v15, v28  }
0x35: {  	v32 =	vld [tilespmem:s19+$0x40];
	v15 =	vsel vm3, $0x3F800000, v3;
	vm3 =	vle.f32 v29, v14;
	v14 =	vmin.f32 v14, v29  }
0x36: {  	v63 =	vsel vm0, v59, v35;
	v24 =	vsel vm0, v51, v31;
	v14 =	vsub.f32 v14, v53  }
0x37: {  	v56 =	vld [tilespmem:s19+$0x50];
	v13 =	vmin.f32 v13, v52;
	v54 =	vsel vm3, $0x3F800000, v3;
	vm3 =	vle.f32 v24, v19  }
0x38: {  	v58 =	vld [tilespmem:s19+$0x60];
	[tilespmem:s19+$0x8030] =	vst v54;
	v52 =	vperm.xlane v28, v0;
	v54 =	vperm.xlane v14, v0;
	v33 =	vsub.f32 v13, v12  }
0x39: {  	v60 =	vld [tilespmem:s19+$0x70];
	v13 =	vsel vm3, $0x3F800000, v3;
	v12 =	vmin.f32 v19, v24;
	v19 =	vsel vm0, v31, v55  }
0x3a: {  	v62 =	vld [tilespmem:s19+$0x400];
	v24 =	vsel vm0, v57, v59;
	v12 =	vsub.f32 v12, v32;
	vm3 =	vle.f32 v19, v18  }
0x3b: {  	[tilespmem:s19+$0x8020] =	vst v15;
	v18 =	vmin.f32 v18, v19;
	v19 =	vsel vm0, v55, v57;
	v15 =	vmin.f32 v21, v24  }
0x3c: {  	[tilespmem:s19+$0x8040] =	vst v13;
	v13 =	vmin.f32 v23, v63;
	v34 =	vsel vm3, $0x3F800000, v3;
	vm3 =	vle.f32 v19, v20  }
0x3d: {  	v18 =	vsub.f32 v18, v56;
	v19 =	vmin.f32 v20, v19;
	v61 =	vsel vm3, $0x3F800000, v3  }
0x3e: {  	vm3 =	vle.f32 v24, v21;
	v21 =	vperm.xlane v22, v0;
	v19 =	vsub.f32 v19, v58  }
0x3f: {  	v24 =	vsub.f32 v15, v60;
	v15 =	vsub.f32 v13, v62;
	v13 =	vperm.xlane v11, v0  }
0x40: {  	v39 =	vld [tilespmem:s19+$0x410];
	v57 =	vperm.xlane v12, v0;
	v20 =	vsel vm3, $0x3F800000, v3;
	vm3 =	vle.f32 v63, v23  }
0x41: {  	[tilespmem:s19+$0x8000] =	vst v27;
	v36 =	vsel vm3, $0x3F800000, v3;
	v23 =	vsel vm0, v35, v21;
	v21 =	vsel vm0, v21, v37  }
0x42: {  	[tilespmem:s19+$0x8070] =	vst v20;
	v20 =	vsel vm0, v37, v13;
	v27 =	vsel vm0, v54, v57;
	v37 =	vperm.xlane v24, v0  }
0x43: {  	v45 =	vld [tilespmem:s19+$0x430];
	vm3 =	vle.f32 v23, v22;
	v22 =	vmin.f32 v22, v23;
	v23 =	vperm.xlane v16, v0  }
0x44: {  	[tilespmem:s19+$0x8400] =	vst v36;
	v36 =	vperm.xlane v19, v0;
	v38 =	vsel vm3, $0x3F800000, v3;
	vm3 =	vle.f32 v21, v17  }
0x45: {  	v22 =	vsub.f32 v22, v39;
	v40 =	vsel vm3, $0x3F800000, v3;
	vm3 =	vle.f32 v20, v11  }
0x46: {  	v48 =	vld [tilespmem:s19+$0x440];
	[tilespmem:s19+$0x8010] =	vst v30;
	v44 =	vsel vm0, v13, v23;
	v13 =	vperm.xlane v9, v0;
	v23 =	vsel vm0, v23, v41  }
0x47: {  	v42 =	vld [tilespmem:s19+$0x420];
	[tilespmem:s19+$0x8050] =	vst v34;
	v11 =	vmin.f32 v11, v20;
	v30 =	vsel vm0, v36, v37;
	v43 =	vsel vm3, $0x3F800000, v3  }
0x48: {  	v50 =	vld [tilespmem:s19+$0x450];
	[tilespmem:s19+$0x8060] =	vst v61;
	vm3 =	vle.f32 v44, v16;
	v16 =	vmin.f32 v16, v44;
	v20 =	vsub.f32 v11, v45  }
0x49: {  	[tilespmem:s19+$0x8420] =	vst v40;
	v40 =	vperm.xlane v15, v0;
	v47 =	vsel vm3, $0x3F800000, v3;
	vm3 =	vle.f32 v23, v8  }
0x4a: {  	[tilespmem:s19+$0x8410] =	vst v38;
	v29 =	vsel vm0, v41, v13;
	v32 =	vsel vm0, v13, v46;
	v13 =	vmin.f32 v17, v21  }
0x4b: {  	v51 =	vld [tilespmem:s19+$0x470];
	[tilespmem:s19+$0x8430] =	vst v43;
	v11 =	vsub.f32 v16, v48;
	v8 =	vmin.f32 v8, v23;
	v43 =	vperm.xlane v22, v0  }
0x4c: {  	v21 =	vld [tilespmem:s19+$0x460];
	[tilespmem:s19+$0x8440] =	vst v47;
	v49 =	vsel vm3, $0x3F800000, v3;
	vm3 =	vle.f32 v29, v9;
	v13 =	vsub.f32 v13, v42  }
0x4d: {  	s26 =	sadd.s32 $0xFFFFFF00, s18;
	s21 =	sadd.s32 $0xFFFFFF80, s17;
	v8 =	vsub.f32 v8, v50;
	[tilespmem:s19+$0x8450] =	vst v49;
	v17 =	vsel vm3, $0x3F800000, v3;
	vm3 =	vle.f32 v32, v10  }
0x4e: {  	s21 =	sand.u32 $0x380, s21;
	s20 =	sand.u32 $0x7800, s26;
	v9 =	vmin.f32 v9, v29;
	v42 =	vsel vm0, v37, v40;
	[tilespmem:s19+$0x8460] =	vst v17;
	v17 =	vsel vm3, $0x3F800000, v3  }
0x4f: {  	s28 =	sor.u32 s21, s20;
	v10 =	vmin.f32 v10, v32;
	v47 =	vperm.xlane v11, v0;
	[tilespmem:s19+$0x8470] =	vst v17;
	v17 =	vperm.xlane v7, v0  }
0x50: {  	v10 =	vsub.f32 v10, v51;
	v45 =	vperm.xlane v13, v0;
	v49 =	vperm.xlane v8, v0;
	v16 =	vld [tilespmem:s28+$0x0]  }
0x51: {  	v9 =	vsub.f32 v9, v21;
	v53 =	vld [tilespmem:s28+$0x10];
	v23 =	vsel vm2, $0x7F800000, v17;
	v17 =	vsel vm0, v17, v52  }
0x52: {  	vm3 =	vle.f32 v23, v7;
	v7 =	vmin.f32 v7, v23;
	v23 =	vperm.xlane v33, v0  }
0x53: {  	v51 =	vperm.xlane v9, v0;
	v21 =	vsel vm3, $0x3F800000, v3;
	vm3 =	vle.f32 v17, v28  }
0x54: {  	v56 =	vld [tilespmem:s28+$0x30];
	v25 =	vsel vm0, v47, v49;
	v17 =	vmin.f32 v28, v17;
	v55 =	vsel vm3, $0x3F800000, v3  }
0x55: {  	v26 =	vsel vm0, v52, v23;
	v23 =	vsel vm0, v23, v54;
	v28 =	vsel vm0, v49, v51  }
0x56: {  	v59 =	vld [tilespmem:s28+$0x40];
	v7 =	vsub.f32 v7, v16;
	vm3 =	vle.f32 v26, v33;
	v17 =	vsub.f32 v17, v53  }
0x57: {  	v16 =	vld [tilespmem:s28+$0x20];
	v26 =	vmin.f32 v33, v26;
	v53 =	vperm.xlane v10, v0;
	v58 =	vsel vm3, $0x3F800000, v3  }
0x58: {  	v62 =	vld [tilespmem:s28+$0x50];
	vm3 =	vle.f32 v23, v14;
	v14 =	vmin.f32 v14, v23;
	v23 =	vperm.xlane v18, v0  }
0x59: {  	v60 =	vsel vm3, $0x3F800000, v3;
	vm3 =	vle.f32 v27, v12;
	v14 =	vsub.f32 v14, v56  }
0x5a: {  	v12 =	vmin.f32 v12, v27;
	v32 =	vsel vm0, v51, v53;
	v61 =	vsel vm3, $0x3F800000, v3  }
0x5b: {  	v63 =	vsel vm0, v57, v23;
	v31 =	vsub.f32 v12, v59;
	v12 =	vld [tilespmem:s28+$0x60];
	v23 =	vsel vm0, v23, v36  }
0x5c: {  	v41 =	vld [tilespmem:s28+$0x400];
	[tilespmem:s28+$0x8000] =	vst v21;
	vm3 =	vle.f32 v63, v18;
	v18 =	vmin.f32 v18, v63;
	v16 =	vsub.f32 v26, v16  }
0x5d: {  	[tilespmem:s28+$0x8010] =	vst v55;
	v38 =	vsel vm3, $0x3F800000, v3;
	vm3 =	vle.f32 v23, v19;
	v18 =	vsub.f32 v18, v62  }
0x5e: {  	[tilespmem:s28+$0x8020] =	vst v58;
	v19 =	vmin.f32 v19, v23;
	v21 =	vsel vm3, $0x3F800000, v3;
	vm3 =	vle.f32 v30, v24  }
0x5f: {  	[tilespmem:s28+$0x8030] =	vst v60;
	v24 =	vmin.f32 v24, v30;
	v23 =	vsel vm3, $0x3F800000, v3;
	vm3 =	vle.f32 v42, v15  }
0x60: {  	v39 =	vld [tilespmem:s28+$0x70];
	[tilespmem:s28+$0x8040] =	vst v61;
	v15 =	vmin.f32 v15, v42;
	v44 =	vsub.f32 v19, v12;
	v12 =	vsel vm3, $0x3F800000, v3  }
0x61: {  	[tilespmem:s28+$0x8060] =	vst v21;
	v19 =	vsel vm0, v40, v43;
	v46 =	vsub.f32 v15, v41;
	v15 =	vperm.xlane v20, v0  }
0x62: {  	v55 =	vld [tilespmem:s28+$0x440];
	[tilespmem:s28+$0x8070] =	vst v23;
	vm3 =	vle.f32 v19, v22;
	v19 =	vmin.f32 v22, v19;
	v22 =	vsel vm0, v43, v45  }
0x63: {  	[tilespmem:s28+$0x8400] =	vst v12;
	v12 =	vld [tilespmem:s28+$0x410];
	v21 =	vsel vm3, $0x3F800000, v3;
	vm3 =	vle.f32 v22, v13;
	v23 =	vsel vm0, v45, v15  }
0x64: {  	v57 =	vld [tilespmem:s28+$0x450];
	[tilespmem:s28+$0x8050] =	vst v38;
	v15 =	vsel vm0, v15, v47;
	v48 =	vsel vm3, $0x3F800000, v3;
	vm3 =	vle.f32 v23, v20  }
0x65: {  	v24 =	vsub.f32 v24, v39;
	[tilespmem:s28+$0x8410] =	vst v21;
	v50 =	vsel vm3, $0x3F800000, v3;
	vm3 =	vle.f32 v15, v11  }
0x66: {  	v52 =	vld [tilespmem:s28+$0x430];
	v13 =	vmin.f32 v13, v22;
	[tilespmem:s28+$0x8420] =	vst v48;
	v11 =	vmin.f32 v11, v15;
	v54 =	vsel vm3, $0x3F800000, v3  }
0x67: {  	v21 =	vld [tilespmem:s28+$0x420];
	[tilespmem:s28+$0x8430] =	vst v50;
	vm3 =	vle.f32 v25, v8;
	v8 =	vmin.f32 v8, v25;
	v60 =	vsub.f32 v11, v55  }
0x68: {  	v22 =	vld [tilespmem:s28+$0x470];
	[tilespmem:s28+$0x8440] =	vst v54;
	v56 =	vsel vm3, $0x3F800000, v3;
	vm3 =	vle.f32 v28, v9;
	v58 =	vsub.f32 v19, v12  }
0x69: {  	v19 =	vld [tilespmem:s28+$0x460];
	v8 =	vsub.f32 v8, v57;
	[tilespmem:s28+$0x8450] =	vst v56;
	v12 =	vsel vm3, $0x3F800000, v3;
	vm3 =	vle.f32 v32, v10  }
0x6a: {  	s29 =	sand.u32 $0x7800, s18;
	s30 =	sand.u32 $0x380, s17;
	v20 =	vmin.f32 v20, v23;
	v15 =	vperm.xlane v17, v0;
	[tilespmem:s28+$0x8460] =	vst v12;
	v12 =	vsel vm3, $0x3F800000, v3  }
0x6b: {  	s31 =	sor.u32 s30, s29;
	v26 =	vsub.f32 v20, v52;
	v49 =	vperm.xlane v60, v0;
	v53 =	vperm.xlane v8, v0;
	[tilespmem:s28+$0x8470] =	vst v12  }
0x6c: {  	v10 =	vmin.f32 v10, v32;
	v59 =	vsub.f32 v13, v21;
	v12 =	vperm.xlane v7, v0;
	v13 =	vld [tilespmem:s31+$0x0]  }
0x6d: {  	v9 =	vmin.f32 v9, v28;
	v10 =	vsub.f32 v10, v22;
	v55 =	vsel vm0, v49, v53  }
0x6e: {  	v20 =	vld [tilespmem:s31+$0x10];
	v11 =	vsel vm2, $0x7F800000, v12;
	v9 =	vsub.f32 v9, v19;
	v19 =	vperm.xlane v16, v0  }
0x6f: {  	vm3 =	vle.f32 v55, v8;
	v8 =	vmin.f32 v8, v55;
	vm2 =	vle.f32 v11, v7  }
0x70: {  	v21 =	vld [tilespmem:s31+$0x20];
	v7 =	vmin.f32 v7, v11;
	v11 =	vsel vm0, v12, v15;
	v22 =	vsel vm2, $0x3F800000, v3  }
0x71: {  	vm2 =	vle.f32 v11, v17;
	v56 =	vperm.xlane v9, v0;
	v12 =	vsub.f32 v7, v13  }
0x72: {  	v23 =	vld [tilespmem:s31+$0x30];
	v7 =	vmin.f32 v17, v11;
	v11 =	vsel vm0, v15, v19;
	v17 =	vperm.xlane v14, v0  }
0x73: {  	v61 =	vsel vm2, $0x3F800000, v3;
	v15 =	vsub.f32 v7, v20;
	vm2 =	vle.f32 v11, v16  }
0x74: {  	v7 =	vmin.f32 v16, v11;
	v16 =	vperm.xlane v31, v0;
	v11 =	vsel vm0, v19, v17  }
0x75: {  	v19 =	vld [tilespmem:s31+$0x40];
	v62 =	vsel vm2, $0x3F800000, v3;
	v13 =	vsub.f32 v7, v21;
	vm2 =	vle.f32 v11, v14  }
0x76: {  	v20 =	vld [tilespmem:s31+$0x50];
	v7 =	vmin.f32 v14, v11;
	v11 =	vsel vm0, v17, v16;
	v17 =	vperm.xlane v18, v0  }
0x77: {  	v63 =	vsel vm2, $0x3F800000, v3;
	v14 =	vsub.f32 v7, v23;
	vm2 =	vle.f32 v11, v31  }
0x78: {  	v7 =	vmin.f32 v31, v11;
	v11 =	vsel vm0, v16, v17;
	v16 =	vperm.xlane v44, v0  }
0x79: {  	v21 =	vld [tilespmem:s31+$0x60];
	[tilespmem:s31+$0x8020] =	vst v62;
	v62 =	vsel vm3, $0x3F800000, v3;
	v40 =	vsel vm2, $0x3F800000, v3;
	vm2 =	vle.f32 v11, v18  }
0x7a: {  	v23 =	vld [tilespmem:s31+$0x70];
	v19 =	vsub.f32 v7, v19;
	v7 =	vmin.f32 v18, v11;
	v11 =	vsel vm0, v17, v16  }
0x7b: {  	v17 =	vperm.xlane v24, v0;
	v41 =	vsel vm2, $0x3F800000, v3;
	v18 =	vsub.f32 v7, v20  }
0x7c: {  	v42 =	vld [tilespmem:s31+$0x400];
	vm2 =	vle.f32 v11, v44;
	v7 =	vmin.f32 v44, v11;
	v44 =	vperm.xlane v59, v0  }
0x7d: {  	v11 =	vsel vm0, v16, v17;
	v16 =	vperm.xlane v46, v0;
	v36 =	vsel vm2, $0x3F800000, v3  }
0x7e: {  	[tilespmem:s31+$0x8000] =	vst v22;
	v20 =	vsub.f32 v7, v21;
	vm2 =	vle.f32 v11, v24;
	v7 =	vmin.f32 v24, v11  }
0x7f: {  	v43 =	vld [tilespmem:s31+$0x410];
	[tilespmem:s31+$0x8010] =	vst v61;
	v11 =	vsel vm0, v17, v16;
	v17 =	vperm.xlane v58, v0;
	v21 =	vsub.f32 v7, v23  }
0x80: {  	v47 =	vld [tilespmem:s31+$0x430];
	[tilespmem:s31+$0x8450] =	vst v62;
	v7 =	vsel vm2, $0x3F800000, v3;
	vm2 =	vle.f32 v11, v46;
	v11 =	vmin.f32 v46, v11  }
0x81: {  	v45 =	vld [tilespmem:s31+$0x420];
	[tilespmem:s31+$0x8030] =	vst v63;
	v46 =	vperm.xlane v26, v0;
	v16 =	vsel vm0, v16, v17;
	v23 =	vsub.f32 v11, v42  }
0x82: {  	[tilespmem:s31+$0x8040] =	vst v40;
	v11 =	vsel vm2, $0x3F800000, v3;
	v17 =	vsel vm0, v17, v44;
	vm2 =	vle.f32 v16, v58  }
0x83: {  	[tilespmem:s31+$0x8050] =	vst v41;
	v16 =	vmin.f32 v58, v16;
	v48 =	vsel vm0, v44, v46;
	v52 =	vsel vm0, v46, v49  }
0x84: {  	v50 =	vld [tilespmem:s31+$0x440];
	[tilespmem:s31+$0x8070] =	vst v7;
	v22 =	vsub.f32 v16, v43;
	v16 =	vsel vm2, $0x3F800000, v3;
	v7 =	vmin.f32 v26, v48  }
0x85: {  	[tilespmem:s31+$0x8400] =	vst v11;
	vm2 =	vle.f32 v17, v59;
	v17 =	vmin.f32 v59, v17;
	v11 =	vsub.f32 v7, v47;
	v7 =	vld [tilespmem:s31+$0x450]  }
0x86: {  	s16 =	sadd.s32 $0x3, s16;
	v57 =	vld [tilespmem:s31+$0x460];
	[tilespmem:s31+$0x8060] =	vst v36;
	v58 =	vperm.xlane v10, v0;
	v17 =	vsub.f32 v17, v45;
	v51 =	vsel vm2, $0x3F800000, v3  }
0x87: {  	p0 =	slt.u32 s16, $0x3D;
	v59 =	vld [tilespmem:s31+$0x470];
	vm2 =	vle.f32 v48, v26;
	[tilespmem:s31+$0x8410] =	vst v16;
	v16 =	vmin.f32 v60, v52;
	v26 =	vsel vm0, v53, v56  }
.Ltmp1:
0x88: {  	v61 =	vsel vm0, v56, v58;
	v54 =	vsel vm2, $0x3F800000, v3;
	vm2 =	vle.f32 v52, v60;
	[tilespmem:s31+$0x8420] =	vst v51;
	(pc) =	sbr.rel @p0 .LBB2_3-.Ltmp1, $4  }
0x89: {  	v16 =	vsub.f32 v16, v50;
	[tilespmem:s31+$0x8430] =	vst v54;
	v60 =	vsel vm2, $0x3F800000, v3;
	vm2 =	vle.f32 v26, v9  }
0x8a: {  	[tilespmem:s31+$0x8440] =	vst v60;
	v8 =	vsub.f32 v8, v7;
	v7 =	vsel vm2, $0x3F800000, v3;
	vm2 =	vle.f32 v61, v10  }
0x8b: {  	v10 =	vmin.f32 v10, v61;
	[tilespmem:s31+$0x8460] =	vst v7;
	v7 =	vmin.f32 v9, v26;
	v63 =	vsel vm2, $0x3F800000, v3  }
0x8c: {  	s17 =	sadd.s32 $0x180, s17;
	s18 =	sadd.s32 $0x300, s18;
	v10 =	vsub.f32 v10, v59;
	v9 =	vsub.f32 v7, v57;
	[tilespmem:s31+$0x8470] =	vst v63  }
0x8d: {  	[spmem:s4] =	stream.linear.scatter [tilespmem:s12], [sflag:$0x3], $0x4000, $0x38;
	[tilespmem:$0x1E400] =	vst v63  }
0x8e: {  	_ =	swait.ge [sflag:s13], $0x4000  }
0x8f: {  	[sflag:s13] =	ssyncset.done $0x0  }
0x90: {  	s16 =	simm.s32 $0x1;
	[sflag:s13] =	ssyncadd.s32 $0xFFFFC000  }
.LBB2_5:
0x91: {  	v24 =	vperm.xlane v14, v0  }
0x92: {  	v25 =	vperm.xlane v19, v0;
	v26 =	vperm.xlane v18, v0  }
0x93: {  	v27 =	vperm.xlane v20, v0;
	v29 =	vperm.xlane v21, v0  }
0x94: {  	v30 =	vperm.xlane v23, v0;
	v31 =	vperm.xlane v12, v0  }
0x95: {  	v32 =	vperm.xlane v15, v0;
	v34 =	vperm.xlane v22, v0  }
0x96: {  	v35 =	vperm.xlane v13, v0;
	v37 =	vperm.xlane v17, v0  }
0x97: {  	s17 =	sand.u32 $0x1, s16;
	v39 =	vperm.xlane v11, v0;
	v40 =	vperm.xlane v16, v0  }
0x98: {  	vm2 =	veq.s32 v2, $0x0;
	v55 =	vperm.xlane v9, v0;
	v56 =	vperm.xlane v10, v0;
	s19 =	sshll.u32 s17, $0xE  }
0x99: {  	v7 =	vmov s19;
	v28 =	vsel vm0, v24, v25;
	v25 =	vsel vm0, v25, v26  }
0x9a: {  	v26 =	vsel vm0, v26, v27;
	v27 =	vsel vm0, v27, v29;
	v29 =	vsel vm0, v29, v30  }
0x9b: {  	p0 =	seq.s32 s16, $0xF;
	s18 =	sadd.s32 $0x1, s17;
	v33 =	vsel vm2, $0x7F800000, v31;
	v31 =	vsel vm0, v31, v32;
	v30 =	vsel vm0, v30, v34  }
0x9c: {  	s28 =	simm.s32 $0x0;
	s20 =	sshll.u32 @!p0 s16, $0xE;
	_ =	swait.ge [sflag:s18], $0x4000;
	v32 =	vsel vm0, v32, v35;
	v34 =	vsel vm0, v34, v37;
	v24 =	vsel vm0, v35, v24  }
0x9d: {  	s17 =	sxor.u32 @!p0 $0x1, s17;
	s20 =	sadd.s32 @!p0 s20, s5;
	v41 =	vsel vm0, v39, v40;
	v63 =	vsel vm0, v37, v39;
	[sflag:s18] =	ssyncset.done $0x0;
	vm8 =	vle.f32 v28, v19  }
0x9e: {  	s19 =	sshrl.u32 @!p0 s20, $0x3;
	s20 =	simm.s32 @!p0 $0x0;
	vm9 =	vle.f32 v25, v18;
	vm7 =	vle.f32 v26, v20;
	vm4 =	vle.f32 v27, v21;
	[sflag:s18] =	ssyncadd.s32 $0xFFFFC000  }
0x9f: {  	vm6 =	vle.f32 v29, v23;
	vm3 =	vle.f32 v33, v12;
	vm5 =	vle.f32 v30, v22;
	s18 =	sshll.u32 @!p0 s17, $0xE;
	s17 =	sadd.s32 @!p0 $0x1, s17;
	s19 =	sadd.s32 @!p0 s3, s19  }
0xa0: {  	vm10 =	vle.f32 v34, v17;
	vm11 =	vle.f32 v24, v14;
	v17 =	vmin.f32 v17, v34;
	[tilespmem:s18], [sflag:s17] =	stream.linear.gather @!p0 [hbm4b:s19+s20], $0x4000, $0x38;
	[tilespmem:$0x1E400] =	vst v63  }
0xa1: {  	s29 =	sand.u32 $0x3800, s28;
	v23 =	vmin.f32 v23, v29;
	v22 =	vmin.f32 v22, v30;
	v20 =	vmin.f32 v20, v26;
	s17 =	sand.u32 $0x200, s28  }
0xa2: {  	v21 =	vmin.f32 v21, v27;
	v36 =	vsel vm3, $0x3F800000, v3;
	vm3 =	vle.f32 v31, v15;
	s17 =	sor.u32 s17, s29  }
0xa3: {  	v12 =	vmin.f32 v12, v33;
	v19 =	vmin.f32 v19, v28;
	v60 =	vsel vm3, $0x3F800000, v3;
	[tilespmem:s17+$0x8000] =	vst v36  }
0xa4: {  	v18 =	vmin.f32 v18, v25;
	vm3 =	vle.f32 v32, v13;
	v38 =	vld.idx.msk [tilespmem:v7+s17+$0x0 ss:$0x1], $0xffff;
	[tilespmem:s17+$0x8010] =	vst v60  }
0xa5: {  	v29 =	vmin.f32 v11, v63;
	v14 =	vmin.f32 v14, v24;
	v62 =	vsel vm3, $0x3F800000, v3;
	v61 =	vld.idx.msk [tilespmem:v7+s17+$0x10 ss:$0x1], $0xffff  }
0xa6: {  	v33 =	vsel vm0, v55, v56;
	v43 =	vsel vm11, $0x3F800000, v3;
	v27 =	vsel vm8, $0x3F800000, v3;
	[tilespmem:s17+$0x8020] =	vst v62  }
0xa7: {  	v15 =	vmin.f32 v15, v31;
	v28 =	vsel vm10, $0x3F800000, v3;
	v44 =	vsel vm6, $0x3F800000, v3;
	v42 =	vld.idx.msk [tilespmem:v7+s17+$0x20 ss:$0x1], $0xffff;
	[tilespmem:s17+$0x8030] =	vst v43  }
0xa8: {  	v48 =	vsel vm5, $0x3F800000, v3;
	v13 =	vmin.f32 v13, v32;
	v26 =	vld.idx.msk [tilespmem:v7+s17+$0x30 ss:$0x1], $0xffff;
	[tilespmem:s17+$0x8040] =	vst v27;
	v27 =	vsel vm9, $0x3F800000, v3  }
0xa9: {  	vm3 =	vle.f32 v41, v16;
	v16 =	vmin.f32 v16, v41;
	v25 =	vld.idx.msk [tilespmem:v7+s17+$0x40 ss:$0x1], $0xffff;
	[tilespmem:s17+$0x8050] =	vst v27;
	v27 =	vsel vm7, $0x3F800000, v3  }
0xaa: {  	v12 =	vsub.f32 v12, v38;
	v30 =	vld.idx.msk [tilespmem:v7+s17+$0x50 ss:$0x1], $0xffff;
	[tilespmem:s17+$0x8060] =	vst v27;
	v27 =	vsel vm4, $0x3F800000, v3;
	v15 =	vsub.f32 v15, v61  }
0xab: {  	v54 =	vsel vm3, $0x3F800000, v3;
	vm7 =	vle.f32 v63, v11;
	v31 =	vld.idx.msk [tilespmem:v7+s17+$0x60 ss:$0x1], $0xffff;
	[tilespmem:s17+$0x8070] =	vst v27;
	v27 =	vperm.xlane v8, v0  }
0xac: {  	p0 =	por $0x0, $0x0;
	s18 =	simm.s32 $0x1;
	v11 =	vperm.xlane v12, v0;
	v13 =	vsub.f32 v13, v42;
	v24 =	vperm.xlane v15, v0  }
0xad: {  	s18 =	simm.s32 @!p0 $0x0;
	v14 =	vsub.f32 v14, v26;
	v50 =	vsel vm0, v40, v27;
	v27 =	vsel vm0, v27, v55  }
0xae: {  	s18 =	sshll.u32 s18, $0x9;
	v26 =	vsel vm2, $0x7F800000, v11;
	v46 =	vperm.xlane v13, v0;
	v19 =	vsub.f32 v19, v25  }
0xaf: {  	s18 =	sadd.s32 $0x0, s18;
	v45 =	vld.idx.msk [tilespmem:v7+s17+$0x70 ss:$0x1], $0xffff;
	vm8 =	vle.f32 v50, v8;
	v8 =	vmin.f32 v8, v50;
	v11 =	vsel vm0, v11, v24  }
0xb0: {  	s30 =	sor.u32 $0x400, s18;
	vm6 =	vle.f32 v26, v12;
	v47 =	vperm.xlane v14, v0;
	v18 =	vsub.f32 v18, v30  }
0xb1: {  	s31 =	sor.u32 $0x410, s18;
	[tilespmem:s30+$0x8000] =	vst v44;
	v12 =	vmin.f32 v12, v26;
	vm4 =	vle.f32 v11, v15;
	v24 =	vsel vm0, v24, v46  }
0xb2: {  	v49 =	vld.idx.msk [tilespmem:v7+s30+$0x0 ss:$0x1], $0xffff;
	[tilespmem:s31+$0x8000] =	vst v48;
	v51 =	vperm.xlane v19, v0;
	v20 =	vsub.f32 v20, v31;
	v31 =	vsel vm7, $0x3F800000, v3  }
0xb3: {  	s20 =	sor.u32 $0x420, s18;
	v30 =	vld.idx.msk [tilespmem:v7+s31+$0x0 ss:$0x1], $0xffff;
	v11 =	vmin.f32 v15, v11;
	v25 =	vsel vm4, $0x3F800000, v3;
	v34 =	vsel vm0, v46, v47  }
0xb4: {  	s21 =	sor.u32 $0x430, s18;
	[tilespmem:s20+$0x8000] =	vst v28;
	vm5 =	vle.f32 v24, v13;
	v28 =	vperm.xlane v18, v0;
	v21 =	vsub.f32 v21, v45  }
0xb5: {  	v52 =	vld.idx.msk [tilespmem:v7+s20+$0x0 ss:$0x1], $0xffff;
	[tilespmem:s21+$0x8000] =	vst v31;
	v46 =	vsel vm6, $0x3F800000, v3;
	v13 =	vmin.f32 v13, v24;
	vm4 =	vle.f32 v34, v14  }
0xb6: {  	s22 =	sor.u32 $0x440, s18;
	v14 =	vmin.f32 v14, v34;
	v15 =	vsel vm0, v47, v51;
	v53 =	vld.idx.msk [tilespmem:v7+s21+$0x0 ss:$0x1], $0xffff;
	v58 =	vperm.xlane v20, v0  }
0xb7: {  	[tilespmem:s22+$0x8000] =	vst v54;
	v23 =	vsub.f32 v23, v49;
	v31 =	vsel vm0, v51, v28;
	vm7 =	vle.f32 v15, v19  }
0xb8: {  	s23 =	sor.u32 $0x450, s18;
	v15 =	vmin.f32 v19, v15;
	v19 =	vsel vm8, $0x3F800000, v3;
	v57 =	vld.idx.msk [tilespmem:v7+s22+$0x0 ss:$0x1], $0xffff;
	vm8 =	vle.f32 v27, v9  }
0xb9: {  	v9 =	vmin.f32 v9, v27;
	vm3 =	vle.f32 v31, v18;
	[tilespmem:s23+$0x8000] =	vst v19;
	v19 =	vperm.xlane v21, v0  }
0xba: {  	v60 =	vsel vm8, $0x3F800000, v3;
	v61 =	vperm.xlane v23, v0;
	v22 =	vsub.f32 v22, v30  }
0xbb: {  	vm8 =	vle.f32 v33, v10;
	v28 =	vsel vm0, v28, v58;
	v10 =	vmin.f32 v10, v33  }
0xbc: {  	s24 =	sor.u32 $0x460, s18;
	v18 =	vmin.f32 v18, v31;
	v62 =	vsel vm8, $0x3F800000, v3;
	vm11 =	vle.f32 v28, v20  }
0xbd: {  	v59 =	vld.idx.msk [tilespmem:v7+s23+$0x0 ss:$0x1], $0xffff;
	[tilespmem:s24+$0x8000] =	vst v60;
	v17 =	vsub.f32 v17, v52;
	v48 =	vsel vm3, $0x3F800000, v3;
	v20 =	vmin.f32 v20, v28  }
0xbe: {  	s25 =	sor.u32 $0x470, s18;
	v30 =	vsel vm0, v58, v19;
	v36 =	vld.idx.msk [tilespmem:v7+s24+$0x0 ss:$0x1], $0xffff;
	v19 =	vsel vm0, v19, v61;
	v63 =	vperm.xlane v22, v0  }
0xbf: {  	[tilespmem:s25+$0x8000] =	vst v62;
	vm9 =	vle.f32 v30, v21;
	v45 =	vmin.f32 v23, v19;
	v29 =	vsub.f32 v29, v53  }
0xc0: {  	v42 =	vld.idx.msk [tilespmem:v7+s25+$0x0 ss:$0x1], $0xffff;
	vm8 =	vle.f32 v19, v23;
	v21 =	vmin.f32 v21, v30;
	v19 =	vsel vm0, v61, v63  }
0xc1: {  	[tilespmem:s17+$0x8080] =	vst v46;
	v27 =	vperm.xlane v17, v0;
	v16 =	vsub.f32 v16, v57;
	vm6 =	vle.f32 v19, v22  }
0xc2: {  	v23 =	vld.idx.msk [tilespmem:v7+s17+$0x80 ss:$0x1], $0xffff;
	[tilespmem:s17+$0x8090] =	vst v25;
	v19 =	vmin.f32 v22, v19;
	v22 =	vsel vm5, $0x3F800000, v3;
	v26 =	vperm.xlane v29, v0  }
0xc3: {  	v51 =	vsel vm8, $0x3F800000, v3;
	v25 =	vld.idx.msk [tilespmem:v7+s17+$0x90 ss:$0x1], $0xffff;
	[tilespmem:s17+$0x80A0] =	vst v22;
	v22 =	vsel vm4, $0x3F800000, v3;
	v31 =	vsub.f32 v8, v59  }
0xc4: {  	v8 =	vsel vm7, $0x3F800000, v3;
	v9 =	vsub.f32 v9, v36;
	v24 =	vld.idx.msk [tilespmem:v7+s17+$0xA0 ss:$0x1], $0xffff;
	v30 =	vsel vm0, v27, v26;
	[tilespmem:s17+$0x80B0] =	vst v22  }
0xc5: {  	v27 =	vsel vm0, v63, v27;
	vm10 =	vle.f32 v30, v29;
	v22 =	vmin.f32 v29, v30;
	v29 =	vld.idx.msk [tilespmem:v7+s17+$0xB0 ss:$0x1], $0xffff  }
0xc6: {  	v10 =	vsub.f32 v10, v42;
	[tilespmem:s17+$0x80C0] =	vst v8;
	v8 =	vperm.xlane v16, v0;
	v47 =	vperm.xlane v31, v0  }
0xc7: {  	vm3 =	vle.f32 v27, v17;
	v17 =	vmin.f32 v17, v27;
	v27 =	vsel vm11, $0x3F800000, v3  }
0xc8: {  	v30 =	vperm.xlane v9, v0;
	v12 =	vsub.f32 v12, v23;
	v55 =	vsel vm3, $0x3F800000, v3  }
0xc9: {  	v49 =	vld.idx.msk [tilespmem:v7+s17+$0xC0 ss:$0x1], $0xffff;
	[tilespmem:s17+$0x80D0] =	vst v48;
	v57 =	vsel vm10, $0x3F800000, v3;
	v23 =	vsel vm0, v26, v8;
	v26 =	vperm.xlane v10, v0  }
0xca: {  	v33 =	vld.idx.msk [tilespmem:v7+s17+$0xD0 ss:$0x1], $0xffff;
	v11 =	vsub.f32 v11, v25;
	v25 =	vsel vm0, v8, v47;
	v8 =	vperm.xlane v12, v0  }
0xcb: {  	[tilespmem:s17+$0x80E0] =	vst v27;
	v27 =	vsel vm0, v47, v30;
	vm8 =	vle.f32 v25, v31;
	vm3 =	vle.f32 v23, v16  }
0xcc: {  	v16 =	vmin.f32 v16, v23;
	v25 =	vmin.f32 v31, v25;
	v26 =	vsel vm0, v30, v26  }
0xcd: {  	v30 =	vsel vm9, $0x3F800000, v3;
	v13 =	vsub.f32 v13, v24;
	vm12 =	vle.f32 v27, v9  }
0xce: {  	v59 =	vsel vm3, $0x3F800000, v3;
	v62 =	vsel vm8, $0x3F800000, v3;
	v9 =	vmin.f32 v9, v27  }
0xcf: {  	v50 =	vld.idx.msk [tilespmem:v7+s17+$0xE0 ss:$0x1], $0xffff;
	vm4 =	vle.f32 v26, v10;
	v24 =	vsel vm2, $0x7F800000, v8;
	[tilespmem:s17+$0x80F0] =	vst v30;
	v30 =	vperm.xlane v11, v0  }
0xd0: {  	s26 =	sadd.s32 $0x80, s18;
	v14 =	vsub.f32 v14, v29;
	v41 =	vsel vm12, $0x3F800000, v3;
	v10 =	vmin.f32 v10, v26  }
0xd1: {  	s28 =	sor.u32 $0x400, s26;
	vm5 =	vle.f32 v24, v12;
	v53 =	vperm.xlane v13, v0;
	v15 =	vsub.f32 v15, v49  }
0xd2: {  	v52 =	vld.idx.msk [tilespmem:v7+s17+$0xF0 ss:$0x1], $0xffff;
	[tilespmem:s28+$0x8000] =	vst v51;
	v12 =	vmin.f32 v12, v24;
	v43 =	vsel vm4, $0x3F800000, v3;
	v29 =	vsel vm0, v8, v30  }
0xd3: {  	s21 =	sor.u32 $0x410, s26;
	v8 =	vsel vm6, $0x3F800000, v3;
	v54 =	vld.idx.msk [tilespmem:v7+s28+$0x0 ss:$0x1], $0xffff;
	v28 =	vperm.xlane v14, v0;
	vm9 =	vle.f32 v29, v11  }
0xd4: {  	s29 =	sor.u32 $0x420, s26;
	[tilespmem:s21+$0x8000] =	vst v8;
	v30 =	vsel vm0, v30, v53;
	v8 =	vsub.f32 v18, v33;
	v24 =	vperm.xlane v15, v0  }
0xd5: {  	v26 =	vsel vm5, $0x3F800000, v3;
	v20 =	vsub.f32 v20, v50;
	v11 =	vmin.f32 v11, v29;
	v56 =	vld.idx.msk [tilespmem:v7+s21+$0x0 ss:$0x1], $0xffff;
	[tilespmem:s29+$0x8000] =	vst v55  }
0xd6: {  	s30 =	sor.u32 $0x430, s26;
	vm7 =	vle.f32 v30, v13;
	v18 =	vsel vm0, v53, v28;
	v13 =	vmin.f32 v13, v30;
	v34 =	vld.idx.msk [tilespmem:v7+s29+$0x0 ss:$0x1], $0xffff  }
0xd7: {  	v58 =	vperm.xlane v8, v0;
	[tilespmem:s30+$0x8000] =	vst v57;
	vm10 =	vle.f32 v18, v14;
	v28 =	vsel vm0, v28, v24  }
0xd8: {  	s31 =	sor.u32 $0x440, s26;
	v61 =	vperm.xlane v20, v0;
	v14 =	vmin.f32 v14, v18;
	v60 =	vld.idx.msk [tilespmem:v7+s30+$0x0 ss:$0x1], $0xffff;
	v21 =	vsub.f32 v21, v52  }
0xd9: {  	s22 =	sor.u32 $0x450, s26;
	vm11 =	vle.f32 v28, v15;
	[tilespmem:s31+$0x8000] =	vst v59;
	v15 =	vmin.f32 v15, v28;
	v24 =	vsel vm0, v24, v58  }
0xda: {  	v29 =	vsel vm7, $0x3F800000, v3;
	v63 =	vld.idx.msk [tilespmem:v7+s31+$0x0 ss:$0x1], $0xffff;
	v37 =	vsub.f32 v45, v54;
	[tilespmem:s22+$0x8000] =	vst v62;
	v31 =	vsel vm0, v58, v61  }
0xdb: {  	s23 =	sor.u32 $0x460, s26;
	vm3 =	vle.f32 v24, v8;
	v23 =	vperm.xlane v21, v0;
	v36 =	vld.idx.msk [tilespmem:v7+s22+$0x0 ss:$0x1], $0xffff;
	vm13 =	vle.f32 v31, v20  }
0xdc: {  	s19 =	sor.u32 $0x470, s26;
	[tilespmem:s23+$0x8000] =	vst v41;
	v20 =	vmin.f32 v20, v31;
	v8 =	vmin.f32 v8, v24;
	v19 =	vsub.f32 v19, v56  }
0xdd: {  	v28 =	vsel vm11, $0x3F800000, v3;
	v42 =	vperm.xlane v37, v0;
	v44 =	vld.idx.msk [tilespmem:v7+s23+$0x0 ss:$0x1], $0xffff;
	[tilespmem:s19+$0x8000] =	vst v43;
	v33 =	vsel vm0, v61, v23  }
0xde: {  	v17 =	vsub.f32 v17, v34;
	v45 =	vld.idx.msk [tilespmem:v7+s19+$0x0 ss:$0x1], $0xffff;
	[tilespmem:s17+$0x8100] =	vst v26;
	v26 =	vsel vm9, $0x3F800000, v3;
	vm6 =	vle.f32 v33, v21  }
0xdf: {  	v27 =	vperm.xlane v19, v0;
	v23 =	vsel vm0, v23, v42;
	v22 =	vsub.f32 v22, v60;
	v47 =	vld.idx.msk [tilespmem:v7+s17+$0x100 ss:$0x1], $0xffff  }
0xe0: {  	[tilespmem:s17+$0x8110] =	vst v26;
	v21 =	vmin.f32 v21, v33;
	vm12 =	vle.f32 v23, v37;
	v46 =	vperm.xlane v17, v0  }
0xe1: {  	v16 =	vsub.f32 v16, v63;
	v48 =	vld.idx.msk [tilespmem:v7+s17+$0x110 ss:$0x1], $0xffff;
	[tilespmem:s17+$0x8120] =	vst v29;
	v29 =	vsel vm10, $0x3F800000, v3;
	v23 =	vmin.f32 v37, v23  }
0xe2: {  	v32 =	vsel vm0, v42, v27;
	v26 =	vperm.xlane v22, v0;
	v25 =	vsub.f32 v25, v36;
	v49 =	vld.idx.msk [tilespmem:v7+s17+$0x120 ss:$0x1], $0xffff  }
0xe3: {  	[tilespmem:s17+$0x8130] =	vst v29;
	vm8 =	vle.f32 v32, v19;
	v27 =	vsel vm0, v27, v46;
	v30 =	vperm.xlane v16, v0  }
0xe4: {  	v9 =	vsub.f32 v9, v44;
	v29 =	vld.idx.msk [tilespmem:v7+s17+$0x130 ss:$0x1], $0xffff;
	[tilespmem:s17+$0x8140] =	vst v28;
	v28 =	vsel vm3, $0x3F800000, v3;
	v19 =	vmin.f32 v19, v32  }
0xe5: {  	vm9 =	vle.f32 v27, v17;
	v18 =	vsel vm0, v46, v26;
	v50 =	vperm.xlane v25, v0  }
0xe6: {  	v10 =	vsub.f32 v10, v45;
	v52 =	vld.idx.msk [tilespmem:v7+s17+$0x140 ss:$0x1], $0xffff;
	[tilespmem:s17+$0x8150] =	vst v28;
	v28 =	vsel vm13, $0x3F800000, v3;
	v17 =	vmin.f32 v17, v27  }
0xe7: {  	vm10 =	vle.f32 v18, v22;
	v26 =	vsel vm0, v26, v30;
	v51 =	vperm.xlane v9, v0  }
0xe8: {  	v12 =	vsub.f32 v12, v47;
	v31 =	vld.idx.msk [tilespmem:v7+s17+$0x150 ss:$0x1], $0xffff;
	[tilespmem:s17+$0x8160] =	vst v28;
	v28 =	vsel vm6, $0x3F800000, v3;
	v18 =	vmin.f32 v22, v18  }
0xe9: {  	v22 =	vsel vm12, $0x3F800000, v3;
	v30 =	vsel vm0, v30, v50;
	vm11 =	vle.f32 v26, v16  }
0xea: {  	s24 =	sadd.s32 $0x100, s18;
	v54 =	vperm.xlane v10, v0;
	v11 =	vsub.f32 v11, v48;
	v16 =	vmin.f32 v16, v26  }
0xeb: {  	s25 =	sor.u32 $0x400, s24;
	v56 =	vld.idx.msk [tilespmem:v7+s17+$0x160 ss:$0x1], $0xffff;
	[tilespmem:s17+$0x8170] =	vst v28;
	v61 =	vsel vm10, $0x3F800000, v3;
	vm7 =	vle.f32 v30, v25;
	v53 =	vsel vm0, v50, v51  }
0xec: {  	v55 =	vperm.xlane v12, v0;
	v13 =	vsub.f32 v13, v49;
	v28 =	vld.idx.msk [tilespmem:v7+s17+$0x170 ss:$0x1], $0xffff;
	[tilespmem:s25+$0x8000] =	vst v22;
	v22 =	vsel vm8, $0x3F800000, v3  }
0xed: {  	v44 =	vsel vm11, $0x3F800000, v3;
	v25 =	vmin.f32 v25, v30;
	vm5 =	vle.f32 v53, v9  }
0xee: {  	s26 =	sor.u32 $0x410, s24;
	v34 =	vsel vm0, v51, v54;
	v40 =	vperm.xlane v11, v0;
	v14 =	vsub.f32 v14, v29  }
0xef: {  	v26 =	vld.idx.msk [tilespmem:v7+s25+$0x0 ss:$0x1], $0xffff;
	[tilespmem:s26+$0x8000] =	vst v22;
	v22 =	vsel vm9, $0x3F800000, v3;
	v45 =	vsel vm7, $0x3F800000, v3;
	v9 =	vmin.f32 v9, v53  }
0xf0: {  	vm3 =	vle.f32 v34, v10;
	v57 =	vsel vm2, $0x7F800000, v55;
	v58 =	vperm.xlane v13, v0  }
0xf1: {  	v15 =	vsub.f32 v15, v52;
	v47 =	vsel vm5, $0x3F800000, v3;
	v10 =	vmin.f32 v10, v34  }
0xf2: {  	vm4 =	vle.f32 v57, v12;
	v29 =	vsel vm0, v55, v40;
	v59 =	vperm.xlane v14, v0  }
0xf3: {  	s28 =	sor.u32 $0x420, s24;
	v24 =	vld.idx.msk [tilespmem:v7+s26+$0x0 ss:$0x1], $0xffff;
	v8 =	vsub.f32 v8, v31;
	v49 =	vsel vm3, $0x3F800000, v3;
	v12 =	vmin.f32 v12, v57  }
0xf4: {  	[tilespmem:s28+$0x8000] =	vst v22;
	vm6 =	vle.f32 v29, v11;
	v39 =	vsel vm0, v40, v58;
	v60 =	vperm.xlane v15, v0  }
0xf5: {  	s29 =	sor.u32 $0x430, s24;
	v22 =	vld.idx.msk [tilespmem:v7+s28+$0x0 ss:$0x1], $0xffff;
	v20 =	vsub.f32 v20, v56;
	v51 =	vsel vm4, $0x3F800000, v3;
	v11 =	vmin.f32 v11, v29  }
0xf6: {  	[tilespmem:s29+$0x8000] =	vst v61;
	vm8 =	vle.f32 v39, v13;
	v31 =	vsel vm0, v58, v59;
	v63 =	vperm.xlane v8, v0  }
0xf7: {  	s30 =	sor.u32 $0x440, s24;
	v27 =	vld.idx.msk [tilespmem:v7+s29+$0x0 ss:$0x1], $0xffff;
	v21 =	vsub.f32 v21, v28;
	v53 =	vsel vm6, $0x3F800000, v3;
	v13 =	vmin.f32 v13, v39  }
0xf8: {  	[tilespmem:s30+$0x8000] =	vst v44;
	vm9 =	vle.f32 v31, v14;
	v62 =	vsel vm0, v59, v60;
	v30 =	vperm.xlane v20, v0  }
0xf9: {  	s31 =	sor.u32 $0x450, s24;
	v33 =	vld.idx.msk [tilespmem:v7+s30+$0x0 ss:$0x1], $0xffff;
	v23 =	vsub.f32 v23, v26;
	v54 =	vsel vm8, $0x3F800000, v3;
	v14 =	vmin.f32 v14, v31  }
0xfa: {  	[tilespmem:s31+$0x8000] =	vst v45;
	vm10 =	vle.f32 v62, v15;
	v28 =	vsel vm0, v60, v63;
	v26 =	vperm.xlane v21, v0  }
0xfb: {  	s21 =	sor.u32 $0x460, s24;
	v48 =	vld.idx.msk [tilespmem:v7+s31+$0x0 ss:$0x1], $0xffff;
	v19 =	vsub.f32 v19, v24;
	v57 =	vsel vm9, $0x3F800000, v3;
	vm7 =	vle.f32 v28, v8  }
0xfc: {  	[tilespmem:s21+$0x8000] =	vst v47;
	v46 =	vsel vm0, v63, v30;
	v17 =	vsub.f32 v17, v22;
	v8 =	vmin.f32 v8, v28  }
0xfd: {  	s19 =	sor.u32 $0x470, s24;
	v50 =	vld.idx.msk [tilespmem:v7+s21+$0x0 ss:$0x1], $0xffff;
	vm11 =	vle.f32 v46, v20;
	v24 =	vsel vm0, v30, v26;
	v30 =	vperm.xlane v23, v0  }
0xfe: {  	[tilespmem:s19+$0x8000] =	vst v49;
	v20 =	vmin.f32 v20, v46;
	v22 =	vperm.xlane v19, v0;
	v18 =	vsub.f32 v18, v27  }
0xff: {  	v52 =	vld.idx.msk [tilespmem:v7+s19+$0x0 ss:$0x1], $0xffff;
	vm5 =	vle.f32 v24, v21;
	v16 =	vsub.f32 v16, v33;
	v61 =	vsel vm11, $0x3F800000, v3  }
0x100: {  	v21 =	vmin.f32 v21, v24;
	v26 =	vsel vm0, v26, v30;
	v27 =	vsel vm0, v30, v22  }
0x101: {  	[tilespmem:s17+$0x8180] =	vst v51;
	v30 =	vperm.xlane v17, v0;
	v25 =	vsub.f32 v25, v48;
	vm12 =	vle.f32 v26, v23  }
0x102: {  	v35 =	vld.idx.msk [tilespmem:v7+s17+$0x180 ss:$0x1], $0xffff;
	vm3 =	vle.f32 v27, v19;
	v26 =	vmin.f32 v23, v26;
	v23 =	vperm.xlane v18, v0  }
0x103: {  	[tilespmem:s17+$0x8190] =	vst v53;
	v56 =	vperm.xlane v16, v0;
	v40 =	vsub.f32 v9, v50;
	v22 =	vsel vm0, v22, v30  }
0x104: {  	v55 =	vld.idx.msk [tilespmem:v7+s17+$0x190 ss:$0x1], $0xffff;
	v19 =	vmin.f32 v19, v27;
	v34 =	vsub.f32 v10, v52;
	vm13 =	vle.f32 v22, v17  }
0x105: {  	[tilespmem:s17+$0x81A0] =	vst v54;
	v30 =	vsel vm0, v30, v23;
	v59 =	vmin.f32 v17, v22;
	v17 =	vperm.xlane v25, v0  }
0x106: {  	v58 =	vld.idx.msk [tilespmem:v7+s17+$0x1A0 ss:$0x1], $0xffff;
	v9 =	vsel vm0, v23, v56;
	v23 =	vsel vm10, $0x3F800000, v3;
	v10 =	vperm.xlane v40, v0  }
0x107: {  	[tilespmem:s17+$0x81B0] =	vst v57;
	vm4 =	vle.f32 v30, v18;
	vm6 =	vle.f32 v9, v16;
	v60 =	vmin.f32 v16, v9  }
0x108: {  	v22 =	vld.idx.msk [tilespmem:v7+s17+$0x1B0 ss:$0x1], $0xffff;
	[tilespmem:s17+$0x81C0] =	vst v23;
	v23 =	vsel vm7, $0x3F800000, v3;
	v9 =	vsub.f32 v12, v35;
	v12 =	vperm.xlane v34, v0  }
0x109: {  	v11 =	vsub.f32 v11, v55;
	v29 =	vsel vm0, v56, v17;
	v16 =	vld.idx.msk [tilespmem:v7+s17+$0x1C0 ss:$0x1], $0xffff;
	v17 =	vsel vm0, v17, v10  }
0x10a: {  	v27 =	vmin.f32 v18, v30;
	[tilespmem:s17+$0x81D0] =	vst v23;
	vm7 =	vle.f32 v29, v25;
	vm8 =	vle.f32 v17, v40  }
0x10b: {  	s18 =	sadd.s32 $0x180, s18;
	v23 =	vld.idx.msk [tilespmem:v7+s17+$0x1D0 ss:$0x1], $0xffff;
	v31 =	vsel vm0, v10, v12;
	[tilespmem:s17+$0x81E0] =	vst v61;
	v43 =	vmin.f32 v40, v17;
	v12 =	vsel vm5, $0x3F800000, v3  }
0x10c: {  	s22 =	sor.u32 $0x400, s18;
	v10 =	vsub.f32 v13, v58;
	v13 =	vmin.f32 v15, v62;
	v15 =	vsel vm12, $0x3F800000, v3;
	v17 =	vld.idx.msk [tilespmem:v7+s17+$0x1E0 ss:$0x1], $0xffff;
	[tilespmem:s17+$0x81F0] =	vst v12  }
0x10d: {  	v24 =	vmin.f32 v25, v29;
	v28 =	vld.idx.msk [tilespmem:v7+s17+$0x1F0 ss:$0x1], $0xffff;
	v12 =	vsub.f32 v14, v22;
	[tilespmem:s22+$0x8000] =	vst v15  }
0x10e: {  	s23 =	sor.u32 $0x410, s18;
	vm9 =	vle.f32 v31, v34;
	v15 =	vsel vm3, $0x3F800000, v3;
	v22 =	vld.idx.msk [tilespmem:v7+s22+$0x0 ss:$0x1], $0xffff;
	v13 =	vsub.f32 v13, v16  }
0x10f: {  	v63 =	vsel vm9, $0x3F800000, v3;
	v40 =	vperm.xlane v10, v0;
	[tilespmem:s23+$0x8000] =	vst v15;
	v29 =	vperm.xlane v12, v0  }
0x110: {  	s24 =	sor.u32 $0x420, s18;
	v25 =	vld.idx.msk [tilespmem:v7+s23+$0x0 ss:$0x1], $0xffff;
	v14 =	vsub.f32 v8, v23;
	v8 =	vsel vm13, $0x3F800000, v3;
	v18 =	vperm.xlane v13, v0  }
0x111: {  	v23 =	vmin.f32 v34, v31;
	v15 =	vsub.f32 v20, v17;
	[tilespmem:s24+$0x8000] =	vst v8;
	v8 =	vsel vm4, $0x3F800000, v3  }
0x112: {  	s25 =	sor.u32 $0x430, s18;
	v20 =	vperm.xlane v14, v0;
	v16 =	vsub.f32 v21, v28;
	v17 =	vsel vm0, v29, v18  }
0x113: {  	v30 =	vld.idx.msk [tilespmem:v7+s24+$0x0 ss:$0x1], $0xffff;
	[tilespmem:s25+$0x8000] =	vst v8;
	v21 =	vperm.xlane v15, v0;
	v28 =	vsub.f32 v26, v22;
	v22 =	vsel vm6, $0x3F800000, v3  }
0x114: {  	s26 =	sor.u32 $0x440, s18;
	v62 =	vld.idx.msk [tilespmem:v7+s25+$0x0 ss:$0x1], $0xffff;
	vm3 =	vle.f32 v17, v13;
	v18 =	vsel vm0, v18, v20;
	v8 =	vperm.xlane v16, v0  }
0x115: {  	[tilespmem:s26+$0x8000] =	vst v22;
	v22 =	vsub.f32 v19, v25;
	v19 =	vsel vm7, $0x3F800000, v3;
	vm4 =	vle.f32 v18, v14  }
0x116: {  	s28 =	sor.u32 $0x450, s18;
	v20 =	vsel vm0, v20, v21;
	v26 =	vperm.xlane v28, v0;
	v25 =	vld.idx.msk [tilespmem:v7+s26+$0x0 ss:$0x1], $0xffff;
	v21 =	vsel vm0, v21, v8  }
0x117: {  	[tilespmem:s28+$0x8000] =	vst v19;
	v19 =	vsel vm8, $0x3F800000, v3;
	vm6 =	vle.f32 v20, v15;
	vm5 =	vle.f32 v21, v16  }
0x118: {  	s29 =	sor.u32 $0x460, s18;
	v35 =	vld.idx.msk [tilespmem:v7+s28+$0x0 ss:$0x1], $0xffff;
	v31 =	vsel vm0, v8, v26;
	v8 =	vperm.xlane v22, v0;
	v33 =	vsub.f32 v59, v30  }
0x119: {  	[tilespmem:s29+$0x8000] =	vst v19;
	v30 =	vperm.xlane v9, v0;
	vm8 =	vle.f32 v31, v28;
	v19 =	vsub.f32 v27, v62  }
0x11a: {  	s30 =	sor.u32 $0x470, s18;
	v44 =	vld.idx.msk [tilespmem:v7+s29+$0x0 ss:$0x1], $0xffff;
	v27 =	vperm.xlane v11, v0;
	v26 =	vsel vm0, v26, v8;
	v41 =	vperm.xlane v33, v0  }
0x11b: {  	[tilespmem:s30+$0x8000] =	vst v63;
	v36 =	vsel vm2, $0x7F800000, v30;
	vm7 =	vle.f32 v26, v22;
	v25 =	vsub.f32 v60, v25  }
0x11c: {  	v39 =	vld.idx.msk [tilespmem:v7+s30+$0x0 ss:$0x1], $0xffff;
	v32 =	vsel vm0, v27, v40;
	v38 =	vperm.xlane v19, v0;
	v34 =	vsel vm0, v30, v27  }
0x11d: {  	s18 =	simm.s32 $0x400;
	s19 =	simm.s32 $0x200;
	vm10 =	vle.f32 v36, v9;
	v37 =	vsel vm0, v8, v41;
	vm11 =	vle.f32 v34, v11  }
0x11e: {  	s31 =	sand.u32 $0x3800, s18;
	s22 =	sand.u32 $0x200, s19;
	v42 =	vsel vm10, $0x3F800000, v3;
	vm9 =	vle.f32 v37, v33;
	v30 =	vperm.xlane v25, v0  }
0x11f: {  	s20 =	simm.s32 $0x4;
	s17 =	sor.u32 s22, s31;
	v27 =	vsel vm0, v41, v38;
	v41 =	vsel vm11, $0x3F800000, v3;
	v8 =	vsub.f32 v43, v44  }
.LBB2_6:
0x120: {  	s20 =	sadd.s32 $0x4, s20;
	[tilespmem:s17+$0x8000] =	vst v42;
	v40 =	vsel vm0, v40, v29;
	v38 =	vsel vm0, v38, v30;
	v24 =	vsub.f32 v24, v35;
	p0 =	por !p0, !p0  }
0x121: {  	v23 =	vsub.f32 v23, v39;
	p1 =	slt.u32 s20, $0x3C;
	v35 =	vld.idx.msk [tilespmem:v7+s17+$0x0 ss:$0x1], $0xffff;
	vm10 =	vle.f32 v38, v25  }
0x122: {  	vm11 =	vle.f32 v32, v10;
	[tilespmem:s17+$0x8010] =	vst v41  }
0x123: {  	v29 =	vmin.f32 v33, v37;
	v41 =	vsel vm11, $0x3F800000, v3;
	v39 =	vld.idx.msk [tilespmem:v7+s17+$0x10 ss:$0x1], $0xffff  }
0x124: {  	v28 =	vmin.f32 v28, v31;
	v22 =	vmin.f32 v22, v26;
	vm11 =	vle.f32 v40, v12;
	[tilespmem:s17+$0x8020] =	vst v41  }
0x125: {  	v20 =	vmin.f32 v15, v20;
	v16 =	vmin.f32 v16, v21;
	v31 =	vsel vm11, $0x3F800000, v3;
	v26 =	vld.idx.msk [tilespmem:v7+s17+$0x20 ss:$0x1], $0xffff  }
0x126: {  	v9 =	vmin.f32 v9, v36;
	v17 =	vmin.f32 v13, v17;
	v18 =	vmin.f32 v14, v18;
	[tilespmem:s17+$0x8030] =	vst v31  }
0x127: {  	v14 =	vsel vm3, $0x3F800000, v3;
	v15 =	vmin.f32 v25, v38;
	v13 =	vsub.f32 v9, v35;
	v9 =	vld.idx.msk [tilespmem:v7+s17+$0x30 ss:$0x1], $0xffff  }
0x128: {  	v11 =	vmin.f32 v11, v34;
	v21 =	vsel vm9, $0x3F800000, v3;
	v25 =	vmin.f32 v19, v27;
	[tilespmem:s17+$0x8040] =	vst v14  }
0x129: {  	v10 =	vmin.f32 v10, v32;
	v11 =	vsub.f32 v11, v39;
	v14 =	vsel vm4, $0x3F800000, v3;
	v31 =	vld.idx.msk [tilespmem:v7+s17+$0x40 ss:$0x1], $0xffff  }
0x12a: {  	v32 =	vsel vm6, $0x3F800000, v3;
	vm3 =	vle.f32 v27, v19;
	v12 =	vmin.f32 v12, v40;
	[tilespmem:s17+$0x8050] =	vst v14  }
0x12b: {  	s21 =	simm.s32 $0x1;
	v19 =	vperm.xlane v13, v0;
	v14 =	vsub.f32 v10, v26;
	v26 =	vperm.xlane v11, v0;
	v10 =	vld.idx.msk [tilespmem:v7+s17+$0x50 ss:$0x1], $0xffff  }
0x12c: {  	s21 =	simm.s32 @!p0 $0x0;
	v27 =	vsel vm5, $0x3F800000, v3;
	v33 =	vperm.xlane v24, v0;
	[tilespmem:s17+$0x8060] =	vst v32;
	v32 =	vsel vm8, $0x3F800000, v3  }
0x12d: {  	s21 =	sshll.u32 s21, $0x9;
	v34 =	vsel vm2, $0x7F800000, v19;
	v9 =	vsub.f32 v12, v9;
	v19 =	vsel vm0, v19, v26;
	v12 =	vld.idx.msk [tilespmem:v7+s17+$0x60 ss:$0x1], $0xffff  }
0x12e: {  	s22 =	sadd.s32 s21, s18;
	vm5 =	vle.f32 v34, v13;
	vm4 =	vle.f32 v19, v11;
	[tilespmem:s17+$0x8070] =	vst v27;
	v27 =	vperm.xlane v14, v0  }
0x12f: {  	s24 =	sor.u32 $0x400, s22;
	s23 =	sadd.s32 $0x80, s22;
	s21 =	sadd.s32 $0x180, s22;
	v17 =	vsub.f32 v17, v31;
	v35 =	vsel vm4, $0x3F800000, v3;
	v36 =	vperm.xlane v9, v0;
	v31 =	vld.idx.msk [tilespmem:v7+s17+$0x70 ss:$0x1], $0xffff  }
0x130: {  	v30 =	vsel vm0, v30, v33;
	[tilespmem:s24+$0x8000] =	vst v32;
	v32 =	vsel vm7, $0x3F800000, v3;
	v26 =	vsel vm0, v26, v27  }
0x131: {  	v37 =	vsub.f32 v18, v10;
	v10 =	vsel vm0, v27, v36;
	v18 =	vld.idx.msk [tilespmem:v7+s24+$0x0 ss:$0x1], $0xffff;
	s24 =	sor.u32 $0x410, s22;
	vm7 =	vle.f32 v26, v14  }
0x132: {  	v27 =	vperm.xlane v17, v0;
	vm4 =	vle.f32 v10, v9;
	v10 =	vmin.f32 v9, v10;
	[tilespmem:s24+$0x8000] =	vst v32  }
0x133: {  	vm8 =	vle.f32 v30, v24;
	v9 =	vsub.f32 v20, v12;
	v32 =	vperm.xlane v37, v0;
	v20 =	vld.idx.msk [tilespmem:v7+s24+$0x0 ss:$0x1], $0xffff;
	s24 =	sor.u32 $0x420, s22  }
0x134: {  	v19 =	vmin.f32 v11, v19;
	v12 =	vsel vm3, $0x3F800000, v3;
	v11 =	vsel vm0, v36, v27;
	[tilespmem:s24+$0x8000] =	vst v21  }
0x135: {  	vm6 =	vle.f32 v11, v17;
	v16 =	vsub.f32 v16, v31;
	v27 =	vsel vm0, v27, v32;
	v21 =	vld.idx.msk [tilespmem:v7+s24+$0x0 ss:$0x1], $0xffff;
	s24 =	sor.u32 $0x430, s22  }
0x136: {  	vm3 =	vle.f32 v27, v37;
	[tilespmem:s24+$0x8000] =	vst v12;
	v12 =	vmin.f32 v17, v11;
	v11 =	vperm.xlane v9, v0  }
0x137: {  	v31 =	vperm.xlane v8, v0;
	v17 =	vsub.f32 v28, v18;
	v28 =	vsel vm10, $0x3F800000, v3;
	v18 =	vld.idx.msk [tilespmem:v7+s24+$0x0 ss:$0x1], $0xffff;
	s24 =	sor.u32 $0x440, s22  }
0x138: {  	v36 =	vperm.xlane v23, v0;
	[tilespmem:s24+$0x8000] =	vst v28;
	v28 =	vsel vm8, $0x3F800000, v3;
	v32 =	vsel vm0, v32, v11  }
0x139: {  	v33 =	vsel vm0, v33, v31;
	v39 =	vperm.xlane v16, v0;
	v40 =	vperm.xlane v17, v0;
	v38 =	vld.idx.msk [tilespmem:v7+s24+$0x0 ss:$0x1], $0xffff;
	s24 =	sor.u32 $0x450, s22  }
0x13a: {  	v20 =	vsub.f32 v22, v20;
	vm8 =	vle.f32 v33, v8;
	v22 =	vsel vm0, v31, v36;
	[tilespmem:s24+$0x8000] =	vst v28  }
0x13b: {  	v36 =	vsel vm0, v11, v39;
	v31 =	vsel vm8, $0x3F800000, v3;
	v39 =	vsel vm0, v39, v40;
	v28 =	vld.idx.msk [tilespmem:v7+s24+$0x0 ss:$0x1], $0xffff;
	s24 =	sor.u32 $0x460, s22  }
0x13c: {  	vm8 =	vle.f32 v36, v16;
	v11 =	vmin.f32 v17, v39;
	[tilespmem:s24+$0x8000] =	vst v31;
	v31 =	vperm.xlane v20, v0  }
0x13d: {  	vm9 =	vle.f32 v22, v23;
	vm11 =	vle.f32 v32, v9;
	v25 =	vsub.f32 v25, v18;
	v41 =	vld.idx.msk [tilespmem:v7+s24+$0x0 ss:$0x1], $0xffff;
	s24 =	sor.u32 $0x470, s22  }
0x13e: {  	v42 =	vsel vm9, $0x3F800000, v3;
	vm10 =	vle.f32 v39, v17;
	v17 =	vsel vm0, v40, v31  }
0x13f: {  	v18 =	vsub.f32 v15, v38;
	v15 =	vsel vm5, $0x3F800000, v3;
	[tilespmem:s24+$0x8000] =	vst v42;
	vm5 =	vle.f32 v17, v20  }
0x140: {  	v22 =	vmin.f32 v23, v22;
	v21 =	vsub.f32 v29, v21;
	v17 =	vmin.f32 v20, v17;
	v23 =	vld.idx.msk [tilespmem:v7+s24+$0x0 ss:$0x1], $0xffff  }
0x141: {  	v29 =	vperm.xlane v25, v0;
	v20 =	vmin.f32 v16, v36;
	[tilespmem:s17+$0x8080] =	vst v15;
	v15 =	vmin.f32 v13, v34  }
0x142: {  	v8 =	vmin.f32 v8, v33;
	v13 =	vsel vm7, $0x3F800000, v3;
	v34 =	vperm.xlane v21, v0;
	v33 =	vld.idx.msk [tilespmem:v7+s17+$0x80 ss:$0x1], $0xffff  }
0x143: {  	v16 =	vsub.f32 v8, v41;
	v8 =	vmin.f32 v14, v26;
	v14 =	vmin.f32 v37, v27;
	[tilespmem:s17+$0x8090] =	vst v35  }
0x144: {  	v24 =	vmin.f32 v24, v30;
	v27 =	vsel vm4, $0x3F800000, v3;
	v30 =	vsel vm0, v34, v29;
	v26 =	vld.idx.msk [tilespmem:v7+s17+$0x90 ss:$0x1], $0xffff  }
0x145: {  	v24 =	vsub.f32 v24, v28;
	vm9 =	vle.f32 v30, v25;
	[tilespmem:s17+$0x80A0] =	vst v13;
	v13 =	vmin.f32 v25, v30  }
0x146: {  	v28 =	vperm.xlane v16, v0;
	v22 =	vsub.f32 v22, v23;
	v25 =	vsel vm0, v31, v34;
	v23 =	vld.idx.msk [tilespmem:v7+s17+$0xA0 ss:$0x1], $0xffff  }
0x147: {  	v30 =	vperm.xlane v18, v0;
	v31 =	vperm.xlane v24, v0;
	[tilespmem:s17+$0x80B0] =	vst v27;
	v27 =	vsel vm6, $0x3F800000, v3  }
0x148: {  	vm7 =	vle.f32 v25, v21;
	v21 =	vmin.f32 v21, v25;
	v15 =	vsub.f32 v15, v33;
	v33 =	vld.idx.msk [tilespmem:v7+s17+$0xB0 ss:$0x1], $0xffff  }
0x149: {  	v25 =	vsel vm3, $0x3F800000, v3;
	[tilespmem:s17+$0x80C0] =	vst v27;
	v27 =	vsel vm0, v29, v30;
	v29 =	vperm.xlane v22, v0  }
0x14a: {  	v19 =	vsub.f32 v19, v26;
	v30 =	vsel vm0, v30, v31;
	v34 =	vperm.xlane v15, v0;
	v26 =	vld.idx.msk [tilespmem:v7+s17+$0xC0 ss:$0x1], $0xffff  }
0x14b: {  	v31 =	vsel vm0, v31, v28;
	[tilespmem:s17+$0x80D0] =	vst v25;
	v25 =	vsel vm11, $0x3F800000, v3;
	v28 =	vsel vm0, v28, v29  }
0x14c: {  	v23 =	vsub.f32 v8, v23;
	v29 =	vsel vm2, $0x7F800000, v34;
	v8 =	vld.idx.msk [tilespmem:v7+s17+$0xD0 ss:$0x1], $0xffff;
	vm4 =	vle.f32 v28, v22  }
0x14d: {  	v35 =	vperm.xlane v19, v0;
	[tilespmem:s17+$0x80E0] =	vst v25;
	v25 =	vsel vm8, $0x3F800000, v3;
	vm8 =	vle.f32 v31, v16  }
0x14e: {  	v36 =	vsel vm10, $0x3F800000, v3;
	vm3 =	vle.f32 v29, v15;
	v10 =	vsub.f32 v10, v33;
	v33 =	vld.idx.msk [tilespmem:v7+s17+$0xE0 ss:$0x1], $0xffff  }
0x14f: {  	s24 =	sor.u32 $0x400, s23;
	vm11 =	vle.f32 v30, v24;
	[tilespmem:s17+$0x80F0] =	vst v25;
	v25 =	vsel vm0, v34, v35;
	v34 =	vperm.xlane v23, v0  }
0x150: {  	v9 =	vmin.f32 v9, v32;
	v37 =	vsel vm5, $0x3F800000, v3;
	v38 =	vperm.xlane v10, v0;
	v32 =	vld.idx.msk [tilespmem:v7+s17+$0xF0 ss:$0x1], $0xffff  }
0x151: {  	s25 =	sor.u32 $0x410, s23;
	v12 =	vsub.f32 v12, v26;
	vm12 =	vle.f32 v25, v19;
	[tilespmem:s24+$0x8000] =	vst v36;
	v26 =	vsel vm0, v35, v34  }
0x152: {  	v29 =	vmin.f32 v15, v29;
	v8 =	vsub.f32 v14, v8;
	v14 =	vld.idx.msk [tilespmem:v7+s24+$0x0 ss:$0x1], $0xffff;
	vm6 =	vle.f32 v26, v23  }
0x153: {  	v15 =	vsel vm7, $0x3F800000, v3;
	v34 =	vsel vm0, v34, v38;
	v35 =	vperm.xlane v12, v0;
	s24 =	sor.u32 $0x420, s23;
	[tilespmem:s25+$0x8000] =	vst v37  }
0x154: {  	vm7 =	vle.f32 v34, v10;
	v33 =	vsub.f32 v9, v33;
	v37 =	vperm.xlane v8, v0;
	v36 =	vld.idx.msk [tilespmem:v7+s25+$0x0 ss:$0x1], $0xffff  }
0x155: {  	v39 =	vsel vm9, $0x3F800000, v3;
	vm5 =	vle.f32 v27, v18;
	v38 =	vsel vm0, v38, v35;
	s25 =	sor.u32 $0x430, s23;
	[tilespmem:s24+$0x8000] =	vst v15  }
0x156: {  	vm10 =	vle.f32 v38, v12;
	v9 =	vsub.f32 v20, v32;
	v15 =	vsel vm0, v35, v37;
	v20 =	vld.idx.msk [tilespmem:v7+s24+$0x0 ss:$0x1], $0xffff  }
0x157: {  	v32 =	vsel vm5, $0x3F800000, v3;
	v35 =	vperm.xlane v33, v0;
	s24 =	sor.u32 $0x440, s23;
	vm5 =	vle.f32 v15, v8;
	[tilespmem:s25+$0x8000] =	vst v39  }
0x158: {  	v18 =	vmin.f32 v18, v27;
	v11 =	vsub.f32 v11, v14;
	v27 =	vperm.xlane v9, v0;
	v39 =	vld.idx.msk [tilespmem:v7+s25+$0x0 ss:$0x1], $0xffff  }
0x159: {  	v24 =	vmin.f32 v24, v30;
	v30 =	vsel vm0, v37, v35;
	s25 =	sor.u32 $0x450, s23;
	[tilespmem:s24+$0x8000] =	vst v32;
	v32 =	vsel vm11, $0x3F800000, v3  }
0x15a: {  	v14 =	vsub.f32 v17, v36;
	vm11 =	vle.f32 v30, v33;
	v35 =	vsel vm0, v35, v27;
	v36 =	vld.idx.msk [tilespmem:v7+s24+$0x0 ss:$0x1], $0xffff  }
0x15b: {  	v37 =	vperm.xlane v11, v0;
	s24 =	sor.u32 $0x460, s23;
	[tilespmem:s25+$0x8000] =	vst v32;
	v32 =	vsel vm8, $0x3F800000, v3;
	vm8 =	vle.f32 v35, v9  }
0x15c: {  	v16 =	vmin.f32 v16, v31;
	v17 =	vsub.f32 v21, v20;
	v21 =	vperm.xlane v14, v0;
	v20 =	vld.idx.msk [tilespmem:v7+s25+$0x0 ss:$0x1], $0xffff  }
0x15d: {  	v22 =	vmin.f32 v22, v28;
	v31 =	vsel vm4, $0x3F800000, v3;
	s23 =	sor.u32 $0x470, s23;
	v27 =	vsel vm0, v27, v37;
	[tilespmem:s24+$0x8000] =	vst v32  }
0x15e: {  	vm13 =	vle.f32 v27, v11;
	v32 =	vsel vm0, v37, v21;
	v37 =	vperm.xlane v17, v0;
	v28 =	vld.idx.msk [tilespmem:v7+s24+$0x0 ss:$0x1], $0xffff  }
0x15f: {  	v39 =	vsub.f32 v13, v39;
	v13 =	vsel vm3, $0x3F800000, v3;
	vm9 =	vle.f32 v32, v14;
	[tilespmem:s23+$0x8000] =	vst v31  }
0x160: {  	v19 =	vmin.f32 v19, v25;
	v18 =	vsub.f32 v18, v36;
	v21 =	vsel vm0, v21, v37;
	v31 =	vld.idx.msk [tilespmem:v7+s23+$0x0 ss:$0x1], $0xffff  }
0x161: {  	v25 =	vperm.xlane v39, v0;
	vm3 =	vle.f32 v21, v17;
	[tilespmem:s17+$0x8100] =	vst v13;
	v13 =	vsel vm12, $0x3F800000, v3  }
0x162: {  	v23 =	vmin.f32 v23, v26;
	v20 =	vsub.f32 v24, v20;
	v26 =	vperm.xlane v18, v0;
	v24 =	vld.idx.msk [tilespmem:v7+s17+$0x100 ss:$0x1], $0xffff  }
0x163: {  	v34 =	vmin.f32 v10, v34;
	v36 =	vsel vm0, v37, v25;
	[tilespmem:s17+$0x8110] =	vst v13;
	v13 =	vsel vm6, $0x3F800000, v3  }
0x164: {  	vm4 =	vle.f32 v36, v39;
	v28 =	vsub.f32 v16, v28;
	v37 =	vperm.xlane v20, v0;
	v10 =	vld.idx.msk [tilespmem:v7+s17+$0x110 ss:$0x1], $0xffff  }
0x165: {  	v12 =	vmin.f32 v12, v38;
	v25 =	vsel vm0, v25, v26;
	[tilespmem:s17+$0x8120] =	vst v13;
	v13 =	vsel vm7, $0x3F800000, v3  }
0x166: {  	v22 =	vsub.f32 v22, v31;
	v26 =	vsel vm0, v26, v37;
	v38 =	vperm.xlane v28, v0;
	v31 =	vld.idx.msk [tilespmem:v7+s17+$0x120 ss:$0x1], $0xffff  }
0x167: {  	vm12 =	vle.f32 v25, v18;
	[tilespmem:s17+$0x8130] =	vst v13;
	v13 =	vsel vm10, $0x3F800000, v3;
	vm10 =	vle.f32 v26, v20  }
0x168: {  	v16 =	vsub.f32 v29, v24;
	v29 =	vsel vm0, v37, v38;
	v37 =	vperm.xlane v22, v0;
	v24 =	vld.idx.msk [tilespmem:v7+s17+$0x130 ss:$0x1], $0xffff  }
0x169: {  	v40 =	vsel vm5, $0x3F800000, v3;
	v30 =	vmin.f32 v33, v30;
	vm6 =	vle.f32 v29, v28;
	[tilespmem:s17+$0x8140] =	vst v13  }
0x16a: {  	v13 =	vsub.f32 v19, v10;
	v33 =	vsel vm0, v38, v37;
	v37 =	vperm.xlane v16, v0;
	v19 =	vld.idx.msk [tilespmem:v7+s17+$0x140 ss:$0x1], $0xffff  }
0x16b: {  	v27 =	vmin.f32 v11, v27;
	v38 =	vsel vm11, $0x3F800000, v3;
	vm7 =	vle.f32 v33, v22;
	[tilespmem:s17+$0x8150] =	vst v40  }
0x16c: {  	v10 =	vsub.f32 v23, v31;
	v31 =	vsel vm2, $0x7F800000, v37;
	v40 =	vperm.xlane v13, v0;
	v23 =	vld.idx.msk [tilespmem:v7+s17+$0x150 ss:$0x1], $0xffff  }
0x16d: {  	v36 =	vmin.f32 v39, v36;
	vm5 =	vle.f32 v31, v16;
	[tilespmem:s17+$0x8160] =	vst v38;
	v38 =	vsel vm8, $0x3F800000, v3  }
0x16e: {  	s22 =	sadd.s32 $0x100, s22;
	v11 =	vsub.f32 v34, v24;
	v34 =	vsel vm0, v37, v40;
	v37 =	vperm.xlane v10, v0;
	v24 =	vld.idx.msk [tilespmem:v7+s17+$0x160 ss:$0x1], $0xffff  }
0x16f: {  	s23 =	sor.u32 $0x400, s22;
	v25 =	vmin.f32 v18, v25;
	vm8 =	vle.f32 v34, v13;
	[tilespmem:s17+$0x8170] =	vst v38;
	v38 =	vsel vm13, $0x3F800000, v3  }
0x170: {  	v12 =	vsub.f32 v12, v19;
	v18 =	vsel vm0, v40, v37;
	v39 =	vperm.xlane v11, v0;
	v19 =	vld.idx.msk [tilespmem:v7+s17+$0x170 ss:$0x1], $0xffff  }
0x171: {  	v8 =	vmin.f32 v8, v15;
	s24 =	sor.u32 $0x410, s22;
	v15 =	vsel vm9, $0x3F800000, v3;
	vm11 =	vle.f32 v18, v10;
	[tilespmem:s23+$0x8000] =	vst v38  }
0x172: {  	v8 =	vsub.f32 v8, v23;
	v37 =	vsel vm0, v37, v39;
	v38 =	vperm.xlane v12, v0;
	v23 =	vld.idx.msk [tilespmem:v7+s23+$0x0 ss:$0x1], $0xffff  }
0x173: {  	v9 =	vmin.f32 v9, v35;
	vm9 =	vle.f32 v37, v11;
	[tilespmem:s24+$0x8000] =	vst v15;
	v15 =	vsel vm3, $0x3F800000, v3  }
0x174: {  	s23 =	sor.u32 $0x420, s22;
	v24 =	vsub.f32 v30, v24;
	v35 =	vsel vm0, v39, v38;
	v39 =	vperm.xlane v8, v0;
	v30 =	vld.idx.msk [tilespmem:v7+s24+$0x0 ss:$0x1], $0xffff  }
0x175: {  	v14 =	vmin.f32 v14, v32;
	vm3 =	vle.f32 v35, v12;
	[tilespmem:s23+$0x8000] =	vst v15;
	v15 =	vmin.f32 v17, v21  }
0x176: {  	v17 =	vsub.f32 v9, v19;
	v19 =	vsel vm4, $0x3F800000, v3;
	v21 =	vsel vm0, v38, v39;
	v9 =	vld.idx.msk [tilespmem:v7+s23+$0x0 ss:$0x1], $0xffff;
	s23 =	sor.u32 $0x430, s22  }
0x177: {  	vm4 =	vle.f32 v21, v8;
	[tilespmem:s23+$0x8000] =	vst v19;
	v19 =	vmin.f32 v20, v26;
	v20 =	vperm.xlane v24, v0  }
0x178: {  	v23 =	vsub.f32 v27, v23;
	v27 =	vsel vm12, $0x3F800000, v3;
	v32 =	vperm.xlane v17, v0;
	v26 =	vld.idx.msk [tilespmem:v7+s23+$0x0 ss:$0x1], $0xffff;
	s23 =	sor.u32 $0x440, s22  }
0x179: {  	v28 =	vmin.f32 v28, v29;
	[tilespmem:s23+$0x8000] =	vst v27;
	v27 =	vsel vm10, $0x3F800000, v3;
	v29 =	vsel vm0, v39, v20  }
0x17a: {  	v14 =	vsub.f32 v14, v30;
	v20 =	vsel vm0, v20, v32;
	v30 =	vld.idx.msk [tilespmem:v7+s23+$0x0 ss:$0x1], $0xffff;
	s23 =	sor.u32 $0x450, s22;
	vm10 =	vle.f32 v29, v24  }
0x17b: {  	v38 =	vperm.xlane v23, v0;
	[tilespmem:s23+$0x8000] =	vst v27;
	v27 =	vsel vm6, $0x3F800000, v3;
	vm6 =	vle.f32 v20, v17  }
0x17c: {  	v39 =	vmin.f32 v24, v29;
	v9 =	vsub.f32 v15, v9;
	v24 =	vperm.xlane v14, v0;
	v15 =	vld.idx.msk [tilespmem:v7+s23+$0x0 ss:$0x1], $0xffff;
	s23 =	sor.u32 $0x460, s22  }
0x17d: {  	v22 =	vmin.f32 v22, v33;
	v29 =	vsel vm0, v32, v38;
	[tilespmem:s23+$0x8000] =	vst v27;
	v27 =	vsel vm7, $0x3F800000, v3  }
0x17e: {  	s22 =	sor.u32 $0x470, s22;
	v26 =	vsub.f32 v36, v26;
	vm7 =	vle.f32 v29, v23;
	v33 =	vsel vm0, v38, v24;
	v32 =	vld.idx.msk [tilespmem:v7+s23+$0x0 ss:$0x1], $0xffff  }
0x17f: {  	v36 =	vperm.xlane v9, v0;
	[tilespmem:s22+$0x8000] =	vst v27;
	v27 =	vsel vm5, $0x3F800000, v3;
	vm5 =	vle.f32 v33, v14  }
0x180: {  	v38 =	vmin.f32 v23, v29;
	v25 =	vsub.f32 v25, v30;
	v23 =	vperm.xlane v26, v0;
	v30 =	vld.idx.msk [tilespmem:v7+s22+$0x0 ss:$0x1], $0xffff  }
0x181: {  	v16 =	vmin.f32 v16, v31;
	v24 =	vsel vm0, v24, v36;
	[tilespmem:s17+$0x8180] =	vst v27;
	v27 =	vsel vm8, $0x3F800000, v3  }
0x182: {  	vm12 =	vle.f32 v24, v9;
	v15 =	vsub.f32 v19, v15;
	v29 =	vsel vm0, v36, v23;
	v19 =	vld.idx.msk [tilespmem:v7+s17+$0x180 ss:$0x1], $0xffff  }
0x183: {  	v31 =	vperm.xlane v25, v0;
	vm8 =	vle.f32 v29, v26;
	[tilespmem:s17+$0x8190] =	vst v27;
	v27 =	vsel vm11, $0x3F800000, v3  }
0x184: {  	v36 =	vmin.f32 v9, v24;
	v28 =	vsub.f32 v28, v32;
	v24 =	vperm.xlane v15, v0;
	v32 =	vld.idx.msk [tilespmem:v7+s17+$0x190 ss:$0x1], $0xffff  }
0x185: {  	v13 =	vmin.f32 v13, v34;
	v9 =	vsel vm9, $0x3F800000, v3;
	v23 =	vsel vm0, v23, v31;
	[tilespmem:s17+$0x81A0] =	vst v27  }
0x186: {  	vm13 =	vle.f32 v23, v25;
	v22 =	vsub.f32 v22, v30;
	v30 =	vsel vm0, v31, v24;
	v27 =	vld.idx.msk [tilespmem:v7+s17+$0x1A0 ss:$0x1], $0xffff  }
0x187: {  	v25 =	vmin.f32 v25, v23;
	v23 =	vperm.xlane v28, v0;
	vm9 =	vle.f32 v30, v15;
	[tilespmem:s17+$0x81B0] =	vst v9  }
0x188: {  	v9 =	vsub.f32 v16, v19;
	v19 =	vsel vm3, $0x3F800000, v3;
	v31 =	vperm.xlane v22, v0;
	v16 =	vld.idx.msk [tilespmem:v7+s17+$0x1B0 ss:$0x1], $0xffff  }
0x189: {  	v10 =	vmin.f32 v10, v18;
	v18 =	vmin.f32 v11, v37;
	[tilespmem:s17+$0x81C0] =	vst v19;
	v19 =	vsel vm0, v24, v23  }
0x18a: {  	v24 =	vsel vm4, $0x3F800000, v3;
	v23 =	vsel vm0, v23, v31;
	v34 =	vld.idx.msk [tilespmem:v7+s17+$0x1C0 ss:$0x1], $0xffff;
	vm14 =	vle.f32 v19, v28  }
0x18b: {  	v11 =	vsub.f32 v13, v32;
	v43 =	vmin.f32 v28, v19;
	vm11 =	vle.f32 v23, v22;
	[tilespmem:s17+$0x81D0] =	vst v24  }
0x18c: {  	v13 =	vmin.f32 v12, v35;
	v12 =	vsel vm10, $0x3F800000, v3;
	v10 =	vsub.f32 v10, v27;
	v19 =	vld.idx.msk [tilespmem:v7+s17+$0x1D0 ss:$0x1], $0xffff  }
0x18d: {  	v8 =	vmin.f32 v8, v21;
	v20 =	vmin.f32 v17, v20;
	v27 =	vmin.f32 v14, v33;
	[tilespmem:s17+$0x81E0] =	vst v12  }
0x18e: {  	v32 =	vmin.f32 v26, v29;
	v14 =	vsel vm6, $0x3F800000, v3;
	v12 =	vsub.f32 v18, v16;
	v16 =	vld.idx.msk [tilespmem:v7+s17+$0x1E0 ss:$0x1], $0xffff  }
0x18f: {  	v23 =	vmin.f32 v22, v23;
	v24 =	vmin.f32 v15, v30;
	[tilespmem:s17+$0x81F0] =	vst v14  }
0x190: {  	v13 =	vsub.f32 v13, v34;
	v14 =	vsel vm7, $0x3F800000, v3;
	v21 =	vld.idx.msk [tilespmem:v7+s17+$0x1F0 ss:$0x1], $0xffff;
	s17 =	sor.u32 $0x400, s21  }
0x191: {  	v15 =	vsel vm5, $0x3F800000, v3;
	[tilespmem:s17+$0x8000] =	vst v14  }
0x192: {  	v29 =	vperm.xlane v12, v0;
	v18 =	vperm.xlane v13, v0;
	v14 =	vsub.f32 v8, v19;
	v8 =	vld.idx.msk [tilespmem:v7+s17+$0x0 ss:$0x1], $0xffff;
	s17 =	sor.u32 $0x410, s21  }
0x193: {  	v19 =	vsel vm12, $0x3F800000, v3;
	[tilespmem:s17+$0x8000] =	vst v15  }
0x194: {  	v17 =	vsel vm0, v29, v18;
	v22 =	vperm.xlane v14, v0;
	v15 =	vsub.f32 v39, v16;
	v26 =	vld.idx.msk [tilespmem:v7+s17+$0x0 ss:$0x1], $0xffff;
	s17 =	sor.u32 $0x420, s21  }
0x195: {  	vm3 =	vle.f32 v17, v13;
	[tilespmem:s17+$0x8000] =	vst v19;
	v19 =	vsel vm8, $0x3F800000, v3  }
0x196: {  	v18 =	vsel vm0, v18, v22;
	v30 =	vperm.xlane v15, v0;
	v16 =	vsub.f32 v20, v21;
	v33 =	vld.idx.msk [tilespmem:v7+s17+$0x0 ss:$0x1], $0xffff;
	s17 =	sor.u32 $0x430, s21  }
0x197: {  	vm4 =	vle.f32 v18, v14;
	[tilespmem:s17+$0x8000] =	vst v19;
	v19 =	vsel vm13, $0x3F800000, v3  }
0x198: {  	v20 =	vsel vm0, v22, v30;
	v31 =	vperm.xlane v16, v0;
	v28 =	vsub.f32 v38, v8;
	v8 =	vld.idx.msk [tilespmem:v7+s17+$0x0 ss:$0x1], $0xffff;
	s17 =	sor.u32 $0x440, s21  }
0x199: {  	vm6 =	vle.f32 v20, v15;
	[tilespmem:s17+$0x8000] =	vst v19;
	v19 =	vsel vm9, $0x3F800000, v3  }
0x19a: {  	v21 =	vsel vm0, v30, v31;
	v30 =	vperm.xlane v28, v0;
	v22 =	vsub.f32 v27, v26;
	v27 =	vld.idx.msk [tilespmem:v7+s17+$0x0 ss:$0x1], $0xffff;
	s17 =	sor.u32 $0x450, s21  }
0x19b: {  	vm5 =	vle.f32 v21, v16;
	[tilespmem:s17+$0x8000] =	vst v19;
	v19 =	vsel vm14, $0x3F800000, v3  }
0x19c: {  	v31 =	vsel vm0, v31, v30;
	v34 =	vperm.xlane v22, v0;
	v33 =	vsub.f32 v36, v33;
	v35 =	vld.idx.msk [tilespmem:v7+s17+$0x0 ss:$0x1], $0xffff;
	s17 =	sor.u32 $0x460, s21  }
0x19d: {  	v36 =	vsel vm11, $0x3F800000, v3;
	vm8 =	vle.f32 v31, v28;
	[tilespmem:s17+$0x8000] =	vst v19  }
0x19e: {  	v26 =	vsel vm0, v30, v34;
	v41 =	vperm.xlane v33, v0;
	v19 =	vsub.f32 v32, v8;
	v8 =	vld.idx.msk [tilespmem:v7+s17+$0x0 ss:$0x1], $0xffff;
	s17 =	sor.u32 $0x470, s21  }
0x19f: {  	v40 =	vperm.xlane v10, v0;
	v30 =	vperm.xlane v11, v0;
	vm7 =	vle.f32 v26, v22;
	[tilespmem:s17+$0x8000] =	vst v36  }
.Ltmp2:
0x1a0: {  	v42 =	vperm.xlane v9, v0;
	v37 =	vsel vm0, v34, v41;
	v25 =	vsub.f32 v25, v27;
	v39 =	vld.idx.msk [tilespmem:v7+s17+$0x0 ss:$0x1], $0xffff;
	(pc) =	sbr.rel @p1 .LBB2_6-.Ltmp2, $4  }
0x1a1: {  	v32 =	vsel vm0, v30, v40;
	v38 =	vperm.xlane v19, v0;
	vm9 =	vle.f32 v37, v33  }
0x1a2: {  	s19 =	sadd.s32 $0x200, s19;
	s18 =	sadd.s32 $0x400, s18;
	v36 =	vsel vm2, $0x7F800000, v42;
	v34 =	vsel vm0, v42, v30;
	v30 =	vperm.xlane v25, v0  }
0x1a3: {  	s21 =	sand.u32 $0x200, s19;
	vm10 =	vle.f32 v36, v9;
	s17 =	sand.u32 $0x3800, s18;
	vm11 =	vle.f32 v34, v11;
	v27 =	vsel vm0, v41, v38  }
0x1a4: {  	v42 =	vsel vm10, $0x3F800000, v3;
	s17 =	sor.u32 s21, s17;
	v41 =	vsel vm11, $0x3F800000, v3;
	v8 =	vsub.f32 v43, v8  }
0x1a5: {  	vm10 =	vle.f32 v32, v10  }
0x1a6: {  	v29 =	vsel vm0, v40, v29;
	v44 =	vsel vm3, $0x3F800000, v3;
	v45 =	vsel vm4, $0x3F800000, v3  }
0x1a7: {  	v60 =	vsel vm6, $0x3F800000, v3;
	v61 =	vsel vm5, $0x3F800000, v3;
	v62 =	vsel vm8, $0x3F800000, v3  }
0x1a8: {  	v24 =	vsub.f32 v24, v35;
	v38 =	vsel vm0, v38, v30;
	v23 =	vsub.f32 v23, v39  }
0x1a9: {  	vm3 =	vle.f32 v27, v19;
	v33 =	vmin.f32 v33, v37;
	v28 =	vmin.f32 v28, v31  }
0x1aa: {  	v9 =	vmin.f32 v9, v36;
	v11 =	vmin.f32 v11, v34;
	v10 =	vmin.f32 v10, v32  }
0x1ab: {  	v13 =	vmin.f32 v13, v17;
	v14 =	vmin.f32 v14, v18;
	v15 =	vmin.f32 v15, v20  }
0x1ac: {  	[tilespmem:s17+$0x8000] =	vst v42;
	v16 =	vmin.f32 v16, v21;
	v22 =	vmin.f32 v22, v26;
	v19 =	vmin.f32 v19, v27  }
0x1ad: {  	v42 =	vld.idx.msk [tilespmem:v7+s17+$0x0 ss:$0x1], $0xffff;
	[tilespmem:s17+$0x8010] =	vst v41;
	v59 =	vsel vm10, $0x3F800000, v3;
	vm15 =	vle.f32 v29, v12;
	v52 =	vsel vm3, $0x3F800000, v3  }
0x1ae: {  	vm3 =	vle.f32 v38, v25;
	v58 =	vld.idx.msk [tilespmem:v7+s17+$0x10 ss:$0x1], $0xffff;
	[tilespmem:s17+$0x8020] =	vst v59;
	v43 =	vsel vm15, $0x3F800000, v3;
	v51 =	vperm.xlane v24, v0  }
0x1af: {  	v63 =	vsel vm7, $0x3F800000, v3;
	v54 =	vperm.xlane v8, v0;
	v56 =	vperm.xlane v23, v0;
	v41 =	vld.idx.msk [tilespmem:v7+s17+$0x20 ss:$0x1], $0xffff;
	[tilespmem:s17+$0x8030] =	vst v43  }
0x1b0: {  	p0 =	por !p0, !p0;
	s19 =	simm.s32 $0x1;
	v12 =	vmin.f32 v12, v29;
	v53 =	vsel vm3, $0x3F800000, v3;
	v43 =	vld.idx.msk [tilespmem:v7+s17+$0x30 ss:$0x1], $0xffff;
	[tilespmem:s17+$0x8040] =	vst v44;
	v30 =	vsel vm0, v30, v51  }
0x1b1: {  	s19 =	simm.s32 @!p0 $0x0;
	v35 =	vsel vm0, v51, v54;
	v34 =	vsel vm0, v54, v56;
	v54 =	vmin.f32 v25, v38;
	v44 =	vld.idx.msk [tilespmem:v7+s17+$0x40 ss:$0x1], $0xffff  }
0x1b2: {  	s19 =	sshll.u32 s19, $0x9;
	[tilespmem:s17+$0x8050] =	vst v45;
	vm3 =	vle.f32 v30, v24;
	v24 =	vmin.f32 v24, v30;
	v9 =	vsub.f32 v9, v42  }
0x1b3: {  	s18 =	sadd.s32 s19, s18;
	v46 =	vld.idx.msk [tilespmem:v7+s17+$0x50 ss:$0x1], $0xffff;
	[tilespmem:s17+$0x8060] =	vst v60;
	v55 =	vsel vm3, $0x3F800000, v3;
	vm3 =	vle.f32 v35, v8;
	v8 =	vmin.f32 v8, v35  }
0x1b4: {  	s19 =	sor.u32 $0x400, s18;
	v47 =	vld.idx.msk [tilespmem:v7+s17+$0x60 ss:$0x1], $0xffff;
	[tilespmem:s17+$0x8070] =	vst v61;
	v11 =	vsub.f32 v11, v58;
	v58 =	vsel vm3, $0x3F800000, v3;
	vm3 =	vle.f32 v34, v23  }
0x1b5: {  	v50 =	vsel vm9, $0x3F800000, v3;
	s31 =	sor.u32 $0x410, s18;
	v48 =	vld.idx.msk [tilespmem:v7+s17+$0x70 ss:$0x1], $0xffff;
	[tilespmem:s19+$0x8000] =	vst v62;
	v57 =	vperm.xlane v9, v0;
	v10 =	vsub.f32 v10, v41  }
0x1b6: {  	s20 =	sor.u32 $0x420, s18;
	v23 =	vmin.f32 v23, v34;
	v60 =	vsel vm3, $0x3F800000, v3;
	v49 =	vld.idx.msk [tilespmem:v7+s19+$0x0 ss:$0x1], $0xffff;
	[tilespmem:s31+$0x8000] =	vst v63;
	v59 =	vperm.xlane v11, v0  }
0x1b7: {  	v12 =	vsub.f32 v12, v43;
	v45 =	vld.idx.msk [tilespmem:v7+s31+$0x0 ss:$0x1], $0xffff;
	[tilespmem:s20+$0x8000] =	vst v50;
	v37 =	vsel vm2, $0x7F800000, v57;
	v61 =	vperm.xlane v10, v0  }
0x1b8: {  	s21 =	sor.u32 $0x430, s18;
	v13 =	vsub.f32 v13, v44;
	v39 =	vld.idx.msk [tilespmem:v7+s20+$0x0 ss:$0x1], $0xffff;
	vm3 =	vle.f32 v37, v9;
	v17 =	vsel vm0, v57, v59  }
0x1b9: {  	[tilespmem:s21+$0x8000] =	vst v52;
	v63 =	vperm.xlane v12, v0;
	v14 =	vsub.f32 v14, v46;
	v9 =	vmin.f32 v9, v37  }
0x1ba: {  	s22 =	sor.u32 $0x440, s18;
	v31 =	vld.idx.msk [tilespmem:v7+s21+$0x0 ss:$0x1], $0xffff;
	v62 =	vsel vm3, $0x3F800000, v3;
	vm3 =	vle.f32 v17, v11;
	v29 =	vsel vm0, v59, v61  }
0x1bb: {  	s23 =	sor.u32 $0x450, s18;
	[tilespmem:s22+$0x8000] =	vst v53;
	v20 =	vperm.xlane v13, v0;
	v15 =	vsub.f32 v15, v47;
	v11 =	vmin.f32 v11, v17  }
0x1bc: {  	s24 =	sor.u32 $0x460, s18;
	v42 =	vld.idx.msk [tilespmem:v7+s22+$0x0 ss:$0x1], $0xffff;
	[tilespmem:s23+$0x8000] =	vst v55;
	v18 =	vsel vm3, $0x3F800000, v3;
	vm3 =	vle.f32 v29, v10;
	v21 =	vperm.xlane v14, v0  }
0x1bd: {  	v16 =	vsub.f32 v16, v48;
	v10 =	vmin.f32 v10, v29;
	v36 =	vld.idx.msk [tilespmem:v7+s23+$0x0 ss:$0x1], $0xffff;
	[tilespmem:s24+$0x8000] =	vst v58  }
0x1be: {  	s25 =	sor.u32 $0x470, s18;
	v32 =	vsel vm0, v63, v20;
	v52 =	vperm.xlane v15, v0;
	v28 =	vsub.f32 v28, v49;
	v40 =	vld.idx.msk [tilespmem:v7+s24+$0x0 ss:$0x1], $0xffff  }
0x1bf: {  	[tilespmem:s25+$0x8000] =	vst v60;
	v20 =	vsel vm0, v20, v21;
	v55 =	vperm.xlane v16, v0;
	v22 =	vsub.f32 v22, v45  }
0x1c0: {  	v43 =	vld.idx.msk [tilespmem:v7+s25+$0x0 ss:$0x1], $0xffff;
	[tilespmem:s17+$0x8080] =	vst v62;
	v21 =	vsel vm0, v21, v52;
	v57 =	vperm.xlane v28, v0  }
0x1c1: {  	v50 =	vsel vm3, $0x3F800000, v3;
	v33 =	vsub.f32 v33, v39;
	v44 =	vld.idx.msk [tilespmem:v7+s17+$0x80 ss:$0x1], $0xffff;
	[tilespmem:s17+$0x8090] =	vst v18;
	v18 =	vsel vm0, v61, v63  }
0x1c2: {  	v26 =	vsel vm0, v52, v55;
	v59 =	vperm.xlane v22, v0;
	v17 =	vsub.f32 v19, v31  }
0x1c3: {  	vm3 =	vle.f32 v18, v12;
	v12 =	vmin.f32 v12, v18;
	v18 =	vsel vm0, v55, v57  }
0x1c4: {  	v46 =	vld.idx.msk [tilespmem:v7+s17+$0x90 ss:$0x1], $0xffff;
	v61 =	vperm.xlane v33, v0;
	v25 =	vsub.f32 v54, v42;
	v51 =	vsel vm3, $0x3F800000, v3  }
0x1c5: {  	[tilespmem:s17+$0x80A0] =	vst v50;
	vm3 =	vle.f32 v32, v13;
	v19 =	vsel vm0, v57, v59;
	v63 =	vperm.xlane v17, v0  }
0x1c6: {  	v47 =	vld.idx.msk [tilespmem:v7+s17+$0xA0 ss:$0x1], $0xffff;
	v24 =	vsub.f32 v24, v36;
	v13 =	vmin.f32 v13, v32;
	v53 =	vsel vm3, $0x3F800000, v3  }
0x1c7: {  	[tilespmem:s17+$0x80B0] =	vst v51;
	vm3 =	vle.f32 v20, v14;
	v35 =	vsel vm0, v59, v61;
	v51 =	vperm.xlane v25, v0  }
0x1c8: {  	v34 =	vsub.f32 v8, v40;
	v14 =	vmin.f32 v14, v20;
	v48 =	vld.idx.msk [tilespmem:v7+s17+$0xB0 ss:$0x1], $0xffff;
	v56 =	vsel vm3, $0x3F800000, v3  }
0x1c9: {  	[tilespmem:s17+$0x80C0] =	vst v53;
	vm3 =	vle.f32 v21, v15;
	v27 =	vsel vm0, v61, v63;
	v8 =	vperm.xlane v24, v0  }
0x1ca: {  	v23 =	vsub.f32 v23, v43;
	v15 =	vmin.f32 v15, v21;
	v49 =	vld.idx.msk [tilespmem:v7+s17+$0xC0 ss:$0x1], $0xffff;
	v58 =	vsel vm3, $0x3F800000, v3  }
0x1cb: {  	[tilespmem:s17+$0x80D0] =	vst v56;
	vm3 =	vle.f32 v26, v16;
	v31 =	vsel vm0, v63, v51;
	v54 =	vperm.xlane v34, v0  }
0x1cc: {  	v9 =	vsub.f32 v9, v44;
	v16 =	vmin.f32 v16, v26;
	v45 =	vld.idx.msk [tilespmem:v7+s17+$0xD0 ss:$0x1], $0xffff;
	v60 =	vsel vm3, $0x3F800000, v3  }
0x1cd: {  	[tilespmem:s17+$0x80E0] =	vst v58;
	vm3 =	vle.f32 v18, v28;
	v30 =	vsel vm0, v51, v8;
	v56 =	vperm.xlane v23, v0  }
0x1ce: {  	v11 =	vsub.f32 v11, v46;
	v18 =	vmin.f32 v28, v18;
	v41 =	vld.idx.msk [tilespmem:v7+s17+$0xE0 ss:$0x1], $0xffff;
	v62 =	vsel vm3, $0x3F800000, v3  }
0x1cf: {  	s26 =	sadd.s32 $0x80, s18;
	[tilespmem:s17+$0x80F0] =	vst v60;
	vm3 =	vle.f32 v19, v22;
	v37 =	vsel vm0, v8, v54;
	v10 =	vsub.f32 v10, v47  }
0x1d0: {  	s20 =	sor.u32 $0x400, s26;
	v19 =	vmin.f32 v22, v19;
	v39 =	vld.idx.msk [tilespmem:v7+s17+$0xF0 ss:$0x1], $0xffff;
	v50 =	vsel vm3, $0x3F800000, v3;
	vm3 =	vle.f32 v35, v33  }
0x1d1: {  	s21 =	sor.u32 $0x410, s26;
	[tilespmem:s20+$0x8000] =	vst v62;
	v29 =	vsel vm0, v54, v56;
	v59 =	vperm.xlane v11, v0;
	v33 =	vmin.f32 v33, v35  }
0x1d2: {  	v42 =	vld.idx.msk [tilespmem:v7+s20+$0x0 ss:$0x1], $0xffff;
	[tilespmem:s21+$0x8000] =	vst v50;
	v52 =	vsel vm3, $0x3F800000, v3;
	vm3 =	vle.f32 v27, v17;
	v12 =	vsub.f32 v12, v48  }
0x1d3: {  	s28 =	sor.u32 $0x420, s26;
	v61 =	vperm.xlane v10, v0;
	v17 =	vmin.f32 v17, v27;
	v38 =	vld.idx.msk [tilespmem:v7+s21+$0x0 ss:$0x1], $0xffff;
	v53 =	vsel vm3, $0x3F800000, v3  }
0x1d4: {  	s29 =	sor.u32 $0x430, s26;
	[tilespmem:s28+$0x8000] =	vst v52;
	vm3 =	vle.f32 v31, v25;
	v13 =	vsub.f32 v13, v49;
	v25 =	vmin.f32 v25, v31  }
0x1d5: {  	v40 =	vld.idx.msk [tilespmem:v7+s28+$0x0 ss:$0x1], $0xffff;
	[tilespmem:s29+$0x8000] =	vst v53;
	v55 =	vsel vm3, $0x3F800000, v3;
	vm3 =	vle.f32 v30, v24;
	v20 =	vperm.xlane v12, v0  }
0x1d6: {  	s30 =	sor.u32 $0x440, s26;
	v32 =	vsel vm0, v59, v61;
	v24 =	vmin.f32 v24, v30;
	v43 =	vld.idx.msk [tilespmem:v7+s29+$0x0 ss:$0x1], $0xffff;
	v8 =	vsel vm3, $0x3F800000, v3  }
0x1d7: {  	s31 =	sor.u32 $0x450, s26;
	[tilespmem:s30+$0x8000] =	vst v55;
	vm3 =	vle.f32 v37, v34;
	v21 =	vperm.xlane v13, v0;
	v15 =	vsub.f32 v15, v41  }
0x1d8: {  	v34 =	vmin.f32 v34, v37;
	v44 =	vld.idx.msk [tilespmem:v7+s30+$0x0 ss:$0x1], $0xffff;
	[tilespmem:s31+$0x8000] =	vst v8;
	v8 =	vperm.xlane v9, v0  }
0x1d9: {  	v57 =	vsel vm3, $0x3F800000, v3;
	vm3 =	vle.f32 v29, v23;
	v16 =	vsub.f32 v16, v39  }
0x1da: {  	v23 =	vmin.f32 v23, v29;
	v60 =	vsel vm3, $0x3F800000, v3;
	v52 =	vperm.xlane v15, v0  }
0x1db: {  	v18 =	vsub.f32 v18, v42;
	v58 =	vsel vm2, $0x7F800000, v8;
	v22 =	vsel vm0, v8, v59  }
0x1dc: {  	s22 =	sor.u32 $0x460, s26;
	v36 =	vld.idx.msk [tilespmem:v7+s31+$0x0 ss:$0x1], $0xffff;
	v54 =	vperm.xlane v16, v0;
	v19 =	vsub.f32 v19, v38;
	vm3 =	vle.f32 v58, v9  }
0x1dd: {  	[tilespmem:s22+$0x8000] =	vst v57;
	v9 =	vmin.f32 v9, v58;
	v56 =	vperm.xlane v18, v0;
	v33 =	vsub.f32 v33, v40  }
0x1de: {  	s19 =	sor.u32 $0x470, s26;
	v47 =	vld.idx.msk [tilespmem:v7+s22+$0x0 ss:$0x1], $0xffff;
	v8 =	vsel vm3, $0x3F800000, v3;
	vm3 =	vle.f32 v22, v11;
	v27 =	vsel vm0, v52, v54  }
0x1df: {  	[tilespmem:s19+$0x8000] =	vst v60;
	v58 =	vperm.xlane v19, v0;
	v17 =	vsub.f32 v17, v43;
	v11 =	vmin.f32 v11, v22  }
0x1e0: {  	v48 =	vld.idx.msk [tilespmem:v7+s19+$0x0 ss:$0x1], $0xffff;
	[tilespmem:s17+$0x8100] =	vst v8;
	v62 =	vsel vm3, $0x3F800000, v3;
	v8 =	vsub.f32 v14, v45;
	vm3 =	vle.f32 v32, v10  }
0x1e1: {  	v14 =	vsel vm0, v61, v20;
	v20 =	vsel vm0, v20, v21;
	v35 =	vsel vm0, v54, v56  }
0x1e2: {  	v60 =	vperm.xlane v33, v0;
	v25 =	vsub.f32 v25, v44;
	v10 =	vmin.f32 v10, v32  }
0x1e3: {  	v50 =	vld.idx.msk [tilespmem:v7+s17+$0x100 ss:$0x1], $0xffff;
	v63 =	vsel vm3, $0x3F800000, v3;
	vm3 =	vle.f32 v14, v12;
	v28 =	vsel vm0, v56, v58  }
0x1e4: {  	[tilespmem:s17+$0x8110] =	vst v62;
	v62 =	vperm.xlane v17, v0;
	v24 =	vsub.f32 v24, v36;
	v12 =	vmin.f32 v12, v14  }
0x1e5: {  	v49 =	vperm.xlane v8, v0;
	v51 =	vsel vm3, $0x3F800000, v3;
	vm3 =	vle.f32 v20, v13  }
0x1e6: {  	v31 =	vsel vm0, v58, v60;
	v22 =	vsub.f32 v34, v47;
	v13 =	vmin.f32 v13, v20  }
0x1e7: {  	v53 =	vsel vm3, $0x3F800000, v3;
	v30 =	vsel vm0, v60, v62;
	v23 =	vsub.f32 v23, v48  }
0x1e8: {  	v46 =	vld.idx.msk [tilespmem:v7+s17+$0x110 ss:$0x1], $0xffff;
	v21 =	vsel vm0, v21, v49;
	v26 =	vsel vm0, v49, v52;
	v49 =	vperm.xlane v25, v0  }
0x1e9: {  	[tilespmem:s17+$0x8120] =	vst v63;
	v52 =	vperm.xlane v24, v0;
	v54 =	vperm.xlane v22, v0;
	vm3 =	vle.f32 v21, v8  }
0x1ea: {  	v45 =	vld.idx.msk [tilespmem:v7+s17+$0x120 ss:$0x1], $0xffff;
	[tilespmem:s17+$0x8130] =	vst v51;
	v8 =	vmin.f32 v8, v21;
	v55 =	vsel vm3, $0x3F800000, v3;
	vm3 =	vle.f32 v26, v15  }
0x1eb: {  	v41 =	vld.idx.msk [tilespmem:v7+s17+$0x130 ss:$0x1], $0xffff;
	v36 =	vsel vm0, v62, v49;
	v29 =	vsel vm0, v49, v52;
	v14 =	vsub.f32 v9, v50  }
0x1ec: {  	[tilespmem:s17+$0x8140] =	vst v53;
	v34 =	vsel vm0, v52, v54;
	v9 =	vperm.xlane v23, v0;
	v15 =	vmin.f32 v15, v26  }
0x1ed: {  	v42 =	vld.idx.msk [tilespmem:v7+s17+$0x140 ss:$0x1], $0xffff;
	[tilespmem:s17+$0x8150] =	vst v55;
	v57 =	vsel vm3, $0x3F800000, v3;
	vm3 =	vle.f32 v27, v16;
	v11 =	vsub.f32 v11, v46  }
0x1ee: {  	v16 =	vmin.f32 v16, v27;
	v39 =	vld.idx.msk [tilespmem:v7+s17+$0x150 ss:$0x1], $0xffff;
	v59 =	vsel vm3, $0x3F800000, v3;
	vm3 =	vle.f32 v35, v18  }
0x1ef: {  	[tilespmem:s17+$0x8160] =	vst v57;
	v20 =	vsel vm0, v54, v9;
	v57 =	vperm.xlane v14, v0;
	v9 =	vsub.f32 v10, v45  }
0x1f0: {  	v18 =	vmin.f32 v18, v35;
	v40 =	vld.idx.msk [tilespmem:v7+s17+$0x160 ss:$0x1], $0xffff;
	v61 =	vsel vm3, $0x3F800000, v3;
	vm3 =	vle.f32 v28, v19  }
0x1f1: {  	s23 =	sadd.s32 $0x100, s18;
	[tilespmem:s17+$0x8170] =	vst v59;
	v59 =	vperm.xlane v11, v0;
	v41 =	vsub.f32 v12, v41;
	v19 =	vmin.f32 v19, v28  }
0x1f2: {  	s24 =	sor.u32 $0x400, s23;
	v43 =	vld.idx.msk [tilespmem:v7+s17+$0x170 ss:$0x1], $0xffff;
	v63 =	vsel vm3, $0x3F800000, v3;
	vm3 =	vle.f32 v31, v33;
	v10 =	vsel vm2, $0x7F800000, v57  }
0x1f3: {  	[tilespmem:s24+$0x8000] =	vst v61;
	v61 =	vperm.xlane v9, v0;
	v42 =	vsub.f32 v13, v42;
	v31 =	vmin.f32 v33, v31  }
0x1f4: {  	s25 =	sor.u32 $0x410, s23;
	v44 =	vld.idx.msk [tilespmem:v7+s24+$0x0 ss:$0x1], $0xffff;
	v51 =	vsel vm3, $0x3F800000, v3;
	vm3 =	vle.f32 v30, v17;
	vm2 =	vle.f32 v10, v14  }
0x1f5: {  	[tilespmem:s25+$0x8000] =	vst v63;
	v12 =	vsel vm0, v57, v59;
	v63 =	vperm.xlane v41, v0;
	v17 =	vmin.f32 v17, v30  }
0x1f6: {  	v10 =	vmin.f32 v14, v10;
	v53 =	vsel vm3, $0x3F800000, v3;
	vm3 =	vle.f32 v36, v25  }
0x1f7: {  	s26 =	sor.u32 $0x420, s23;
	v38 =	vld.idx.msk [tilespmem:v7+s25+$0x0 ss:$0x1], $0xffff;
	v62 =	vsel vm2, $0x3F800000, v3;
	vm2 =	vle.f32 v12, v11;
	v13 =	vsel vm0, v59, v61  }
0x1f8: {  	[tilespmem:s26+$0x8000] =	vst v51;
	v50 =	vperm.xlane v42, v0;
	v25 =	vmin.f32 v25, v36;
	v11 =	vmin.f32 v11, v12  }
0x1f9: {  	s28 =	sor.u32 $0x430, s23;
	v37 =	vld.idx.msk [tilespmem:v7+s26+$0x0 ss:$0x1], $0xffff;
	v55 =	vsel vm3, $0x3F800000, v3;
	vm3 =	vle.f32 v29, v24;
	v21 =	vsel vm2, $0x3F800000, v3  }
0x1fa: {  	[tilespmem:s28+$0x8000] =	vst v53;
	vm2 =	vle.f32 v13, v9;
	v8 =	vsub.f32 v8, v39;
	v24 =	vmin.f32 v24, v29  }
0x1fb: {  	s29 =	sor.u32 $0x440, s23;
	v9 =	vmin.f32 v9, v13;
	v47 =	vld.idx.msk [tilespmem:v7+s28+$0x0 ss:$0x1], $0xffff;
	v56 =	vsel vm3, $0x3F800000, v3;
	vm3 =	vle.f32 v34, v22  }
0x1fc: {  	s30 =	sor.u32 $0x450, s23;
	[tilespmem:s29+$0x8000] =	vst v55;
	v15 =	vsub.f32 v15, v40;
	v26 =	vsel vm0, v63, v50;
	v22 =	vmin.f32 v22, v34  }
0x1fd: {  	s31 =	sor.u32 $0x460, s23;
	v49 =	vld.idx.msk [tilespmem:v7+s29+$0x0 ss:$0x1], $0xffff;
	[tilespmem:s30+$0x8000] =	vst v56;
	v58 =	vsel vm3, $0x3F800000, v3;
	vm3 =	vle.f32 v20, v23;
	v52 =	vperm.xlane v8, v0  }
0x1fe: {  	s19 =	sor.u32 $0x470, s23;
	v16 =	vsub.f32 v16, v43;
	v20 =	vmin.f32 v23, v20;
	v48 =	vld.idx.msk [tilespmem:v7+s30+$0x0 ss:$0x1], $0xffff;
	[tilespmem:s31+$0x8000] =	vst v58;
	v60 =	vsel vm3, $0x3F800000, v3  }
0x1ff: {  	v54 =	vperm.xlane v15, v0;
	v18 =	vsub.f32 v18, v44;
	v46 =	vld.idx.msk [tilespmem:v7+s31+$0x0 ss:$0x1], $0xffff;
	[tilespmem:s19+$0x8000] =	vst v60  }
0x200: {  	v30 =	vsel vm0, v50, v52;
	v56 =	vperm.xlane v16, v0;
	v33 =	vsub.f32 v19, v38;
	v45 =	vld.idx.msk [tilespmem:v7+s19+$0x0 ss:$0x1], $0xffff  }
0x201: {  	[tilespmem:s17+$0x8180] =	vst v62;
	v27 =	vsel vm0, v52, v54;
	v58 =	vperm.xlane v18, v0;
	v60 =	vsub.f32 v31, v37  }
0x202: {  	v51 =	vsel vm2, $0x3F800000, v3;
	v32 =	vld.idx.msk [tilespmem:v7+s17+$0x180 ss:$0x1], $0xffff;
	[tilespmem:s17+$0x8190] =	vst v21;
	v21 =	vsel vm0, v61, v63;
	v19 =	vsel vm0, v54, v56  }
0x203: {  	v61 =	vperm.xlane v33, v0;
	v17 =	vsub.f32 v17, v47;
	vm2 =	vle.f32 v21, v41  }
0x204: {  	v39 =	vld.idx.msk [tilespmem:v7+s17+$0x190 ss:$0x1], $0xffff;
	v28 =	vsel vm0, v56, v58;
	v63 =	vperm.xlane v60, v0;
	v53 =	vsel vm2, $0x3F800000, v3  }
0x205: {  	[tilespmem:s17+$0x81A0] =	vst v51;
	vm2 =	vle.f32 v26, v42;
	v34 =	vsel vm0, v58, v61;
	v24 =	vsub.f32 v24, v48  }
0x206: {  	v40 =	vld.idx.msk [tilespmem:v7+s17+$0x1A0 ss:$0x1], $0xffff;
	[tilespmem:s17+$0x81B0] =	vst v53;
	v55 =	vsel vm2, $0x3F800000, v3;
	vm2 =	vle.f32 v30, v8;
	v53 =	vperm.xlane v17, v0  }
0x207: {  	v31 =	vsel vm0, v61, v63;
	v8 =	vmin.f32 v8, v30;
	v36 =	vld.idx.msk [tilespmem:v7+s17+$0x1B0 ss:$0x1], $0xffff;
	v57 =	vsel vm2, $0x3F800000, v3  }
0x208: {  	[tilespmem:s17+$0x81C0] =	vst v55;
	vm2 =	vle.f32 v27, v15;
	v27 =	vmin.f32 v15, v27;
	v15 =	vsub.f32 v25, v49  }
0x209: {  	v45 =	vsub.f32 v20, v45;
	v43 =	vld.idx.msk [tilespmem:v7+s17+$0x1C0 ss:$0x1], $0xffff;
	[tilespmem:s17+$0x81D0] =	vst v57;
	v59 =	vsel vm2, $0x3F800000, v3;
	vm2 =	vle.f32 v19, v16  }
0x20a: {  	v29 =	vmin.f32 v60, v31;
	v23 =	vsel vm0, v63, v53;
	v38 =	vld.idx.msk [tilespmem:v7+s17+$0x1D0 ss:$0x1], $0xffff;
	v62 =	vsel vm2, $0x3F800000, v3  }
0x20b: {  	s18 =	sadd.s32 $0x180, s18;
	[tilespmem:s17+$0x81E0] =	vst v59;
	vm2 =	vle.f32 v28, v18;
	v56 =	vperm.xlane v15, v0;
	v28 =	vmin.f32 v18, v28  }
0x20c: {  	s21 =	sor.u32 $0x400, s18;
	v18 =	vsub.f32 v22, v46;
	v37 =	vld.idx.msk [tilespmem:v7+s17+$0x1E0 ss:$0x1], $0xffff;
	[tilespmem:s17+$0x81F0] =	vst v62;
	v52 =	vsel vm2, $0x3F800000, v3;
	vm2 =	vle.f32 v34, v33  }
0x20d: {  	s22 =	sor.u32 $0x410, s18;
	v22 =	vperm.xlane v24, v0;
	v44 =	vld.idx.msk [tilespmem:v7+s17+$0x1F0 ss:$0x1], $0xffff;
	[tilespmem:s21+$0x8000] =	vst v52;
	v54 =	vsel vm2, $0x3F800000, v3;
	vm2 =	vle.f32 v31, v60  }
0x20e: {  	s23 =	sor.u32 $0x420, s18;
	v25 =	vsel vm0, v53, v56;
	v55 =	vld.idx.msk [tilespmem:v7+s21+$0x0 ss:$0x1], $0xffff;
	[tilespmem:s22+$0x8000] =	vst v54;
	v57 =	vsel vm2, $0x3F800000, v3;
	vm2 =	vle.f32 v23, v17  }
0x20f: {  	s24 =	sor.u32 $0x430, s18;
	v14 =	vperm.xlane v18, v0;
	v58 =	vld.idx.msk [tilespmem:v7+s22+$0x0 ss:$0x1], $0xffff;
	[tilespmem:s23+$0x8000] =	vst v57;
	v59 =	vsel vm2, $0x3F800000, v3;
	vm2 =	vle.f32 v25, v15  }
0x210: {  	s25 =	sor.u32 $0x440, s18;
	v12 =	vsub.f32 v10, v32;
	v35 =	vsel vm0, v56, v22;
	v47 =	vld.idx.msk [tilespmem:v7+s23+$0x0 ss:$0x1], $0xffff;
	[tilespmem:s24+$0x8000] =	vst v59;
	v20 =	vsel vm2, $0x3F800000, v3  }
0x211: {  	v22 =	vsel vm0, v22, v14;
	v46 =	vld.idx.msk [tilespmem:v7+s24+$0x0 ss:$0x1], $0xffff;
	[tilespmem:s25+$0x8000] =	vst v20;
	v20 =	vperm.xlane v45, v0  }
0x212: {  	v25 =	vmin.f32 v15, v25;
	v15 =	vsub.f32 v11, v39;
	vm2 =	vle.f32 v35, v24  }
0x213: {  	s26 =	sor.u32 $0x450, s18;
	v60 =	vsel vm2, $0x3F800000, v3;
	vm2 =	vle.f32 v22, v18;
	v10 =	vsel vm0, v14, v20  }
0x214: {  	s28 =	sor.u32 $0x460, s18;
	v11 =	vmin.f32 v42, v26;
	v61 =	vld.idx.msk [tilespmem:v7+s25+$0x0 ss:$0x1], $0xffff;
	[tilespmem:s26+$0x8000] =	vst v60;
	v13 =	vsel vm2, $0x3F800000, v3;
	vm2 =	vle.f32 v10, v45  }
0x215: {  	s29 =	sor.u32 $0x470, s18;
	v62 =	vmin.f32 v18, v22;
	v31 =	vld.idx.msk [tilespmem:v7+s26+$0x0 ss:$0x1], $0xffff;
	[tilespmem:s28+$0x8000] =	vst v13;
	v13 =	vsub.f32 v9, v40;
	v9 =	vsel vm2, $0x3F800000, v3  }
0x216: {  	s30 =	sshll.u32 s16, $0xE;
	s16 =	sadd.s32 $0x1, s16;
	v18 =	vsub.f32 v8, v38;
	v14 =	vmin.f32 v41, v21;
	v63 =	vld.idx.msk [tilespmem:v7+s28+$0x0 ss:$0x1], $0xffff;
	[tilespmem:s29+$0x8000] =	vst v9  }
0x217: {  	s31 =	sand.u32 $0x3FFFC000, s30;
	p0 =	sne.s32 s16, $0x10;
	v8 =	vmin.f32 v33, v34;
	v20 =	vsub.f32 v27, v37;
	v14 =	vsub.f32 v14, v36;
	v7 =	vld.idx.msk [tilespmem:v7+s29+$0x0 ss:$0x1], $0xffff  }
.Ltmp3:
0x218: {  	s17 =	sadd.s32 s31, s4;
	v22 =	vsub.f32 v8, v58;
	v9 =	vmin.f32 v16, v19;
	v19 =	vsub.f32 v11, v43;
	(pc) =	sbr.rel @p0 .LBB2_5-.Ltmp3, $4  }
0x219: {  	v21 =	vsub.f32 v9, v44;
	v9 =	vmin.f32 v17, v23;
	v23 =	vsub.f32 v28, v55;
	[spmem:s17] =	stream.linear.scatter [tilespmem:s12], [sflag:$0x3], $0x4000, $0x38;
	[tilespmem:$0x1E400] =	vst v63  }
0x21a: {  	v8 =	vmin.f32 v24, v35;
	v17 =	vsub.f32 v29, v47;
	v16 =	vsub.f32 v25, v61;
	_ =	swait.ge [sflag:s13], $0x4000  }
0x21b: {  	v10 =	vmin.f32 v45, v10;
	v11 =	vsub.f32 v9, v46;
	v8 =	vsub.f32 v8, v31;
	[sflag:s13] =	ssyncset.done $0x0  }
0x21c: {  	s17 =	simm.s32 $0x0;
	v9 =	vsub.f32 v62, v63;
	[sflag:s13] =	ssyncadd.s32 $0xFFFFC000;
	v10 =	vsub.f32 v10, v7  }
0x21d: {  	s16 =	sand.u32 $0x1800, s17;
	s18 =	sand.u32 $0x380, s17  }
0x21e: {  	s16 =	sor.u32 s18, s16  }
0x21f: {  	[tilespmem:s16+$0xC870] =	vst v3  }
0x220: {  	[tilespmem:s16+$0xC400] =	vst v3  }
0x221: {  	[tilespmem:s16+$0xC410] =	vst v3  }
0x222: {  	[tilespmem:s16+$0xC420] =	vst v3  }
0x223: {  	[tilespmem:s16+$0xC430] =	vst v3  }
0x224: {  	[tilespmem:s16+$0xC440] =	vst v3  }
0x225: {  	[tilespmem:s16+$0xC450] =	vst v3  }
0x226: {  	[tilespmem:s16+$0xC460] =	vst v3  }
0x227: {  	[tilespmem:s16+$0xC470] =	vst v3  }
0x228: {  	[tilespmem:s16+$0xC800] =	vst v3  }
0x229: {  	[tilespmem:s16+$0xC810] =	vst v3  }
0x22a: {  	[tilespmem:s16+$0xC820] =	vst v3  }
0x22b: {  	[tilespmem:s16+$0xC830] =	vst v3  }
0x22c: {  	s19 =	sadd.s32 $0x100, s17;
	s18 =	sadd.s32 $0x80, s17;
	[tilespmem:s16+$0xC840] =	vst v3  }
0x22d: {  	s20 =	sand.u32 $0x1800, s19;
	s19 =	sadd.s32 $0x100, s19;
	s21 =	sand.u32 $0x380, s18;
	[tilespmem:s16+$0xC850] =	vst v3  }
.LBB2_9:
0x22e: {  	p0 =	sne.s32 s19, $0x1F00;
	[tilespmem:s16+$0xC860] =	vst v3;
	s16 =	sor.u32 s21, s20  }
0x22f: {  	[tilespmem:s16+$0xC870] =	vst v3  }
0x230: {  	[tilespmem:s16+$0xC400] =	vst v3  }
0x231: {  	[tilespmem:s16+$0xC410] =	vst v3  }
0x232: {  	[tilespmem:s16+$0xC420] =	vst v3  }
0x233: {  	[tilespmem:s16+$0xC430] =	vst v3  }
0x234: {  	[tilespmem:s16+$0xC440] =	vst v3  }
0x235: {  	[tilespmem:s16+$0xC450] =	vst v3  }
0x236: {  	[tilespmem:s16+$0xC460] =	vst v3  }
0x237: {  	[tilespmem:s16+$0xC470] =	vst v3  }
0x238: {  	[tilespmem:s16+$0xC800] =	vst v3  }
.Ltmp4:
0x239: {  	[tilespmem:s16+$0xC810] =	vst v3;
	(pc) =	sbr.rel @p0 .LBB2_9-.Ltmp4, $4  }
0x23a: {  	[tilespmem:s16+$0xC820] =	vst v3  }
0x23b: {  	[tilespmem:s16+$0xC830] =	vst v3  }
0x23c: {  	s18 =	sadd.s32 $0x80, s18;
	[tilespmem:s16+$0xC840] =	vst v3  }
0x23d: {  	s20 =	sand.u32 $0x1800, s19;
	s19 =	sadd.s32 $0x100, s19;
	s21 =	sand.u32 $0x380, s18;
	[tilespmem:s16+$0xC850] =	vst v3  }
0x23e: {  	s18 =	sor.u32 s21, s20;
	[tilespmem:s16+$0xC860] =	vst v3  }
0x23f: {  	[tilespmem:s18+$0xC870] =	vst v3  }
0x240: {  	[tilespmem:s18+$0xC400] =	vst v3  }
0x241: {  	[tilespmem:s18+$0xC410] =	vst v3  }
0x242: {  	[tilespmem:s18+$0xC420] =	vst v3  }
0x243: {  	[tilespmem:s18+$0xC430] =	vst v3  }
0x244: {  	[tilespmem:s18+$0xC440] =	vst v3  }
0x245: {  	[tilespmem:s18+$0xC450] =	vst v3  }
0x246: {  	[tilespmem:s18+$0xC460] =	vst v3  }
0x247: {  	[tilespmem:s18+$0xC470] =	vst v3  }
0x248: {  	[tilespmem:s18+$0xC800] =	vst v3  }
0x249: {  	[tilespmem:s18+$0xC810] =	vst v3  }
0x24a: {  	[tilespmem:s18+$0xC820] =	vst v3  }
0x24b: {  	[tilespmem:s18+$0xC830] =	vst v3  }
0x24c: {  	[tilespmem:s18+$0xC840] =	vst v3  }
0x24d: {  	v8 =	vimm.s32 $0xFF;
	[tilespmem:s18+$0xC850] =	vst v3  }
0x24e: {  	s16 =	simm.s32 $0xC3F8;
	[tilespmem:s18+$0xC860] =	vst v3;
	v7 =	vsel vm1, $0x0, v8;
	s18 =	simm.s32 $0x0  }
.LBB2_11:
0x24f: {  	s19 =	sshll.u32 s18, $0x6  }
0x250: {  	s19 =	ssub.s32 $0x3C0, s19  }
0x251: {  	s19 =	sshll.u32 s19, $0x8  }
0x252: {  	s19 =	sadd.s32 s19, s4  }
0x253: {  	[tilespmem:s12], [sflag:$0x3] =	stream.linear.gather [spmem:s19], $0x4000, $0x38;
	[tilespmem:$0x1E400] =	vst v63  }
0x254: {  	_ =	swait.ge [sflag:s13], $0x4000  }
0x255: {  	s20 =	simm.s32 $0x0;
	[sflag:s13] =	ssyncset.done $0x0  }
0x256: {  	s21 =	smov.u32 s16;
	s19 =	simm.s32 $0xFFFFFFF8;
	[sflag:s13] =	ssyncadd.s32 $0xFFFFC000  }
.LBB2_12:
0x257: {  	s22 =	sadd.s32 $0x3F, s20  }
0x258: {  	v9 =	vmov s22  }
0x259: {  	v9 =	vshrl.u32 v9, $0x3  }
0x25a: {  	v9 =	vshll.u32 v9, v1  }
0x25b: {  	v10 =	vshll.u32 v8, $0x3;
	v9 =	vbroadcast v9, $0x0  }
0x25c: {  	v10 =	vand.u32 $0xFFFFFC00, v10  }
0x25d: {  	v11 =	vand.u32 $0x7F, v8;
	v10 =	vadd.s32 v10, v9  }
0x25e: {  	v10 =	vor.u32 v11, v10  }
0x25f: {  	v10 =	vor.u32 $0x380, v10;
	_ =	sdelay $0x4  }
0x260: {  	v10 =	vld.idx.msk [tilespmem:v10+s12+$0x0], $0xffff;
	_ =	sdelay $0x4  }
0x261: {  	s23 =	sadd.s32 $0x3E, s20;
	v10 =	vtrunc.f32 v10  }
0x262: {  	v11 =	vmov s23;
	v10 =	vcvt.f32.s32 v10  }
0x263: {  	v11 =	vshrl.u32 v11, $0x3  }
0x264: {  	v8 =	vsub.s32 v8, v10;
	v10 =	vshll.u32 v11, v1  }
0x265: {  	v10 =	vbroadcast v10, $0x0;
	v11 =	vshll.u32 v8, $0x3  }
0x266: {  	v11 =	vand.u32 $0xFFFFFC00, v11  }
0x267: {  	v12 =	vand.u32 $0x7F, v8;
	v10 =	vadd.s32 v10, v11  }
0x268: {  	v10 =	vor.u32 v12, v10  }
0x269: {  	v10 =	vor.u32 $0x300, v10;
	_ =	sdelay $0x4  }
0x26a: {  	v10 =	vld.idx.msk [tilespmem:v10+s12+$0x0], $0xffff;
	_ =	sdelay $0x4  }
0x26b: {  	v10 =	vtrunc.f32 v10  }
0x26c: {  	v10 =	vcvt.f32.s32 v10;
	_ =	sdelay $0x1  }
0x26d: {  	v10 =	vsub.s32 v8, v10  }
0x26e: {  	v11 =	vshll.u32 v10, $0x3  }
0x26f: {  	v11 =	vand.u32 $0xFFFFFC00, v11  }
0x270: {  	v47 =	vand.u32 $0x7F, v10;
	v11 =	vadd.s32 v9, v11  }
0x271: {  	v11 =	vor.u32 v47, v11  }
0x272: {  	v11 =	vor.u32 $0x280, v11;
	_ =	sdelay $0x4  }
0x273: {  	v11 =	vld.idx.msk [tilespmem:v11+s12+$0x0], $0xffff;
	_ =	sdelay $0x4  }
0x274: {  	s24 =	sadd.s32 $0x3C, s20;
	v11 =	vtrunc.f32 v11  }
0x275: {  	v48 =	vmov s24;
	v11 =	vcvt.f32.s32 v11  }
0x276: {  	v12 =	vshrl.u32 v48, $0x3  }
0x277: {  	v12 =	vshll.u32 v12, v1;
	v11 =	vsub.s32 v10, v11  }
0x278: {  	v12 =	vbroadcast v12, $0x0;
	v13 =	vshll.u32 v11, $0x3  }
0x279: {  	v13 =	vand.u32 $0xFFFFFC00, v13  }
0x27a: {  	v14 =	vand.u32 $0x7F, v11;
	v12 =	vadd.s32 v12, v13  }
0x27b: {  	v12 =	vor.u32 v14, v12  }
0x27c: {  	v12 =	vor.u32 $0x200, v12;
	_ =	sdelay $0x4  }
0x27d: {  	v12 =	vld.idx.msk [tilespmem:v12+s12+$0x0], $0xffff;
	_ =	sdelay $0x4  }
0x27e: {  	v12 =	vtrunc.f32 v12  }
0x27f: {  	v12 =	vcvt.f32.s32 v12;
	_ =	sdelay $0x1  }
0x280: {  	v12 =	vsub.s32 v11, v12  }
0x281: {  	v49 =	vshll.u32 v12, $0x3  }
0x282: {  	v13 =	vand.u32 $0xFFFFFC00, v49  }
0x283: {  	v50 =	vand.u32 $0x7F, v12;
	v9 =	vadd.s32 v9, v13  }
0x284: {  	v9 =	vor.u32 v50, v9  }
0x285: {  	v9 =	vor.u32 $0x180, v9;
	_ =	sdelay $0x4  }
0x286: {  	v9 =	vld.idx.msk [tilespmem:v9+s12+$0x0], $0xffff;
	_ =	sdelay $0x4  }
0x287: {  	s25 =	sadd.s32 $0x3A, s20;
	v9 =	vtrunc.f32 v9  }
0x288: {  	v51 =	vmov s25;
	v9 =	vcvt.f32.s32 v9  }
0x289: {  	v13 =	vshrl.u32 v51, $0x3  }
0x28a: {  	v13 =	vshll.u32 v13, v1;
	v9 =	vsub.s32 v12, v9  }
0x28b: {  	v13 =	vbroadcast v13, $0x0;
	v52 =	vshll.u32 v9, $0x3  }
0x28c: {  	v14 =	vand.u32 $0xFFFFFC00, v52  }
0x28d: {  	v15 =	vand.u32 $0x7F, v9;
	v13 =	vadd.s32 v13, v14  }
0x28e: {  	v13 =	vor.u32 v15, v13  }
0x28f: {  	v13 =	vor.u32 $0x100, v13;
	_ =	sdelay $0x4  }
0x290: {  	v13 =	vld.idx.msk [tilespmem:v13+s12+$0x0], $0xffff;
	_ =	sdelay $0x4  }
0x291: {  	s26 =	sadd.s32 $0x39, s20;
	v13 =	vtrunc.f32 v13  }
0x292: {  	v53 =	vmov s26;
	v13 =	vcvt.f32.s32 v13  }
0x293: {  	v14 =	vshrl.u32 v53, $0x3  }
0x294: {  	v14 =	vshll.u32 v14, v1;
	v13 =	vsub.s32 v9, v13  }
0x295: {  	v14 =	vbroadcast v14, $0x0;
	v54 =	vshll.u32 v13, $0x3  }
0x296: {  	v15 =	vand.u32 $0xFFFFFC00, v54  }
0x297: {  	v16 =	vand.u32 $0x7F, v13;
	v14 =	vadd.s32 v14, v15  }
0x298: {  	v14 =	vor.u32 v16, v14  }
0x299: {  	v14 =	vor.u32 $0x80, v14;
	_ =	sdelay $0x4  }
0x29a: {  	v14 =	vld.idx.msk [tilespmem:v14+s12+$0x0], $0xffff  }
0x29b: {  	s29 =	sadd.s32 $0x38, s20  }
0x29c: {  	s22 =	sadd.s32 s20, s17;
	v58 =	vmov s29  }
0x29d: {  	s24 =	sadd.s32 $0x40B, s22;
	s25 =	sadd.s32 $0x40D, s22;
	v59 =	vshrl.u32 v58, $0x3  }
0x29e: {  	s24 =	sand.u32 $0xB, s24;
	s25 =	sand.u32 $0xD, s25;
	v60 =	vshll.u32 v59, $0xB;
	s23 =	sadd.s32 $0x40E, s22  }
0x29f: {  	v55 =	vmov s24;
	v17 =	vmov s25;
	s28 =	sand.u32 $0xE, s23;
	v14 =	vtrunc.f32 v14  }
0x2a0: {  	vm2 =	veq.s32 v55, v2;
	s26 =	sand.u32 $0xC, s23;
	v57 =	vmov s28;
	v14 =	vcvt.f32.s32 v14  }
0x2a1: {  	vm4 =	veq.s32 v17, v2;
	v56 =	vmov s26;
	vm5 =	veq.s32 v57, v2  }
0x2a2: {  	s30 =	sadd.s32 $0x409, s22;
	vm3 =	veq.s32 v56, v2;
	v7 =	vsel vm5, v8, v7;
	v8 =	vsub.s32 v13, v14  }
0x2a3: {  	s24 =	sand.u32 $0x9, s30;
	v7 =	vsel vm4, v10, v7;
	v10 =	vbroadcast v60, $0x0;
	v61 =	vshll.u32 v8, $0x3  }
0x2a4: {  	v62 =	vmov s24;
	s23 =	sand.u32 $0xA, s23;
	v7 =	vsel vm3, v11, v7;
	v11 =	vand.u32 $0xFFFFFC00, v61  }
0x2a5: {  	s31 =	sadd.s32 $0x3F8, s22;
	v63 =	vmov s23;
	v10 =	vadd.s32 v10, v11;
	v11 =	vand.u32 $0x7F, v8  }
0x2a6: {  	s23 =	sand.u32 $0x8, s31;
	vm3 =	veq.s32 v63, v2;
	v7 =	vsel vm2, v12, v7;
	v10 =	vor.u32 v11, v10  }
0x2a7: {  	vm2 =	veq.s32 v62, v2;
	v7 =	vsel vm3, v9, v7;
	v9 =	vmov s23  }
0x2a8: {  	v7 =	vsel vm2, v13, v7;
	vm2 =	veq.s32 v9, v2  }
0x2a9: {  	p0 =	sne.s32 s23, $0x0;
	v7 =	vsel vm2, v8, v7  }
0x2aa: {  	[tilespmem:s21+$0x0] =	vst @!p0 v7  }
0x2ab: {  	v9 =	vld.idx.msk [tilespmem:v10+s12+$0x0], $0xffff;
	_ =	sdelay $0x2  }
0x2ac: {  	s19 =	sadd.s32 $0x8, s19  }
0x2ad: {  	p0 =	slt.u32 s19, $0x38  }
.Ltmp5:
0x2ae: {  	s22 =	sadd.s32 $0x407, s22;
	v9 =	vtrunc.f32 v9;
	(pc) =	sbr.rel @p0 .LBB2_12-.Ltmp5, $4  }
0x2af: {  	s22 =	sand.u32 $0xF, s22;
	v9 =	vcvt.f32.s32 v9  }
0x2b0: {  	v10 =	vmov s22  }
0x2b1: {  	vm2 =	veq.s32 v10, v2;
	v8 =	vsub.s32 v8, v9  }
0x2b2: {  	s20 =	sadd.s32 $0xFFFFFFF8, s20;
	s21 =	sadd.s32 $0xFFFFFFF8, s21;
	v7 =	vsel vm2, v8, v7  }
0x2b3: {  	s18 =	sadd.s32 $0x1, s18  }
0x2b4: {  	p0 =	sne.s32 s18, $0x10  }
.Ltmp6:
0x2b5: {  	_ = 	snop;
	(pc) =	sbr.rel @p0 .LBB2_11-.Ltmp6, $2  }
0x2b6: {  	_ =	sdelay $0x2  }
0x2b7: {  	s17 =	sadd.s32 $0xFFFFFFC0, s17;
	s16 =	sadd.s32 $0xFFFFFFC0, s16  }
0x2b8: {  	s16 =	simm.s32 $0x0;
	s17 =	smov.u32 s9  }
.LBB2_15:
0x2b9: {  	s18 =	sshra.s32 s16, $0x2  }
0x2ba: {  	v7 =	vld [tilespmem:s18+$0xC000];
	_ =	sdelay $0x4  }
0x2bb: {  	v8 =	vshll.u32 v7, $0x3  }
0x2bc: {  	v7 =	vand.u32 $0x7F, v7;
	v8 =	vand.u32 $0xFFFFFC00, v8  }
0x2bd: {  	v7 =	vor.u32 v7, v8  }
0x2be: {  	v7 =	vadd.s32 v4, v7;
	_ =	sdelay $0x4  }
0x2bf: {  	[tilespmem:v7+s14+$0x0] =	vst.idx.msk $0xffff, v6  }
0x2c0: {  	v7 =	vld [tilespmem:s18+$0xC010];
	_ =	sdelay $0x4  }
0x2c1: {  	v8 =	vshll.u32 v7, $0x3  }
0x2c2: {  	v7 =	vand.u32 $0x7F, v7;
	v8 =	vand.u32 $0xFFFFFC00, v8  }
0x2c3: {  	v7 =	vor.u32 v7, v8  }
0x2c4: {  	v7 =	vadd.s32 v5, v7;
	_ =	sdelay $0x4  }
0x2c5: {  	[tilespmem:v7+s14+$0x0] =	vst.idx.msk $0xffff, v6  }
0x2c6: {  	[hbm4b:s17+s2] =	stream.linear.scatter [tilespmem:s14], [sflag:$0x3], $0x2000, $0x38;
	[tilespmem:$0x1E400] =	vst v63  }
0x2c7: {  	_ =	swait.ge [sflag:s13], $0x2000  }
0x2c8: {  	[sflag:s13] =	ssyncset.done $0x0  }
0x2c9: {  	[sflag:s13] =	ssyncadd.s32 $0xFFFFE000  }
0x2ca: {  	v7 =	vld [tilespmem:s18+$0xC000];
	_ =	sdelay $0x4  }
0x2cb: {  	v8 =	vshll.u32 v7, $0x3  }
0x2cc: {  	v7 =	vand.u32 $0x7F, v7;
	v8 =	vand.u32 $0xFFFFFC00, v8  }
0x2cd: {  	v7 =	vor.u32 v7, v8  }
0x2ce: {  	v7 =	vadd.s32 v4, v7;
	_ =	sdelay $0x4  }
0x2cf: {  	[tilespmem:v7+s14+$0x0] =	vst.idx.msk $0xffff, v3  }
0x2d0: {  	v7 =	vld [tilespmem:s18+$0xC010];
	_ =	sdelay $0x4  }
0x2d1: {  	v8 =	vshll.u32 v7, $0x3  }
0x2d2: {  	v7 =	vand.u32 $0x7F, v7;
	v8 =	vand.u32 $0xFFFFFC00, v8  }
0x2d3: {  	v7 =	vor.u32 v7, v8  }
0x2d4: {  	p0 =	sne.s32 s16, $0xF80;
	v7 =	vadd.s32 v5, v7  }
.Ltmp7:
0x2d5: {  	_ = 	snop;
	(pc) =	sbr.rel @p0 .LBB2_15-.Ltmp7, $2  }
0x2d6: {  	_ =	sdelay $0x2  }
0x2d7: {  	s16 =	sadd.s32 $0x80, s16;
	s17 =	sadd.s32 $0x400, s17;
	[tilespmem:v7+s14+$0x0] =	vst.idx.msk $0xffff, v3  }
0x2d8: {  	s15 =	sadd.s32 $0x1, s15  }
0x2d9: {  	p0 =	sne.s32 s15, s8  }
.Ltmp8:
0x2da: {  	_ = 	snop;
	(pc) =	sbr.rel @p0 .LBB2_2-.Ltmp8, $1  }
0x2db: {  	_ =	sdelay $0x3  }
.LBB2_17:
0x2dc: {  	_ =	sfence.sel $0x180000  }
0x2dd: {  	[bflag:$0x0] =	sbarrier.arrive $0xFFFF  }
0x2de: {  	p0 =	sne.s32 s1, $0x0;
	_ =	strace $0x90000047  }
0x2df: {  	s0 =	sadd.s32 @!p0 $0x100000, s0;
	[bflag:$0x2] =	sbarrier.arrive $0xFFFF  }
0x2e0: {  	[sflag:s0] =	ssyncadd.tile.s32 @!p0 $0x1;
	_ =	shalt  }
.Lfunc_end2:
_tile_overlayer_lowered:
.L_overlay_start_2:
0x2e1: {  	(tag) =	ssettag $0x2  }
0x2e2: {  	s0 =	rddreg [dreg:$0x0];
	s2 =	stileid.u32  }
0x2e3: {  	s1 =	rddreg [dreg:$0x1];
	p0 =	sne.s32 s2, $0x0  }
0x2e4: {  	s3 =	rddreg [dreg:$0x2];
	[bflag:$0x3] =	sbarrier.arrive $0xFFFF;
	s2 =	simm.s32 @!p0 $0x1C03  }
0x2e5: {  	[timem:s3], [sflag:s2] =	dma.local @!p0 [hbm:s0], s1  }
0x2e6: {  	s0 =	simm.s32 @!p0 $0x3  }
0x2e7: {  	_ =	swait.ge @!p0 [sflag:s0], s1  }
0x2e8: {  	s1 =	ssub.s32 @!p0 $0x0, s1;
	[sflag:s0] =	ssyncset.done @!p0 $0x0  }
0x2e9: {  	[sflag:s0] =	ssyncadd.s32 @!p0 s1  }
0x2ea: {  	[bflag:$0x3] =	sbarrier.arrive $0xFFFF  }
0x2eb: {  	_ =	shalt  }

</sc_bundles>
